<compile_context>
chip_gen: v7x
topology: tpu7x:2x2x1
jax: 0.10.2.dev20260603
libtpu: 0.0.44.dev20260713+nightly
codegen_flags: <defaults>
</compile_context>

<pallas_src>
import functools

import jax
import jax.numpy as jnp
from jax import lax
from jax.experimental import pallas as pl
from jax.experimental.pallas import tpu as pltpu
from jax.experimental.pallas import tpu_sc as plsc

_N = 1024
_IN = 128
_HID = 64
_E = 65536
_MAXN = 15

_EPT = _E // 16
_ROWS = 32
_COLS = _EPT // _ROWS
_HALF = _N * _N // 2
_ZCHUNK = _HALF // 16

_ALPHA = 1.6732632423543772
_SCALE = 1.0507009873554805


def _selu(v):
    return _SCALE * jnp.where(v > 0, v, _ALPHA * (jnp.exp(v) - 1.0))


def _sc_adj_body(edge_hbm, zeros_hbm, out_hbm, src_v, dst_v, idx2d, val2d,
                 m_spmem, zsem, esem, ssem):
    c = lax.axis_index("c")
    s = lax.axis_index("s")
    base = s * _EPT

    zcp = pltpu.make_async_copy(
        zeros_hbm, m_spmem.at[pl.ds(s * _ZCHUNK, _ZCHUNK)], zsem)
    zcp.start()
    e0 = pltpu.make_async_copy(edge_hbm.at[0, pl.ds(base, _EPT)], src_v, esem)
    e1 = pltpu.make_async_copy(edge_hbm.at[1, pl.ds(base, _EPT)], dst_v, esem)
    e0.start()
    e1.start()
    e0.wait()
    e1.wait()

    ones = jnp.full((16,), 1.0, jnp.float32)
    zeros16 = jnp.zeros((16,), jnp.float32)
    for j in range(_ROWS):
        def body(i, carry, j=j):
            t = j * _COLS + i * 16
            src = src_v[pl.ds(t, 16)]
            dst = dst_v[pl.ds(t, 16)]
            own = (src >> 9) == c
            f = (src & ~127) * _N + dst * 128 + (src & 127) - c * _HALF
            idx2d[j, pl.ds(i * 16, 16)] = jnp.where(own, f, f & (_HALF - 1))
            val2d[j, pl.ds(i * 16, 16)] = jnp.where(own, ones, zeros16)
            return carry
        lax.fori_loop(0, _COLS // 16, body, 0)

    zcp.wait()
    plsc.subcore_barrier()
    cps = [pltpu.async_copy(val2d.at[j], m_spmem.at[idx2d.at[j]], ssem,
                            add=True)
           for j in range(_ROWS)]
    for cp in cps:
        cp.wait()
    plsc.subcore_barrier()
    pltpu.sync_copy(m_spmem.at[pl.ds(s * _ZCHUNK, _ZCHUNK)],
                    out_hbm.at[pl.ds(c * _HALF + s * _ZCHUNK, _ZCHUNK)])


@functools.cache
def _sc_build_adj():
    return pl.kernel(
        _sc_adj_body,
        out_type=jax.ShapeDtypeStruct((_N * _N,), jnp.float32),
        mesh=plsc.VectorSubcoreMesh(core_axis_name="c", subcore_axis_name="s"),
        scratch_types=[
            pltpu.VMEM((_EPT,), jnp.int32),
            pltpu.VMEM((_EPT,), jnp.int32),
            pltpu.VMEM((_ROWS, _COLS), jnp.int32),
            pltpu.VMEM((_ROWS, _COLS), jnp.float32),
            pltpu.VMEM_SHARED((_HALF,), jnp.float32),
            pltpu.SemaphoreType.DMA,
            pltpu.SemaphoreType.DMA,
            pltpu.SemaphoreType.DMA,
        ],
    )


_BKN = 32
_KSTEPS = _N // _BKN


def _gcn_fc_body(m_ref, x_ref, w1_ref, b1_ref, w2_ref, b2_ref, wf_ref,
                 bf1_ref, wf2_ref, bf2_ref, o_ref, h2_ref, acc_ref):
    k = pl.program_id(0)

    @pl.when(k == 0)
    def _():
        deg = jnp.zeros((_N, 1), jnp.float32) + 1.0
        for j in range(8):
            deg = deg + jnp.sum(m_ref[j], axis=1, keepdims=True)
        dinv = lax.rsqrt(deg)
        d2 = dinv * dinv

        def agg(u):
            y = jnp.dot(m_ref[0], u[0:128],
                        preferred_element_type=jnp.float32)
            for j in range(1, 8):
                y = y + jnp.dot(m_ref[j], u[128 * j:128 * (j + 1)],
                                preferred_element_type=jnp.float32)
            return y

        z = jnp.dot(x_ref[...], w1_ref[...],
                    preferred_element_type=jnp.float32)
        h = _selu(dinv * agg(dinv * z) + d2 * z + b1_ref[...])
        z = jnp.dot(h, w2_ref[...], preferred_element_type=jnp.float32)
        h2_ref[...] = _selu(dinv * agg(dinv * z) + d2 * z + b2_ref[...])
        acc_ref[...] = bf1_ref[...]

    h2 = h2_ref[pl.ds(k * _BKN, _BKN), :]
    w3 = wf_ref[...].reshape(_BKN, _HID, _N)
    part = lax.dot_general(h2, w3,
                           dimension_numbers=(((1,), (1,)), ((0,), (0,))),
                           preferred_element_type=jnp.float32)
    acc_ref[...] += jnp.sum(part, axis=0, keepdims=True)

    @pl.when(k == _KSTEPS - 1)
    def _():
        a = _selu(acc_ref[...])
        o_ref[...] = jnp.dot(a, wf2_ref[...],
                             preferred_element_type=jnp.float32) + bf2_ref[...]


def kernel(x, edge_index, W1, b1, W2, b2, fc1_w, fc1_b, fc2_w, fc2_b):
    ei = edge_index.astype(jnp.int32)
    zeros = jnp.zeros((_ZCHUNK,), jnp.float32)

    m = _sc_build_adj()(ei, zeros).reshape(8, _N, 128)

    out = pl.pallas_call(
        _gcn_fc_body,
        grid=(_KSTEPS,),
        in_specs=[
            pl.BlockSpec((8, _N, 128), lambda k: (0, 0, 0)),
            pl.BlockSpec((_N, _IN), lambda k: (0, 0)),
            pl.BlockSpec((_IN, _HID), lambda k: (0, 0)),
            pl.BlockSpec((1, _HID), lambda k: (0, 0)),
            pl.BlockSpec((_HID, _HID), lambda k: (0, 0)),
            pl.BlockSpec((1, _HID), lambda k: (0, 0)),
            pl.BlockSpec((_BKN * _HID, _N), lambda k: (k, 0)),
            pl.BlockSpec((1, _N), lambda k: (0, 0)),
            pl.BlockSpec((_N, _MAXN), lambda k: (0, 0)),
            pl.BlockSpec((1, _MAXN), lambda k: (0, 0)),
        ],
        out_specs=pl.BlockSpec((1, _MAXN), lambda k: (0, 0)),
        out_shape=jax.ShapeDtypeStruct((1, _MAXN), jnp.float32),
        scratch_shapes=[pltpu.VMEM((_N, _HID), jnp.float32),
                        pltpu.VMEM((1, _N), jnp.float32)],
    )(m, x, W1, b1.reshape(1, _HID), W2, b2.reshape(1, _HID),
      fc1_w, fc1_b.reshape(1, _N), fc2_w, fc2_b.reshape(1, _MAXN))
    return out

# --- scband reference (transcript-rebuilt; emitter-appended) ---
"""Pipeline reference for scband-gdqn-72851235275292 (READ-ONLY COPY).

The authoritative reference and input builder live on the scoring server;
editing this copy changes nothing except your own understanding.
"""

import jax, jax.numpy as jnp
import numpy as np

N_NODES = 1024
IN_CH = 128
HID = 64
N_EDGES = 65536
MAX_N = 15


def _gcn_conv(x, src, dst, W, b, n):
    # PyG GCNConv: x' = D^{-1/2} (A + I) D^{-1/2} X W + b (self-loops already in src/dst)
    x = x @ W
    deg = jnp.zeros((n,), x.dtype).at[dst].add(1.0)
    dinv = jnp.where(deg > 0, jax.lax.rsqrt(deg), 0.0)
    norm = dinv[src] * dinv[dst]
    msg = x[src] * norm[:, None]
    out = jnp.zeros((n, x.shape[1]), x.dtype).at[dst].add(msg)
    return out + b


def setup_inputs(seed: int = 0) -> dict:
    key = jax.random.key(seed)
    ks = jax.random.split(key, 12)
    x = jax.random.normal(ks[0], (N_NODES, IN_CH), dtype=jnp.float32)
    edge_index = jax.random.randint(ks[1], (2, N_EDGES), 0, N_NODES, dtype=jnp.int64)
    W1 = jax.random.normal(ks[2], (IN_CH, HID), dtype=jnp.float32) * (1.0 / np.sqrt(IN_CH))
    b1 = jnp.zeros((HID,), dtype=jnp.float32)
    W2 = jax.random.normal(ks[3], (HID, HID), dtype=jnp.float32) * (1.0 / np.sqrt(HID))
    b2 = jnp.zeros((HID,), dtype=jnp.float32)
    fc1_w = jax.random.normal(ks[4], (HID * N_NODES, N_NODES), dtype=jnp.float32) * (1.0 / np.sqrt(HID * N_NODES))
    fc1_b = jnp.zeros((N_NODES,), dtype=jnp.float32)
    fc2_w = jax.random.normal(ks[5], (N_NODES, MAX_N), dtype=jnp.float32) * (1.0 / np.sqrt(N_NODES))
    fc2_b = jnp.zeros((MAX_N,), dtype=jnp.float32)
    return {"x": x, "edge_index": edge_index, "W1": W1, "b1": b1, "W2": W2, "b2": b2,
            "fc1_w": fc1_w, "fc1_b": fc1_b, "fc2_w": fc2_w, "fc2_b": fc2_b}


def reference(x, edge_index, W1, b1, W2, b2, fc1_w, fc1_b, fc2_w, fc2_b):
    loop = jnp.arange(N_NODES, dtype=edge_index.dtype)
    src = jnp.concatenate([edge_index[0], loop])
    dst = jnp.concatenate([edge_index[1], loop])
    h = jax.nn.selu(_gcn_conv(x, src, dst, W1, b1, N_NODES))
    h = jax.nn.selu(_gcn_conv(h, src, dst, W2, b2, N_NODES))
    h = h.reshape(-1, N_NODES * HID)
    h = jax.nn.selu(h @ fc1_w + fc1_b)
    out = h @ fc2_w + fc2_b
    return out

if __name__ == "__main__":
    import jax
    _d = setup_inputs()
    print(jax.jit(kernel)(*tuple(_d.values())))

</pallas_src>

<mosaic_0001>
#map = affine_map<(d0, d1) -> (0, 0)>
#map1 = affine_map<(d0, d1) -> (0)>
module attributes {stable_mosaic.version = 14 : i64} {
  func.func @_sc_adj_body(%arg0: i32, %arg1: i32, %arg2: memref<2x65536xi32, #tpu.memory_space<hbm>>, %arg3: memref<32768xf32, #tpu.memory_space<hbm>>, %arg4: memref<1048576xf32, #tpu.memory_space<hbm>>, %arg5: memref<4096xi32, #tpu.memory_space<vmem>>, %arg6: memref<4096xi32, #tpu.memory_space<vmem>>, %arg7: memref<32x128xi32, #tpu.memory_space<vmem>>, %arg8: memref<32x128xf32, #tpu.memory_space<vmem>>, %arg9: memref<524288xf32, #tpu.memory_space<vmem_shared>>, %arg10: memref<!tpu.dma_semaphore, #tpu.memory_space<semaphore_mem>>, %arg11: memref<!tpu.dma_semaphore, #tpu.memory_space<semaphore_mem>>, %arg12: memref<!tpu.dma_semaphore, #tpu.memory_space<semaphore_mem>>) attributes {dimension_semantics = [#tpu.dimension_semantics<core_parallel>, #tpu.dimension_semantics<subcore_parallel>], iteration_bounds = array<i64: 2, 16>, scalar_prefetch = 0 : i64, scratch_operands = 8 : i64, tpu.core_type = #tpu.core_type<sc_vector_subcore>, window_params = [{transform_indices = #map}, {transform_indices = #map1}, {transform_indices = #map1}]} {
    %mul3A = arith.constant 4096 : i32
    %mul3A_0 = arith.muli %arg1, %mul3A : i32
    %mul3A_1 = arith.constant 32768 : i32
    %mul3A_2 = arith.muli %arg1, %mul3A_1 : i32
    %dma_start3A = tpu.memref_slice %arg9[%mul3A_2] : memref<524288xf32, #tpu.memory_space<vmem_shared>> -> memref<32768xf32, #tpu.memory_space<vmem_shared>>
    tpu.enqueue_dma source(%arg3 : memref<32768xf32, #tpu.memory_space<hbm>>) target(%dma_start3A : memref<32768xf32, #tpu.memory_space<vmem_shared>>) target_semaphore(%arg10 : memref<!tpu.dma_semaphore, #tpu.memory_space<semaphore_mem>>)
    %dma_start3A_3 = arith.constant 0 : i32
    %dma_start3A_4 = tpu.memref_slice %arg2[%dma_start3A_3, %mul3A_0] : memref<2x65536xi32, #tpu.memory_space<hbm>> -> memref<1x4096xi32, #tpu.memory_space<hbm>>
    %dma_start3A_5 = tpu.memref_squeeze %dma_start3A_4 : memref<1x4096xi32, #tpu.memory_space<hbm>> -> memref<4096xi32, #tpu.memory_space<hbm>>
    %dma_start3A_6 = tpu.memref_slice %arg2[%dma_start3A_3, %mul3A_0] : memref<2x65536xi32, #tpu.memory_space<hbm>> -> memref<1x4096xi32, #tpu.memory_space<hbm>>
    %dma_start3A_7 = tpu.memref_squeeze %dma_start3A_6 : memref<1x4096xi32, #tpu.memory_space<hbm>> -> memref<4096xi32, #tpu.memory_space<hbm>>
    tpu.enqueue_dma source(%dma_start3A_7 : memref<4096xi32, #tpu.memory_space<hbm>>) target(%arg5 : memref<4096xi32, #tpu.memory_space<vmem>>) target_semaphore(%arg11 : memref<!tpu.dma_semaphore, #tpu.memory_space<semaphore_mem>>)
    %dma_start3A_8 = arith.constant 1 : i32
    %dma_start3A_9 = tpu.memref_slice %arg2[%dma_start3A_8, %mul3A_0] : memref<2x65536xi32, #tpu.memory_space<hbm>> -> memref<1x4096xi32, #tpu.memory_space<hbm>>
    %dma_start3A_10 = tpu.memref_squeeze %dma_start3A_9 : memref<1x4096xi32, #tpu.memory_space<hbm>> -> memref<4096xi32, #tpu.memory_space<hbm>>
    %dma_start3A_11 = tpu.memref_slice %arg2[%dma_start3A_8, %mul3A_0] : memref<2x65536xi32, #tpu.memory_space<hbm>> -> memref<1x4096xi32, #tpu.memory_space<hbm>>
    %dma_start3A_12 = tpu.memref_squeeze %dma_start3A_11 : memref<1x4096xi32, #tpu.memory_space<hbm>> -> memref<4096xi32, #tpu.memory_space<hbm>>
    tpu.enqueue_dma source(%dma_start3A_12 : memref<4096xi32, #tpu.memory_space<hbm>>) target(%arg6 : memref<4096xi32, #tpu.memory_space<vmem>>) target_semaphore(%arg11 : memref<!tpu.dma_semaphore, #tpu.memory_space<semaphore_mem>>)
    %dma_wait3A = arith.constant 0 : i32
    %dma_wait3A_13 = tpu.memref_slice %arg2[%dma_wait3A, %mul3A_0] : memref<2x65536xi32, #tpu.memory_space<hbm>> -> memref<1x4096xi32, #tpu.memory_space<hbm>>
    %dma_wait3A_14 = tpu.memref_squeeze %dma_wait3A_13 : memref<1x4096xi32, #tpu.memory_space<hbm>> -> memref<4096xi32, #tpu.memory_space<hbm>>
    %dma_wait3A_15 = tpu.memref_slice %arg2[%dma_wait3A, %mul3A_0] : memref<2x65536xi32, #tpu.memory_space<hbm>> -> memref<1x4096xi32, #tpu.memory_space<hbm>>
    %dma_wait3A_16 = tpu.memref_squeeze %dma_wait3A_15 : memref<1x4096xi32, #tpu.memory_space<hbm>> -> memref<4096xi32, #tpu.memory_space<hbm>>
    tpu.wait_dma2 semaphore(%arg11 : memref<!tpu.dma_semaphore, #tpu.memory_space<semaphore_mem>>) src(%dma_wait3A_16 : memref<4096xi32, #tpu.memory_space<hbm>>) dst(%arg5 : memref<4096xi32, #tpu.memory_space<vmem>>)
    %dma_wait3A_17 = arith.constant 1 : i32
    %dma_wait3A_18 = tpu.memref_slice %arg2[%dma_wait3A_17, %mul3A_0] : memref<2x65536xi32, #tpu.memory_space<hbm>> -> memref<1x4096xi32, #tpu.memory_space<hbm>>
    %dma_wait3A_19 = tpu.memref_squeeze %dma_wait3A_18 : memref<1x4096xi32, #tpu.memory_space<hbm>> -> memref<4096xi32, #tpu.memory_space<hbm>>
    %dma_wait3A_20 = tpu.memref_slice %arg2[%dma_wait3A_17, %mul3A_0] : memref<2x65536xi32, #tpu.memory_space<hbm>> -> memref<1x4096xi32, #tpu.memory_space<hbm>>
    %dma_wait3A_21 = tpu.memref_squeeze %dma_wait3A_20 : memref<1x4096xi32, #tpu.memory_space<hbm>> -> memref<4096xi32, #tpu.memory_space<hbm>>
    tpu.wait_dma2 semaphore(%arg11 : memref<!tpu.dma_semaphore, #tpu.memory_space<semaphore_mem>>) src(%dma_wait3A_21 : memref<4096xi32, #tpu.memory_space<hbm>>) dst(%arg6 : memref<4096xi32, #tpu.memory_space<vmem>>)
    %broadcast_in_dim3A = arith.constant 1.000000e+00 : f32
    %broadcast_in_dim3A_22 = vector.broadcast %broadcast_in_dim3A : f32 to vector<16xf32>
    %broadcast_in_dim3A_23 = arith.constant 0.000000e+00 : f32
    %broadcast_in_dim3A_24 = vector.broadcast %broadcast_in_dim3A_23 : f32 to vector<16xf32>
    %scan3A = arith.constant 0 : i32
    %scan3A_25 = arith.constant 0 : i32
    %scan3A_26 = arith.constant 8 : i32
    %scan3A_27 = arith.addi %scan3A_25, %scan3A_26 : i32
    %scan3A_28 = arith.constant 1 : i32
    scf.for %scan3A_864 = %scan3A_25 to %scan3A_27 step %scan3A_28  : i32 {
      %mul3A_865 = arith.constant 16 : i32
      %mul3A_866 = arith.muli %scan3A_864, %mul3A_865 : i32
      %add3A_867 = arith.constant 0 : i32
      %add3A_868 = arith.addi %add3A_867, %mul3A_866 : i32
      %get3A = arith.index_cast %add3A_868 : i32 to index
      %get3A_869 = tpu.vector_load %arg5[%get3A] {strides = array<i32>} : memref<4096xi32, #tpu.memory_space<vmem>>, vector<16xi32>,
      %get3A_870 = vector.shape_cast %get3A_869 : vector<16xi32> to vector<16xi32>
      %get3A_871 = arith.index_cast %add3A_868 : i32 to index
      %get3A_872 = tpu.vector_load %arg6[%get3A_871] {strides = array<i32>} : memref<4096xi32, #tpu.memory_space<vmem>>, vector<16xi32>,
      %get3A_873 = vector.shape_cast %get3A_872 : vector<16xi32> to vector<16xi32>
      %shift_right_arithmetic3A = arith.constant 9 : i32
      %shift_right_arithmetic3A_874 = vector.broadcast %shift_right_arithmetic3A : i32 to vector<16xi32>
      %shift_right_arithmetic3A_875 = arith.shrsi %get3A_870, %shift_right_arithmetic3A_874 : vector<16xi32>
      %eq3A = vector.broadcast %arg0 : i32 to vector<16xi32>
      %eq3A_876 = arith.cmpi eq, %shift_right_arithmetic3A_875, %eq3A : vector<16xi32>
      %and3A = arith.constant -128 : i32
      %and3A_877 = vector.broadcast %and3A : i32 to vector<16xi32>
      %and3A_878 = arith.andi %get3A_870, %and3A_877 : vector<16xi32>
      %mul3A_879 = arith.constant 1024 : i32
      %mul3A_880 = vector.broadcast %mul3A_879 : i32 to vector<16xi32>
      %mul3A_881 = arith.muli %and3A_878, %mul3A_880 : vector<16xi32>
      %mul3A_882 = arith.constant 128 : i32
      %mul3A_883 = vector.broadcast %mul3A_882 : i32 to vector<16xi32>
      %mul3A_884 = arith.muli %get3A_873, %mul3A_883 : vector<16xi32>
      %add3A_885 = arith.addi %mul3A_881, %mul3A_884 : vector<16xi32>
      %and3A_886 = arith.constant 127 : i32
      %and3A_887 = vector.broadcast %and3A_886 : i32 to vector<16xi32>
      %and3A_888 = arith.andi %get3A_870, %and3A_887 : vector<16xi32>
      %add3A_889 = arith.addi %add3A_885, %and3A_888 : vector<16xi32>
      %mul3A_890 = arith.constant 524288 : i32
      %mul3A_891 = arith.muli %arg0, %mul3A_890 : i32
      %sub3A = vector.broadcast %mul3A_891 : i32 to vector<16xi32>
      %sub3A_892 = arith.subi %add3A_889, %sub3A : vector<16xi32>
      %and3A_893 = arith.constant 524287 : i32
      %and3A_894 = vector.broadcast %and3A_893 : i32 to vector<16xi32>
      %and3A_895 = arith.andi %sub3A_892, %and3A_894 : vector<16xi32>
      %select_n3A = arith.select %eq3A_876, %sub3A_892, %and3A_895 : vector<16xi1>, vector<16xi32>
      %mul3A_896 = arith.constant 16 : i32
      %mul3A_897 = arith.muli %scan3A_864, %mul3A_896 : i32
      %swap3A = arith.constant 0 : i32
      %swap3A_898 = arith.index_cast %swap3A : i32 to index
      %swap3A_899 = arith.index_cast %mul3A_897 : i32 to index
      %swap3A_900 = tpu.vector_load %arg7[%swap3A_898, %swap3A_899] {strides = array<i32>} : memref<32x128xi32, #tpu.memory_space<vmem>>, vector<1x16xi32>,
      %swap3A_901 = vector.shape_cast %swap3A_900 : vector<1x16xi32> to vector<16xi32>
      %swap3A_902 = vector.shape_cast %select_n3A : vector<16xi32> to vector<1x16xi32>
      tpu.vector_store %arg7[%swap3A_898, %swap3A_899], %swap3A_902 {strides = array<i32>} : memref<32x128xi32, #tpu.memory_space<vmem>>, vector<1x16xi32>,
      %select_n3A_903 = arith.select %eq3A_876, %broadcast_in_dim3A_22, %broadcast_in_dim3A_24 : vector<16xi1>, vector<16xf32>
      %mul3A_904 = arith.constant 16 : i32
      %mul3A_905 = arith.muli %scan3A_864, %mul3A_904 : i32
      %swap3A_906 = arith.constant 0 : i32
      %swap3A_907 = arith.index_cast %swap3A_906 : i32 to index
      %swap3A_908 = arith.index_cast %mul3A_905 : i32 to index
      %swap3A_909 = tpu.vector_load %arg8[%swap3A_907, %swap3A_908] {strides = array<i32>} : memref<32x128xf32, #tpu.memory_space<vmem>>, vector<1x16xf32>,
      %swap3A_910 = vector.shape_cast %swap3A_909 : vector<1x16xf32> to vector<16xf32>
      %swap3A_911 = vector.shape_cast %select_n3A_903 : vector<16xf32> to vector<1x16xf32>
      tpu.vector_store %arg8[%swap3A_907, %swap3A_908], %swap3A_911 {strides = array<i32>} : memref<32x128xf32, #tpu.memory_space<vmem>>, vector<1x16xf32>,
    }
    %scan3A_29 = arith.constant 8 : i32
    %scan3A_30 = arith.constant 0 : i32
    %scan3A_31 = arith.constant 0 : i32
    %scan3A_32 = arith.constant 8 : i32
    %scan3A_33 = arith.addi %scan3A_31, %scan3A_32 : i32
    %scan3A_34 = arith.constant 1 : i32
    scf.for %scan3A_864 = %scan3A_31 to %scan3A_33 step %scan3A_34  : i32 {
      %mul3A_865 = arith.constant 16 : i32
      %mul3A_866 = arith.muli %scan3A_864, %mul3A_865 : i32
      %add3A_867 = arith.constant 128 : i32
      %add3A_868 = arith.addi %add3A_867, %mul3A_866 : i32
      %get3A = arith.index_cast %add3A_868 : i32 to index
      %get3A_869 = tpu.vector_load %arg5[%get3A] {strides = array<i32>} : memref<4096xi32, #tpu.memory_space<vmem>>, vector<16xi32>,
      %get3A_870 = vector.shape_cast %get3A_869 : vector<16xi32> to vector<16xi32>
      %get3A_871 = arith.index_cast %add3A_868 : i32 to index
      %get3A_872 = tpu.vector_load %arg6[%get3A_871] {strides = array<i32>} : memref<4096xi32, #tpu.memory_space<vmem>>, vector<16xi32>,
      %get3A_873 = vector.shape_cast %get3A_872 : vector<16xi32> to vector<16xi32>
      %shift_right_arithmetic3A = arith.constant 9 : i32
      %shift_right_arithmetic3A_874 = vector.broadcast %shift_right_arithmetic3A : i32 to vector<16xi32>
      %shift_right_arithmetic3A_875 = arith.shrsi %get3A_870, %shift_right_arithmetic3A_874 : vector<16xi32>
      %eq3A = vector.broadcast %arg0 : i32 to vector<16xi32>
      %eq3A_876 = arith.cmpi eq, %shift_right_arithmetic3A_875, %eq3A : vector<16xi32>
      %and3A = arith.constant -128 : i32
      %and3A_877 = vector.broadcast %and3A : i32 to vector<16xi32>
      %and3A_878 = arith.andi %get3A_870, %and3A_877 : vector<16xi32>
      %mul3A_879 = arith.constant 1024 : i32
      %mul3A_880 = vector.broadcast %mul3A_879 : i32 to vector<16xi32>
      %mul3A_881 = arith.muli %and3A_878, %mul3A_880 : vector<16xi32>
      %mul3A_882 = arith.constant 128 : i32
      %mul3A_883 = vector.broadcast %mul3A_882 : i32 to vector<16xi32>
      %mul3A_884 = arith.muli %get3A_873, %mul3A_883 : vector<16xi32>
      %add3A_885 = arith.addi %mul3A_881, %mul3A_884 : vector<16xi32>
      %and3A_886 = arith.constant 127 : i32
      %and3A_887 = vector.broadcast %and3A_886 : i32 to vector<16xi32>
      %and3A_888 = arith.andi %get3A_870, %and3A_887 : vector<16xi32>
      %add3A_889 = arith.addi %add3A_885, %and3A_888 : vector<16xi32>
      %mul3A_890 = arith.constant 524288 : i32
      %mul3A_891 = arith.muli %arg0, %mul3A_890 : i32
      %sub3A = vector.broadcast %mul3A_891 : i32 to vector<16xi32>
      %sub3A_892 = arith.subi %add3A_889, %sub3A : vector<16xi32>
      %and3A_893 = arith.constant 524287 : i32
      %and3A_894 = vector.broadcast %and3A_893 : i32 to vector<16xi32>
      %and3A_895 = arith.andi %sub3A_892, %and3A_894 : vector<16xi32>
      %select_n3A = arith.select %eq3A_876, %sub3A_892, %and3A_895 : vector<16xi1>, vector<16xi32>
      %mul3A_896 = arith.constant 16 : i32
      %mul3A_897 = arith.muli %scan3A_864, %mul3A_896 : i32
      %swap3A = arith.constant 1 : i32
      %swap3A_898 = arith.index_cast %swap3A : i32 to index
      %swap3A_899 = arith.index_cast %mul3A_897 : i32 to index
      %swap3A_900 = tpu.vector_load %arg7[%swap3A_898, %swap3A_899] {strides = array<i32>} : memref<32x128xi32, #tpu.memory_space<vmem>>, vector<1x16xi32>,
      %swap3A_901 = vector.shape_cast %swap3A_900 : vector<1x16xi32> to vector<16xi32>
      %swap3A_902 = vector.shape_cast %select_n3A : vector<16xi32> to vector<1x16xi32>
      tpu.vector_store %arg7[%swap3A_898, %swap3A_899], %swap3A_902 {strides = array<i32>} : memref<32x128xi32, #tpu.memory_space<vmem>>, vector<1x16xi32>,
      %select_n3A_903 = arith.select %eq3A_876, %broadcast_in_dim3A_22, %broadcast_in_dim3A_24 : vector<16xi1>, vector<16xf32>
      %mul3A_904 = arith.constant 16 : i32
      %mul3A_905 = arith.muli %scan3A_864, %mul3A_904 : i32
      %swap3A_906 = arith.constant 1 : i32
      %swap3A_907 = arith.index_cast %swap3A_906 : i32 to index
      %swap3A_908 = arith.index_cast %mul3A_905 : i32 to index
      %swap3A_909 = tpu.vector_load %arg8[%swap3A_907, %swap3A_908] {strides = array<i32>} : memref<32x128xf32, #tpu.memory_space<vmem>>, vector<1x16xf32>,
      %swap3A_910 = vector.shape_cast %swap3A_909 : vector<1x16xf32> to vector<16xf32>
      %swap3A_911 = vector.shape_cast %select_n3A_903 : vector<16xf32> to vector<1x16xf32>
      tpu.vector_store %arg8[%swap3A_907, %swap3A_908], %swap3A_911 {strides = array<i32>} : memref<32x128xf32, #tpu.memory_space<vmem>>, vector<1x16xf32>,
    }
    %scan3A_35 = arith.constant 8 : i32
    %scan3A_36 = arith.constant 0 : i32
    %scan3A_37 = arith.constant 0 : i32
    %scan3A_38 = arith.constant 8 : i32
    %scan3A_39 = arith.addi %scan3A_37, %scan3A_38 : i32
    %scan3A_40 = arith.constant 1 : i32
    scf.for %scan3A_864 = %scan3A_37 to %scan3A_39 step %scan3A_40  : i32 {
      %mul3A_865 = arith.constant 16 : i32
      %mul3A_866 = arith.muli %scan3A_864, %mul3A_865 : i32
      %add3A_867 = arith.constant 256 : i32
      %add3A_868 = arith.addi %add3A_867, %mul3A_866 : i32
      %get3A = arith.index_cast %add3A_868 : i32 to index
      %get3A_869 = tpu.vector_load %arg5[%get3A] {strides = array<i32>} : memref<4096xi32, #tpu.memory_space<vmem>>, vector<16xi32>,
      %get3A_870 = vector.shape_cast %get3A_869 : vector<16xi32> to vector<16xi32>
      %get3A_871 = arith.index_cast %add3A_868 : i32 to index
      %get3A_872 = tpu.vector_load %arg6[%get3A_871] {strides = array<i32>} : memref<4096xi32, #tpu.memory_space<vmem>>, vector<16xi32>,
      %get3A_873 = vector.shape_cast %get3A_872 : vector<16xi32> to vector<16xi32>
      %shift_right_arithmetic3A = arith.constant 9 : i32
      %shift_right_arithmetic3A_874 = vector.broadcast %shift_right_arithmetic3A : i32 to vector<16xi32>
      %shift_right_arithmetic3A_875 = arith.shrsi %get3A_870, %shift_right_arithmetic3A_874 : vector<16xi32>
      %eq3A = vector.broadcast %arg0 : i32 to vector<16xi32>
      %eq3A_876 = arith.cmpi eq, %shift_right_arithmetic3A_875, %eq3A : vector<16xi32>
      %and3A = arith.constant -128 : i32
      %and3A_877 = vector.broadcast %and3A : i32 to vector<16xi32>
      %and3A_878 = arith.andi %get3A_870, %and3A_877 : vector<16xi32>
      %mul3A_879 = arith.constant 1024 : i32
      %mul3A_880 = vector.broadcast %mul3A_879 : i32 to vector<16xi32>
      %mul3A_881 = arith.muli %and3A_878, %mul3A_880 : vector<16xi32>
      %mul3A_882 = arith.constant 128 : i32
      %mul3A_883 = vector.broadcast %mul3A_882 : i32 to vector<16xi32>
      %mul3A_884 = arith.muli %get3A_873, %mul3A_883 : vector<16xi32>
      %add3A_885 = arith.addi %mul3A_881, %mul3A_884 : vector<16xi32>
      %and3A_886 = arith.constant 127 : i32
      %and3A_887 = vector.broadcast %and3A_886 : i32 to vector<16xi32>
      %and3A_888 = arith.andi %get3A_870, %and3A_887 : vector<16xi32>
      %add3A_889 = arith.addi %add3A_885, %and3A_888 : vector<16xi32>
      %mul3A_890 = arith.constant 524288 : i32
      %mul3A_891 = arith.muli %arg0, %mul3A_890 : i32
      %sub3A = vector.broadcast %mul3A_891 : i32 to vector<16xi32>
      %sub3A_892 = arith.subi %add3A_889, %sub3A : vector<16xi32>
      %and3A_893 = arith.constant 524287 : i32
      %and3A_894 = vector.broadcast %and3A_893 : i32 to vector<16xi32>
      %and3A_895 = arith.andi %sub3A_892, %and3A_894 : vector<16xi32>
      %select_n3A = arith.select %eq3A_876, %sub3A_892, %and3A_895 : vector<16xi1>, vector<16xi32>
      %mul3A_896 = arith.constant 16 : i32
      %mul3A_897 = arith.muli %scan3A_864, %mul3A_896 : i32
      %swap3A = arith.constant 2 : i32
      %swap3A_898 = arith.index_cast %swap3A : i32 to index
      %swap3A_899 = arith.index_cast %mul3A_897 : i32 to index
      %swap3A_900 = tpu.vector_load %arg7[%swap3A_898, %swap3A_899] {strides = array<i32>} : memref<32x128xi32, #tpu.memory_space<vmem>>, vector<1x16xi32>,
      %swap3A_901 = vector.shape_cast %swap3A_900 : vector<1x16xi32> to vector<16xi32>
      %swap3A_902 = vector.shape_cast %select_n3A : vector<16xi32> to vector<1x16xi32>
      tpu.vector_store %arg7[%swap3A_898, %swap3A_899], %swap3A_902 {strides = array<i32>} : memref<32x128xi32, #tpu.memory_space<vmem>>, vector<1x16xi32>,
      %select_n3A_903 = arith.select %eq3A_876, %broadcast_in_dim3A_22, %broadcast_in_dim3A_24 : vector<16xi1>, vector<16xf32>
      %mul3A_904 = arith.constant 16 : i32
      %mul3A_905 = arith.muli %scan3A_864, %mul3A_904 : i32
      %swap3A_906 = arith.constant 2 : i32
      %swap3A_907 = arith.index_cast %swap3A_906 : i32 to index
      %swap3A_908 = arith.index_cast %mul3A_905 : i32 to index
      %swap3A_909 = tpu.vector_load %arg8[%swap3A_907, %swap3A_908] {strides = array<i32>} : memref<32x128xf32, #tpu.memory_space<vmem>>, vector<1x16xf32>,
      %swap3A_910 = vector.shape_cast %swap3A_909 : vector<1x16xf32> to vector<16xf32>
      %swap3A_911 = vector.shape_cast %select_n3A_903 : vector<16xf32> to vector<1x16xf32>
      tpu.vector_store %arg8[%swap3A_907, %swap3A_908], %swap3A_911 {strides = array<i32>} : memref<32x128xf32, #tpu.memory_space<vmem>>, vector<1x16xf32>,
    }
    %scan3A_41 = arith.constant 8 : i32
    %scan3A_42 = arith.constant 0 : i32
    %scan3A_43 = arith.constant 0 : i32
    %scan3A_44 = arith.constant 8 : i32
    %scan3A_45 = arith.addi %scan3A_43, %scan3A_44 : i32
    %scan3A_46 = arith.constant 1 : i32
    scf.for %scan3A_864 = %scan3A_43 to %scan3A_45 step %scan3A_46  : i32 {
      %mul3A_865 = arith.constant 16 : i32
      %mul3A_866 = arith.muli %scan3A_864, %mul3A_865 : i32
      %add3A_867 = arith.constant 384 : i32
      %add3A_868 = arith.addi %add3A_867, %mul3A_866 : i32
      %get3A = arith.index_cast %add3A_868 : i32 to index
      %get3A_869 = tpu.vector_load %arg5[%get3A] {strides = array<i32>} : memref<4096xi32, #tpu.memory_space<vmem>>, vector<16xi32>,
      %get3A_870 = vector.shape_cast %get3A_869 : vector<16xi32> to vector<16xi32>
      %get3A_871 = arith.index_cast %add3A_868 : i32 to index
      %get3A_872 = tpu.vector_load %arg6[%get3A_871] {strides = array<i32>} : memref<4096xi32, #tpu.memory_space<vmem>>, vector<16xi32>,
      %get3A_873 = vector.shape_cast %get3A_872 : vector<16xi32> to vector<16xi32>
      %shift_right_arithmetic3A = arith.constant 9 : i32
      %shift_right_arithmetic3A_874 = vector.broadcast %shift_right_arithmetic3A : i32 to vector<16xi32>
      %shift_right_arithmetic3A_875 = arith.shrsi %get3A_870, %shift_right_arithmetic3A_874 : vector<16xi32>
      %eq3A = vector.broadcast %arg0 : i32 to vector<16xi32>
      %eq3A_876 = arith.cmpi eq, %shift_right_arithmetic3A_875, %eq3A : vector<16xi32>
      %and3A = arith.constant -128 : i32
      %and3A_877 = vector.broadcast %and3A : i32 to vector<16xi32>
      %and3A_878 = arith.andi %get3A_870, %and3A_877 : vector<16xi32>
      %mul3A_879 = arith.constant 1024 : i32
      %mul3A_880 = vector.broadcast %mul3A_879 : i32 to vector<16xi32>
      %mul3A_881 = arith.muli %and3A_878, %mul3A_880 : vector<16xi32>
      %mul3A_882 = arith.constant 128 : i32
      %mul3A_883 = vector.broadcast %mul3A_882 : i32 to vector<16xi32>
      %mul3A_884 = arith.muli %get3A_873, %mul3A_883 : vector<16xi32>
      %add3A_885 = arith.addi %mul3A_881, %mul3A_884 : vector<16xi32>
      %and3A_886 = arith.constant 127 : i32
      %and3A_887 = vector.broadcast %and3A_886 : i32 to vector<16xi32>
      %and3A_888 = arith.andi %get3A_870, %and3A_887 : vector<16xi32>
      %add3A_889 = arith.addi %add3A_885, %and3A_888 : vector<16xi32>
      %mul3A_890 = arith.constant 524288 : i32
      %mul3A_891 = arith.muli %arg0, %mul3A_890 : i32
      %sub3A = vector.broadcast %mul3A_891 : i32 to vector<16xi32>
      %sub3A_892 = arith.subi %add3A_889, %sub3A : vector<16xi32>
      %and3A_893 = arith.constant 524287 : i32
      %and3A_894 = vector.broadcast %and3A_893 : i32 to vector<16xi32>
      %and3A_895 = arith.andi %sub3A_892, %and3A_894 : vector<16xi32>
      %select_n3A = arith.select %eq3A_876, %sub3A_892, %and3A_895 : vector<16xi1>, vector<16xi32>
      %mul3A_896 = arith.constant 16 : i32
      %mul3A_897 = arith.muli %scan3A_864, %mul3A_896 : i32
      %swap3A = arith.constant 3 : i32
      %swap3A_898 = arith.index_cast %swap3A : i32 to index
      %swap3A_899 = arith.index_cast %mul3A_897 : i32 to index
      %swap3A_900 = tpu.vector_load %arg7[%swap3A_898, %swap3A_899] {strides = array<i32>} : memref<32x128xi32, #tpu.memory_space<vmem>>, vector<1x16xi32>,
      %swap3A_901 = vector.shape_cast %swap3A_900 : vector<1x16xi32> to vector<16xi32>
      %swap3A_902 = vector.shape_cast %select_n3A : vector<16xi32> to vector<1x16xi32>
      tpu.vector_store %arg7[%swap3A_898, %swap3A_899], %swap3A_902 {strides = array<i32>} : memref<32x128xi32, #tpu.memory_space<vmem>>, vector<1x16xi32>,
      %select_n3A_903 = arith.select %eq3A_876, %broadcast_in_dim3A_22, %broadcast_in_dim3A_24 : vector<16xi1>, vector<16xf32>
      %mul3A_904 = arith.constant 16 : i32
      %mul3A_905 = arith.muli %scan3A_864, %mul3A_904 : i32
      %swap3A_906 = arith.constant 3 : i32
      %swap3A_907 = arith.index_cast %swap3A_906 : i32 to index
      %swap3A_908 = arith.index_cast %mul3A_905 : i32 to index
      %swap3A_909 = tpu.vector_load %arg8[%swap3A_907, %swap3A_908] {strides = array<i32>} : memref<32x128xf32, #tpu.memory_space<vmem>>, vector<1x16xf32>,
      %swap3A_910 = vector.shape_cast %swap3A_909 : vector<1x16xf32> to vector<16xf32>
      %swap3A_911 = vector.shape_cast %select_n3A_903 : vector<16xf32> to vector<1x16xf32>
      tpu.vector_store %arg8[%swap3A_907, %swap3A_908], %swap3A_911 {strides = array<i32>} : memref<32x128xf32, #tpu.memory_space<vmem>>, vector<1x16xf32>,
    }
    %scan3A_47 = arith.constant 8 : i32
    %scan3A_48 = arith.constant 0 : i32
    %scan3A_49 = arith.constant 0 : i32
    %scan3A_50 = arith.constant 8 : i32
    %scan3A_51 = arith.addi %scan3A_49, %scan3A_50 : i32
    %scan3A_52 = arith.constant 1 : i32
    scf.for %scan3A_864 = %scan3A_49 to %scan3A_51 step %scan3A_52  : i32 {
      %mul3A_865 = arith.constant 16 : i32
      %mul3A_866 = arith.muli %scan3A_864, %mul3A_865 : i32
      %add3A_867 = arith.constant 512 : i32
      %add3A_868 = arith.addi %add3A_867, %mul3A_866 : i32
      %get3A = arith.index_cast %add3A_868 : i32 to index
      %get3A_869 = tpu.vector_load %arg5[%get3A] {strides = array<i32>} : memref<4096xi32, #tpu.memory_space<vmem>>, vector<16xi32>,
      %get3A_870 = vector.shape_cast %get3A_869 : vector<16xi32> to vector<16xi32>
      %get3A_871 = arith.index_cast %add3A_868 : i32 to index
      %get3A_872 = tpu.vector_load %arg6[%get3A_871] {strides = array<i32>} : memref<4096xi32, #tpu.memory_space<vmem>>, vector<16xi32>,
      %get3A_873 = vector.shape_cast %get3A_872 : vector<16xi32> to vector<16xi32>
      %shift_right_arithmetic3A = arith.constant 9 : i32
      %shift_right_arithmetic3A_874 = vector.broadcast %shift_right_arithmetic3A : i32 to vector<16xi32>
      %shift_right_arithmetic3A_875 = arith.shrsi %get3A_870, %shift_right_arithmetic3A_874 : vector<16xi32>
      %eq3A = vector.broadcast %arg0 : i32 to vector<16xi32>
      %eq3A_876 = arith.cmpi eq, %shift_right_arithmetic3A_875, %eq3A : vector<16xi32>
      %and3A = arith.constant -128 : i32
      %and3A_877 = vector.broadcast %and3A : i32 to vector<16xi32>
      %and3A_878 = arith.andi %get3A_870, %and3A_877 : vector<16xi32>
      %mul3A_879 = arith.constant 1024 : i32
      %mul3A_880 = vector.broadcast %mul3A_879 : i32 to vector<16xi32>
      %mul3A_881 = arith.muli %and3A_878, %mul3A_880 : vector<16xi32>
      %mul3A_882 = arith.constant 128 : i32
      %mul3A_883 = vector.broadcast %mul3A_882 : i32 to vector<16xi32>
      %mul3A_884 = arith.muli %get3A_873, %mul3A_883 : vector<16xi32>
      %add3A_885 = arith.addi %mul3A_881, %mul3A_884 : vector<16xi32>
      %and3A_886 = arith.constant 127 : i32
      %and3A_887 = vector.broadcast %and3A_886 : i32 to vector<16xi32>
      %and3A_888 = arith.andi %get3A_870, %and3A_887 : vector<16xi32>
      %add3A_889 = arith.addi %add3A_885, %and3A_888 : vector<16xi32>
      %mul3A_890 = arith.constant 524288 : i32
      %mul3A_891 = arith.muli %arg0, %mul3A_890 : i32
      %sub3A = vector.broadcast %mul3A_891 : i32 to vector<16xi32>
      %sub3A_892 = arith.subi %add3A_889, %sub3A : vector<16xi32>
      %and3A_893 = arith.constant 524287 : i32
      %and3A_894 = vector.broadcast %and3A_893 : i32 to vector<16xi32>
      %and3A_895 = arith.andi %sub3A_892, %and3A_894 : vector<16xi32>
      %select_n3A = arith.select %eq3A_876, %sub3A_892, %and3A_895 : vector<16xi1>, vector<16xi32>
      %mul3A_896 = arith.constant 16 : i32
      %mul3A_897 = arith.muli %scan3A_864, %mul3A_896 : i32
      %swap3A = arith.constant 4 : i32
      %swap3A_898 = arith.index_cast %swap3A : i32 to index
      %swap3A_899 = arith.index_cast %mul3A_897 : i32 to index
      %swap3A_900 = tpu.vector_load %arg7[%swap3A_898, %swap3A_899] {strides = array<i32>} : memref<32x128xi32, #tpu.memory_space<vmem>>, vector<1x16xi32>,
      %swap3A_901 = vector.shape_cast %swap3A_900 : vector<1x16xi32> to vector<16xi32>
      %swap3A_902 = vector.shape_cast %select_n3A : vector<16xi32> to vector<1x16xi32>
      tpu.vector_store %arg7[%swap3A_898, %swap3A_899], %swap3A_902 {strides = array<i32>} : memref<32x128xi32, #tpu.memory_space<vmem>>, vector<1x16xi32>,
      %select_n3A_903 = arith.select %eq3A_876, %broadcast_in_dim3A_22, %broadcast_in_dim3A_24 : vector<16xi1>, vector<16xf32>
      %mul3A_904 = arith.constant 16 : i32
      %mul3A_905 = arith.muli %scan3A_864, %mul3A_904 : i32
      %swap3A_906 = arith.constant 4 : i32
      %swap3A_907 = arith.index_cast %swap3A_906 : i32 to index
      %swap3A_908 = arith.index_cast %mul3A_905 : i32 to index
      %swap3A_909 = tpu.vector_load %arg8[%swap3A_907, %swap3A_908] {strides = array<i32>} : memref<32x128xf32, #tpu.memory_space<vmem>>, vector<1x16xf32>,
      %swap3A_910 = vector.shape_cast %swap3A_909 : vector<1x16xf32> to vector<16xf32>
      %swap3A_911 = vector.shape_cast %select_n3A_903 : vector<16xf32> to vector<1x16xf32>
      tpu.vector_store %arg8[%swap3A_907, %swap3A_908], %swap3A_911 {strides = array<i32>} : memref<32x128xf32, #tpu.memory_space<vmem>>, vector<1x16xf32>,
    }
    %scan3A_53 = arith.constant 8 : i32
    %scan3A_54 = arith.constant 0 : i32
    %scan3A_55 = arith.constant 0 : i32
    %scan3A_56 = arith.constant 8 : i32
    %scan3A_57 = arith.addi %scan3A_55, %scan3A_56 : i32
    %scan3A_58 = arith.constant 1 : i32
    scf.for %scan3A_864 = %scan3A_55 to %scan3A_57 step %scan3A_58  : i32 {
      %mul3A_865 = arith.constant 16 : i32
      %mul3A_866 = arith.muli %scan3A_864, %mul3A_865 : i32
      %add3A_867 = arith.constant 640 : i32
      %add3A_868 = arith.addi %add3A_867, %mul3A_866 : i32
      %get3A = arith.index_cast %add3A_868 : i32 to index
      %get3A_869 = tpu.vector_load %arg5[%get3A] {strides = array<i32>} : memref<4096xi32, #tpu.memory_space<vmem>>, vector<16xi32>,
      %get3A_870 = vector.shape_cast %get3A_869 : vector<16xi32> to vector<16xi32>
      %get3A_871 = arith.index_cast %add3A_868 : i32 to index
      %get3A_872 = tpu.vector_load %arg6[%get3A_871] {strides = array<i32>} : memref<4096xi32, #tpu.memory_space<vmem>>, vector<16xi32>,
      %get3A_873 = vector.shape_cast %get3A_872 : vector<16xi32> to vector<16xi32>
      %shift_right_arithmetic3A = arith.constant 9 : i32
      %shift_right_arithmetic3A_874 = vector.broadcast %shift_right_arithmetic3A : i32 to vector<16xi32>
      %shift_right_arithmetic3A_875 = arith.shrsi %get3A_870, %shift_right_arithmetic3A_874 : vector<16xi32>
      %eq3A = vector.broadcast %arg0 : i32 to vector<16xi32>
      %eq3A_876 = arith.cmpi eq, %shift_right_arithmetic3A_875, %eq3A : vector<16xi32>
      %and3A = arith.constant -128 : i32
      %and3A_877 = vector.broadcast %and3A : i32 to vector<16xi32>
      %and3A_878 = arith.andi %get3A_870, %and3A_877 : vector<16xi32>
      %mul3A_879 = arith.constant 1024 : i32
      %mul3A_880 = vector.broadcast %mul3A_879 : i32 to vector<16xi32>
      %mul3A_881 = arith.muli %and3A_878, %mul3A_880 : vector<16xi32>
      %mul3A_882 = arith.constant 128 : i32
      %mul3A_883 = vector.broadcast %mul3A_882 : i32 to vector<16xi32>
      %mul3A_884 = arith.muli %get3A_873, %mul3A_883 : vector<16xi32>
      %add3A_885 = arith.addi %mul3A_881, %mul3A_884 : vector<16xi32>
      %and3A_886 = arith.constant 127 : i32
      %and3A_887 = vector.broadcast %and3A_886 : i32 to vector<16xi32>
      %and3A_888 = arith.andi %get3A_870, %and3A_887 : vector<16xi32>
      %add3A_889 = arith.addi %add3A_885, %and3A_888 : vector<16xi32>
      %mul3A_890 = arith.constant 524288 : i32
      %mul3A_891 = arith.muli %arg0, %mul3A_890 : i32
      %sub3A = vector.broadcast %mul3A_891 : i32 to vector<16xi32>
      %sub3A_892 = arith.subi %add3A_889, %sub3A : vector<16xi32>
      %and3A_893 = arith.constant 524287 : i32
      %and3A_894 = vector.broadcast %and3A_893 : i32 to vector<16xi32>
      %and3A_895 = arith.andi %sub3A_892, %and3A_894 : vector<16xi32>
      %select_n3A = arith.select %eq3A_876, %sub3A_892, %and3A_895 : vector<16xi1>, vector<16xi32>
      %mul3A_896 = arith.constant 16 : i32
      %mul3A_897 = arith.muli %scan3A_864, %mul3A_896 : i32
      %swap3A = arith.constant 5 : i32
      %swap3A_898 = arith.index_cast %swap3A : i32 to index
      %swap3A_899 = arith.index_cast %mul3A_897 : i32 to index
      %swap3A_900 = tpu.vector_load %arg7[%swap3A_898, %swap3A_899] {strides = array<i32>} : memref<32x128xi32, #tpu.memory_space<vmem>>, vector<1x16xi32>,
      %swap3A_901 = vector.shape_cast %swap3A_900 : vector<1x16xi32> to vector<16xi32>
      %swap3A_902 = vector.shape_cast %select_n3A : vector<16xi32> to vector<1x16xi32>
      tpu.vector_store %arg7[%swap3A_898, %swap3A_899], %swap3A_902 {strides = array<i32>} : memref<32x128xi32, #tpu.memory_space<vmem>>, vector<1x16xi32>,
      %select_n3A_903 = arith.select %eq3A_876, %broadcast_in_dim3A_22, %broadcast_in_dim3A_24 : vector<16xi1>, vector<16xf32>
      %mul3A_904 = arith.constant 16 : i32
      %mul3A_905 = arith.muli %scan3A_864, %mul3A_904 : i32
      %swap3A_906 = arith.constant 5 : i32
      %swap3A_907 = arith.index_cast %swap3A_906 : i32 to index
      %swap3A_908 = arith.index_cast %mul3A_905 : i32 to index
      %swap3A_909 = tpu.vector_load %arg8[%swap3A_907, %swap3A_908] {strides = array<i32>} : memref<32x128xf32, #tpu.memory_space<vmem>>, vector<1x16xf32>,
      %swap3A_910 = vector.shape_cast %swap3A_909 : vector<1x16xf32> to vector<16xf32>
      %swap3A_911 = vector.shape_cast %select_n3A_903 : vector<16xf32> to vector<1x16xf32>
      tpu.vector_store %arg8[%swap3A_907, %swap3A_908], %swap3A_911 {strides = array<i32>} : memref<32x128xf32, #tpu.memory_space<vmem>>, vector<1x16xf32>,
    }
    %scan3A_59 = arith.constant 8 : i32
    %scan3A_60 = arith.constant 0 : i32
    %scan3A_61 = arith.constant 0 : i32
    %scan3A_62 = arith.constant 8 : i32
    %scan3A_63 = arith.addi %scan3A_61, %scan3A_62 : i32
    %scan3A_64 = arith.constant 1 : i32
    scf.for %scan3A_864 = %scan3A_61 to %scan3A_63 step %scan3A_64  : i32 {
      %mul3A_865 = arith.constant 16 : i32
      %mul3A_866 = arith.muli %scan3A_864, %mul3A_865 : i32
      %add3A_867 = arith.constant 768 : i32
      %add3A_868 = arith.addi %add3A_867, %mul3A_866 : i32
      %get3A = arith.index_cast %add3A_868 : i32 to index
      %get3A_869 = tpu.vector_load %arg5[%get3A] {strides = array<i32>} : memref<4096xi32, #tpu.memory_space<vmem>>, vector<16xi32>,
      %get3A_870 = vector.shape_cast %get3A_869 : vector<16xi32> to vector<16xi32>
      %get3A_871 = arith.index_cast %add3A_868 : i32 to index
      %get3A_872 = tpu.vector_load %arg6[%get3A_871] {strides = array<i32>} : memref<4096xi32, #tpu.memory_space<vmem>>, vector<16xi32>,
      %get3A_873 = vector.shape_cast %get3A_872 : vector<16xi32> to vector<16xi32>
      %shift_right_arithmetic3A = arith.constant 9 : i32
      %shift_right_arithmetic3A_874 = vector.broadcast %shift_right_arithmetic3A : i32 to vector<16xi32>
      %shift_right_arithmetic3A_875 = arith.shrsi %get3A_870, %shift_right_arithmetic3A_874 : vector<16xi32>
      %eq3A = vector.broadcast %arg0 : i32 to vector<16xi32>
      %eq3A_876 = arith.cmpi eq, %shift_right_arithmetic3A_875, %eq3A : vector<16xi32>
      %and3A = arith.constant -128 : i32
      %and3A_877 = vector.broadcast %and3A : i32 to vector<16xi32>
      %and3A_878 = arith.andi %get3A_870, %and3A_877 : vector<16xi32>
      %mul3A_879 = arith.constant 1024 : i32
      %mul3A_880 = vector.broadcast %mul3A_879 : i32 to vector<16xi32>
      %mul3A_881 = arith.muli %and3A_878, %mul3A_880 : vector<16xi32>
      %mul3A_882 = arith.constant 128 : i32
      %mul3A_883 = vector.broadcast %mul3A_882 : i32 to vector<16xi32>
      %mul3A_884 = arith.muli %get3A_873, %mul3A_883 : vector<16xi32>
      %add3A_885 = arith.addi %mul3A_881, %mul3A_884 : vector<16xi32>
      %and3A_886 = arith.constant 127 : i32
      %and3A_887 = vector.broadcast %and3A_886 : i32 to vector<16xi32>
      %and3A_888 = arith.andi %get3A_870, %and3A_887 : vector<16xi32>
      %add3A_889 = arith.addi %add3A_885, %and3A_888 : vector<16xi32>
      %mul3A_890 = arith.constant 524288 : i32
      %mul3A_891 = arith.muli %arg0, %mul3A_890 : i32
      %sub3A = vector.broadcast %mul3A_891 : i32 to vector<16xi32>
      %sub3A_892 = arith.subi %add3A_889, %sub3A : vector<16xi32>
      %and3A_893 = arith.constant 524287 : i32
      %and3A_894 = vector.broadcast %and3A_893 : i32 to vector<16xi32>
      %and3A_895 = arith.andi %sub3A_892, %and3A_894 : vector<16xi32>
      %select_n3A = arith.select %eq3A_876, %sub3A_892, %and3A_895 : vector<16xi1>, vector<16xi32>
      %mul3A_896 = arith.constant 16 : i32
      %mul3A_897 = arith.muli %scan3A_864, %mul3A_896 : i32
      %swap3A = arith.constant 6 : i32
      %swap3A_898 = arith.index_cast %swap3A : i32 to index
      %swap3A_899 = arith.index_cast %mul3A_897 : i32 to index
      %swap3A_900 = tpu.vector_load %arg7[%swap3A_898, %swap3A_899] {strides = array<i32>} : memref<32x128xi32, #tpu.memory_space<vmem>>, vector<1x16xi32>,
      %swap3A_901 = vector.shape_cast %swap3A_900 : vector<1x16xi32> to vector<16xi32>
      %swap3A_902 = vector.shape_cast %select_n3A : vector<16xi32> to vector<1x16xi32>
      tpu.vector_store %arg7[%swap3A_898, %swap3A_899], %swap3A_902 {strides = array<i32>} : memref<32x128xi32, #tpu.memory_space<vmem>>, vector<1x16xi32>,
      %select_n3A_903 = arith.select %eq3A_876, %broadcast_in_dim3A_22, %broadcast_in_dim3A_24 : vector<16xi1>, vector<16xf32>
      %mul3A_904 = arith.constant 16 : i32
      %mul3A_905 = arith.muli %scan3A_864, %mul3A_904 : i32
      %swap3A_906 = arith.constant 6 : i32
      %swap3A_907 = arith.index_cast %swap3A_906 : i32 to index
      %swap3A_908 = arith.index_cast %mul3A_905 : i32 to index
      %swap3A_909 = tpu.vector_load %arg8[%swap3A_907, %swap3A_908] {strides = array<i32>} : memref<32x128xf32, #tpu.memory_space<vmem>>, vector<1x16xf32>,
      %swap3A_910 = vector.shape_cast %swap3A_909 : vector<1x16xf32> to vector<16xf32>
      %swap3A_911 = vector.shape_cast %select_n3A_903 : vector<16xf32> to vector<1x16xf32>
      tpu.vector_store %arg8[%swap3A_907, %swap3A_908], %swap3A_911 {strides = array<i32>} : memref<32x128xf32, #tpu.memory_space<vmem>>, vector<1x16xf32>,
    }
    %scan3A_65 = arith.constant 8 : i32
    %scan3A_66 = arith.constant 0 : i32
    %scan3A_67 = arith.constant 0 : i32
    %scan3A_68 = arith.constant 8 : i32
    %scan3A_69 = arith.addi %scan3A_67, %scan3A_68 : i32
    %scan3A_70 = arith.constant 1 : i32
    scf.for %scan3A_864 = %scan3A_67 to %scan3A_69 step %scan3A_70  : i32 {
      %mul3A_865 = arith.constant 16 : i32
      %mul3A_866 = arith.muli %scan3A_864, %mul3A_865 : i32
      %add3A_867 = arith.constant 896 : i32
      %add3A_868 = arith.addi %add3A_867, %mul3A_866 : i32
      %get3A = arith.index_cast %add3A_868 : i32 to index
      %get3A_869 = tpu.vector_load %arg5[%get3A] {strides = array<i32>} : memref<4096xi32, #tpu.memory_space<vmem>>, vector<16xi32>,
      %get3A_870 = vector.shape_cast %get3A_869 : vector<16xi32> to vector<16xi32>
      %get3A_871 = arith.index_cast %add3A_868 : i32 to index
      %get3A_872 = tpu.vector_load %arg6[%get3A_871] {strides = array<i32>} : memref<4096xi32, #tpu.memory_space<vmem>>, vector<16xi32>,
      %get3A_873 = vector.shape_cast %get3A_872 : vector<16xi32> to vector<16xi32>
      %shift_right_arithmetic3A = arith.constant 9 : i32
      %shift_right_arithmetic3A_874 = vector.broadcast %shift_right_arithmetic3A : i32 to vector<16xi32>
      %shift_right_arithmetic3A_875 = arith.shrsi %get3A_870, %shift_right_arithmetic3A_874 : vector<16xi32>
      %eq3A = vector.broadcast %arg0 : i32 to vector<16xi32>
      %eq3A_876 = arith.cmpi eq, %shift_right_arithmetic3A_875, %eq3A : vector<16xi32>
      %and3A = arith.constant -128 : i32
      %and3A_877 = vector.broadcast %and3A : i32 to vector<16xi32>
      %and3A_878 = arith.andi %get3A_870, %and3A_877 : vector<16xi32>
      %mul3A_879 = arith.constant 1024 : i32
      %mul3A_880 = vector.broadcast %mul3A_879 : i32 to vector<16xi32>
      %mul3A_881 = arith.muli %and3A_878, %mul3A_880 : vector<16xi32>
      %mul3A_882 = arith.constant 128 : i32
      %mul3A_883 = vector.broadcast %mul3A_882 : i32 to vector<16xi32>
      %mul3A_884 = arith.muli %get3A_873, %mul3A_883 : vector<16xi32>
      %add3A_885 = arith.addi %mul3A_881, %mul3A_884 : vector<16xi32>
      %and3A_886 = arith.constant 127 : i32
      %and3A_887 = vector.broadcast %and3A_886 : i32 to vector<16xi32>
      %and3A_888 = arith.andi %get3A_870, %and3A_887 : vector<16xi32>
      %add3A_889 = arith.addi %add3A_885, %and3A_888 : vector<16xi32>
      %mul3A_890 = arith.constant 524288 : i32
      %mul3A_891 = arith.muli %arg0, %mul3A_890 : i32
      %sub3A = vector.broadcast %mul3A_891 : i32 to vector<16xi32>
      %sub3A_892 = arith.subi %add3A_889, %sub3A : vector<16xi32>
      %and3A_893 = arith.constant 524287 : i32
      %and3A_894 = vector.broadcast %and3A_893 : i32 to vector<16xi32>
      %and3A_895 = arith.andi %sub3A_892, %and3A_894 : vector<16xi32>
      %select_n3A = arith.select %eq3A_876, %sub3A_892, %and3A_895 : vector<16xi1>, vector<16xi32>
      %mul3A_896 = arith.constant 16 : i32
      %mul3A_897 = arith.muli %scan3A_864, %mul3A_896 : i32
      %swap3A = arith.constant 7 : i32
      %swap3A_898 = arith.index_cast %swap3A : i32 to index
      %swap3A_899 = arith.index_cast %mul3A_897 : i32 to index
      %swap3A_900 = tpu.vector_load %arg7[%swap3A_898, %swap3A_899] {strides = array<i32>} : memref<32x128xi32, #tpu.memory_space<vmem>>, vector<1x16xi32>,
      %swap3A_901 = vector.shape_cast %swap3A_900 : vector<1x16xi32> to vector<16xi32>
      %swap3A_902 = vector.shape_cast %select_n3A : vector<16xi32> to vector<1x16xi32>
      tpu.vector_store %arg7[%swap3A_898, %swap3A_899], %swap3A_902 {strides = array<i32>} : memref<32x128xi32, #tpu.memory_space<vmem>>, vector<1x16xi32>,
      %select_n3A_903 = arith.select %eq3A_876, %broadcast_in_dim3A_22, %broadcast_in_dim3A_24 : vector<16xi1>, vector<16xf32>
      %mul3A_904 = arith.constant 16 : i32
      %mul3A_905 = arith.muli %scan3A_864, %mul3A_904 : i32
      %swap3A_906 = arith.constant 7 : i32
      %swap3A_907 = arith.index_cast %swap3A_906 : i32 to index
      %swap3A_908 = arith.index_cast %mul3A_905 : i32 to index
      %swap3A_909 = tpu.vector_load %arg8[%swap3A_907, %swap3A_908] {strides = array<i32>} : memref<32x128xf32, #tpu.memory_space<vmem>>, vector<1x16xf32>,
      %swap3A_910 = vector.shape_cast %swap3A_909 : vector<1x16xf32> to vector<16xf32>
      %swap3A_911 = vector.shape_cast %select_n3A_903 : vector<16xf32> to vector<1x16xf32>
      tpu.vector_store %arg8[%swap3A_907, %swap3A_908], %swap3A_911 {strides = array<i32>} : memref<32x128xf32, #tpu.memory_space<vmem>>, vector<1x16xf32>,
    }
    %scan3A_71 = arith.constant 8 : i32
    %scan3A_72 = arith.constant 0 : i32
    %scan3A_73 = arith.constant 0 : i32
    %scan3A_74 = arith.constant 8 : i32
    %scan3A_75 = arith.addi %scan3A_73, %scan3A_74 : i32
    %scan3A_76 = arith.constant 1 : i32
    scf.for %scan3A_864 = %scan3A_73 to %scan3A_75 step %scan3A_76  : i32 {
      %mul3A_865 = arith.constant 16 : i32
      %mul3A_866 = arith.muli %scan3A_864, %mul3A_865 : i32
      %add3A_867 = arith.constant 1024 : i32
      %add3A_868 = arith.addi %add3A_867, %mul3A_866 : i32
      %get3A = arith.index_cast %add3A_868 : i32 to index
      %get3A_869 = tpu.vector_load %arg5[%get3A] {strides = array<i32>} : memref<4096xi32, #tpu.memory_space<vmem>>, vector<16xi32>,
      %get3A_870 = vector.shape_cast %get3A_869 : vector<16xi32> to vector<16xi32>
      %get3A_871 = arith.index_cast %add3A_868 : i32 to index
      %get3A_872 = tpu.vector_load %arg6[%get3A_871] {strides = array<i32>} : memref<4096xi32, #tpu.memory_space<vmem>>, vector<16xi32>,
      %get3A_873 = vector.shape_cast %get3A_872 : vector<16xi32> to vector<16xi32>
      %shift_right_arithmetic3A = arith.constant 9 : i32
      %shift_right_arithmetic3A_874 = vector.broadcast %shift_right_arithmetic3A : i32 to vector<16xi32>
      %shift_right_arithmetic3A_875 = arith.shrsi %get3A_870, %shift_right_arithmetic3A_874 : vector<16xi32>
      %eq3A = vector.broadcast %arg0 : i32 to vector<16xi32>
      %eq3A_876 = arith.cmpi eq, %shift_right_arithmetic3A_875, %eq3A : vector<16xi32>
      %and3A = arith.constant -128 : i32
      %and3A_877 = vector.broadcast %and3A : i32 to vector<16xi32>
      %and3A_878 = arith.andi %get3A_870, %and3A_877 : vector<16xi32>
      %mul3A_879 = arith.constant 1024 : i32
      %mul3A_880 = vector.broadcast %mul3A_879 : i32 to vector<16xi32>
      %mul3A_881 = arith.muli %and3A_878, %mul3A_880 : vector<16xi32>
      %mul3A_882 = arith.constant 128 : i32
      %mul3A_883 = vector.broadcast %mul3A_882 : i32 to vector<16xi32>
      %mul3A_884 = arith.muli %get3A_873, %mul3A_883 : vector<16xi32>
      %add3A_885 = arith.addi %mul3A_881, %mul3A_884 : vector<16xi32>
      %and3A_886 = arith.constant 127 : i32
      %and3A_887 = vector.broadcast %and3A_886 : i32 to vector<16xi32>
      %and3A_888 = arith.andi %get3A_870, %and3A_887 : vector<16xi32>
      %add3A_889 = arith.addi %add3A_885, %and3A_888 : vector<16xi32>
      %mul3A_890 = arith.constant 524288 : i32
      %mul3A_891 = arith.muli %arg0, %mul3A_890 : i32
      %sub3A = vector.broadcast %mul3A_891 : i32 to vector<16xi32>
      %sub3A_892 = arith.subi %add3A_889, %sub3A : vector<16xi32>
      %and3A_893 = arith.constant 524287 : i32
      %and3A_894 = vector.broadcast %and3A_893 : i32 to vector<16xi32>
      %and3A_895 = arith.andi %sub3A_892, %and3A_894 : vector<16xi32>
      %select_n3A = arith.select %eq3A_876, %sub3A_892, %and3A_895 : vector<16xi1>, vector<16xi32>
      %mul3A_896 = arith.constant 16 : i32
      %mul3A_897 = arith.muli %scan3A_864, %mul3A_896 : i32
      %swap3A = arith.constant 8 : i32
      %swap3A_898 = arith.index_cast %swap3A : i32 to index
      %swap3A_899 = arith.index_cast %mul3A_897 : i32 to index
      %swap3A_900 = tpu.vector_load %arg7[%swap3A_898, %swap3A_899] {strides = array<i32>} : memref<32x128xi32, #tpu.memory_space<vmem>>, vector<1x16xi32>,
      %swap3A_901 = vector.shape_cast %swap3A_900 : vector<1x16xi32> to vector<16xi32>
      %swap3A_902 = vector.shape_cast %select_n3A : vector<16xi32> to vector<1x16xi32>
      tpu.vector_store %arg7[%swap3A_898, %swap3A_899], %swap3A_902 {strides = array<i32>} : memref<32x128xi32, #tpu.memory_space<vmem>>, vector<1x16xi32>,
      %select_n3A_903 = arith.select %eq3A_876, %broadcast_in_dim3A_22, %broadcast_in_dim3A_24 : vector<16xi1>, vector<16xf32>
      %mul3A_904 = arith.constant 16 : i32
      %mul3A_905 = arith.muli %scan3A_864, %mul3A_904 : i32
      %swap3A_906 = arith.constant 8 : i32
      %swap3A_907 = arith.index_cast %swap3A_906 : i32 to index
      %swap3A_908 = arith.index_cast %mul3A_905 : i32 to index
      %swap3A_909 = tpu.vector_load %arg8[%swap3A_907, %swap3A_908] {strides = array<i32>} : memref<32x128xf32, #tpu.memory_space<vmem>>, vector<1x16xf32>,
      %swap3A_910 = vector.shape_cast %swap3A_909 : vector<1x16xf32> to vector<16xf32>
      %swap3A_911 = vector.shape_cast %select_n3A_903 : vector<16xf32> to vector<1x16xf32>
      tpu.vector_store %arg8[%swap3A_907, %swap3A_908], %swap3A_911 {strides = array<i32>} : memref<32x128xf32, #tpu.memory_space<vmem>>, vector<1x16xf32>,
    }
    %scan3A_77 = arith.constant 8 : i32
    %scan3A_78 = arith.constant 0 : i32
    %scan3A_79 = arith.constant 0 : i32
    %scan3A_80 = arith.constant 8 : i32
    %scan3A_81 = arith.addi %scan3A_79, %scan3A_80 : i32
    %scan3A_82 = arith.constant 1 : i32
    scf.for %scan3A_864 = %scan3A_79 to %scan3A_81 step %scan3A_82  : i32 {
      %mul3A_865 = arith.constant 16 : i32
      %mul3A_866 = arith.muli %scan3A_864, %mul3A_865 : i32
      %add3A_867 = arith.constant 1152 : i32
      %add3A_868 = arith.addi %add3A_867, %mul3A_866 : i32
      %get3A = arith.index_cast %add3A_868 : i32 to index
      %get3A_869 = tpu.vector_load %arg5[%get3A] {strides = array<i32>} : memref<4096xi32, #tpu.memory_space<vmem>>, vector<16xi32>,
      %get3A_870 = vector.shape_cast %get3A_869 : vector<16xi32> to vector<16xi32>
      %get3A_871 = arith.index_cast %add3A_868 : i32 to index
      %get3A_872 = tpu.vector_load %arg6[%get3A_871] {strides = array<i32>} : memref<4096xi32, #tpu.memory_space<vmem>>, vector<16xi32>,
      %get3A_873 = vector.shape_cast %get3A_872 : vector<16xi32> to vector<16xi32>
      %shift_right_arithmetic3A = arith.constant 9 : i32
      %shift_right_arithmetic3A_874 = vector.broadcast %shift_right_arithmetic3A : i32 to vector<16xi32>
      %shift_right_arithmetic3A_875 = arith.shrsi %get3A_870, %shift_right_arithmetic3A_874 : vector<16xi32>
      %eq3A = vector.broadcast %arg0 : i32 to vector<16xi32>
      %eq3A_876 = arith.cmpi eq, %shift_right_arithmetic3A_875, %eq3A : vector<16xi32>
      %and3A = arith.constant -128 : i32
      %and3A_877 = vector.broadcast %and3A : i32 to vector<16xi32>
      %and3A_878 = arith.andi %get3A_870, %and3A_877 : vector<16xi32>
      %mul3A_879 = arith.constant 1024 : i32
      %mul3A_880 = vector.broadcast %mul3A_879 : i32 to vector<16xi32>
      %mul3A_881 = arith.muli %and3A_878, %mul3A_880 : vector<16xi32>
      %mul3A_882 = arith.constant 128 : i32
      %mul3A_883 = vector.broadcast %mul3A_882 : i32 to vector<16xi32>
      %mul3A_884 = arith.muli %get3A_873, %mul3A_883 : vector<16xi32>
      %add3A_885 = arith.addi %mul3A_881, %mul3A_884 : vector<16xi32>
      %and3A_886 = arith.constant 127 : i32
      %and3A_887 = vector.broadcast %and3A_886 : i32 to vector<16xi32>
      %and3A_888 = arith.andi %get3A_870, %and3A_887 : vector<16xi32>
      %add3A_889 = arith.addi %add3A_885, %and3A_888 : vector<16xi32>
      %mul3A_890 = arith.constant 524288 : i32
      %mul3A_891 = arith.muli %arg0, %mul3A_890 : i32
      %sub3A = vector.broadcast %mul3A_891 : i32 to vector<16xi32>
      %sub3A_892 = arith.subi %add3A_889, %sub3A : vector<16xi32>
      %and3A_893 = arith.constant 524287 : i32
      %and3A_894 = vector.broadcast %and3A_893 : i32 to vector<16xi32>
      %and3A_895 = arith.andi %sub3A_892, %and3A_894 : vector<16xi32>
      %select_n3A = arith.select %eq3A_876, %sub3A_892, %and3A_895 : vector<16xi1>, vector<16xi32>
      %mul3A_896 = arith.constant 16 : i32
      %mul3A_897 = arith.muli %scan3A_864, %mul3A_896 : i32
      %swap3A = arith.constant 9 : i32
      %swap3A_898 = arith.index_cast %swap3A : i32 to index
      %swap3A_899 = arith.index_cast %mul3A_897 : i32 to index
      %swap3A_900 = tpu.vector_load %arg7[%swap3A_898, %swap3A_899] {strides = array<i32>} : memref<32x128xi32, #tpu.memory_space<vmem>>, vector<1x16xi32>,
      %swap3A_901 = vector.shape_cast %swap3A_900 : vector<1x16xi32> to vector<16xi32>
      %swap3A_902 = vector.shape_cast %select_n3A : vector<16xi32> to vector<1x16xi32>
      tpu.vector_store %arg7[%swap3A_898, %swap3A_899], %swap3A_902 {strides = array<i32>} : memref<32x128xi32, #tpu.memory_space<vmem>>, vector<1x16xi32>,
      %select_n3A_903 = arith.select %eq3A_876, %broadcast_in_dim3A_22, %broadcast_in_dim3A_24 : vector<16xi1>, vector<16xf32>
      %mul3A_904 = arith.constant 16 : i32
      %mul3A_905 = arith.muli %scan3A_864, %mul3A_904 : i32
      %swap3A_906 = arith.constant 9 : i32
      %swap3A_907 = arith.index_cast %swap3A_906 : i32 to index
      %swap3A_908 = arith.index_cast %mul3A_905 : i32 to index
      %swap3A_909 = tpu.vector_load %arg8[%swap3A_907, %swap3A_908] {strides = array<i32>} : memref<32x128xf32, #tpu.memory_space<vmem>>, vector<1x16xf32>,
      %swap3A_910 = vector.shape_cast %swap3A_909 : vector<1x16xf32> to vector<16xf32>
      %swap3A_911 = vector.shape_cast %select_n3A_903 : vector<16xf32> to vector<1x16xf32>
      tpu.vector_store %arg8[%swap3A_907, %swap3A_908], %swap3A_911 {strides = array<i32>} : memref<32x128xf32, #tpu.memory_space<vmem>>, vector<1x16xf32>,
    }
    %scan3A_83 = arith.constant 8 : i32
    %scan3A_84 = arith.constant 0 : i32
    %scan3A_85 = arith.constant 0 : i32
    %scan3A_86 = arith.constant 8 : i32
    %scan3A_87 = arith.addi %scan3A_85, %scan3A_86 : i32
    %scan3A_88 = arith.constant 1 : i32
    scf.for %scan3A_864 = %scan3A_85 to %scan3A_87 step %scan3A_88  : i32 {
      %mul3A_865 = arith.constant 16 : i32
      %mul3A_866 = arith.muli %scan3A_864, %mul3A_865 : i32
      %add3A_867 = arith.constant 1280 : i32
      %add3A_868 = arith.addi %add3A_867, %mul3A_866 : i32
      %get3A = arith.index_cast %add3A_868 : i32 to index
      %get3A_869 = tpu.vector_load %arg5[%get3A] {strides = array<i32>} : memref<4096xi32, #tpu.memory_space<vmem>>, vector<16xi32>,
      %get3A_870 = vector.shape_cast %get3A_869 : vector<16xi32> to vector<16xi32>
      %get3A_871 = arith.index_cast %add3A_868 : i32 to index
      %get3A_872 = tpu.vector_load %arg6[%get3A_871] {strides = array<i32>} : memref<4096xi32, #tpu.memory_space<vmem>>, vector<16xi32>,
      %get3A_873 = vector.shape_cast %get3A_872 : vector<16xi32> to vector<16xi32>
      %shift_right_arithmetic3A = arith.constant 9 : i32
      %shift_right_arithmetic3A_874 = vector.broadcast %shift_right_arithmetic3A : i32 to vector<16xi32>
      %shift_right_arithmetic3A_875 = arith.shrsi %get3A_870, %shift_right_arithmetic3A_874 : vector<16xi32>
      %eq3A = vector.broadcast %arg0 : i32 to vector<16xi32>
      %eq3A_876 = arith.cmpi eq, %shift_right_arithmetic3A_875, %eq3A : vector<16xi32>
      %and3A = arith.constant -128 : i32
      %and3A_877 = vector.broadcast %and3A : i32 to vector<16xi32>
      %and3A_878 = arith.andi %get3A_870, %and3A_877 : vector<16xi32>
      %mul3A_879 = arith.constant 1024 : i32
      %mul3A_880 = vector.broadcast %mul3A_879 : i32 to vector<16xi32>
      %mul3A_881 = arith.muli %and3A_878, %mul3A_880 : vector<16xi32>
      %mul3A_882 = arith.constant 128 : i32
      %mul3A_883 = vector.broadcast %mul3A_882 : i32 to vector<16xi32>
      %mul3A_884 = arith.muli %get3A_873, %mul3A_883 : vector<16xi32>
      %add3A_885 = arith.addi %mul3A_881, %mul3A_884 : vector<16xi32>
      %and3A_886 = arith.constant 127 : i32
      %and3A_887 = vector.broadcast %and3A_886 : i32 to vector<16xi32>
      %and3A_888 = arith.andi %get3A_870, %and3A_887 : vector<16xi32>
      %add3A_889 = arith.addi %add3A_885, %and3A_888 : vector<16xi32>
      %mul3A_890 = arith.constant 524288 : i32
      %mul3A_891 = arith.muli %arg0, %mul3A_890 : i32
      %sub3A = vector.broadcast %mul3A_891 : i32 to vector<16xi32>
      %sub3A_892 = arith.subi %add3A_889, %sub3A : vector<16xi32>
      %and3A_893 = arith.constant 524287 : i32
      %and3A_894 = vector.broadcast %and3A_893 : i32 to vector<16xi32>
      %and3A_895 = arith.andi %sub3A_892, %and3A_894 : vector<16xi32>
      %select_n3A = arith.select %eq3A_876, %sub3A_892, %and3A_895 : vector<16xi1>, vector<16xi32>
      %mul3A_896 = arith.constant 16 : i32
      %mul3A_897 = arith.muli %scan3A_864, %mul3A_896 : i32
      %swap3A = arith.constant 10 : i32
      %swap3A_898 = arith.index_cast %swap3A : i32 to index
      %swap3A_899 = arith.index_cast %mul3A_897 : i32 to index
      %swap3A_900 = tpu.vector_load %arg7[%swap3A_898, %swap3A_899] {strides = array<i32>} : memref<32x128xi32, #tpu.memory_space<vmem>>, vector<1x16xi32>,
      %swap3A_901 = vector.shape_cast %swap3A_900 : vector<1x16xi32> to vector<16xi32>
      %swap3A_902 = vector.shape_cast %select_n3A : vector<16xi32> to vector<1x16xi32>
      tpu.vector_store %arg7[%swap3A_898, %swap3A_899], %swap3A_902 {strides = array<i32>} : memref<32x128xi32, #tpu.memory_space<vmem>>, vector<1x16xi32>,
      %select_n3A_903 = arith.select %eq3A_876, %broadcast_in_dim3A_22, %broadcast_in_dim3A_24 : vector<16xi1>, vector<16xf32>
      %mul3A_904 = arith.constant 16 : i32
      %mul3A_905 = arith.muli %scan3A_864, %mul3A_904 : i32
      %swap3A_906 = arith.constant 10 : i32
      %swap3A_907 = arith.index_cast %swap3A_906 : i32 to index
      %swap3A_908 = arith.index_cast %mul3A_905 : i32 to index
      %swap3A_909 = tpu.vector_load %arg8[%swap3A_907, %swap3A_908] {strides = array<i32>} : memref<32x128xf32, #tpu.memory_space<vmem>>, vector<1x16xf32>,
      %swap3A_910 = vector.shape_cast %swap3A_909 : vector<1x16xf32> to vector<16xf32>
      %swap3A_911 = vector.shape_cast %select_n3A_903 : vector<16xf32> to vector<1x16xf32>
      tpu.vector_store %arg8[%swap3A_907, %swap3A_908], %swap3A_911 {strides = array<i32>} : memref<32x128xf32, #tpu.memory_space<vmem>>, vector<1x16xf32>,
    }
    %scan3A_89 = arith.constant 8 : i32
    %scan3A_90 = arith.constant 0 : i32
    %scan3A_91 = arith.constant 0 : i32
    %scan3A_92 = arith.constant 8 : i32
    %scan3A_93 = arith.addi %scan3A_91, %scan3A_92 : i32
    %scan3A_94 = arith.constant 1 : i32
    scf.for %scan3A_864 = %scan3A_91 to %scan3A_93 step %scan3A_94  : i32 {
      %mul3A_865 = arith.constant 16 : i32
      %mul3A_866 = arith.muli %scan3A_864, %mul3A_865 : i32
      %add3A_867 = arith.constant 1408 : i32
      %add3A_868 = arith.addi %add3A_867, %mul3A_866 : i32
      %get3A = arith.index_cast %add3A_868 : i32 to index
      %get3A_869 = tpu.vector_load %arg5[%get3A] {strides = array<i32>} : memref<4096xi32, #tpu.memory_space<vmem>>, vector<16xi32>,
      %get3A_870 = vector.shape_cast %get3A_869 : vector<16xi32> to vector<16xi32>
      %get3A_871 = arith.index_cast %add3A_868 : i32 to index
      %get3A_872 = tpu.vector_load %arg6[%get3A_871] {strides = array<i32>} : memref<4096xi32, #tpu.memory_space<vmem>>, vector<16xi32>,
      %get3A_873 = vector.shape_cast %get3A_872 : vector<16xi32> to vector<16xi32>
      %shift_right_arithmetic3A = arith.constant 9 : i32
      %shift_right_arithmetic3A_874 = vector.broadcast %shift_right_arithmetic3A : i32 to vector<16xi32>
      %shift_right_arithmetic3A_875 = arith.shrsi %get3A_870, %shift_right_arithmetic3A_874 : vector<16xi32>
      %eq3A = vector.broadcast %arg0 : i32 to vector<16xi32>
      %eq3A_876 = arith.cmpi eq, %shift_right_arithmetic3A_875, %eq3A : vector<16xi32>
      %and3A = arith.constant -128 : i32
      %and3A_877 = vector.broadcast %and3A : i32 to vector<16xi32>
      %and3A_878 = arith.andi %get3A_870, %and3A_877 : vector<16xi32>
      %mul3A_879 = arith.constant 1024 : i32
      %mul3A_880 = vector.broadcast %mul3A_879 : i32 to vector<16xi32>
      %mul3A_881 = arith.muli %and3A_878, %mul3A_880 : vector<16xi32>
      %mul3A_882 = arith.constant 128 : i32
      %mul3A_883 = vector.broadcast %mul3A_882 : i32 to vector<16xi32>
      %mul3A_884 = arith.muli %get3A_873, %mul3A_883 : vector<16xi32>
      %add3A_885 = arith.addi %mul3A_881, %mul3A_884 : vector<16xi32>
      %and3A_886 = arith.constant 127 : i32
      %and3A_887 = vector.broadcast %and3A_886 : i32 to vector<16xi32>
      %and3A_888 = arith.andi %get3A_870, %and3A_887 : vector<16xi32>
      %add3A_889 = arith.addi %add3A_885, %and3A_888 : vector<16xi32>
      %mul3A_890 = arith.constant 524288 : i32
      %mul3A_891 = arith.muli %arg0, %mul3A_890 : i32
      %sub3A = vector.broadcast %mul3A_891 : i32 to vector<16xi32>
      %sub3A_892 = arith.subi %add3A_889, %sub3A : vector<16xi32>
      %and3A_893 = arith.constant 524287 : i32
      %and3A_894 = vector.broadcast %and3A_893 : i32 to vector<16xi32>
      %and3A_895 = arith.andi %sub3A_892, %and3A_894 : vector<16xi32>
      %select_n3A = arith.select %eq3A_876, %sub3A_892, %and3A_895 : vector<16xi1>, vector<16xi32>
      %mul3A_896 = arith.constant 16 : i32
      %mul3A_897 = arith.muli %scan3A_864, %mul3A_896 : i32
      %swap3A = arith.constant 11 : i32
      %swap3A_898 = arith.index_cast %swap3A : i32 to index
      %swap3A_899 = arith.index_cast %mul3A_897 : i32 to index
      %swap3A_900 = tpu.vector_load %arg7[%swap3A_898, %swap3A_899] {strides = array<i32>} : memref<32x128xi32, #tpu.memory_space<vmem>>, vector<1x16xi32>,
      %swap3A_901 = vector.shape_cast %swap3A_900 : vector<1x16xi32> to vector<16xi32>
      %swap3A_902 = vector.shape_cast %select_n3A : vector<16xi32> to vector<1x16xi32>
      tpu.vector_store %arg7[%swap3A_898, %swap3A_899], %swap3A_902 {strides = array<i32>} : memref<32x128xi32, #tpu.memory_space<vmem>>, vector<1x16xi32>,
      %select_n3A_903 = arith.select %eq3A_876, %broadcast_in_dim3A_22, %broadcast_in_dim3A_24 : vector<16xi1>, vector<16xf32>
      %mul3A_904 = arith.constant 16 : i32
      %mul3A_905 = arith.muli %scan3A_864, %mul3A_904 : i32
      %swap3A_906 = arith.constant 11 : i32
      %swap3A_907 = arith.index_cast %swap3A_906 : i32 to index
      %swap3A_908 = arith.index_cast %mul3A_905 : i32 to index
      %swap3A_909 = tpu.vector_load %arg8[%swap3A_907, %swap3A_908] {strides = array<i32>} : memref<32x128xf32, #tpu.memory_space<vmem>>, vector<1x16xf32>,
      %swap3A_910 = vector.shape_cast %swap3A_909 : vector<1x16xf32> to vector<16xf32>
      %swap3A_911 = vector.shape_cast %select_n3A_903 : vector<16xf32> to vector<1x16xf32>
      tpu.vector_store %arg8[%swap3A_907, %swap3A_908], %swap3A_911 {strides = array<i32>} : memref<32x128xf32, #tpu.memory_space<vmem>>, vector<1x16xf32>,
    }
    %scan3A_95 = arith.constant 8 : i32
    %scan3A_96 = arith.constant 0 : i32
    %scan3A_97 = arith.constant 0 : i32
    %scan3A_98 = arith.constant 8 : i32
    %scan3A_99 = arith.addi %scan3A_97, %scan3A_98 : i32
    %scan3A_100 = arith.constant 1 : i32
    scf.for %scan3A_864 = %scan3A_97 to %scan3A_99 step %scan3A_100  : i32 {
      %mul3A_865 = arith.constant 16 : i32
      %mul3A_866 = arith.muli %scan3A_864, %mul3A_865 : i32
      %add3A_867 = arith.constant 1536 : i32
      %add3A_868 = arith.addi %add3A_867, %mul3A_866 : i32
      %get3A = arith.index_cast %add3A_868 : i32 to index
      %get3A_869 = tpu.vector_load %arg5[%get3A] {strides = array<i32>} : memref<4096xi32, #tpu.memory_space<vmem>>, vector<16xi32>,
      %get3A_870 = vector.shape_cast %get3A_869 : vector<16xi32> to vector<16xi32>
      %get3A_871 = arith.index_cast %add3A_868 : i32 to index
      %get3A_872 = tpu.vector_load %arg6[%get3A_871] {strides = array<i32>} : memref<4096xi32, #tpu.memory_space<vmem>>, vector<16xi32>,
      %get3A_873 = vector.shape_cast %get3A_872 : vector<16xi32> to vector<16xi32>
      %shift_right_arithmetic3A = arith.constant 9 : i32
      %shift_right_arithmetic3A_874 = vector.broadcast %shift_right_arithmetic3A : i32 to vector<16xi32>
      %shift_right_arithmetic3A_875 = arith.shrsi %get3A_870, %shift_right_arithmetic3A_874 : vector<16xi32>
      %eq3A = vector.broadcast %arg0 : i32 to vector<16xi32>
      %eq3A_876 = arith.cmpi eq, %shift_right_arithmetic3A_875, %eq3A : vector<16xi32>
      %and3A = arith.constant -128 : i32
      %and3A_877 = vector.broadcast %and3A : i32 to vector<16xi32>
      %and3A_878 = arith.andi %get3A_870, %and3A_877 : vector<16xi32>
      %mul3A_879 = arith.constant 1024 : i32
      %mul3A_880 = vector.broadcast %mul3A_879 : i32 to vector<16xi32>
      %mul3A_881 = arith.muli %and3A_878, %mul3A_880 : vector<16xi32>
      %mul3A_882 = arith.constant 128 : i32
      %mul3A_883 = vector.broadcast %mul3A_882 : i32 to vector<16xi32>
      %mul3A_884 = arith.muli %get3A_873, %mul3A_883 : vector<16xi32>
      %add3A_885 = arith.addi %mul3A_881, %mul3A_884 : vector<16xi32>
      %and3A_886 = arith.constant 127 : i32
      %and3A_887 = vector.broadcast %and3A_886 : i32 to vector<16xi32>
      %and3A_888 = arith.andi %get3A_870, %and3A_887 : vector<16xi32>
      %add3A_889 = arith.addi %add3A_885, %and3A_888 : vector<16xi32>
      %mul3A_890 = arith.constant 524288 : i32
      %mul3A_891 = arith.muli %arg0, %mul3A_890 : i32
      %sub3A = vector.broadcast %mul3A_891 : i32 to vector<16xi32>
      %sub3A_892 = arith.subi %add3A_889, %sub3A : vector<16xi32>
      %and3A_893 = arith.constant 524287 : i32
      %and3A_894 = vector.broadcast %and3A_893 : i32 to vector<16xi32>
      %and3A_895 = arith.andi %sub3A_892, %and3A_894 : vector<16xi32>
      %select_n3A = arith.select %eq3A_876, %sub3A_892, %and3A_895 : vector<16xi1>, vector<16xi32>
      %mul3A_896 = arith.constant 16 : i32
      %mul3A_897 = arith.muli %scan3A_864, %mul3A_896 : i32
      %swap3A = arith.constant 12 : i32
      %swap3A_898 = arith.index_cast %swap3A : i32 to index
      %swap3A_899 = arith.index_cast %mul3A_897 : i32 to index
      %swap3A_900 = tpu.vector_load %arg7[%swap3A_898, %swap3A_899] {strides = array<i32>} : memref<32x128xi32, #tpu.memory_space<vmem>>, vector<1x16xi32>,
      %swap3A_901 = vector.shape_cast %swap3A_900 : vector<1x16xi32> to vector<16xi32>
      %swap3A_902 = vector.shape_cast %select_n3A : vector<16xi32> to vector<1x16xi32>
      tpu.vector_store %arg7[%swap3A_898, %swap3A_899], %swap3A_902 {strides = array<i32>} : memref<32x128xi32, #tpu.memory_space<vmem>>, vector<1x16xi32>,
      %select_n3A_903 = arith.select %eq3A_876, %broadcast_in_dim3A_22, %broadcast_in_dim3A_24 : vector<16xi1>, vector<16xf32>
      %mul3A_904 = arith.constant 16 : i32
      %mul3A_905 = arith.muli %scan3A_864, %mul3A_904 : i32
      %swap3A_906 = arith.constant 12 : i32
      %swap3A_907 = arith.index_cast %swap3A_906 : i32 to index
      %swap3A_908 = arith.index_cast %mul3A_905 : i32 to index
      %swap3A_909 = tpu.vector_load %arg8[%swap3A_907, %swap3A_908] {strides = array<i32>} : memref<32x128xf32, #tpu.memory_space<vmem>>, vector<1x16xf32>,
      %swap3A_910 = vector.shape_cast %swap3A_909 : vector<1x16xf32> to vector<16xf32>
      %swap3A_911 = vector.shape_cast %select_n3A_903 : vector<16xf32> to vector<1x16xf32>
      tpu.vector_store %arg8[%swap3A_907, %swap3A_908], %swap3A_911 {strides = array<i32>} : memref<32x128xf32, #tpu.memory_space<vmem>>, vector<1x16xf32>,
    }
    %scan3A_101 = arith.constant 8 : i32
    %scan3A_102 = arith.constant 0 : i32
    %scan3A_103 = arith.constant 0 : i32
    %scan3A_104 = arith.constant 8 : i32
    %scan3A_105 = arith.addi %scan3A_103, %scan3A_104 : i32
    %scan3A_106 = arith.constant 1 : i32
    scf.for %scan3A_864 = %scan3A_103 to %scan3A_105 step %scan3A_106  : i32 {
      %mul3A_865 = arith.constant 16 : i32
      %mul3A_866 = arith.muli %scan3A_864, %mul3A_865 : i32
      %add3A_867 = arith.constant 1664 : i32
      %add3A_868 = arith.addi %add3A_867, %mul3A_866 : i32
      %get3A = arith.index_cast %add3A_868 : i32 to index
      %get3A_869 = tpu.vector_load %arg5[%get3A] {strides = array<i32>} : memref<4096xi32, #tpu.memory_space<vmem>>, vector<16xi32>,
      %get3A_870 = vector.shape_cast %get3A_869 : vector<16xi32> to vector<16xi32>
      %get3A_871 = arith.index_cast %add3A_868 : i32 to index
      %get3A_872 = tpu.vector_load %arg6[%get3A_871] {strides = array<i32>} : memref<4096xi32, #tpu.memory_space<vmem>>, vector<16xi32>,
      %get3A_873 = vector.shape_cast %get3A_872 : vector<16xi32> to vector<16xi32>
      %shift_right_arithmetic3A = arith.constant 9 : i32
      %shift_right_arithmetic3A_874 = vector.broadcast %shift_right_arithmetic3A : i32 to vector<16xi32>
      %shift_right_arithmetic3A_875 = arith.shrsi %get3A_870, %shift_right_arithmetic3A_874 : vector<16xi32>
      %eq3A = vector.broadcast %arg0 : i32 to vector<16xi32>
      %eq3A_876 = arith.cmpi eq, %shift_right_arithmetic3A_875, %eq3A : vector<16xi32>
      %and3A = arith.constant -128 : i32
      %and3A_877 = vector.broadcast %and3A : i32 to vector<16xi32>
      %and3A_878 = arith.andi %get3A_870, %and3A_877 : vector<16xi32>
      %mul3A_879 = arith.constant 1024 : i32
      %mul3A_880 = vector.broadcast %mul3A_879 : i32 to vector<16xi32>
      %mul3A_881 = arith.muli %and3A_878, %mul3A_880 : vector<16xi32>
      %mul3A_882 = arith.constant 128 : i32
      %mul3A_883 = vector.broadcast %mul3A_882 : i32 to vector<16xi32>
      %mul3A_884 = arith.muli %get3A_873, %mul3A_883 : vector<16xi32>
      %add3A_885 = arith.addi %mul3A_881, %mul3A_884 : vector<16xi32>
      %and3A_886 = arith.constant 127 : i32
      %and3A_887 = vector.broadcast %and3A_886 : i32 to vector<16xi32>
      %and3A_888 = arith.andi %get3A_870, %and3A_887 : vector<16xi32>
      %add3A_889 = arith.addi %add3A_885, %and3A_888 : vector<16xi32>
      %mul3A_890 = arith.constant 524288 : i32
      %mul3A_891 = arith.muli %arg0, %mul3A_890 : i32
      %sub3A = vector.broadcast %mul3A_891 : i32 to vector<16xi32>
      %sub3A_892 = arith.subi %add3A_889, %sub3A : vector<16xi32>
      %and3A_893 = arith.constant 524287 : i32
      %and3A_894 = vector.broadcast %and3A_893 : i32 to vector<16xi32>
      %and3A_895 = arith.andi %sub3A_892, %and3A_894 : vector<16xi32>
      %select_n3A = arith.select %eq3A_876, %sub3A_892, %and3A_895 : vector<16xi1>, vector<16xi32>
      %mul3A_896 = arith.constant 16 : i32
      %mul3A_897 = arith.muli %scan3A_864, %mul3A_896 : i32
      %swap3A = arith.constant 13 : i32
      %swap3A_898 = arith.index_cast %swap3A : i32 to index
      %swap3A_899 = arith.index_cast %mul3A_897 : i32 to index
      %swap3A_900 = tpu.vector_load %arg7[%swap3A_898, %swap3A_899] {strides = array<i32>} : memref<32x128xi32, #tpu.memory_space<vmem>>, vector<1x16xi32>,
      %swap3A_901 = vector.shape_cast %swap3A_900 : vector<1x16xi32> to vector<16xi32>
      %swap3A_902 = vector.shape_cast %select_n3A : vector<16xi32> to vector<1x16xi32>
      tpu.vector_store %arg7[%swap3A_898, %swap3A_899], %swap3A_902 {strides = array<i32>} : memref<32x128xi32, #tpu.memory_space<vmem>>, vector<1x16xi32>,
      %select_n3A_903 = arith.select %eq3A_876, %broadcast_in_dim3A_22, %broadcast_in_dim3A_24 : vector<16xi1>, vector<16xf32>
      %mul3A_904 = arith.constant 16 : i32
      %mul3A_905 = arith.muli %scan3A_864, %mul3A_904 : i32
      %swap3A_906 = arith.constant 13 : i32
      %swap3A_907 = arith.index_cast %swap3A_906 : i32 to index
      %swap3A_908 = arith.index_cast %mul3A_905 : i32 to index
      %swap3A_909 = tpu.vector_load %arg8[%swap3A_907, %swap3A_908] {strides = array<i32>} : memref<32x128xf32, #tpu.memory_space<vmem>>, vector<1x16xf32>,
      %swap3A_910 = vector.shape_cast %swap3A_909 : vector<1x16xf32> to vector<16xf32>
      %swap3A_911 = vector.shape_cast %select_n3A_903 : vector<16xf32> to vector<1x16xf32>
      tpu.vector_store %arg8[%swap3A_907, %swap3A_908], %swap3A_911 {strides = array<i32>} : memref<32x128xf32, #tpu.memory_space<vmem>>, vector<1x16xf32>,
    }
    %scan3A_107 = arith.constant 8 : i32
    %scan3A_108 = arith.constant 0 : i32
    %scan3A_109 = arith.constant 0 : i32
    %scan3A_110 = arith.constant 8 : i32
    %scan3A_111 = arith.addi %scan3A_109, %scan3A_110 : i32
    %scan3A_112 = arith.constant 1 : i32
    scf.for %scan3A_864 = %scan3A_109 to %scan3A_111 step %scan3A_112  : i32 {
      %mul3A_865 = arith.constant 16 : i32
      %mul3A_866 = arith.muli %scan3A_864, %mul3A_865 : i32
      %add3A_867 = arith.constant 1792 : i32
      %add3A_868 = arith.addi %add3A_867, %mul3A_866 : i32
      %get3A = arith.index_cast %add3A_868 : i32 to index
      %get3A_869 = tpu.vector_load %arg5[%get3A] {strides = array<i32>} : memref<4096xi32, #tpu.memory_space<vmem>>, vector<16xi32>,
      %get3A_870 = vector.shape_cast %get3A_869 : vector<16xi32> to vector<16xi32>
      %get3A_871 = arith.index_cast %add3A_868 : i32 to index
      %get3A_872 = tpu.vector_load %arg6[%get3A_871] {strides = array<i32>} : memref<4096xi32, #tpu.memory_space<vmem>>, vector<16xi32>,
      %get3A_873 = vector.shape_cast %get3A_872 : vector<16xi32> to vector<16xi32>
      %shift_right_arithmetic3A = arith.constant 9 : i32
      %shift_right_arithmetic3A_874 = vector.broadcast %shift_right_arithmetic3A : i32 to vector<16xi32>
      %shift_right_arithmetic3A_875 = arith.shrsi %get3A_870, %shift_right_arithmetic3A_874 : vector<16xi32>
      %eq3A = vector.broadcast %arg0 : i32 to vector<16xi32>
      %eq3A_876 = arith.cmpi eq, %shift_right_arithmetic3A_875, %eq3A : vector<16xi32>
      %and3A = arith.constant -128 : i32
      %and3A_877 = vector.broadcast %and3A : i32 to vector<16xi32>
      %and3A_878 = arith.andi %get3A_870, %and3A_877 : vector<16xi32>
      %mul3A_879 = arith.constant 1024 : i32
      %mul3A_880 = vector.broadcast %mul3A_879 : i32 to vector<16xi32>
      %mul3A_881 = arith.muli %and3A_878, %mul3A_880 : vector<16xi32>
      %mul3A_882 = arith.constant 128 : i32
      %mul3A_883 = vector.broadcast %mul3A_882 : i32 to vector<16xi32>
      %mul3A_884 = arith.muli %get3A_873, %mul3A_883 : vector<16xi32>
      %add3A_885 = arith.addi %mul3A_881, %mul3A_884 : vector<16xi32>
      %and3A_886 = arith.constant 127 : i32
      %and3A_887 = vector.broadcast %and3A_886 : i32 to vector<16xi32>
      %and3A_888 = arith.andi %get3A_870, %and3A_887 : vector<16xi32>
      %add3A_889 = arith.addi %add3A_885, %and3A_888 : vector<16xi32>
      %mul3A_890 = arith.constant 524288 : i32
      %mul3A_891 = arith.muli %arg0, %mul3A_890 : i32
      %sub3A = vector.broadcast %mul3A_891 : i32 to vector<16xi32>
      %sub3A_892 = arith.subi %add3A_889, %sub3A : vector<16xi32>
      %and3A_893 = arith.constant 524287 : i32
      %and3A_894 = vector.broadcast %and3A_893 : i32 to vector<16xi32>
      %and3A_895 = arith.andi %sub3A_892, %and3A_894 : vector<16xi32>
      %select_n3A = arith.select %eq3A_876, %sub3A_892, %and3A_895 : vector<16xi1>, vector<16xi32>
      %mul3A_896 = arith.constant 16 : i32
      %mul3A_897 = arith.muli %scan3A_864, %mul3A_896 : i32
      %swap3A = arith.constant 14 : i32
      %swap3A_898 = arith.index_cast %swap3A : i32 to index
      %swap3A_899 = arith.index_cast %mul3A_897 : i32 to index
      %swap3A_900 = tpu.vector_load %arg7[%swap3A_898, %swap3A_899] {strides = array<i32>} : memref<32x128xi32, #tpu.memory_space<vmem>>, vector<1x16xi32>,
      %swap3A_901 = vector.shape_cast %swap3A_900 : vector<1x16xi32> to vector<16xi32>
      %swap3A_902 = vector.shape_cast %select_n3A : vector<16xi32> to vector<1x16xi32>
      tpu.vector_store %arg7[%swap3A_898, %swap3A_899], %swap3A_902 {strides = array<i32>} : memref<32x128xi32, #tpu.memory_space<vmem>>, vector<1x16xi32>,
      %select_n3A_903 = arith.select %eq3A_876, %broadcast_in_dim3A_22, %broadcast_in_dim3A_24 : vector<16xi1>, vector<16xf32>
      %mul3A_904 = arith.constant 16 : i32
      %mul3A_905 = arith.muli %scan3A_864, %mul3A_904 : i32
      %swap3A_906 = arith.constant 14 : i32
      %swap3A_907 = arith.index_cast %swap3A_906 : i32 to index
      %swap3A_908 = arith.index_cast %mul3A_905 : i32 to index
      %swap3A_909 = tpu.vector_load %arg8[%swap3A_907, %swap3A_908] {strides = array<i32>} : memref<32x128xf32, #tpu.memory_space<vmem>>, vector<1x16xf32>,
      %swap3A_910 = vector.shape_cast %swap3A_909 : vector<1x16xf32> to vector<16xf32>
      %swap3A_911 = vector.shape_cast %select_n3A_903 : vector<16xf32> to vector<1x16xf32>
      tpu.vector_store %arg8[%swap3A_907, %swap3A_908], %swap3A_911 {strides = array<i32>} : memref<32x128xf32, #tpu.memory_space<vmem>>, vector<1x16xf32>,
    }
    %scan3A_113 = arith.constant 8 : i32
    %scan3A_114 = arith.constant 0 : i32
    %scan3A_115 = arith.constant 0 : i32
    %scan3A_116 = arith.constant 8 : i32
    %scan3A_117 = arith.addi %scan3A_115, %scan3A_116 : i32
    %scan3A_118 = arith.constant 1 : i32
    scf.for %scan3A_864 = %scan3A_115 to %scan3A_117 step %scan3A_118  : i32 {
      %mul3A_865 = arith.constant 16 : i32
      %mul3A_866 = arith.muli %scan3A_864, %mul3A_865 : i32
      %add3A_867 = arith.constant 1920 : i32
      %add3A_868 = arith.addi %add3A_867, %mul3A_866 : i32
      %get3A = arith.index_cast %add3A_868 : i32 to index
      %get3A_869 = tpu.vector_load %arg5[%get3A] {strides = array<i32>} : memref<4096xi32, #tpu.memory_space<vmem>>, vector<16xi32>,
      %get3A_870 = vector.shape_cast %get3A_869 : vector<16xi32> to vector<16xi32>
      %get3A_871 = arith.index_cast %add3A_868 : i32 to index
      %get3A_872 = tpu.vector_load %arg6[%get3A_871] {strides = array<i32>} : memref<4096xi32, #tpu.memory_space<vmem>>, vector<16xi32>,
      %get3A_873 = vector.shape_cast %get3A_872 : vector<16xi32> to vector<16xi32>
      %shift_right_arithmetic3A = arith.constant 9 : i32
      %shift_right_arithmetic3A_874 = vector.broadcast %shift_right_arithmetic3A : i32 to vector<16xi32>
      %shift_right_arithmetic3A_875 = arith.shrsi %get3A_870, %shift_right_arithmetic3A_874 : vector<16xi32>
      %eq3A = vector.broadcast %arg0 : i32 to vector<16xi32>
      %eq3A_876 = arith.cmpi eq, %shift_right_arithmetic3A_875, %eq3A : vector<16xi32>
      %and3A = arith.constant -128 : i32
      %and3A_877 = vector.broadcast %and3A : i32 to vector<16xi32>
      %and3A_878 = arith.andi %get3A_870, %and3A_877 : vector<16xi32>
      %mul3A_879 = arith.constant 1024 : i32
      %mul3A_880 = vector.broadcast %mul3A_879 : i32 to vector<16xi32>
      %mul3A_881 = arith.muli %and3A_878, %mul3A_880 : vector<16xi32>
      %mul3A_882 = arith.constant 128 : i32
      %mul3A_883 = vector.broadcast %mul3A_882 : i32 to vector<16xi32>
      %mul3A_884 = arith.muli %get3A_873, %mul3A_883 : vector<16xi32>
      %add3A_885 = arith.addi %mul3A_881, %mul3A_884 : vector<16xi32>
      %and3A_886 = arith.constant 127 : i32
      %and3A_887 = vector.broadcast %and3A_886 : i32 to vector<16xi32>
      %and3A_888 = arith.andi %get3A_870, %and3A_887 : vector<16xi32>
      %add3A_889 = arith.addi %add3A_885, %and3A_888 : vector<16xi32>
      %mul3A_890 = arith.constant 524288 : i32
      %mul3A_891 = arith.muli %arg0, %mul3A_890 : i32
      %sub3A = vector.broadcast %mul3A_891 : i32 to vector<16xi32>
      %sub3A_892 = arith.subi %add3A_889, %sub3A : vector<16xi32>
      %and3A_893 = arith.constant 524287 : i32
      %and3A_894 = vector.broadcast %and3A_893 : i32 to vector<16xi32>
      %and3A_895 = arith.andi %sub3A_892, %and3A_894 : vector<16xi32>
      %select_n3A = arith.select %eq3A_876, %sub3A_892, %and3A_895 : vector<16xi1>, vector<16xi32>
      %mul3A_896 = arith.constant 16 : i32
      %mul3A_897 = arith.muli %scan3A_864, %mul3A_896 : i32
      %swap3A = arith.constant 15 : i32
      %swap3A_898 = arith.index_cast %swap3A : i32 to index
      %swap3A_899 = arith.index_cast %mul3A_897 : i32 to index
      %swap3A_900 = tpu.vector_load %arg7[%swap3A_898, %swap3A_899] {strides = array<i32>} : memref<32x128xi32, #tpu.memory_space<vmem>>, vector<1x16xi32>,
      %swap3A_901 = vector.shape_cast %swap3A_900 : vector<1x16xi32> to vector<16xi32>
      %swap3A_902 = vector.shape_cast %select_n3A : vector<16xi32> to vector<1x16xi32>
      tpu.vector_store %arg7[%swap3A_898, %swap3A_899], %swap3A_902 {strides = array<i32>} : memref<32x128xi32, #tpu.memory_space<vmem>>, vector<1x16xi32>,
      %select_n3A_903 = arith.select %eq3A_876, %broadcast_in_dim3A_22, %broadcast_in_dim3A_24 : vector<16xi1>, vector<16xf32>
      %mul3A_904 = arith.constant 16 : i32
      %mul3A_905 = arith.muli %scan3A_864, %mul3A_904 : i32
      %swap3A_906 = arith.constant 15 : i32
      %swap3A_907 = arith.index_cast %swap3A_906 : i32 to index
      %swap3A_908 = arith.index_cast %mul3A_905 : i32 to index
      %swap3A_909 = tpu.vector_load %arg8[%swap3A_907, %swap3A_908] {strides = array<i32>} : memref<32x128xf32, #tpu.memory_space<vmem>>, vector<1x16xf32>,
      %swap3A_910 = vector.shape_cast %swap3A_909 : vector<1x16xf32> to vector<16xf32>
      %swap3A_911 = vector.shape_cast %select_n3A_903 : vector<16xf32> to vector<1x16xf32>
      tpu.vector_store %arg8[%swap3A_907, %swap3A_908], %swap3A_911 {strides = array<i32>} : memref<32x128xf32, #tpu.memory_space<vmem>>, vector<1x16xf32>,
    }
    %scan3A_119 = arith.constant 8 : i32
    %scan3A_120 = arith.constant 0 : i32
    %scan3A_121 = arith.constant 0 : i32
    %scan3A_122 = arith.constant 8 : i32
    %scan3A_123 = arith.addi %scan3A_121, %scan3A_122 : i32
    %scan3A_124 = arith.constant 1 : i32
    scf.for %scan3A_864 = %scan3A_121 to %scan3A_123 step %scan3A_124  : i32 {
      %mul3A_865 = arith.constant 16 : i32
      %mul3A_866 = arith.muli %scan3A_864, %mul3A_865 : i32
      %add3A_867 = arith.constant 2048 : i32
      %add3A_868 = arith.addi %add3A_867, %mul3A_866 : i32
      %get3A = arith.index_cast %add3A_868 : i32 to index
      %get3A_869 = tpu.vector_load %arg5[%get3A] {strides = array<i32>} : memref<4096xi32, #tpu.memory_space<vmem>>, vector<16xi32>,
      %get3A_870 = vector.shape_cast %get3A_869 : vector<16xi32> to vector<16xi32>
      %get3A_871 = arith.index_cast %add3A_868 : i32 to index
      %get3A_872 = tpu.vector_load %arg6[%get3A_871] {strides = array<i32>} : memref<4096xi32, #tpu.memory_space<vmem>>, vector<16xi32>,
      %get3A_873 = vector.shape_cast %get3A_872 : vector<16xi32> to vector<16xi32>
      %shift_right_arithmetic3A = arith.constant 9 : i32
      %shift_right_arithmetic3A_874 = vector.broadcast %shift_right_arithmetic3A : i32 to vector<16xi32>
      %shift_right_arithmetic3A_875 = arith.shrsi %get3A_870, %shift_right_arithmetic3A_874 : vector<16xi32>
      %eq3A = vector.broadcast %arg0 : i32 to vector<16xi32>
      %eq3A_876 = arith.cmpi eq, %shift_right_arithmetic3A_875, %eq3A : vector<16xi32>
      %and3A = arith.constant -128 : i32
      %and3A_877 = vector.broadcast %and3A : i32 to vector<16xi32>
      %and3A_878 = arith.andi %get3A_870, %and3A_877 : vector<16xi32>
      %mul3A_879 = arith.constant 1024 : i32
      %mul3A_880 = vector.broadcast %mul3A_879 : i32 to vector<16xi32>
      %mul3A_881 = arith.muli %and3A_878, %mul3A_880 : vector<16xi32>
      %mul3A_882 = arith.constant 128 : i32
      %mul3A_883 = vector.broadcast %mul3A_882 : i32 to vector<16xi32>
      %mul3A_884 = arith.muli %get3A_873, %mul3A_883 : vector<16xi32>
      %add3A_885 = arith.addi %mul3A_881, %mul3A_884 : vector<16xi32>
      %and3A_886 = arith.constant 127 : i32
      %and3A_887 = vector.broadcast %and3A_886 : i32 to vector<16xi32>
      %and3A_888 = arith.andi %get3A_870, %and3A_887 : vector<16xi32>
      %add3A_889 = arith.addi %add3A_885, %and3A_888 : vector<16xi32>
      %mul3A_890 = arith.constant 524288 : i32
      %mul3A_891 = arith.muli %arg0, %mul3A_890 : i32
      %sub3A = vector.broadcast %mul3A_891 : i32 to vector<16xi32>
      %sub3A_892 = arith.subi %add3A_889, %sub3A : vector<16xi32>
      %and3A_893 = arith.constant 524287 : i32
      %and3A_894 = vector.broadcast %and3A_893 : i32 to vector<16xi32>
      %and3A_895 = arith.andi %sub3A_892, %and3A_894 : vector<16xi32>
      %select_n3A = arith.select %eq3A_876, %sub3A_892, %and3A_895 : vector<16xi1>, vector<16xi32>
      %mul3A_896 = arith.constant 16 : i32
      %mul3A_897 = arith.muli %scan3A_864, %mul3A_896 : i32
      %swap3A = arith.constant 16 : i32
      %swap3A_898 = arith.index_cast %swap3A : i32 to index
      %swap3A_899 = arith.index_cast %mul3A_897 : i32 to index
      %swap3A_900 = tpu.vector_load %arg7[%swap3A_898, %swap3A_899] {strides = array<i32>} : memref<32x128xi32, #tpu.memory_space<vmem>>, vector<1x16xi32>,
      %swap3A_901 = vector.shape_cast %swap3A_900 : vector<1x16xi32> to vector<16xi32>
      %swap3A_902 = vector.shape_cast %select_n3A : vector<16xi32> to vector<1x16xi32>
      tpu.vector_store %arg7[%swap3A_898, %swap3A_899], %swap3A_902 {strides = array<i32>} : memref<32x128xi32, #tpu.memory_space<vmem>>, vector<1x16xi32>,
      %select_n3A_903 = arith.select %eq3A_876, %broadcast_in_dim3A_22, %broadcast_in_dim3A_24 : vector<16xi1>, vector<16xf32>
      %mul3A_904 = arith.constant 16 : i32
      %mul3A_905 = arith.muli %scan3A_864, %mul3A_904 : i32
      %swap3A_906 = arith.constant 16 : i32
      %swap3A_907 = arith.index_cast %swap3A_906 : i32 to index
      %swap3A_908 = arith.index_cast %mul3A_905 : i32 to index
      %swap3A_909 = tpu.vector_load %arg8[%swap3A_907, %swap3A_908] {strides = array<i32>} : memref<32x128xf32, #tpu.memory_space<vmem>>, vector<1x16xf32>,
      %swap3A_910 = vector.shape_cast %swap3A_909 : vector<1x16xf32> to vector<16xf32>
      %swap3A_911 = vector.shape_cast %select_n3A_903 : vector<16xf32> to vector<1x16xf32>
      tpu.vector_store %arg8[%swap3A_907, %swap3A_908], %swap3A_911 {strides = array<i32>} : memref<32x128xf32, #tpu.memory_space<vmem>>, vector<1x16xf32>,
    }
    %scan3A_125 = arith.constant 8 : i32
    %scan3A_126 = arith.constant 0 : i32
    %scan3A_127 = arith.constant 0 : i32
    %scan3A_128 = arith.constant 8 : i32
    %scan3A_129 = arith.addi %scan3A_127, %scan3A_128 : i32
    %scan3A_130 = arith.constant 1 : i32
    scf.for %scan3A_864 = %scan3A_127 to %scan3A_129 step %scan3A_130  : i32 {
      %mul3A_865 = arith.constant 16 : i32
      %mul3A_866 = arith.muli %scan3A_864, %mul3A_865 : i32
      %add3A_867 = arith.constant 2176 : i32
      %add3A_868 = arith.addi %add3A_867, %mul3A_866 : i32
      %get3A = arith.index_cast %add3A_868 : i32 to index
      %get3A_869 = tpu.vector_load %arg5[%get3A] {strides = array<i32>} : memref<4096xi32, #tpu.memory_space<vmem>>, vector<16xi32>,
      %get3A_870 = vector.shape_cast %get3A_869 : vector<16xi32> to vector<16xi32>
      %get3A_871 = arith.index_cast %add3A_868 : i32 to index
      %get3A_872 = tpu.vector_load %arg6[%get3A_871] {strides = array<i32>} : memref<4096xi32, #tpu.memory_space<vmem>>, vector<16xi32>,
      %get3A_873 = vector.shape_cast %get3A_872 : vector<16xi32> to vector<16xi32>
      %shift_right_arithmetic3A = arith.constant 9 : i32
      %shift_right_arithmetic3A_874 = vector.broadcast %shift_right_arithmetic3A : i32 to vector<16xi32>
      %shift_right_arithmetic3A_875 = arith.shrsi %get3A_870, %shift_right_arithmetic3A_874 : vector<16xi32>
      %eq3A = vector.broadcast %arg0 : i32 to vector<16xi32>
      %eq3A_876 = arith.cmpi eq, %shift_right_arithmetic3A_875, %eq3A : vector<16xi32>
      %and3A = arith.constant -128 : i32
      %and3A_877 = vector.broadcast %and3A : i32 to vector<16xi32>
      %and3A_878 = arith.andi %get3A_870, %and3A_877 : vector<16xi32>
      %mul3A_879 = arith.constant 1024 : i32
      %mul3A_880 = vector.broadcast %mul3A_879 : i32 to vector<16xi32>
      %mul3A_881 = arith.muli %and3A_878, %mul3A_880 : vector<16xi32>
      %mul3A_882 = arith.constant 128 : i32
      %mul3A_883 = vector.broadcast %mul3A_882 : i32 to vector<16xi32>
      %mul3A_884 = arith.muli %get3A_873, %mul3A_883 : vector<16xi32>
      %add3A_885 = arith.addi %mul3A_881, %mul3A_884 : vector<16xi32>
      %and3A_886 = arith.constant 127 : i32
      %and3A_887 = vector.broadcast %and3A_886 : i32 to vector<16xi32>
      %and3A_888 = arith.andi %get3A_870, %and3A_887 : vector<16xi32>
      %add3A_889 = arith.addi %add3A_885, %and3A_888 : vector<16xi32>
      %mul3A_890 = arith.constant 524288 : i32
      %mul3A_891 = arith.muli %arg0, %mul3A_890 : i32
      %sub3A = vector.broadcast %mul3A_891 : i32 to vector<16xi32>
      %sub3A_892 = arith.subi %add3A_889, %sub3A : vector<16xi32>
      %and3A_893 = arith.constant 524287 : i32
      %and3A_894 = vector.broadcast %and3A_893 : i32 to vector<16xi32>
      %and3A_895 = arith.andi %sub3A_892, %and3A_894 : vector<16xi32>
      %select_n3A = arith.select %eq3A_876, %sub3A_892, %and3A_895 : vector<16xi1>, vector<16xi32>
      %mul3A_896 = arith.constant 16 : i32
      %mul3A_897 = arith.muli %scan3A_864, %mul3A_896 : i32
      %swap3A = arith.constant 17 : i32
      %swap3A_898 = arith.index_cast %swap3A : i32 to index
      %swap3A_899 = arith.index_cast %mul3A_897 : i32 to index
      %swap3A_900 = tpu.vector_load %arg7[%swap3A_898, %swap3A_899] {strides = array<i32>} : memref<32x128xi32, #tpu.memory_space<vmem>>, vector<1x16xi32>,
      %swap3A_901 = vector.shape_cast %swap3A_900 : vector<1x16xi32> to vector<16xi32>
      %swap3A_902 = vector.shape_cast %select_n3A : vector<16xi32> to vector<1x16xi32>
      tpu.vector_store %arg7[%swap3A_898, %swap3A_899], %swap3A_902 {strides = array<i32>} : memref<32x128xi32, #tpu.memory_space<vmem>>, vector<1x16xi32>,
      %select_n3A_903 = arith.select %eq3A_876, %broadcast_in_dim3A_22, %broadcast_in_dim3A_24 : vector<16xi1>, vector<16xf32>
      %mul3A_904 = arith.constant 16 : i32
      %mul3A_905 = arith.muli %scan3A_864, %mul3A_904 : i32
      %swap3A_906 = arith.constant 17 : i32
      %swap3A_907 = arith.index_cast %swap3A_906 : i32 to index
      %swap3A_908 = arith.index_cast %mul3A_905 : i32 to index
      %swap3A_909 = tpu.vector_load %arg8[%swap3A_907, %swap3A_908] {strides = array<i32>} : memref<32x128xf32, #tpu.memory_space<vmem>>, vector<1x16xf32>,
      %swap3A_910 = vector.shape_cast %swap3A_909 : vector<1x16xf32> to vector<16xf32>
      %swap3A_911 = vector.shape_cast %select_n3A_903 : vector<16xf32> to vector<1x16xf32>
      tpu.vector_store %arg8[%swap3A_907, %swap3A_908], %swap3A_911 {strides = array<i32>} : memref<32x128xf32, #tpu.memory_space<vmem>>, vector<1x16xf32>,
    }
    %scan3A_131 = arith.constant 8 : i32
    %scan3A_132 = arith.constant 0 : i32
    %scan3A_133 = arith.constant 0 : i32
    %scan3A_134 = arith.constant 8 : i32
    %scan3A_135 = arith.addi %scan3A_133, %scan3A_134 : i32
    %scan3A_136 = arith.constant 1 : i32
    scf.for %scan3A_864 = %scan3A_133 to %scan3A_135 step %scan3A_136  : i32 {
      %mul3A_865 = arith.constant 16 : i32
      %mul3A_866 = arith.muli %scan3A_864, %mul3A_865 : i32
      %add3A_867 = arith.constant 2304 : i32
      %add3A_868 = arith.addi %add3A_867, %mul3A_866 : i32
      %get3A = arith.index_cast %add3A_868 : i32 to index
      %get3A_869 = tpu.vector_load %arg5[%get3A] {strides = array<i32>} : memref<4096xi32, #tpu.memory_space<vmem>>, vector<16xi32>,
      %get3A_870 = vector.shape_cast %get3A_869 : vector<16xi32> to vector<16xi32>
      %get3A_871 = arith.index_cast %add3A_868 : i32 to index
      %get3A_872 = tpu.vector_load %arg6[%get3A_871] {strides = array<i32>} : memref<4096xi32, #tpu.memory_space<vmem>>, vector<16xi32>,
      %get3A_873 = vector.shape_cast %get3A_872 : vector<16xi32> to vector<16xi32>
      %shift_right_arithmetic3A = arith.constant 9 : i32
      %shift_right_arithmetic3A_874 = vector.broadcast %shift_right_arithmetic3A : i32 to vector<16xi32>
      %shift_right_arithmetic3A_875 = arith.shrsi %get3A_870, %shift_right_arithmetic3A_874 : vector<16xi32>
      %eq3A = vector.broadcast %arg0 : i32 to vector<16xi32>
      %eq3A_876 = arith.cmpi eq, %shift_right_arithmetic3A_875, %eq3A : vector<16xi32>
      %and3A = arith.constant -128 : i32
      %and3A_877 = vector.broadcast %and3A : i32 to vector<16xi32>
      %and3A_878 = arith.andi %get3A_870, %and3A_877 : vector<16xi32>
      %mul3A_879 = arith.constant 1024 : i32
      %mul3A_880 = vector.broadcast %mul3A_879 : i32 to vector<16xi32>
      %mul3A_881 = arith.muli %and3A_878, %mul3A_880 : vector<16xi32>
      %mul3A_882 = arith.constant 128 : i32
      %mul3A_883 = vector.broadcast %mul3A_882 : i32 to vector<16xi32>
      %mul3A_884 = arith.muli %get3A_873, %mul3A_883 : vector<16xi32>
      %add3A_885 = arith.addi %mul3A_881, %mul3A_884 : vector<16xi32>
      %and3A_886 = arith.constant 127 : i32
      %and3A_887 = vector.broadcast %and3A_886 : i32 to vector<16xi32>
      %and3A_888 = arith.andi %get3A_870, %and3A_887 : vector<16xi32>
      %add3A_889 = arith.addi %add3A_885, %and3A_888 : vector<16xi32>
      %mul3A_890 = arith.constant 524288 : i32
      %mul3A_891 = arith.muli %arg0, %mul3A_890 : i32
      %sub3A = vector.broadcast %mul3A_891 : i32 to vector<16xi32>
      %sub3A_892 = arith.subi %add3A_889, %sub3A : vector<16xi32>
      %and3A_893 = arith.constant 524287 : i32
      %and3A_894 = vector.broadcast %and3A_893 : i32 to vector<16xi32>
      %and3A_895 = arith.andi %sub3A_892, %and3A_894 : vector<16xi32>
      %select_n3A = arith.select %eq3A_876, %sub3A_892, %and3A_895 : vector<16xi1>, vector<16xi32>
      %mul3A_896 = arith.constant 16 : i32
      %mul3A_897 = arith.muli %scan3A_864, %mul3A_896 : i32
      %swap3A = arith.constant 18 : i32
      %swap3A_898 = arith.index_cast %swap3A : i32 to index
      %swap3A_899 = arith.index_cast %mul3A_897 : i32 to index
      %swap3A_900 = tpu.vector_load %arg7[%swap3A_898, %swap3A_899] {strides = array<i32>} : memref<32x128xi32, #tpu.memory_space<vmem>>, vector<1x16xi32>,
      %swap3A_901 = vector.shape_cast %swap3A_900 : vector<1x16xi32> to vector<16xi32>
      %swap3A_902 = vector.shape_cast %select_n3A : vector<16xi32> to vector<1x16xi32>
      tpu.vector_store %arg7[%swap3A_898, %swap3A_899], %swap3A_902 {strides = array<i32>} : memref<32x128xi32, #tpu.memory_space<vmem>>, vector<1x16xi32>,
      %select_n3A_903 = arith.select %eq3A_876, %broadcast_in_dim3A_22, %broadcast_in_dim3A_24 : vector<16xi1>, vector<16xf32>
      %mul3A_904 = arith.constant 16 : i32
      %mul3A_905 = arith.muli %scan3A_864, %mul3A_904 : i32
      %swap3A_906 = arith.constant 18 : i32
      %swap3A_907 = arith.index_cast %swap3A_906 : i32 to index
      %swap3A_908 = arith.index_cast %mul3A_905 : i32 to index
      %swap3A_909 = tpu.vector_load %arg8[%swap3A_907, %swap3A_908] {strides = array<i32>} : memref<32x128xf32, #tpu.memory_space<vmem>>, vector<1x16xf32>,
      %swap3A_910 = vector.shape_cast %swap3A_909 : vector<1x16xf32> to vector<16xf32>
      %swap3A_911 = vector.shape_cast %select_n3A_903 : vector<16xf32> to vector<1x16xf32>
      tpu.vector_store %arg8[%swap3A_907, %swap3A_908], %swap3A_911 {strides = array<i32>} : memref<32x128xf32, #tpu.memory_space<vmem>>, vector<1x16xf32>,
    }
    %scan3A_137 = arith.constant 8 : i32
    %scan3A_138 = arith.constant 0 : i32
    %scan3A_139 = arith.constant 0 : i32
    %scan3A_140 = arith.constant 8 : i32
    %scan3A_141 = arith.addi %scan3A_139, %scan3A_140 : i32
    %scan3A_142 = arith.constant 1 : i32
    scf.for %scan3A_864 = %scan3A_139 to %scan3A_141 step %scan3A_142  : i32 {
      %mul3A_865 = arith.constant 16 : i32
      %mul3A_866 = arith.muli %scan3A_864, %mul3A_865 : i32
      %add3A_867 = arith.constant 2432 : i32
      %add3A_868 = arith.addi %add3A_867, %mul3A_866 : i32
      %get3A = arith.index_cast %add3A_868 : i32 to index
      %get3A_869 = tpu.vector_load %arg5[%get3A] {strides = array<i32>} : memref<4096xi32, #tpu.memory_space<vmem>>, vector<16xi32>,
      %get3A_870 = vector.shape_cast %get3A_869 : vector<16xi32> to vector<16xi32>
      %get3A_871 = arith.index_cast %add3A_868 : i32 to index
      %get3A_872 = tpu.vector_load %arg6[%get3A_871] {strides = array<i32>} : memref<4096xi32, #tpu.memory_space<vmem>>, vector<16xi32>,
      %get3A_873 = vector.shape_cast %get3A_872 : vector<16xi32> to vector<16xi32>
      %shift_right_arithmetic3A = arith.constant 9 : i32
      %shift_right_arithmetic3A_874 = vector.broadcast %shift_right_arithmetic3A : i32 to vector<16xi32>
      %shift_right_arithmetic3A_875 = arith.shrsi %get3A_870, %shift_right_arithmetic3A_874 : vector<16xi32>
      %eq3A = vector.broadcast %arg0 : i32 to vector<16xi32>
      %eq3A_876 = arith.cmpi eq, %shift_right_arithmetic3A_875, %eq3A : vector<16xi32>
      %and3A = arith.constant -128 : i32
      %and3A_877 = vector.broadcast %and3A : i32 to vector<16xi32>
      %and3A_878 = arith.andi %get3A_870, %and3A_877 : vector<16xi32>
      %mul3A_879 = arith.constant 1024 : i32
      %mul3A_880 = vector.broadcast %mul3A_879 : i32 to vector<16xi32>
      %mul3A_881 = arith.muli %and3A_878, %mul3A_880 : vector<16xi32>
      %mul3A_882 = arith.constant 128 : i32
      %mul3A_883 = vector.broadcast %mul3A_882 : i32 to vector<16xi32>
      %mul3A_884 = arith.muli %get3A_873, %mul3A_883 : vector<16xi32>
      %add3A_885 = arith.addi %mul3A_881, %mul3A_884 : vector<16xi32>
      %and3A_886 = arith.constant 127 : i32
      %and3A_887 = vector.broadcast %and3A_886 : i32 to vector<16xi32>
      %and3A_888 = arith.andi %get3A_870, %and3A_887 : vector<16xi32>
      %add3A_889 = arith.addi %add3A_885, %and3A_888 : vector<16xi32>
      %mul3A_890 = arith.constant 524288 : i32
      %mul3A_891 = arith.muli %arg0, %mul3A_890 : i32
      %sub3A = vector.broadcast %mul3A_891 : i32 to vector<16xi32>
      %sub3A_892 = arith.subi %add3A_889, %sub3A : vector<16xi32>
      %and3A_893 = arith.constant 524287 : i32
      %and3A_894 = vector.broadcast %and3A_893 : i32 to vector<16xi32>
      %and3A_895 = arith.andi %sub3A_892, %and3A_894 : vector<16xi32>
      %select_n3A = arith.select %eq3A_876, %sub3A_892, %and3A_895 : vector<16xi1>, vector<16xi32>
      %mul3A_896 = arith.constant 16 : i32
      %mul3A_897 = arith.muli %scan3A_864, %mul3A_896 : i32
      %swap3A = arith.constant 19 : i32
      %swap3A_898 = arith.index_cast %swap3A : i32 to index
      %swap3A_899 = arith.index_cast %mul3A_897 : i32 to index
      %swap3A_900 = tpu.vector_load %arg7[%swap3A_898, %swap3A_899] {strides = array<i32>} : memref<32x128xi32, #tpu.memory_space<vmem>>, vector<1x16xi32>,
      %swap3A_901 = vector.shape_cast %swap3A_900 : vector<1x16xi32> to vector<16xi32>
      %swap3A_902 = vector.shape_cast %select_n3A : vector<16xi32> to vector<1x16xi32>
      tpu.vector_store %arg7[%swap3A_898, %swap3A_899], %swap3A_902 {strides = array<i32>} : memref<32x128xi32, #tpu.memory_space<vmem>>, vector<1x16xi32>,
      %select_n3A_903 = arith.select %eq3A_876, %broadcast_in_dim3A_22, %broadcast_in_dim3A_24 : vector<16xi1>, vector<16xf32>
      %mul3A_904 = arith.constant 16 : i32
      %mul3A_905 = arith.muli %scan3A_864, %mul3A_904 : i32
      %swap3A_906 = arith.constant 19 : i32
      %swap3A_907 = arith.index_cast %swap3A_906 : i32 to index
      %swap3A_908 = arith.index_cast %mul3A_905 : i32 to index
      %swap3A_909 = tpu.vector_load %arg8[%swap3A_907, %swap3A_908] {strides = array<i32>} : memref<32x128xf32, #tpu.memory_space<vmem>>, vector<1x16xf32>,
      %swap3A_910 = vector.shape_cast %swap3A_909 : vector<1x16xf32> to vector<16xf32>
      %swap3A_911 = vector.shape_cast %select_n3A_903 : vector<16xf32> to vector<1x16xf32>
      tpu.vector_store %arg8[%swap3A_907, %swap3A_908], %swap3A_911 {strides = array<i32>} : memref<32x128xf32, #tpu.memory_space<vmem>>, vector<1x16xf32>,
    }
    %scan3A_143 = arith.constant 8 : i32
    %scan3A_144 = arith.constant 0 : i32
    %scan3A_145 = arith.constant 0 : i32
    %scan3A_146 = arith.constant 8 : i32
    %scan3A_147 = arith.addi %scan3A_145, %scan3A_146 : i32
    %scan3A_148 = arith.constant 1 : i32
    scf.for %scan3A_864 = %scan3A_145 to %scan3A_147 step %scan3A_148  : i32 {
      %mul3A_865 = arith.constant 16 : i32
      %mul3A_866 = arith.muli %scan3A_864, %mul3A_865 : i32
      %add3A_867 = arith.constant 2560 : i32
      %add3A_868 = arith.addi %add3A_867, %mul3A_866 : i32
      %get3A = arith.index_cast %add3A_868 : i32 to index
      %get3A_869 = tpu.vector_load %arg5[%get3A] {strides = array<i32>} : memref<4096xi32, #tpu.memory_space<vmem>>, vector<16xi32>,
      %get3A_870 = vector.shape_cast %get3A_869 : vector<16xi32> to vector<16xi32>
      %get3A_871 = arith.index_cast %add3A_868 : i32 to index
      %get3A_872 = tpu.vector_load %arg6[%get3A_871] {strides = array<i32>} : memref<4096xi32, #tpu.memory_space<vmem>>, vector<16xi32>,
      %get3A_873 = vector.shape_cast %get3A_872 : vector<16xi32> to vector<16xi32>
      %shift_right_arithmetic3A = arith.constant 9 : i32
      %shift_right_arithmetic3A_874 = vector.broadcast %shift_right_arithmetic3A : i32 to vector<16xi32>
      %shift_right_arithmetic3A_875 = arith.shrsi %get3A_870, %shift_right_arithmetic3A_874 : vector<16xi32>
      %eq3A = vector.broadcast %arg0 : i32 to vector<16xi32>
      %eq3A_876 = arith.cmpi eq, %shift_right_arithmetic3A_875, %eq3A : vector<16xi32>
      %and3A = arith.constant -128 : i32
      %and3A_877 = vector.broadcast %and3A : i32 to vector<16xi32>
      %and3A_878 = arith.andi %get3A_870, %and3A_877 : vector<16xi32>
      %mul3A_879 = arith.constant 1024 : i32
      %mul3A_880 = vector.broadcast %mul3A_879 : i32 to vector<16xi32>
      %mul3A_881 = arith.muli %and3A_878, %mul3A_880 : vector<16xi32>
      %mul3A_882 = arith.constant 128 : i32
      %mul3A_883 = vector.broadcast %mul3A_882 : i32 to vector<16xi32>
      %mul3A_884 = arith.muli %get3A_873, %mul3A_883 : vector<16xi32>
      %add3A_885 = arith.addi %mul3A_881, %mul3A_884 : vector<16xi32>
      %and3A_886 = arith.constant 127 : i32
      %and3A_887 = vector.broadcast %and3A_886 : i32 to vector<16xi32>
      %and3A_888 = arith.andi %get3A_870, %and3A_887 : vector<16xi32>
      %add3A_889 = arith.addi %add3A_885, %and3A_888 : vector<16xi32>
      %mul3A_890 = arith.constant 524288 : i32
      %mul3A_891 = arith.muli %arg0, %mul3A_890 : i32
      %sub3A = vector.broadcast %mul3A_891 : i32 to vector<16xi32>
      %sub3A_892 = arith.subi %add3A_889, %sub3A : vector<16xi32>
      %and3A_893 = arith.constant 524287 : i32
      %and3A_894 = vector.broadcast %and3A_893 : i32 to vector<16xi32>
      %and3A_895 = arith.andi %sub3A_892, %and3A_894 : vector<16xi32>
      %select_n3A = arith.select %eq3A_876, %sub3A_892, %and3A_895 : vector<16xi1>, vector<16xi32>
      %mul3A_896 = arith.constant 16 : i32
      %mul3A_897 = arith.muli %scan3A_864, %mul3A_896 : i32
      %swap3A = arith.constant 20 : i32
      %swap3A_898 = arith.index_cast %swap3A : i32 to index
      %swap3A_899 = arith.index_cast %mul3A_897 : i32 to index
      %swap3A_900 = tpu.vector_load %arg7[%swap3A_898, %swap3A_899] {strides = array<i32>} : memref<32x128xi32, #tpu.memory_space<vmem>>, vector<1x16xi32>,
      %swap3A_901 = vector.shape_cast %swap3A_900 : vector<1x16xi32> to vector<16xi32>
      %swap3A_902 = vector.shape_cast %select_n3A : vector<16xi32> to vector<1x16xi32>
      tpu.vector_store %arg7[%swap3A_898, %swap3A_899], %swap3A_902 {strides = array<i32>} : memref<32x128xi32, #tpu.memory_space<vmem>>, vector<1x16xi32>,
      %select_n3A_903 = arith.select %eq3A_876, %broadcast_in_dim3A_22, %broadcast_in_dim3A_24 : vector<16xi1>, vector<16xf32>
      %mul3A_904 = arith.constant 16 : i32
      %mul3A_905 = arith.muli %scan3A_864, %mul3A_904 : i32
      %swap3A_906 = arith.constant 20 : i32
      %swap3A_907 = arith.index_cast %swap3A_906 : i32 to index
      %swap3A_908 = arith.index_cast %mul3A_905 : i32 to index
      %swap3A_909 = tpu.vector_load %arg8[%swap3A_907, %swap3A_908] {strides = array<i32>} : memref<32x128xf32, #tpu.memory_space<vmem>>, vector<1x16xf32>,
      %swap3A_910 = vector.shape_cast %swap3A_909 : vector<1x16xf32> to vector<16xf32>
      %swap3A_911 = vector.shape_cast %select_n3A_903 : vector<16xf32> to vector<1x16xf32>
      tpu.vector_store %arg8[%swap3A_907, %swap3A_908], %swap3A_911 {strides = array<i32>} : memref<32x128xf32, #tpu.memory_space<vmem>>, vector<1x16xf32>,
    }
    %scan3A_149 = arith.constant 8 : i32
    %scan3A_150 = arith.constant 0 : i32
    %scan3A_151 = arith.constant 0 : i32
    %scan3A_152 = arith.constant 8 : i32
    %scan3A_153 = arith.addi %scan3A_151, %scan3A_152 : i32
    %scan3A_154 = arith.constant 1 : i32
    scf.for %scan3A_864 = %scan3A_151 to %scan3A_153 step %scan3A_154  : i32 {
      %mul3A_865 = arith.constant 16 : i32
      %mul3A_866 = arith.muli %scan3A_864, %mul3A_865 : i32
      %add3A_867 = arith.constant 2688 : i32
      %add3A_868 = arith.addi %add3A_867, %mul3A_866 : i32
      %get3A = arith.index_cast %add3A_868 : i32 to index
      %get3A_869 = tpu.vector_load %arg5[%get3A] {strides = array<i32>} : memref<4096xi32, #tpu.memory_space<vmem>>, vector<16xi32>,
      %get3A_870 = vector.shape_cast %get3A_869 : vector<16xi32> to vector<16xi32>
      %get3A_871 = arith.index_cast %add3A_868 : i32 to index
      %get3A_872 = tpu.vector_load %arg6[%get3A_871] {strides = array<i32>} : memref<4096xi32, #tpu.memory_space<vmem>>, vector<16xi32>,
      %get3A_873 = vector.shape_cast %get3A_872 : vector<16xi32> to vector<16xi32>
      %shift_right_arithmetic3A = arith.constant 9 : i32
      %shift_right_arithmetic3A_874 = vector.broadcast %shift_right_arithmetic3A : i32 to vector<16xi32>
      %shift_right_arithmetic3A_875 = arith.shrsi %get3A_870, %shift_right_arithmetic3A_874 : vector<16xi32>
      %eq3A = vector.broadcast %arg0 : i32 to vector<16xi32>
      %eq3A_876 = arith.cmpi eq, %shift_right_arithmetic3A_875, %eq3A : vector<16xi32>
      %and3A = arith.constant -128 : i32
      %and3A_877 = vector.broadcast %and3A : i32 to vector<16xi32>
      %and3A_878 = arith.andi %get3A_870, %and3A_877 : vector<16xi32>
      %mul3A_879 = arith.constant 1024 : i32
      %mul3A_880 = vector.broadcast %mul3A_879 : i32 to vector<16xi32>
      %mul3A_881 = arith.muli %and3A_878, %mul3A_880 : vector<16xi32>
      %mul3A_882 = arith.constant 128 : i32
      %mul3A_883 = vector.broadcast %mul3A_882 : i32 to vector<16xi32>
      %mul3A_884 = arith.muli %get3A_873, %mul3A_883 : vector<16xi32>
      %add3A_885 = arith.addi %mul3A_881, %mul3A_884 : vector<16xi32>
      %and3A_886 = arith.constant 127 : i32
      %and3A_887 = vector.broadcast %and3A_886 : i32 to vector<16xi32>
      %and3A_888 = arith.andi %get3A_870, %and3A_887 : vector<16xi32>
      %add3A_889 = arith.addi %add3A_885, %and3A_888 : vector<16xi32>
      %mul3A_890 = arith.constant 524288 : i32
      %mul3A_891 = arith.muli %arg0, %mul3A_890 : i32
      %sub3A = vector.broadcast %mul3A_891 : i32 to vector<16xi32>
      %sub3A_892 = arith.subi %add3A_889, %sub3A : vector<16xi32>
      %and3A_893 = arith.constant 524287 : i32
      %and3A_894 = vector.broadcast %and3A_893 : i32 to vector<16xi32>
      %and3A_895 = arith.andi %sub3A_892, %and3A_894 : vector<16xi32>
      %select_n3A = arith.select %eq3A_876, %sub3A_892, %and3A_895 : vector<16xi1>, vector<16xi32>
      %mul3A_896 = arith.constant 16 : i32
      %mul3A_897 = arith.muli %scan3A_864, %mul3A_896 : i32
      %swap3A = arith.constant 21 : i32
      %swap3A_898 = arith.index_cast %swap3A : i32 to index
      %swap3A_899 = arith.index_cast %mul3A_897 : i32 to index
      %swap3A_900 = tpu.vector_load %arg7[%swap3A_898, %swap3A_899] {strides = array<i32>} : memref<32x128xi32, #tpu.memory_space<vmem>>, vector<1x16xi32>,
      %swap3A_901 = vector.shape_cast %swap3A_900 : vector<1x16xi32> to vector<16xi32>
      %swap3A_902 = vector.shape_cast %select_n3A : vector<16xi32> to vector<1x16xi32>
      tpu.vector_store %arg7[%swap3A_898, %swap3A_899], %swap3A_902 {strides = array<i32>} : memref<32x128xi32, #tpu.memory_space<vmem>>, vector<1x16xi32>,
      %select_n3A_903 = arith.select %eq3A_876, %broadcast_in_dim3A_22, %broadcast_in_dim3A_24 : vector<16xi1>, vector<16xf32>
      %mul3A_904 = arith.constant 16 : i32
      %mul3A_905 = arith.muli %scan3A_864, %mul3A_904 : i32
      %swap3A_906 = arith.constant 21 : i32
      %swap3A_907 = arith.index_cast %swap3A_906 : i32 to index
      %swap3A_908 = arith.index_cast %mul3A_905 : i32 to index
      %swap3A_909 = tpu.vector_load %arg8[%swap3A_907, %swap3A_908] {strides = array<i32>} : memref<32x128xf32, #tpu.memory_space<vmem>>, vector<1x16xf32>,
      %swap3A_910 = vector.shape_cast %swap3A_909 : vector<1x16xf32> to vector<16xf32>
      %swap3A_911 = vector.shape_cast %select_n3A_903 : vector<16xf32> to vector<1x16xf32>
      tpu.vector_store %arg8[%swap3A_907, %swap3A_908], %swap3A_911 {strides = array<i32>} : memref<32x128xf32, #tpu.memory_space<vmem>>, vector<1x16xf32>,
    }
    %scan3A_155 = arith.constant 8 : i32
    %scan3A_156 = arith.constant 0 : i32
    %scan3A_157 = arith.constant 0 : i32
    %scan3A_158 = arith.constant 8 : i32
    %scan3A_159 = arith.addi %scan3A_157, %scan3A_158 : i32
    %scan3A_160 = arith.constant 1 : i32
    scf.for %scan3A_864 = %scan3A_157 to %scan3A_159 step %scan3A_160  : i32 {
      %mul3A_865 = arith.constant 16 : i32
      %mul3A_866 = arith.muli %scan3A_864, %mul3A_865 : i32
      %add3A_867 = arith.constant 2816 : i32
      %add3A_868 = arith.addi %add3A_867, %mul3A_866 : i32
      %get3A = arith.index_cast %add3A_868 : i32 to index
      %get3A_869 = tpu.vector_load %arg5[%get3A] {strides = array<i32>} : memref<4096xi32, #tpu.memory_space<vmem>>, vector<16xi32>,
      %get3A_870 = vector.shape_cast %get3A_869 : vector<16xi32> to vector<16xi32>
      %get3A_871 = arith.index_cast %add3A_868 : i32 to index
      %get3A_872 = tpu.vector_load %arg6[%get3A_871] {strides = array<i32>} : memref<4096xi32, #tpu.memory_space<vmem>>, vector<16xi32>,
      %get3A_873 = vector.shape_cast %get3A_872 : vector<16xi32> to vector<16xi32>
      %shift_right_arithmetic3A = arith.constant 9 : i32
      %shift_right_arithmetic3A_874 = vector.broadcast %shift_right_arithmetic3A : i32 to vector<16xi32>
      %shift_right_arithmetic3A_875 = arith.shrsi %get3A_870, %shift_right_arithmetic3A_874 : vector<16xi32>
      %eq3A = vector.broadcast %arg0 : i32 to vector<16xi32>
      %eq3A_876 = arith.cmpi eq, %shift_right_arithmetic3A_875, %eq3A : vector<16xi32>
      %and3A = arith.constant -128 : i32
      %and3A_877 = vector.broadcast %and3A : i32 to vector<16xi32>
      %and3A_878 = arith.andi %get3A_870, %and3A_877 : vector<16xi32>
      %mul3A_879 = arith.constant 1024 : i32
      %mul3A_880 = vector.broadcast %mul3A_879 : i32 to vector<16xi32>
      %mul3A_881 = arith.muli %and3A_878, %mul3A_880 : vector<16xi32>
      %mul3A_882 = arith.constant 128 : i32
      %mul3A_883 = vector.broadcast %mul3A_882 : i32 to vector<16xi32>
      %mul3A_884 = arith.muli %get3A_873, %mul3A_883 : vector<16xi32>
      %add3A_885 = arith.addi %mul3A_881, %mul3A_884 : vector<16xi32>
      %and3A_886 = arith.constant 127 : i32
      %and3A_887 = vector.broadcast %and3A_886 : i32 to vector<16xi32>
      %and3A_888 = arith.andi %get3A_870, %and3A_887 : vector<16xi32>
      %add3A_889 = arith.addi %add3A_885, %and3A_888 : vector<16xi32>
      %mul3A_890 = arith.constant 524288 : i32
      %mul3A_891 = arith.muli %arg0, %mul3A_890 : i32
      %sub3A = vector.broadcast %mul3A_891 : i32 to vector<16xi32>
      %sub3A_892 = arith.subi %add3A_889, %sub3A : vector<16xi32>
      %and3A_893 = arith.constant 524287 : i32
      %and3A_894 = vector.broadcast %and3A_893 : i32 to vector<16xi32>
      %and3A_895 = arith.andi %sub3A_892, %and3A_894 : vector<16xi32>
      %select_n3A = arith.select %eq3A_876, %sub3A_892, %and3A_895 : vector<16xi1>, vector<16xi32>
      %mul3A_896 = arith.constant 16 : i32
      %mul3A_897 = arith.muli %scan3A_864, %mul3A_896 : i32
      %swap3A = arith.constant 22 : i32
      %swap3A_898 = arith.index_cast %swap3A : i32 to index
      %swap3A_899 = arith.index_cast %mul3A_897 : i32 to index
      %swap3A_900 = tpu.vector_load %arg7[%swap3A_898, %swap3A_899] {strides = array<i32>} : memref<32x128xi32, #tpu.memory_space<vmem>>, vector<1x16xi32>,
      %swap3A_901 = vector.shape_cast %swap3A_900 : vector<1x16xi32> to vector<16xi32>
      %swap3A_902 = vector.shape_cast %select_n3A : vector<16xi32> to vector<1x16xi32>
      tpu.vector_store %arg7[%swap3A_898, %swap3A_899], %swap3A_902 {strides = array<i32>} : memref<32x128xi32, #tpu.memory_space<vmem>>, vector<1x16xi32>,
      %select_n3A_903 = arith.select %eq3A_876, %broadcast_in_dim3A_22, %broadcast_in_dim3A_24 : vector<16xi1>, vector<16xf32>
      %mul3A_904 = arith.constant 16 : i32
      %mul3A_905 = arith.muli %scan3A_864, %mul3A_904 : i32
      %swap3A_906 = arith.constant 22 : i32
      %swap3A_907 = arith.index_cast %swap3A_906 : i32 to index
      %swap3A_908 = arith.index_cast %mul3A_905 : i32 to index
      %swap3A_909 = tpu.vector_load %arg8[%swap3A_907, %swap3A_908] {strides = array<i32>} : memref<32x128xf32, #tpu.memory_space<vmem>>, vector<1x16xf32>,
      %swap3A_910 = vector.shape_cast %swap3A_909 : vector<1x16xf32> to vector<16xf32>
      %swap3A_911 = vector.shape_cast %select_n3A_903 : vector<16xf32> to vector<1x16xf32>
      tpu.vector_store %arg8[%swap3A_907, %swap3A_908], %swap3A_911 {strides = array<i32>} : memref<32x128xf32, #tpu.memory_space<vmem>>, vector<1x16xf32>,
    }
    %scan3A_161 = arith.constant 8 : i32
    %scan3A_162 = arith.constant 0 : i32
    %scan3A_163 = arith.constant 0 : i32
    %scan3A_164 = arith.constant 8 : i32
    %scan3A_165 = arith.addi %scan3A_163, %scan3A_164 : i32
    %scan3A_166 = arith.constant 1 : i32
    scf.for %scan3A_864 = %scan3A_163 to %scan3A_165 step %scan3A_166  : i32 {
      %mul3A_865 = arith.constant 16 : i32
      %mul3A_866 = arith.muli %scan3A_864, %mul3A_865 : i32
      %add3A_867 = arith.constant 2944 : i32
      %add3A_868 = arith.addi %add3A_867, %mul3A_866 : i32
      %get3A = arith.index_cast %add3A_868 : i32 to index
      %get3A_869 = tpu.vector_load %arg5[%get3A] {strides = array<i32>} : memref<4096xi32, #tpu.memory_space<vmem>>, vector<16xi32>,
      %get3A_870 = vector.shape_cast %get3A_869 : vector<16xi32> to vector<16xi32>
      %get3A_871 = arith.index_cast %add3A_868 : i32 to index
      %get3A_872 = tpu.vector_load %arg6[%get3A_871] {strides = array<i32>} : memref<4096xi32, #tpu.memory_space<vmem>>, vector<16xi32>,
      %get3A_873 = vector.shape_cast %get3A_872 : vector<16xi32> to vector<16xi32>
      %shift_right_arithmetic3A = arith.constant 9 : i32
      %shift_right_arithmetic3A_874 = vector.broadcast %shift_right_arithmetic3A : i32 to vector<16xi32>
      %shift_right_arithmetic3A_875 = arith.shrsi %get3A_870, %shift_right_arithmetic3A_874 : vector<16xi32>
      %eq3A = vector.broadcast %arg0 : i32 to vector<16xi32>
      %eq3A_876 = arith.cmpi eq, %shift_right_arithmetic3A_875, %eq3A : vector<16xi32>
      %and3A = arith.constant -128 : i32
      %and3A_877 = vector.broadcast %and3A : i32 to vector<16xi32>
      %and3A_878 = arith.andi %get3A_870, %and3A_877 : vector<16xi32>
      %mul3A_879 = arith.constant 1024 : i32
      %mul3A_880 = vector.broadcast %mul3A_879 : i32 to vector<16xi32>
      %mul3A_881 = arith.muli %and3A_878, %mul3A_880 : vector<16xi32>
      %mul3A_882 = arith.constant 128 : i32
      %mul3A_883 = vector.broadcast %mul3A_882 : i32 to vector<16xi32>
      %mul3A_884 = arith.muli %get3A_873, %mul3A_883 : vector<16xi32>
      %add3A_885 = arith.addi %mul3A_881, %mul3A_884 : vector<16xi32>
      %and3A_886 = arith.constant 127 : i32
      %and3A_887 = vector.broadcast %and3A_886 : i32 to vector<16xi32>
      %and3A_888 = arith.andi %get3A_870, %and3A_887 : vector<16xi32>
      %add3A_889 = arith.addi %add3A_885, %and3A_888 : vector<16xi32>
      %mul3A_890 = arith.constant 524288 : i32
      %mul3A_891 = arith.muli %arg0, %mul3A_890 : i32
      %sub3A = vector.broadcast %mul3A_891 : i32 to vector<16xi32>
      %sub3A_892 = arith.subi %add3A_889, %sub3A : vector<16xi32>
      %and3A_893 = arith.constant 524287 : i32
      %and3A_894 = vector.broadcast %and3A_893 : i32 to vector<16xi32>
      %and3A_895 = arith.andi %sub3A_892, %and3A_894 : vector<16xi32>
      %select_n3A = arith.select %eq3A_876, %sub3A_892, %and3A_895 : vector<16xi1>, vector<16xi32>
      %mul3A_896 = arith.constant 16 : i32
      %mul3A_897 = arith.muli %scan3A_864, %mul3A_896 : i32
      %swap3A = arith.constant 23 : i32
      %swap3A_898 = arith.index_cast %swap3A : i32 to index
      %swap3A_899 = arith.index_cast %mul3A_897 : i32 to index
      %swap3A_900 = tpu.vector_load %arg7[%swap3A_898, %swap3A_899] {strides = array<i32>} : memref<32x128xi32, #tpu.memory_space<vmem>>, vector<1x16xi32>,
      %swap3A_901 = vector.shape_cast %swap3A_900 : vector<1x16xi32> to vector<16xi32>
      %swap3A_902 = vector.shape_cast %select_n3A : vector<16xi32> to vector<1x16xi32>
      tpu.vector_store %arg7[%swap3A_898, %swap3A_899], %swap3A_902 {strides = array<i32>} : memref<32x128xi32, #tpu.memory_space<vmem>>, vector<1x16xi32>,
      %select_n3A_903 = arith.select %eq3A_876, %broadcast_in_dim3A_22, %broadcast_in_dim3A_24 : vector<16xi1>, vector<16xf32>
      %mul3A_904 = arith.constant 16 : i32
      %mul3A_905 = arith.muli %scan3A_864, %mul3A_904 : i32
      %swap3A_906 = arith.constant 23 : i32
      %swap3A_907 = arith.index_cast %swap3A_906 : i32 to index
      %swap3A_908 = arith.index_cast %mul3A_905 : i32 to index
      %swap3A_909 = tpu.vector_load %arg8[%swap3A_907, %swap3A_908] {strides = array<i32>} : memref<32x128xf32, #tpu.memory_space<vmem>>, vector<1x16xf32>,
      %swap3A_910 = vector.shape_cast %swap3A_909 : vector<1x16xf32> to vector<16xf32>
      %swap3A_911 = vector.shape_cast %select_n3A_903 : vector<16xf32> to vector<1x16xf32>
      tpu.vector_store %arg8[%swap3A_907, %swap3A_908], %swap3A_911 {strides = array<i32>} : memref<32x128xf32, #tpu.memory_space<vmem>>, vector<1x16xf32>,
    }
    %scan3A_167 = arith.constant 8 : i32
    %scan3A_168 = arith.constant 0 : i32
    %scan3A_169 = arith.constant 0 : i32
    %scan3A_170 = arith.constant 8 : i32
    %scan3A_171 = arith.addi %scan3A_169, %scan3A_170 : i32
    %scan3A_172 = arith.constant 1 : i32
    scf.for %scan3A_864 = %scan3A_169 to %scan3A_171 step %scan3A_172  : i32 {
      %mul3A_865 = arith.constant 16 : i32
      %mul3A_866 = arith.muli %scan3A_864, %mul3A_865 : i32
      %add3A_867 = arith.constant 3072 : i32
      %add3A_868 = arith.addi %add3A_867, %mul3A_866 : i32
      %get3A = arith.index_cast %add3A_868 : i32 to index
      %get3A_869 = tpu.vector_load %arg5[%get3A] {strides = array<i32>} : memref<4096xi32, #tpu.memory_space<vmem>>, vector<16xi32>,
      %get3A_870 = vector.shape_cast %get3A_869 : vector<16xi32> to vector<16xi32>
      %get3A_871 = arith.index_cast %add3A_868 : i32 to index
      %get3A_872 = tpu.vector_load %arg6[%get3A_871] {strides = array<i32>} : memref<4096xi32, #tpu.memory_space<vmem>>, vector<16xi32>,
      %get3A_873 = vector.shape_cast %get3A_872 : vector<16xi32> to vector<16xi32>
      %shift_right_arithmetic3A = arith.constant 9 : i32
      %shift_right_arithmetic3A_874 = vector.broadcast %shift_right_arithmetic3A : i32 to vector<16xi32>
      %shift_right_arithmetic3A_875 = arith.shrsi %get3A_870, %shift_right_arithmetic3A_874 : vector<16xi32>
      %eq3A = vector.broadcast %arg0 : i32 to vector<16xi32>
      %eq3A_876 = arith.cmpi eq, %shift_right_arithmetic3A_875, %eq3A : vector<16xi32>
      %and3A = arith.constant -128 : i32
      %and3A_877 = vector.broadcast %and3A : i32 to vector<16xi32>
      %and3A_878 = arith.andi %get3A_870, %and3A_877 : vector<16xi32>
      %mul3A_879 = arith.constant 1024 : i32
      %mul3A_880 = vector.broadcast %mul3A_879 : i32 to vector<16xi32>
      %mul3A_881 = arith.muli %and3A_878, %mul3A_880 : vector<16xi32>
      %mul3A_882 = arith.constant 128 : i32
      %mul3A_883 = vector.broadcast %mul3A_882 : i32 to vector<16xi32>
      %mul3A_884 = arith.muli %get3A_873, %mul3A_883 : vector<16xi32>
      %add3A_885 = arith.addi %mul3A_881, %mul3A_884 : vector<16xi32>
      %and3A_886 = arith.constant 127 : i32
      %and3A_887 = vector.broadcast %and3A_886 : i32 to vector<16xi32>
      %and3A_888 = arith.andi %get3A_870, %and3A_887 : vector<16xi32>
      %add3A_889 = arith.addi %add3A_885, %and3A_888 : vector<16xi32>
      %mul3A_890 = arith.constant 524288 : i32
      %mul3A_891 = arith.muli %arg0, %mul3A_890 : i32
      %sub3A = vector.broadcast %mul3A_891 : i32 to vector<16xi32>
      %sub3A_892 = arith.subi %add3A_889, %sub3A : vector<16xi32>
      %and3A_893 = arith.constant 524287 : i32
      %and3A_894 = vector.broadcast %and3A_893 : i32 to vector<16xi32>
      %and3A_895 = arith.andi %sub3A_892, %and3A_894 : vector<16xi32>
      %select_n3A = arith.select %eq3A_876, %sub3A_892, %and3A_895 : vector<16xi1>, vector<16xi32>
      %mul3A_896 = arith.constant 16 : i32
      %mul3A_897 = arith.muli %scan3A_864, %mul3A_896 : i32
      %swap3A = arith.constant 24 : i32
      %swap3A_898 = arith.index_cast %swap3A : i32 to index
      %swap3A_899 = arith.index_cast %mul3A_897 : i32 to index
      %swap3A_900 = tpu.vector_load %arg7[%swap3A_898, %swap3A_899] {strides = array<i32>} : memref<32x128xi32, #tpu.memory_space<vmem>>, vector<1x16xi32>,
      %swap3A_901 = vector.shape_cast %swap3A_900 : vector<1x16xi32> to vector<16xi32>
      %swap3A_902 = vector.shape_cast %select_n3A : vector<16xi32> to vector<1x16xi32>
      tpu.vector_store %arg7[%swap3A_898, %swap3A_899], %swap3A_902 {strides = array<i32>} : memref<32x128xi32, #tpu.memory_space<vmem>>, vector<1x16xi32>,
      %select_n3A_903 = arith.select %eq3A_876, %broadcast_in_dim3A_22, %broadcast_in_dim3A_24 : vector<16xi1>, vector<16xf32>
      %mul3A_904 = arith.constant 16 : i32
      %mul3A_905 = arith.muli %scan3A_864, %mul3A_904 : i32
      %swap3A_906 = arith.constant 24 : i32
      %swap3A_907 = arith.index_cast %swap3A_906 : i32 to index
      %swap3A_908 = arith.index_cast %mul3A_905 : i32 to index
      %swap3A_909 = tpu.vector_load %arg8[%swap3A_907, %swap3A_908] {strides = array<i32>} : memref<32x128xf32, #tpu.memory_space<vmem>>, vector<1x16xf32>,
      %swap3A_910 = vector.shape_cast %swap3A_909 : vector<1x16xf32> to vector<16xf32>
      %swap3A_911 = vector.shape_cast %select_n3A_903 : vector<16xf32> to vector<1x16xf32>
      tpu.vector_store %arg8[%swap3A_907, %swap3A_908], %swap3A_911 {strides = array<i32>} : memref<32x128xf32, #tpu.memory_space<vmem>>, vector<1x16xf32>,
    }
    %scan3A_173 = arith.constant 8 : i32
    %scan3A_174 = arith.constant 0 : i32
    %scan3A_175 = arith.constant 0 : i32
    %scan3A_176 = arith.constant 8 : i32
    %scan3A_177 = arith.addi %scan3A_175, %scan3A_176 : i32
    %scan3A_178 = arith.constant 1 : i32
    scf.for %scan3A_864 = %scan3A_175 to %scan3A_177 step %scan3A_178  : i32 {
      %mul3A_865 = arith.constant 16 : i32
      %mul3A_866 = arith.muli %scan3A_864, %mul3A_865 : i32
      %add3A_867 = arith.constant 3200 : i32
      %add3A_868 = arith.addi %add3A_867, %mul3A_866 : i32
      %get3A = arith.index_cast %add3A_868 : i32 to index
      %get3A_869 = tpu.vector_load %arg5[%get3A] {strides = array<i32>} : memref<4096xi32, #tpu.memory_space<vmem>>, vector<16xi32>,
      %get3A_870 = vector.shape_cast %get3A_869 : vector<16xi32> to vector<16xi32>
      %get3A_871 = arith.index_cast %add3A_868 : i32 to index
      %get3A_872 = tpu.vector_load %arg6[%get3A_871] {strides = array<i32>} : memref<4096xi32, #tpu.memory_space<vmem>>, vector<16xi32>,
      %get3A_873 = vector.shape_cast %get3A_872 : vector<16xi32> to vector<16xi32>
      %shift_right_arithmetic3A = arith.constant 9 : i32
      %shift_right_arithmetic3A_874 = vector.broadcast %shift_right_arithmetic3A : i32 to vector<16xi32>
      %shift_right_arithmetic3A_875 = arith.shrsi %get3A_870, %shift_right_arithmetic3A_874 : vector<16xi32>
      %eq3A = vector.broadcast %arg0 : i32 to vector<16xi32>
      %eq3A_876 = arith.cmpi eq, %shift_right_arithmetic3A_875, %eq3A : vector<16xi32>
      %and3A = arith.constant -128 : i32
      %and3A_877 = vector.broadcast %and3A : i32 to vector<16xi32>
      %and3A_878 = arith.andi %get3A_870, %and3A_877 : vector<16xi32>
      %mul3A_879 = arith.constant 1024 : i32
      %mul3A_880 = vector.broadcast %mul3A_879 : i32 to vector<16xi32>
      %mul3A_881 = arith.muli %and3A_878, %mul3A_880 : vector<16xi32>
      %mul3A_882 = arith.constant 128 : i32
      %mul3A_883 = vector.broadcast %mul3A_882 : i32 to vector<16xi32>
      %mul3A_884 = arith.muli %get3A_873, %mul3A_883 : vector<16xi32>
      %add3A_885 = arith.addi %mul3A_881, %mul3A_884 : vector<16xi32>
      %and3A_886 = arith.constant 127 : i32
      %and3A_887 = vector.broadcast %and3A_886 : i32 to vector<16xi32>
      %and3A_888 = arith.andi %get3A_870, %and3A_887 : vector<16xi32>
      %add3A_889 = arith.addi %add3A_885, %and3A_888 : vector<16xi32>
      %mul3A_890 = arith.constant 524288 : i32
      %mul3A_891 = arith.muli %arg0, %mul3A_890 : i32
      %sub3A = vector.broadcast %mul3A_891 : i32 to vector<16xi32>
      %sub3A_892 = arith.subi %add3A_889, %sub3A : vector<16xi32>
      %and3A_893 = arith.constant 524287 : i32
      %and3A_894 = vector.broadcast %and3A_893 : i32 to vector<16xi32>
      %and3A_895 = arith.andi %sub3A_892, %and3A_894 : vector<16xi32>
      %select_n3A = arith.select %eq3A_876, %sub3A_892, %and3A_895 : vector<16xi1>, vector<16xi32>
      %mul3A_896 = arith.constant 16 : i32
      %mul3A_897 = arith.muli %scan3A_864, %mul3A_896 : i32
      %swap3A = arith.constant 25 : i32
      %swap3A_898 = arith.index_cast %swap3A : i32 to index
      %swap3A_899 = arith.index_cast %mul3A_897 : i32 to index
      %swap3A_900 = tpu.vector_load %arg7[%swap3A_898, %swap3A_899] {strides = array<i32>} : memref<32x128xi32, #tpu.memory_space<vmem>>, vector<1x16xi32>,
      %swap3A_901 = vector.shape_cast %swap3A_900 : vector<1x16xi32> to vector<16xi32>
      %swap3A_902 = vector.shape_cast %select_n3A : vector<16xi32> to vector<1x16xi32>
      tpu.vector_store %arg7[%swap3A_898, %swap3A_899], %swap3A_902 {strides = array<i32>} : memref<32x128xi32, #tpu.memory_space<vmem>>, vector<1x16xi32>,
      %select_n3A_903 = arith.select %eq3A_876, %broadcast_in_dim3A_22, %broadcast_in_dim3A_24 : vector<16xi1>, vector<16xf32>
      %mul3A_904 = arith.constant 16 : i32
      %mul3A_905 = arith.muli %scan3A_864, %mul3A_904 : i32
      %swap3A_906 = arith.constant 25 : i32
      %swap3A_907 = arith.index_cast %swap3A_906 : i32 to index
      %swap3A_908 = arith.index_cast %mul3A_905 : i32 to index
      %swap3A_909 = tpu.vector_load %arg8[%swap3A_907, %swap3A_908] {strides = array<i32>} : memref<32x128xf32, #tpu.memory_space<vmem>>, vector<1x16xf32>,
      %swap3A_910 = vector.shape_cast %swap3A_909 : vector<1x16xf32> to vector<16xf32>
      %swap3A_911 = vector.shape_cast %select_n3A_903 : vector<16xf32> to vector<1x16xf32>
      tpu.vector_store %arg8[%swap3A_907, %swap3A_908], %swap3A_911 {strides = array<i32>} : memref<32x128xf32, #tpu.memory_space<vmem>>, vector<1x16xf32>,
    }
    %scan3A_179 = arith.constant 8 : i32
    %scan3A_180 = arith.constant 0 : i32
    %scan3A_181 = arith.constant 0 : i32
    %scan3A_182 = arith.constant 8 : i32
    %scan3A_183 = arith.addi %scan3A_181, %scan3A_182 : i32
    %scan3A_184 = arith.constant 1 : i32
    scf.for %scan3A_864 = %scan3A_181 to %scan3A_183 step %scan3A_184  : i32 {
      %mul3A_865 = arith.constant 16 : i32
      %mul3A_866 = arith.muli %scan3A_864, %mul3A_865 : i32
      %add3A_867 = arith.constant 3328 : i32
      %add3A_868 = arith.addi %add3A_867, %mul3A_866 : i32
      %get3A = arith.index_cast %add3A_868 : i32 to index
      %get3A_869 = tpu.vector_load %arg5[%get3A] {strides = array<i32>} : memref<4096xi32, #tpu.memory_space<vmem>>, vector<16xi32>,
      %get3A_870 = vector.shape_cast %get3A_869 : vector<16xi32> to vector<16xi32>
      %get3A_871 = arith.index_cast %add3A_868 : i32 to index
      %get3A_872 = tpu.vector_load %arg6[%get3A_871] {strides = array<i32>} : memref<4096xi32, #tpu.memory_space<vmem>>, vector<16xi32>,
      %get3A_873 = vector.shape_cast %get3A_872 : vector<16xi32> to vector<16xi32>
      %shift_right_arithmetic3A = arith.constant 9 : i32
      %shift_right_arithmetic3A_874 = vector.broadcast %shift_right_arithmetic3A : i32 to vector<16xi32>
      %shift_right_arithmetic3A_875 = arith.shrsi %get3A_870, %shift_right_arithmetic3A_874 : vector<16xi32>
      %eq3A = vector.broadcast %arg0 : i32 to vector<16xi32>
      %eq3A_876 = arith.cmpi eq, %shift_right_arithmetic3A_875, %eq3A : vector<16xi32>
      %and3A = arith.constant -128 : i32
      %and3A_877 = vector.broadcast %and3A : i32 to vector<16xi32>
      %and3A_878 = arith.andi %get3A_870, %and3A_877 : vector<16xi32>
      %mul3A_879 = arith.constant 1024 : i32
      %mul3A_880 = vector.broadcast %mul3A_879 : i32 to vector<16xi32>
      %mul3A_881 = arith.muli %and3A_878, %mul3A_880 : vector<16xi32>
      %mul3A_882 = arith.constant 128 : i32
      %mul3A_883 = vector.broadcast %mul3A_882 : i32 to vector<16xi32>
      %mul3A_884 = arith.muli %get3A_873, %mul3A_883 : vector<16xi32>
      %add3A_885 = arith.addi %mul3A_881, %mul3A_884 : vector<16xi32>
      %and3A_886 = arith.constant 127 : i32
      %and3A_887 = vector.broadcast %and3A_886 : i32 to vector<16xi32>
      %and3A_888 = arith.andi %get3A_870, %and3A_887 : vector<16xi32>
      %add3A_889 = arith.addi %add3A_885, %and3A_888 : vector<16xi32>
      %mul3A_890 = arith.constant 524288 : i32
      %mul3A_891 = arith.muli %arg0, %mul3A_890 : i32
      %sub3A = vector.broadcast %mul3A_891 : i32 to vector<16xi32>
      %sub3A_892 = arith.subi %add3A_889, %sub3A : vector<16xi32>
      %and3A_893 = arith.constant 524287 : i32
      %and3A_894 = vector.broadcast %and3A_893 : i32 to vector<16xi32>
      %and3A_895 = arith.andi %sub3A_892, %and3A_894 : vector<16xi32>
      %select_n3A = arith.select %eq3A_876, %sub3A_892, %and3A_895 : vector<16xi1>, vector<16xi32>
      %mul3A_896 = arith.constant 16 : i32
      %mul3A_897 = arith.muli %scan3A_864, %mul3A_896 : i32
      %swap3A = arith.constant 26 : i32
      %swap3A_898 = arith.index_cast %swap3A : i32 to index
      %swap3A_899 = arith.index_cast %mul3A_897 : i32 to index
      %swap3A_900 = tpu.vector_load %arg7[%swap3A_898, %swap3A_899] {strides = array<i32>} : memref<32x128xi32, #tpu.memory_space<vmem>>, vector<1x16xi32>,
      %swap3A_901 = vector.shape_cast %swap3A_900 : vector<1x16xi32> to vector<16xi32>
      %swap3A_902 = vector.shape_cast %select_n3A : vector<16xi32> to vector<1x16xi32>
      tpu.vector_store %arg7[%swap3A_898, %swap3A_899], %swap3A_902 {strides = array<i32>} : memref<32x128xi32, #tpu.memory_space<vmem>>, vector<1x16xi32>,
      %select_n3A_903 = arith.select %eq3A_876, %broadcast_in_dim3A_22, %broadcast_in_dim3A_24 : vector<16xi1>, vector<16xf32>
      %mul3A_904 = arith.constant 16 : i32
      %mul3A_905 = arith.muli %scan3A_864, %mul3A_904 : i32
      %swap3A_906 = arith.constant 26 : i32
      %swap3A_907 = arith.index_cast %swap3A_906 : i32 to index
      %swap3A_908 = arith.index_cast %mul3A_905 : i32 to index
      %swap3A_909 = tpu.vector_load %arg8[%swap3A_907, %swap3A_908] {strides = array<i32>} : memref<32x128xf32, #tpu.memory_space<vmem>>, vector<1x16xf32>,
      %swap3A_910 = vector.shape_cast %swap3A_909 : vector<1x16xf32> to vector<16xf32>
      %swap3A_911 = vector.shape_cast %select_n3A_903 : vector<16xf32> to vector<1x16xf32>
      tpu.vector_store %arg8[%swap3A_907, %swap3A_908], %swap3A_911 {strides = array<i32>} : memref<32x128xf32, #tpu.memory_space<vmem>>, vector<1x16xf32>,
    }
    %scan3A_185 = arith.constant 8 : i32
    %scan3A_186 = arith.constant 0 : i32
    %scan3A_187 = arith.constant 0 : i32
    %scan3A_188 = arith.constant 8 : i32
    %scan3A_189 = arith.addi %scan3A_187, %scan3A_188 : i32
    %scan3A_190 = arith.constant 1 : i32
    scf.for %scan3A_864 = %scan3A_187 to %scan3A_189 step %scan3A_190  : i32 {
      %mul3A_865 = arith.constant 16 : i32
      %mul3A_866 = arith.muli %scan3A_864, %mul3A_865 : i32
      %add3A_867 = arith.constant 3456 : i32
      %add3A_868 = arith.addi %add3A_867, %mul3A_866 : i32
      %get3A = arith.index_cast %add3A_868 : i32 to index
      %get3A_869 = tpu.vector_load %arg5[%get3A] {strides = array<i32>} : memref<4096xi32, #tpu.memory_space<vmem>>, vector<16xi32>,
      %get3A_870 = vector.shape_cast %get3A_869 : vector<16xi32> to vector<16xi32>
      %get3A_871 = arith.index_cast %add3A_868 : i32 to index
      %get3A_872 = tpu.vector_load %arg6[%get3A_871] {strides = array<i32>} : memref<4096xi32, #tpu.memory_space<vmem>>, vector<16xi32>,
      %get3A_873 = vector.shape_cast %get3A_872 : vector<16xi32> to vector<16xi32>
      %shift_right_arithmetic3A = arith.constant 9 : i32
      %shift_right_arithmetic3A_874 = vector.broadcast %shift_right_arithmetic3A : i32 to vector<16xi32>
      %shift_right_arithmetic3A_875 = arith.shrsi %get3A_870, %shift_right_arithmetic3A_874 : vector<16xi32>
      %eq3A = vector.broadcast %arg0 : i32 to vector<16xi32>
      %eq3A_876 = arith.cmpi eq, %shift_right_arithmetic3A_875, %eq3A : vector<16xi32>
      %and3A = arith.constant -128 : i32
      %and3A_877 = vector.broadcast %and3A : i32 to vector<16xi32>
      %and3A_878 = arith.andi %get3A_870, %and3A_877 : vector<16xi32>
      %mul3A_879 = arith.constant 1024 : i32
      %mul3A_880 = vector.broadcast %mul3A_879 : i32 to vector<16xi32>
      %mul3A_881 = arith.muli %and3A_878, %mul3A_880 : vector<16xi32>
      %mul3A_882 = arith.constant 128 : i32
      %mul3A_883 = vector.broadcast %mul3A_882 : i32 to vector<16xi32>
      %mul3A_884 = arith.muli %get3A_873, %mul3A_883 : vector<16xi32>
      %add3A_885 = arith.addi %mul3A_881, %mul3A_884 : vector<16xi32>
      %and3A_886 = arith.constant 127 : i32
      %and3A_887 = vector.broadcast %and3A_886 : i32 to vector<16xi32>
      %and3A_888 = arith.andi %get3A_870, %and3A_887 : vector<16xi32>
      %add3A_889 = arith.addi %add3A_885, %and3A_888 : vector<16xi32>
      %mul3A_890 = arith.constant 524288 : i32
      %mul3A_891 = arith.muli %arg0, %mul3A_890 : i32
      %sub3A = vector.broadcast %mul3A_891 : i32 to vector<16xi32>
      %sub3A_892 = arith.subi %add3A_889, %sub3A : vector<16xi32>
      %and3A_893 = arith.constant 524287 : i32
      %and3A_894 = vector.broadcast %and3A_893 : i32 to vector<16xi32>
      %and3A_895 = arith.andi %sub3A_892, %and3A_894 : vector<16xi32>
      %select_n3A = arith.select %eq3A_876, %sub3A_892, %and3A_895 : vector<16xi1>, vector<16xi32>
      %mul3A_896 = arith.constant 16 : i32
      %mul3A_897 = arith.muli %scan3A_864, %mul3A_896 : i32
      %swap3A = arith.constant 27 : i32
      %swap3A_898 = arith.index_cast %swap3A : i32 to index
      %swap3A_899 = arith.index_cast %mul3A_897 : i32 to index
      %swap3A_900 = tpu.vector_load %arg7[%swap3A_898, %swap3A_899] {strides = array<i32>} : memref<32x128xi32, #tpu.memory_space<vmem>>, vector<1x16xi32>,
      %swap3A_901 = vector.shape_cast %swap3A_900 : vector<1x16xi32> to vector<16xi32>
      %swap3A_902 = vector.shape_cast %select_n3A : vector<16xi32> to vector<1x16xi32>
      tpu.vector_store %arg7[%swap3A_898, %swap3A_899], %swap3A_902 {strides = array<i32>} : memref<32x128xi32, #tpu.memory_space<vmem>>, vector<1x16xi32>,
      %select_n3A_903 = arith.select %eq3A_876, %broadcast_in_dim3A_22, %broadcast_in_dim3A_24 : vector<16xi1>, vector<16xf32>
      %mul3A_904 = arith.constant 16 : i32
      %mul3A_905 = arith.muli %scan3A_864, %mul3A_904 : i32
      %swap3A_906 = arith.constant 27 : i32
      %swap3A_907 = arith.index_cast %swap3A_906 : i32 to index
      %swap3A_908 = arith.index_cast %mul3A_905 : i32 to index
      %swap3A_909 = tpu.vector_load %arg8[%swap3A_907, %swap3A_908] {strides = array<i32>} : memref<32x128xf32, #tpu.memory_space<vmem>>, vector<1x16xf32>,
      %swap3A_910 = vector.shape_cast %swap3A_909 : vector<1x16xf32> to vector<16xf32>
      %swap3A_911 = vector.shape_cast %select_n3A_903 : vector<16xf32> to vector<1x16xf32>
      tpu.vector_store %arg8[%swap3A_907, %swap3A_908], %swap3A_911 {strides = array<i32>} : memref<32x128xf32, #tpu.memory_space<vmem>>, vector<1x16xf32>,
    }
    %scan3A_191 = arith.constant 8 : i32
    %scan3A_192 = arith.constant 0 : i32
    %scan3A_193 = arith.constant 0 : i32
    %scan3A_194 = arith.constant 8 : i32
    %scan3A_195 = arith.addi %scan3A_193, %scan3A_194 : i32
    %scan3A_196 = arith.constant 1 : i32
    scf.for %scan3A_864 = %scan3A_193 to %scan3A_195 step %scan3A_196  : i32 {
      %mul3A_865 = arith.constant 16 : i32
      %mul3A_866 = arith.muli %scan3A_864, %mul3A_865 : i32
      %add3A_867 = arith.constant 3584 : i32
      %add3A_868 = arith.addi %add3A_867, %mul3A_866 : i32
      %get3A = arith.index_cast %add3A_868 : i32 to index
      %get3A_869 = tpu.vector_load %arg5[%get3A] {strides = array<i32>} : memref<4096xi32, #tpu.memory_space<vmem>>, vector<16xi32>,
      %get3A_870 = vector.shape_cast %get3A_869 : vector<16xi32> to vector<16xi32>
      %get3A_871 = arith.index_cast %add3A_868 : i32 to index
      %get3A_872 = tpu.vector_load %arg6[%get3A_871] {strides = array<i32>} : memref<4096xi32, #tpu.memory_space<vmem>>, vector<16xi32>,
      %get3A_873 = vector.shape_cast %get3A_872 : vector<16xi32> to vector<16xi32>
      %shift_right_arithmetic3A = arith.constant 9 : i32
      %shift_right_arithmetic3A_874 = vector.broadcast %shift_right_arithmetic3A : i32 to vector<16xi32>
      %shift_right_arithmetic3A_875 = arith.shrsi %get3A_870, %shift_right_arithmetic3A_874 : vector<16xi32>
      %eq3A = vector.broadcast %arg0 : i32 to vector<16xi32>
      %eq3A_876 = arith.cmpi eq, %shift_right_arithmetic3A_875, %eq3A : vector<16xi32>
      %and3A = arith.constant -128 : i32
      %and3A_877 = vector.broadcast %and3A : i32 to vector<16xi32>
      %and3A_878 = arith.andi %get3A_870, %and3A_877 : vector<16xi32>
      %mul3A_879 = arith.constant 1024 : i32
      %mul3A_880 = vector.broadcast %mul3A_879 : i32 to vector<16xi32>
      %mul3A_881 = arith.muli %and3A_878, %mul3A_880 : vector<16xi32>
      %mul3A_882 = arith.constant 128 : i32
      %mul3A_883 = vector.broadcast %mul3A_882 : i32 to vector<16xi32>
      %mul3A_884 = arith.muli %get3A_873, %mul3A_883 : vector<16xi32>
      %add3A_885 = arith.addi %mul3A_881, %mul3A_884 : vector<16xi32>
      %and3A_886 = arith.constant 127 : i32
      %and3A_887 = vector.broadcast %and3A_886 : i32 to vector<16xi32>
      %and3A_888 = arith.andi %get3A_870, %and3A_887 : vector<16xi32>
      %add3A_889 = arith.addi %add3A_885, %and3A_888 : vector<16xi32>
      %mul3A_890 = arith.constant 524288 : i32
      %mul3A_891 = arith.muli %arg0, %mul3A_890 : i32
      %sub3A = vector.broadcast %mul3A_891 : i32 to vector<16xi32>
      %sub3A_892 = arith.subi %add3A_889, %sub3A : vector<16xi32>
      %and3A_893 = arith.constant 524287 : i32
      %and3A_894 = vector.broadcast %and3A_893 : i32 to vector<16xi32>
      %and3A_895 = arith.andi %sub3A_892, %and3A_894 : vector<16xi32>
      %select_n3A = arith.select %eq3A_876, %sub3A_892, %and3A_895 : vector<16xi1>, vector<16xi32>
      %mul3A_896 = arith.constant 16 : i32
      %mul3A_897 = arith.muli %scan3A_864, %mul3A_896 : i32
      %swap3A = arith.constant 28 : i32
      %swap3A_898 = arith.index_cast %swap3A : i32 to index
      %swap3A_899 = arith.index_cast %mul3A_897 : i32 to index
      %swap3A_900 = tpu.vector_load %arg7[%swap3A_898, %swap3A_899] {strides = array<i32>} : memref<32x128xi32, #tpu.memory_space<vmem>>, vector<1x16xi32>,
      %swap3A_901 = vector.shape_cast %swap3A_900 : vector<1x16xi32> to vector<16xi32>
      %swap3A_902 = vector.shape_cast %select_n3A : vector<16xi32> to vector<1x16xi32>
      tpu.vector_store %arg7[%swap3A_898, %swap3A_899], %swap3A_902 {strides = array<i32>} : memref<32x128xi32, #tpu.memory_space<vmem>>, vector<1x16xi32>,
      %select_n3A_903 = arith.select %eq3A_876, %broadcast_in_dim3A_22, %broadcast_in_dim3A_24 : vector<16xi1>, vector<16xf32>
      %mul3A_904 = arith.constant 16 : i32
      %mul3A_905 = arith.muli %scan3A_864, %mul3A_904 : i32
      %swap3A_906 = arith.constant 28 : i32
      %swap3A_907 = arith.index_cast %swap3A_906 : i32 to index
      %swap3A_908 = arith.index_cast %mul3A_905 : i32 to index
      %swap3A_909 = tpu.vector_load %arg8[%swap3A_907, %swap3A_908] {strides = array<i32>} : memref<32x128xf32, #tpu.memory_space<vmem>>, vector<1x16xf32>,
      %swap3A_910 = vector.shape_cast %swap3A_909 : vector<1x16xf32> to vector<16xf32>
      %swap3A_911 = vector.shape_cast %select_n3A_903 : vector<16xf32> to vector<1x16xf32>
      tpu.vector_store %arg8[%swap3A_907, %swap3A_908], %swap3A_911 {strides = array<i32>} : memref<32x128xf32, #tpu.memory_space<vmem>>, vector<1x16xf32>,
    }
    %scan3A_197 = arith.constant 8 : i32
    %scan3A_198 = arith.constant 0 : i32
    %scan3A_199 = arith.constant 0 : i32
    %scan3A_200 = arith.constant 8 : i32
    %scan3A_201 = arith.addi %scan3A_199, %scan3A_200 : i32
    %scan3A_202 = arith.constant 1 : i32
    scf.for %scan3A_864 = %scan3A_199 to %scan3A_201 step %scan3A_202  : i32 {
      %mul3A_865 = arith.constant 16 : i32
      %mul3A_866 = arith.muli %scan3A_864, %mul3A_865 : i32
      %add3A_867 = arith.constant 3712 : i32
      %add3A_868 = arith.addi %add3A_867, %mul3A_866 : i32
      %get3A = arith.index_cast %add3A_868 : i32 to index
      %get3A_869 = tpu.vector_load %arg5[%get3A] {strides = array<i32>} : memref<4096xi32, #tpu.memory_space<vmem>>, vector<16xi32>,
      %get3A_870 = vector.shape_cast %get3A_869 : vector<16xi32> to vector<16xi32>
      %get3A_871 = arith.index_cast %add3A_868 : i32 to index
      %get3A_872 = tpu.vector_load %arg6[%get3A_871] {strides = array<i32>} : memref<4096xi32, #tpu.memory_space<vmem>>, vector<16xi32>,
      %get3A_873 = vector.shape_cast %get3A_872 : vector<16xi32> to vector<16xi32>
      %shift_right_arithmetic3A = arith.constant 9 : i32
      %shift_right_arithmetic3A_874 = vector.broadcast %shift_right_arithmetic3A : i32 to vector<16xi32>
      %shift_right_arithmetic3A_875 = arith.shrsi %get3A_870, %shift_right_arithmetic3A_874 : vector<16xi32>
      %eq3A = vector.broadcast %arg0 : i32 to vector<16xi32>
      %eq3A_876 = arith.cmpi eq, %shift_right_arithmetic3A_875, %eq3A : vector<16xi32>
      %and3A = arith.constant -128 : i32
      %and3A_877 = vector.broadcast %and3A : i32 to vector<16xi32>
      %and3A_878 = arith.andi %get3A_870, %and3A_877 : vector<16xi32>
      %mul3A_879 = arith.constant 1024 : i32
      %mul3A_880 = vector.broadcast %mul3A_879 : i32 to vector<16xi32>
      %mul3A_881 = arith.muli %and3A_878, %mul3A_880 : vector<16xi32>
      %mul3A_882 = arith.constant 128 : i32
      %mul3A_883 = vector.broadcast %mul3A_882 : i32 to vector<16xi32>
      %mul3A_884 = arith.muli %get3A_873, %mul3A_883 : vector<16xi32>
      %add3A_885 = arith.addi %mul3A_881, %mul3A_884 : vector<16xi32>
      %and3A_886 = arith.constant 127 : i32
      %and3A_887 = vector.broadcast %and3A_886 : i32 to vector<16xi32>
      %and3A_888 = arith.andi %get3A_870, %and3A_887 : vector<16xi32>
      %add3A_889 = arith.addi %add3A_885, %and3A_888 : vector<16xi32>
      %mul3A_890 = arith.constant 524288 : i32
      %mul3A_891 = arith.muli %arg0, %mul3A_890 : i32
      %sub3A = vector.broadcast %mul3A_891 : i32 to vector<16xi32>
      %sub3A_892 = arith.subi %add3A_889, %sub3A : vector<16xi32>
      %and3A_893 = arith.constant 524287 : i32
      %and3A_894 = vector.broadcast %and3A_893 : i32 to vector<16xi32>
      %and3A_895 = arith.andi %sub3A_892, %and3A_894 : vector<16xi32>
      %select_n3A = arith.select %eq3A_876, %sub3A_892, %and3A_895 : vector<16xi1>, vector<16xi32>
      %mul3A_896 = arith.constant 16 : i32
      %mul3A_897 = arith.muli %scan3A_864, %mul3A_896 : i32
      %swap3A = arith.constant 29 : i32
      %swap3A_898 = arith.index_cast %swap3A : i32 to index
      %swap3A_899 = arith.index_cast %mul3A_897 : i32 to index
      %swap3A_900 = tpu.vector_load %arg7[%swap3A_898, %swap3A_899] {strides = array<i32>} : memref<32x128xi32, #tpu.memory_space<vmem>>, vector<1x16xi32>,
      %swap3A_901 = vector.shape_cast %swap3A_900 : vector<1x16xi32> to vector<16xi32>
      %swap3A_902 = vector.shape_cast %select_n3A : vector<16xi32> to vector<1x16xi32>
      tpu.vector_store %arg7[%swap3A_898, %swap3A_899], %swap3A_902 {strides = array<i32>} : memref<32x128xi32, #tpu.memory_space<vmem>>, vector<1x16xi32>,
      %select_n3A_903 = arith.select %eq3A_876, %broadcast_in_dim3A_22, %broadcast_in_dim3A_24 : vector<16xi1>, vector<16xf32>
      %mul3A_904 = arith.constant 16 : i32
      %mul3A_905 = arith.muli %scan3A_864, %mul3A_904 : i32
      %swap3A_906 = arith.constant 29 : i32
      %swap3A_907 = arith.index_cast %swap3A_906 : i32 to index
      %swap3A_908 = arith.index_cast %mul3A_905 : i32 to index
      %swap3A_909 = tpu.vector_load %arg8[%swap3A_907, %swap3A_908] {strides = array<i32>} : memref<32x128xf32, #tpu.memory_space<vmem>>, vector<1x16xf32>,
      %swap3A_910 = vector.shape_cast %swap3A_909 : vector<1x16xf32> to vector<16xf32>
      %swap3A_911 = vector.shape_cast %select_n3A_903 : vector<16xf32> to vector<1x16xf32>
      tpu.vector_store %arg8[%swap3A_907, %swap3A_908], %swap3A_911 {strides = array<i32>} : memref<32x128xf32, #tpu.memory_space<vmem>>, vector<1x16xf32>,
    }
    %scan3A_203 = arith.constant 8 : i32
    %scan3A_204 = arith.constant 0 : i32
    %scan3A_205 = arith.constant 0 : i32
    %scan3A_206 = arith.constant 8 : i32
    %scan3A_207 = arith.addi %scan3A_205, %scan3A_206 : i32
    %scan3A_208 = arith.constant 1 : i32
    scf.for %scan3A_864 = %scan3A_205 to %scan3A_207 step %scan3A_208  : i32 {
      %mul3A_865 = arith.constant 16 : i32
      %mul3A_866 = arith.muli %scan3A_864, %mul3A_865 : i32
      %add3A_867 = arith.constant 3840 : i32
      %add3A_868 = arith.addi %add3A_867, %mul3A_866 : i32
      %get3A = arith.index_cast %add3A_868 : i32 to index
      %get3A_869 = tpu.vector_load %arg5[%get3A] {strides = array<i32>} : memref<4096xi32, #tpu.memory_space<vmem>>, vector<16xi32>,
      %get3A_870 = vector.shape_cast %get3A_869 : vector<16xi32> to vector<16xi32>
      %get3A_871 = arith.index_cast %add3A_868 : i32 to index
      %get3A_872 = tpu.vector_load %arg6[%get3A_871] {strides = array<i32>} : memref<4096xi32, #tpu.memory_space<vmem>>, vector<16xi32>,
      %get3A_873 = vector.shape_cast %get3A_872 : vector<16xi32> to vector<16xi32>
      %shift_right_arithmetic3A = arith.constant 9 : i32
      %shift_right_arithmetic3A_874 = vector.broadcast %shift_right_arithmetic3A : i32 to vector<16xi32>
      %shift_right_arithmetic3A_875 = arith.shrsi %get3A_870, %shift_right_arithmetic3A_874 : vector<16xi32>
      %eq3A = vector.broadcast %arg0 : i32 to vector<16xi32>
      %eq3A_876 = arith.cmpi eq, %shift_right_arithmetic3A_875, %eq3A : vector<16xi32>
      %and3A = arith.constant -128 : i32
      %and3A_877 = vector.broadcast %and3A : i32 to vector<16xi32>
      %and3A_878 = arith.andi %get3A_870, %and3A_877 : vector<16xi32>
      %mul3A_879 = arith.constant 1024 : i32
      %mul3A_880 = vector.broadcast %mul3A_879 : i32 to vector<16xi32>
      %mul3A_881 = arith.muli %and3A_878, %mul3A_880 : vector<16xi32>
      %mul3A_882 = arith.constant 128 : i32
      %mul3A_883 = vector.broadcast %mul3A_882 : i32 to vector<16xi32>
      %mul3A_884 = arith.muli %get3A_873, %mul3A_883 : vector<16xi32>
      %add3A_885 = arith.addi %mul3A_881, %mul3A_884 : vector<16xi32>
      %and3A_886 = arith.constant 127 : i32
      %and3A_887 = vector.broadcast %and3A_886 : i32 to vector<16xi32>
      %and3A_888 = arith.andi %get3A_870, %and3A_887 : vector<16xi32>
      %add3A_889 = arith.addi %add3A_885, %and3A_888 : vector<16xi32>
      %mul3A_890 = arith.constant 524288 : i32
      %mul3A_891 = arith.muli %arg0, %mul3A_890 : i32
      %sub3A = vector.broadcast %mul3A_891 : i32 to vector<16xi32>
      %sub3A_892 = arith.subi %add3A_889, %sub3A : vector<16xi32>
      %and3A_893 = arith.constant 524287 : i32
      %and3A_894 = vector.broadcast %and3A_893 : i32 to vector<16xi32>
      %and3A_895 = arith.andi %sub3A_892, %and3A_894 : vector<16xi32>
      %select_n3A = arith.select %eq3A_876, %sub3A_892, %and3A_895 : vector<16xi1>, vector<16xi32>
      %mul3A_896 = arith.constant 16 : i32
      %mul3A_897 = arith.muli %scan3A_864, %mul3A_896 : i32
      %swap3A = arith.constant 30 : i32
      %swap3A_898 = arith.index_cast %swap3A : i32 to index
      %swap3A_899 = arith.index_cast %mul3A_897 : i32 to index
      %swap3A_900 = tpu.vector_load %arg7[%swap3A_898, %swap3A_899] {strides = array<i32>} : memref<32x128xi32, #tpu.memory_space<vmem>>, vector<1x16xi32>,
      %swap3A_901 = vector.shape_cast %swap3A_900 : vector<1x16xi32> to vector<16xi32>
      %swap3A_902 = vector.shape_cast %select_n3A : vector<16xi32> to vector<1x16xi32>
      tpu.vector_store %arg7[%swap3A_898, %swap3A_899], %swap3A_902 {strides = array<i32>} : memref<32x128xi32, #tpu.memory_space<vmem>>, vector<1x16xi32>,
      %select_n3A_903 = arith.select %eq3A_876, %broadcast_in_dim3A_22, %broadcast_in_dim3A_24 : vector<16xi1>, vector<16xf32>
      %mul3A_904 = arith.constant 16 : i32
      %mul3A_905 = arith.muli %scan3A_864, %mul3A_904 : i32
      %swap3A_906 = arith.constant 30 : i32
      %swap3A_907 = arith.index_cast %swap3A_906 : i32 to index
      %swap3A_908 = arith.index_cast %mul3A_905 : i32 to index
      %swap3A_909 = tpu.vector_load %arg8[%swap3A_907, %swap3A_908] {strides = array<i32>} : memref<32x128xf32, #tpu.memory_space<vmem>>, vector<1x16xf32>,
      %swap3A_910 = vector.shape_cast %swap3A_909 : vector<1x16xf32> to vector<16xf32>
      %swap3A_911 = vector.shape_cast %select_n3A_903 : vector<16xf32> to vector<1x16xf32>
      tpu.vector_store %arg8[%swap3A_907, %swap3A_908], %swap3A_911 {strides = array<i32>} : memref<32x128xf32, #tpu.memory_space<vmem>>, vector<1x16xf32>,
    }
    %scan3A_209 = arith.constant 8 : i32
    %scan3A_210 = arith.constant 0 : i32
    %scan3A_211 = arith.constant 0 : i32
    %scan3A_212 = arith.constant 8 : i32
    %scan3A_213 = arith.addi %scan3A_211, %scan3A_212 : i32
    %scan3A_214 = arith.constant 1 : i32
    scf.for %scan3A_864 = %scan3A_211 to %scan3A_213 step %scan3A_214  : i32 {
      %mul3A_865 = arith.constant 16 : i32
      %mul3A_866 = arith.muli %scan3A_864, %mul3A_865 : i32
      %add3A_867 = arith.constant 3968 : i32
      %add3A_868 = arith.addi %add3A_867, %mul3A_866 : i32
      %get3A = arith.index_cast %add3A_868 : i32 to index
      %get3A_869 = tpu.vector_load %arg5[%get3A] {strides = array<i32>} : memref<4096xi32, #tpu.memory_space<vmem>>, vector<16xi32>,
      %get3A_870 = vector.shape_cast %get3A_869 : vector<16xi32> to vector<16xi32>
      %get3A_871 = arith.index_cast %add3A_868 : i32 to index
      %get3A_872 = tpu.vector_load %arg6[%get3A_871] {strides = array<i32>} : memref<4096xi32, #tpu.memory_space<vmem>>, vector<16xi32>,
      %get3A_873 = vector.shape_cast %get3A_872 : vector<16xi32> to vector<16xi32>
      %shift_right_arithmetic3A = arith.constant 9 : i32
      %shift_right_arithmetic3A_874 = vector.broadcast %shift_right_arithmetic3A : i32 to vector<16xi32>
      %shift_right_arithmetic3A_875 = arith.shrsi %get3A_870, %shift_right_arithmetic3A_874 : vector<16xi32>
      %eq3A = vector.broadcast %arg0 : i32 to vector<16xi32>
      %eq3A_876 = arith.cmpi eq, %shift_right_arithmetic3A_875, %eq3A : vector<16xi32>
      %and3A = arith.constant -128 : i32
      %and3A_877 = vector.broadcast %and3A : i32 to vector<16xi32>
      %and3A_878 = arith.andi %get3A_870, %and3A_877 : vector<16xi32>
      %mul3A_879 = arith.constant 1024 : i32
      %mul3A_880 = vector.broadcast %mul3A_879 : i32 to vector<16xi32>
      %mul3A_881 = arith.muli %and3A_878, %mul3A_880 : vector<16xi32>
      %mul3A_882 = arith.constant 128 : i32
      %mul3A_883 = vector.broadcast %mul3A_882 : i32 to vector<16xi32>
      %mul3A_884 = arith.muli %get3A_873, %mul3A_883 : vector<16xi32>
      %add3A_885 = arith.addi %mul3A_881, %mul3A_884 : vector<16xi32>
      %and3A_886 = arith.constant 127 : i32
      %and3A_887 = vector.broadcast %and3A_886 : i32 to vector<16xi32>
      %and3A_888 = arith.andi %get3A_870, %and3A_887 : vector<16xi32>
      %add3A_889 = arith.addi %add3A_885, %and3A_888 : vector<16xi32>
      %mul3A_890 = arith.constant 524288 : i32
      %mul3A_891 = arith.muli %arg0, %mul3A_890 : i32
      %sub3A = vector.broadcast %mul3A_891 : i32 to vector<16xi32>
      %sub3A_892 = arith.subi %add3A_889, %sub3A : vector<16xi32>
      %and3A_893 = arith.constant 524287 : i32
      %and3A_894 = vector.broadcast %and3A_893 : i32 to vector<16xi32>
      %and3A_895 = arith.andi %sub3A_892, %and3A_894 : vector<16xi32>
      %select_n3A = arith.select %eq3A_876, %sub3A_892, %and3A_895 : vector<16xi1>, vector<16xi32>
      %mul3A_896 = arith.constant 16 : i32
      %mul3A_897 = arith.muli %scan3A_864, %mul3A_896 : i32
      %swap3A = arith.constant 31 : i32
      %swap3A_898 = arith.index_cast %swap3A : i32 to index
      %swap3A_899 = arith.index_cast %mul3A_897 : i32 to index
      %swap3A_900 = tpu.vector_load %arg7[%swap3A_898, %swap3A_899] {strides = array<i32>} : memref<32x128xi32, #tpu.memory_space<vmem>>, vector<1x16xi32>,
      %swap3A_901 = vector.shape_cast %swap3A_900 : vector<1x16xi32> to vector<16xi32>
      %swap3A_902 = vector.shape_cast %select_n3A : vector<16xi32> to vector<1x16xi32>
      tpu.vector_store %arg7[%swap3A_898, %swap3A_899], %swap3A_902 {strides = array<i32>} : memref<32x128xi32, #tpu.memory_space<vmem>>, vector<1x16xi32>,
      %select_n3A_903 = arith.select %eq3A_876, %broadcast_in_dim3A_22, %broadcast_in_dim3A_24 : vector<16xi1>, vector<16xf32>
      %mul3A_904 = arith.constant 16 : i32
      %mul3A_905 = arith.muli %scan3A_864, %mul3A_904 : i32
      %swap3A_906 = arith.constant 31 : i32
      %swap3A_907 = arith.index_cast %swap3A_906 : i32 to index
      %swap3A_908 = arith.index_cast %mul3A_905 : i32 to index
      %swap3A_909 = tpu.vector_load %arg8[%swap3A_907, %swap3A_908] {strides = array<i32>} : memref<32x128xf32, #tpu.memory_space<vmem>>, vector<1x16xf32>,
      %swap3A_910 = vector.shape_cast %swap3A_909 : vector<1x16xf32> to vector<16xf32>
      %swap3A_911 = vector.shape_cast %select_n3A_903 : vector<16xf32> to vector<1x16xf32>
      tpu.vector_store %arg8[%swap3A_907, %swap3A_908], %swap3A_911 {strides = array<i32>} : memref<32x128xf32, #tpu.memory_space<vmem>>, vector<1x16xf32>,
    }
    %scan3A_215 = arith.constant 8 : i32
    %dma_wait3A_216 = tpu.memref_slice %arg9[%mul3A_2] : memref<524288xf32, #tpu.memory_space<vmem_shared>> -> memref<32768xf32, #tpu.memory_space<vmem_shared>>
    tpu.wait_dma2 semaphore(%arg10 : memref<!tpu.dma_semaphore, #tpu.memory_space<semaphore_mem>>) src(%arg3 : memref<32768xf32, #tpu.memory_space<hbm>>) dst(%dma_wait3A_216 : memref<32768xf32, #tpu.memory_space<vmem_shared>>)
    %barrier3A = arith.constant 0 : index
    tpu.barrier barrier_id(%barrier3A)
    %dma_start3A_217 = arith.constant 0 : i32
    %dma_start3A_218 = arith.constant 0 : i32
    %dma_start3A_219 = arith.constant 0 : i32
    %dma_start3A_220 = tpu.memref_slice %arg8[%dma_start3A_217, %dma_start3A_219] : memref<32x128xf32, #tpu.memory_space<vmem>> -> memref<1x128xf32, #tpu.memory_space<vmem>>
    %dma_start3A_221 = tpu.memref_squeeze %dma_start3A_220 : memref<1x128xf32, #tpu.memory_space<vmem>> -> memref<128xf32, #tpu.memory_space<vmem>>
    %dma_start3A_222 = arith.constant 0 : i32
    %dma_start3A_223 = tpu.memref_slice %arg7[%dma_start3A_218, %dma_start3A_222] : memref<32x128xi32, #tpu.memory_space<vmem>> -> memref<1x128xi32, #tpu.memory_space<vmem>>
    %dma_start3A_224 = tpu.memref_squeeze %dma_start3A_223 : memref<1x128xi32, #tpu.memory_space<vmem>> -> memref<128xi32, #tpu.memory_space<vmem>>
    %dma_start3A_225 = arith.constant 0 : i32
    %dma_start3A_226 = tpu.memref_slice %arg9[%dma_start3A_225] : memref<524288xf32, #tpu.memory_space<vmem_shared>> -> memref<524288xf32, #tpu.memory_space<vmem_shared>>
    tpu.enqueue_indirect_dma source(%dma_start3A_221 : memref<128xf32, #tpu.memory_space<vmem>>) target(%dma_start3A_226 : memref<524288xf32, #tpu.memory_space<vmem_shared>>) offsets(%dma_start3A_224 : memref<128xi32, #tpu.memory_space<vmem>>) semaphore(%arg12 : memref<!tpu.dma_semaphore, #tpu.memory_space<semaphore_mem>>) {add = true}
    %dma_start3A_227 = arith.constant 1 : i32
    %dma_start3A_228 = arith.constant 1 : i32
    %dma_start3A_229 = arith.constant 0 : i32
    %dma_start3A_230 = tpu.memref_slice %arg8[%dma_start3A_227, %dma_start3A_229] : memref<32x128xf32, #tpu.memory_space<vmem>> -> memref<1x128xf32, #tpu.memory_space<vmem>>
    %dma_start3A_231 = tpu.memref_squeeze %dma_start3A_230 : memref<1x128xf32, #tpu.memory_space<vmem>> -> memref<128xf32, #tpu.memory_space<vmem>>
    %dma_start3A_232 = arith.constant 0 : i32
    %dma_start3A_233 = tpu.memref_slice %arg7[%dma_start3A_228, %dma_start3A_232] : memref<32x128xi32, #tpu.memory_space<vmem>> -> memref<1x128xi32, #tpu.memory_space<vmem>>
    %dma_start3A_234 = tpu.memref_squeeze %dma_start3A_233 : memref<1x128xi32, #tpu.memory_space<vmem>> -> memref<128xi32, #tpu.memory_space<vmem>>
    %dma_start3A_235 = arith.constant 0 : i32
    %dma_start3A_236 = tpu.memref_slice %arg9[%dma_start3A_235] : memref<524288xf32, #tpu.memory_space<vmem_shared>> -> memref<524288xf32, #tpu.memory_space<vmem_shared>>
    tpu.enqueue_indirect_dma source(%dma_start3A_231 : memref<128xf32, #tpu.memory_space<vmem>>) target(%dma_start3A_236 : memref<524288xf32, #tpu.memory_space<vmem_shared>>) offsets(%dma_start3A_234 : memref<128xi32, #tpu.memory_space<vmem>>) semaphore(%arg12 : memref<!tpu.dma_semaphore, #tpu.memory_space<semaphore_mem>>) {add = true}
    %dma_start3A_237 = arith.constant 2 : i32
    %dma_start3A_238 = arith.constant 2 : i32
    %dma_start3A_239 = arith.constant 0 : i32
    %dma_start3A_240 = tpu.memref_slice %arg8[%dma_start3A_237, %dma_start3A_239] : memref<32x128xf32, #tpu.memory_space<vmem>> -> memref<1x128xf32, #tpu.memory_space<vmem>>
    %dma_start3A_241 = tpu.memref_squeeze %dma_start3A_240 : memref<1x128xf32, #tpu.memory_space<vmem>> -> memref<128xf32, #tpu.memory_space<vmem>>
    %dma_start3A_242 = arith.constant 0 : i32
    %dma_start3A_243 = tpu.memref_slice %arg7[%dma_start3A_238, %dma_start3A_242] : memref<32x128xi32, #tpu.memory_space<vmem>> -> memref<1x128xi32, #tpu.memory_space<vmem>>
    %dma_start3A_244 = tpu.memref_squeeze %dma_start3A_243 : memref<1x128xi32, #tpu.memory_space<vmem>> -> memref<128xi32, #tpu.memory_space<vmem>>
    %dma_start3A_245 = arith.constant 0 : i32
    %dma_start3A_246 = tpu.memref_slice %arg9[%dma_start3A_245] : memref<524288xf32, #tpu.memory_space<vmem_shared>> -> memref<524288xf32, #tpu.memory_space<vmem_shared>>
    tpu.enqueue_indirect_dma source(%dma_start3A_241 : memref<128xf32, #tpu.memory_space<vmem>>) target(%dma_start3A_246 : memref<524288xf32, #tpu.memory_space<vmem_shared>>) offsets(%dma_start3A_244 : memref<128xi32, #tpu.memory_space<vmem>>) semaphore(%arg12 : memref<!tpu.dma_semaphore, #tpu.memory_space<semaphore_mem>>) {add = true}
    %dma_start3A_247 = arith.constant 3 : i32
    %dma_start3A_248 = arith.constant 3 : i32
    %dma_start3A_249 = arith.constant 0 : i32
    %dma_start3A_250 = tpu.memref_slice %arg8[%dma_start3A_247, %dma_start3A_249] : memref<32x128xf32, #tpu.memory_space<vmem>> -> memref<1x128xf32, #tpu.memory_space<vmem>>
    %dma_start3A_251 = tpu.memref_squeeze %dma_start3A_250 : memref<1x128xf32, #tpu.memory_space<vmem>> -> memref<128xf32, #tpu.memory_space<vmem>>
    %dma_start3A_252 = arith.constant 0 : i32
    %dma_start3A_253 = tpu.memref_slice %arg7[%dma_start3A_248, %dma_start3A_252] : memref<32x128xi32, #tpu.memory_space<vmem>> -> memref<1x128xi32, #tpu.memory_space<vmem>>
    %dma_start3A_254 = tpu.memref_squeeze %dma_start3A_253 : memref<1x128xi32, #tpu.memory_space<vmem>> -> memref<128xi32, #tpu.memory_space<vmem>>
    %dma_start3A_255 = arith.constant 0 : i32
    %dma_start3A_256 = tpu.memref_slice %arg9[%dma_start3A_255] : memref<524288xf32, #tpu.memory_space<vmem_shared>> -> memref<524288xf32, #tpu.memory_space<vmem_shared>>
    tpu.enqueue_indirect_dma source(%dma_start3A_251 : memref<128xf32, #tpu.memory_space<vmem>>) target(%dma_start3A_256 : memref<524288xf32, #tpu.memory_space<vmem_shared>>) offsets(%dma_start3A_254 : memref<128xi32, #tpu.memory_space<vmem>>) semaphore(%arg12 : memref<!tpu.dma_semaphore, #tpu.memory_space<semaphore_mem>>) {add = true}
    %dma_start3A_257 = arith.constant 4 : i32
    %dma_start3A_258 = arith.constant 4 : i32
    %dma_start3A_259 = arith.constant 0 : i32
    %dma_start3A_260 = tpu.memref_slice %arg8[%dma_start3A_257, %dma_start3A_259] : memref<32x128xf32, #tpu.memory_space<vmem>> -> memref<1x128xf32, #tpu.memory_space<vmem>>
    %dma_start3A_261 = tpu.memref_squeeze %dma_start3A_260 : memref<1x128xf32, #tpu.memory_space<vmem>> -> memref<128xf32, #tpu.memory_space<vmem>>
    %dma_start3A_262 = arith.constant 0 : i32
    %dma_start3A_263 = tpu.memref_slice %arg7[%dma_start3A_258, %dma_start3A_262] : memref<32x128xi32, #tpu.memory_space<vmem>> -> memref<1x128xi32, #tpu.memory_space<vmem>>
    %dma_start3A_264 = tpu.memref_squeeze %dma_start3A_263 : memref<1x128xi32, #tpu.memory_space<vmem>> -> memref<128xi32, #tpu.memory_space<vmem>>
    %dma_start3A_265 = arith.constant 0 : i32
    %dma_start3A_266 = tpu.memref_slice %arg9[%dma_start3A_265] : memref<524288xf32, #tpu.memory_space<vmem_shared>> -> memref<524288xf32, #tpu.memory_space<vmem_shared>>
    tpu.enqueue_indirect_dma source(%dma_start3A_261 : memref<128xf32, #tpu.memory_space<vmem>>) target(%dma_start3A_266 : memref<524288xf32, #tpu.memory_space<vmem_shared>>) offsets(%dma_start3A_264 : memref<128xi32, #tpu.memory_space<vmem>>) semaphore(%arg12 : memref<!tpu.dma_semaphore, #tpu.memory_space<semaphore_mem>>) {add = true}
    %dma_start3A_267 = arith.constant 5 : i32
    %dma_start3A_268 = arith.constant 5 : i32
    %dma_start3A_269 = arith.constant 0 : i32
    %dma_start3A_270 = tpu.memref_slice %arg8[%dma_start3A_267, %dma_start3A_269] : memref<32x128xf32, #tpu.memory_space<vmem>> -> memref<1x128xf32, #tpu.memory_space<vmem>>
    %dma_start3A_271 = tpu.memref_squeeze %dma_start3A_270 : memref<1x128xf32, #tpu.memory_space<vmem>> -> memref<128xf32, #tpu.memory_space<vmem>>
    %dma_start3A_272 = arith.constant 0 : i32
    %dma_start3A_273 = tpu.memref_slice %arg7[%dma_start3A_268, %dma_start3A_272] : memref<32x128xi32, #tpu.memory_space<vmem>> -> memref<1x128xi32, #tpu.memory_space<vmem>>
    %dma_start3A_274 = tpu.memref_squeeze %dma_start3A_273 : memref<1x128xi32, #tpu.memory_space<vmem>> -> memref<128xi32, #tpu.memory_space<vmem>>
    %dma_start3A_275 = arith.constant 0 : i32
    %dma_start3A_276 = tpu.memref_slice %arg9[%dma_start3A_275] : memref<524288xf32, #tpu.memory_space<vmem_shared>> -> memref<524288xf32, #tpu.memory_space<vmem_shared>>
    tpu.enqueue_indirect_dma source(%dma_start3A_271 : memref<128xf32, #tpu.memory_space<vmem>>) target(%dma_start3A_276 : memref<524288xf32, #tpu.memory_space<vmem_shared>>) offsets(%dma_start3A_274 : memref<128xi32, #tpu.memory_space<vmem>>) semaphore(%arg12 : memref<!tpu.dma_semaphore, #tpu.memory_space<semaphore_mem>>) {add = true}
    %dma_start3A_277 = arith.constant 6 : i32
    %dma_start3A_278 = arith.constant 6 : i32
    %dma_start3A_279 = arith.constant 0 : i32
    %dma_start3A_280 = tpu.memref_slice %arg8[%dma_start3A_277, %dma_start3A_279] : memref<32x128xf32, #tpu.memory_space<vmem>> -> memref<1x128xf32, #tpu.memory_space<vmem>>
    %dma_start3A_281 = tpu.memref_squeeze %dma_start3A_280 : memref<1x128xf32, #tpu.memory_space<vmem>> -> memref<128xf32, #tpu.memory_space<vmem>>
    %dma_start3A_282 = arith.constant 0 : i32
    %dma_start3A_283 = tpu.memref_slice %arg7[%dma_start3A_278, %dma_start3A_282] : memref<32x128xi32, #tpu.memory_space<vmem>> -> memref<1x128xi32, #tpu.memory_space<vmem>>
    %dma_start3A_284 = tpu.memref_squeeze %dma_start3A_283 : memref<1x128xi32, #tpu.memory_space<vmem>> -> memref<128xi32, #tpu.memory_space<vmem>>
    %dma_start3A_285 = arith.constant 0 : i32
    %dma_start3A_286 = tpu.memref_slice %arg9[%dma_start3A_285] : memref<524288xf32, #tpu.memory_space<vmem_shared>> -> memref<524288xf32, #tpu.memory_space<vmem_shared>>
    tpu.enqueue_indirect_dma source(%dma_start3A_281 : memref<128xf32, #tpu.memory_space<vmem>>) target(%dma_start3A_286 : memref<524288xf32, #tpu.memory_space<vmem_shared>>) offsets(%dma_start3A_284 : memref<128xi32, #tpu.memory_space<vmem>>) semaphore(%arg12 : memref<!tpu.dma_semaphore, #tpu.memory_space<semaphore_mem>>) {add = true}
    %dma_start3A_287 = arith.constant 7 : i32
    %dma_start3A_288 = arith.constant 7 : i32
    %dma_start3A_289 = arith.constant 0 : i32
    %dma_start3A_290 = tpu.memref_slice %arg8[%dma_start3A_287, %dma_start3A_289] : memref<32x128xf32, #tpu.memory_space<vmem>> -> memref<1x128xf32, #tpu.memory_space<vmem>>
    %dma_start3A_291 = tpu.memref_squeeze %dma_start3A_290 : memref<1x128xf32, #tpu.memory_space<vmem>> -> memref<128xf32, #tpu.memory_space<vmem>>
    %dma_start3A_292 = arith.constant 0 : i32
    %dma_start3A_293 = tpu.memref_slice %arg7[%dma_start3A_288, %dma_start3A_292] : memref<32x128xi32, #tpu.memory_space<vmem>> -> memref<1x128xi32, #tpu.memory_space<vmem>>
    %dma_start3A_294 = tpu.memref_squeeze %dma_start3A_293 : memref<1x128xi32, #tpu.memory_space<vmem>> -> memref<128xi32, #tpu.memory_space<vmem>>
    %dma_start3A_295 = arith.constant 0 : i32
    %dma_start3A_296 = tpu.memref_slice %arg9[%dma_start3A_295] : memref<524288xf32, #tpu.memory_space<vmem_shared>> -> memref<524288xf32, #tpu.memory_space<vmem_shared>>
    tpu.enqueue_indirect_dma source(%dma_start3A_291 : memref<128xf32, #tpu.memory_space<vmem>>) target(%dma_start3A_296 : memref<524288xf32, #tpu.memory_space<vmem_shared>>) offsets(%dma_start3A_294 : memref<128xi32, #tpu.memory_space<vmem>>) semaphore(%arg12 : memref<!tpu.dma_semaphore, #tpu.memory_space<semaphore_mem>>) {add = true}
    %dma_start3A_297 = arith.constant 8 : i32
    %dma_start3A_298 = arith.constant 8 : i32
    %dma_start3A_299 = arith.constant 0 : i32
    %dma_start3A_300 = tpu.memref_slice %arg8[%dma_start3A_297, %dma_start3A_299] : memref<32x128xf32, #tpu.memory_space<vmem>> -> memref<1x128xf32, #tpu.memory_space<vmem>>
    %dma_start3A_301 = tpu.memref_squeeze %dma_start3A_300 : memref<1x128xf32, #tpu.memory_space<vmem>> -> memref<128xf32, #tpu.memory_space<vmem>>
    %dma_start3A_302 = arith.constant 0 : i32
    %dma_start3A_303 = tpu.memref_slice %arg7[%dma_start3A_298, %dma_start3A_302] : memref<32x128xi32, #tpu.memory_space<vmem>> -> memref<1x128xi32, #tpu.memory_space<vmem>>
    %dma_start3A_304 = tpu.memref_squeeze %dma_start3A_303 : memref<1x128xi32, #tpu.memory_space<vmem>> -> memref<128xi32, #tpu.memory_space<vmem>>
    %dma_start3A_305 = arith.constant 0 : i32
    %dma_start3A_306 = tpu.memref_slice %arg9[%dma_start3A_305] : memref<524288xf32, #tpu.memory_space<vmem_shared>> -> memref<524288xf32, #tpu.memory_space<vmem_shared>>
    tpu.enqueue_indirect_dma source(%dma_start3A_301 : memref<128xf32, #tpu.memory_space<vmem>>) target(%dma_start3A_306 : memref<524288xf32, #tpu.memory_space<vmem_shared>>) offsets(%dma_start3A_304 : memref<128xi32, #tpu.memory_space<vmem>>) semaphore(%arg12 : memref<!tpu.dma_semaphore, #tpu.memory_space<semaphore_mem>>) {add = true}
    %dma_start3A_307 = arith.constant 9 : i32
    %dma_start3A_308 = arith.constant 9 : i32
    %dma_start3A_309 = arith.constant 0 : i32
    %dma_start3A_310 = tpu.memref_slice %arg8[%dma_start3A_307, %dma_start3A_309] : memref<32x128xf32, #tpu.memory_space<vmem>> -> memref<1x128xf32, #tpu.memory_space<vmem>>
    %dma_start3A_311 = tpu.memref_squeeze %dma_start3A_310 : memref<1x128xf32, #tpu.memory_space<vmem>> -> memref<128xf32, #tpu.memory_space<vmem>>
    %dma_start3A_312 = arith.constant 0 : i32
    %dma_start3A_313 = tpu.memref_slice %arg7[%dma_start3A_308, %dma_start3A_312] : memref<32x128xi32, #tpu.memory_space<vmem>> -> memref<1x128xi32, #tpu.memory_space<vmem>>
    %dma_start3A_314 = tpu.memref_squeeze %dma_start3A_313 : memref<1x128xi32, #tpu.memory_space<vmem>> -> memref<128xi32, #tpu.memory_space<vmem>>
    %dma_start3A_315 = arith.constant 0 : i32
    %dma_start3A_316 = tpu.memref_slice %arg9[%dma_start3A_315] : memref<524288xf32, #tpu.memory_space<vmem_shared>> -> memref<524288xf32, #tpu.memory_space<vmem_shared>>
    tpu.enqueue_indirect_dma source(%dma_start3A_311 : memref<128xf32, #tpu.memory_space<vmem>>) target(%dma_start3A_316 : memref<524288xf32, #tpu.memory_space<vmem_shared>>) offsets(%dma_start3A_314 : memref<128xi32, #tpu.memory_space<vmem>>) semaphore(%arg12 : memref<!tpu.dma_semaphore, #tpu.memory_space<semaphore_mem>>) {add = true}
    %dma_start3A_317 = arith.constant 10 : i32
    %dma_start3A_318 = arith.constant 10 : i32
    %dma_start3A_319 = arith.constant 0 : i32
    %dma_start3A_320 = tpu.memref_slice %arg8[%dma_start3A_317, %dma_start3A_319] : memref<32x128xf32, #tpu.memory_space<vmem>> -> memref<1x128xf32, #tpu.memory_space<vmem>>
    %dma_start3A_321 = tpu.memref_squeeze %dma_start3A_320 : memref<1x128xf32, #tpu.memory_space<vmem>> -> memref<128xf32, #tpu.memory_space<vmem>>
    %dma_start3A_322 = arith.constant 0 : i32
    %dma_start3A_323 = tpu.memref_slice %arg7[%dma_start3A_318, %dma_start3A_322] : memref<32x128xi32, #tpu.memory_space<vmem>> -> memref<1x128xi32, #tpu.memory_space<vmem>>
    %dma_start3A_324 = tpu.memref_squeeze %dma_start3A_323 : memref<1x128xi32, #tpu.memory_space<vmem>> -> memref<128xi32, #tpu.memory_space<vmem>>
    %dma_start3A_325 = arith.constant 0 : i32
    %dma_start3A_326 = tpu.memref_slice %arg9[%dma_start3A_325] : memref<524288xf32, #tpu.memory_space<vmem_shared>> -> memref<524288xf32, #tpu.memory_space<vmem_shared>>
    tpu.enqueue_indirect_dma source(%dma_start3A_321 : memref<128xf32, #tpu.memory_space<vmem>>) target(%dma_start3A_326 : memref<524288xf32, #tpu.memory_space<vmem_shared>>) offsets(%dma_start3A_324 : memref<128xi32, #tpu.memory_space<vmem>>) semaphore(%arg12 : memref<!tpu.dma_semaphore, #tpu.memory_space<semaphore_mem>>) {add = true}
    %dma_start3A_327 = arith.constant 11 : i32
    %dma_start3A_328 = arith.constant 11 : i32
    %dma_start3A_329 = arith.constant 0 : i32
    %dma_start3A_330 = tpu.memref_slice %arg8[%dma_start3A_327, %dma_start3A_329] : memref<32x128xf32, #tpu.memory_space<vmem>> -> memref<1x128xf32, #tpu.memory_space<vmem>>
    %dma_start3A_331 = tpu.memref_squeeze %dma_start3A_330 : memref<1x128xf32, #tpu.memory_space<vmem>> -> memref<128xf32, #tpu.memory_space<vmem>>
    %dma_start3A_332 = arith.constant 0 : i32
    %dma_start3A_333 = tpu.memref_slice %arg7[%dma_start3A_328, %dma_start3A_332] : memref<32x128xi32, #tpu.memory_space<vmem>> -> memref<1x128xi32, #tpu.memory_space<vmem>>
    %dma_start3A_334 = tpu.memref_squeeze %dma_start3A_333 : memref<1x128xi32, #tpu.memory_space<vmem>> -> memref<128xi32, #tpu.memory_space<vmem>>
    %dma_start3A_335 = arith.constant 0 : i32
    %dma_start3A_336 = tpu.memref_slice %arg9[%dma_start3A_335] : memref<524288xf32, #tpu.memory_space<vmem_shared>> -> memref<524288xf32, #tpu.memory_space<vmem_shared>>
    tpu.enqueue_indirect_dma source(%dma_start3A_331 : memref<128xf32, #tpu.memory_space<vmem>>) target(%dma_start3A_336 : memref<524288xf32, #tpu.memory_space<vmem_shared>>) offsets(%dma_start3A_334 : memref<128xi32, #tpu.memory_space<vmem>>) semaphore(%arg12 : memref<!tpu.dma_semaphore, #tpu.memory_space<semaphore_mem>>) {add = true}
    %dma_start3A_337 = arith.constant 12 : i32
    %dma_start3A_338 = arith.constant 12 : i32
    %dma_start3A_339 = arith.constant 0 : i32
    %dma_start3A_340 = tpu.memref_slice %arg8[%dma_start3A_337, %dma_start3A_339] : memref<32x128xf32, #tpu.memory_space<vmem>> -> memref<1x128xf32, #tpu.memory_space<vmem>>
    %dma_start3A_341 = tpu.memref_squeeze %dma_start3A_340 : memref<1x128xf32, #tpu.memory_space<vmem>> -> memref<128xf32, #tpu.memory_space<vmem>>
    %dma_start3A_342 = arith.constant 0 : i32
    %dma_start3A_343 = tpu.memref_slice %arg7[%dma_start3A_338, %dma_start3A_342] : memref<32x128xi32, #tpu.memory_space<vmem>> -> memref<1x128xi32, #tpu.memory_space<vmem>>
    %dma_start3A_344 = tpu.memref_squeeze %dma_start3A_343 : memref<1x128xi32, #tpu.memory_space<vmem>> -> memref<128xi32, #tpu.memory_space<vmem>>
    %dma_start3A_345 = arith.constant 0 : i32
    %dma_start3A_346 = tpu.memref_slice %arg9[%dma_start3A_345] : memref<524288xf32, #tpu.memory_space<vmem_shared>> -> memref<524288xf32, #tpu.memory_space<vmem_shared>>
    tpu.enqueue_indirect_dma source(%dma_start3A_341 : memref<128xf32, #tpu.memory_space<vmem>>) target(%dma_start3A_346 : memref<524288xf32, #tpu.memory_space<vmem_shared>>) offsets(%dma_start3A_344 : memref<128xi32, #tpu.memory_space<vmem>>) semaphore(%arg12 : memref<!tpu.dma_semaphore, #tpu.memory_space<semaphore_mem>>) {add = true}
    %dma_start3A_347 = arith.constant 13 : i32
    %dma_start3A_348 = arith.constant 13 : i32
    %dma_start3A_349 = arith.constant 0 : i32
    %dma_start3A_350 = tpu.memref_slice %arg8[%dma_start3A_347, %dma_start3A_349] : memref<32x128xf32, #tpu.memory_space<vmem>> -> memref<1x128xf32, #tpu.memory_space<vmem>>
    %dma_start3A_351 = tpu.memref_squeeze %dma_start3A_350 : memref<1x128xf32, #tpu.memory_space<vmem>> -> memref<128xf32, #tpu.memory_space<vmem>>
    %dma_start3A_352 = arith.constant 0 : i32
    %dma_start3A_353 = tpu.memref_slice %arg7[%dma_start3A_348, %dma_start3A_352] : memref<32x128xi32, #tpu.memory_space<vmem>> -> memref<1x128xi32, #tpu.memory_space<vmem>>
    %dma_start3A_354 = tpu.memref_squeeze %dma_start3A_353 : memref<1x128xi32, #tpu.memory_space<vmem>> -> memref<128xi32, #tpu.memory_space<vmem>>
    %dma_start3A_355 = arith.constant 0 : i32
    %dma_start3A_356 = tpu.memref_slice %arg9[%dma_start3A_355] : memref<524288xf32, #tpu.memory_space<vmem_shared>> -> memref<524288xf32, #tpu.memory_space<vmem_shared>>
    tpu.enqueue_indirect_dma source(%dma_start3A_351 : memref<128xf32, #tpu.memory_space<vmem>>) target(%dma_start3A_356 : memref<524288xf32, #tpu.memory_space<vmem_shared>>) offsets(%dma_start3A_354 : memref<128xi32, #tpu.memory_space<vmem>>) semaphore(%arg12 : memref<!tpu.dma_semaphore, #tpu.memory_space<semaphore_mem>>) {add = true}
    %dma_start3A_357 = arith.constant 14 : i32
    %dma_start3A_358 = arith.constant 14 : i32
    %dma_start3A_359 = arith.constant 0 : i32
    %dma_start3A_360 = tpu.memref_slice %arg8[%dma_start3A_357, %dma_start3A_359] : memref<32x128xf32, #tpu.memory_space<vmem>> -> memref<1x128xf32, #tpu.memory_space<vmem>>
    %dma_start3A_361 = tpu.memref_squeeze %dma_start3A_360 : memref<1x128xf32, #tpu.memory_space<vmem>> -> memref<128xf32, #tpu.memory_space<vmem>>
    %dma_start3A_362 = arith.constant 0 : i32
    %dma_start3A_363 = tpu.memref_slice %arg7[%dma_start3A_358, %dma_start3A_362] : memref<32x128xi32, #tpu.memory_space<vmem>> -> memref<1x128xi32, #tpu.memory_space<vmem>>
    %dma_start3A_364 = tpu.memref_squeeze %dma_start3A_363 : memref<1x128xi32, #tpu.memory_space<vmem>> -> memref<128xi32, #tpu.memory_space<vmem>>
    %dma_start3A_365 = arith.constant 0 : i32
    %dma_start3A_366 = tpu.memref_slice %arg9[%dma_start3A_365] : memref<524288xf32, #tpu.memory_space<vmem_shared>> -> memref<524288xf32, #tpu.memory_space<vmem_shared>>
    tpu.enqueue_indirect_dma source(%dma_start3A_361 : memref<128xf32, #tpu.memory_space<vmem>>) target(%dma_start3A_366 : memref<524288xf32, #tpu.memory_space<vmem_shared>>) offsets(%dma_start3A_364 : memref<128xi32, #tpu.memory_space<vmem>>) semaphore(%arg12 : memref<!tpu.dma_semaphore, #tpu.memory_space<semaphore_mem>>) {add = true}
    %dma_start3A_367 = arith.constant 15 : i32
    %dma_start3A_368 = arith.constant 15 : i32
    %dma_start3A_369 = arith.constant 0 : i32
    %dma_start3A_370 = tpu.memref_slice %arg8[%dma_start3A_367, %dma_start3A_369] : memref<32x128xf32, #tpu.memory_space<vmem>> -> memref<1x128xf32, #tpu.memory_space<vmem>>
    %dma_start3A_371 = tpu.memref_squeeze %dma_start3A_370 : memref<1x128xf32, #tpu.memory_space<vmem>> -> memref<128xf32, #tpu.memory_space<vmem>>
    %dma_start3A_372 = arith.constant 0 : i32
    %dma_start3A_373 = tpu.memref_slice %arg7[%dma_start3A_368, %dma_start3A_372] : memref<32x128xi32, #tpu.memory_space<vmem>> -> memref<1x128xi32, #tpu.memory_space<vmem>>
    %dma_start3A_374 = tpu.memref_squeeze %dma_start3A_373 : memref<1x128xi32, #tpu.memory_space<vmem>> -> memref<128xi32, #tpu.memory_space<vmem>>
    %dma_start3A_375 = arith.constant 0 : i32
    %dma_start3A_376 = tpu.memref_slice %arg9[%dma_start3A_375] : memref<524288xf32, #tpu.memory_space<vmem_shared>> -> memref<524288xf32, #tpu.memory_space<vmem_shared>>
    tpu.enqueue_indirect_dma source(%dma_start3A_371 : memref<128xf32, #tpu.memory_space<vmem>>) target(%dma_start3A_376 : memref<524288xf32, #tpu.memory_space<vmem_shared>>) offsets(%dma_start3A_374 : memref<128xi32, #tpu.memory_space<vmem>>) semaphore(%arg12 : memref<!tpu.dma_semaphore, #tpu.memory_space<semaphore_mem>>) {add = true}
    %dma_start3A_377 = arith.constant 16 : i32
    %dma_start3A_378 = arith.constant 16 : i32
    %dma_start3A_379 = arith.constant 0 : i32
    %dma_start3A_380 = tpu.memref_slice %arg8[%dma_start3A_377, %dma_start3A_379] : memref<32x128xf32, #tpu.memory_space<vmem>> -> memref<1x128xf32, #tpu.memory_space<vmem>>
    %dma_start3A_381 = tpu.memref_squeeze %dma_start3A_380 : memref<1x128xf32, #tpu.memory_space<vmem>> -> memref<128xf32, #tpu.memory_space<vmem>>
    %dma_start3A_382 = arith.constant 0 : i32
    %dma_start3A_383 = tpu.memref_slice %arg7[%dma_start3A_378, %dma_start3A_382] : memref<32x128xi32, #tpu.memory_space<vmem>> -> memref<1x128xi32, #tpu.memory_space<vmem>>
    %dma_start3A_384 = tpu.memref_squeeze %dma_start3A_383 : memref<1x128xi32, #tpu.memory_space<vmem>> -> memref<128xi32, #tpu.memory_space<vmem>>
    %dma_start3A_385 = arith.constant 0 : i32
    %dma_start3A_386 = tpu.memref_slice %arg9[%dma_start3A_385] : memref<524288xf32, #tpu.memory_space<vmem_shared>> -> memref<524288xf32, #tpu.memory_space<vmem_shared>>
    tpu.enqueue_indirect_dma source(%dma_start3A_381 : memref<128xf32, #tpu.memory_space<vmem>>) target(%dma_start3A_386 : memref<524288xf32, #tpu.memory_space<vmem_shared>>) offsets(%dma_start3A_384 : memref<128xi32, #tpu.memory_space<vmem>>) semaphore(%arg12 : memref<!tpu.dma_semaphore, #tpu.memory_space<semaphore_mem>>) {add = true}
    %dma_start3A_387 = arith.constant 17 : i32
    %dma_start3A_388 = arith.constant 17 : i32
    %dma_start3A_389 = arith.constant 0 : i32
    %dma_start3A_390 = tpu.memref_slice %arg8[%dma_start3A_387, %dma_start3A_389] : memref<32x128xf32, #tpu.memory_space<vmem>> -> memref<1x128xf32, #tpu.memory_space<vmem>>
    %dma_start3A_391 = tpu.memref_squeeze %dma_start3A_390 : memref<1x128xf32, #tpu.memory_space<vmem>> -> memref<128xf32, #tpu.memory_space<vmem>>
    %dma_start3A_392 = arith.constant 0 : i32
    %dma_start3A_393 = tpu.memref_slice %arg7[%dma_start3A_388, %dma_start3A_392] : memref<32x128xi32, #tpu.memory_space<vmem>> -> memref<1x128xi32, #tpu.memory_space<vmem>>
    %dma_start3A_394 = tpu.memref_squeeze %dma_start3A_393 : memref<1x128xi32, #tpu.memory_space<vmem>> -> memref<128xi32, #tpu.memory_space<vmem>>
    %dma_start3A_395 = arith.constant 0 : i32
    %dma_start3A_396 = tpu.memref_slice %arg9[%dma_start3A_395] : memref<524288xf32, #tpu.memory_space<vmem_shared>> -> memref<524288xf32, #tpu.memory_space<vmem_shared>>
    tpu.enqueue_indirect_dma source(%dma_start3A_391 : memref<128xf32, #tpu.memory_space<vmem>>) target(%dma_start3A_396 : memref<524288xf32, #tpu.memory_space<vmem_shared>>) offsets(%dma_start3A_394 : memref<128xi32, #tpu.memory_space<vmem>>) semaphore(%arg12 : memref<!tpu.dma_semaphore, #tpu.memory_space<semaphore_mem>>) {add = true}
    %dma_start3A_397 = arith.constant 18 : i32
    %dma_start3A_398 = arith.constant 18 : i32
    %dma_start3A_399 = arith.constant 0 : i32
    %dma_start3A_400 = tpu.memref_slice %arg8[%dma_start3A_397, %dma_start3A_399] : memref<32x128xf32, #tpu.memory_space<vmem>> -> memref<1x128xf32, #tpu.memory_space<vmem>>
    %dma_start3A_401 = tpu.memref_squeeze %dma_start3A_400 : memref<1x128xf32, #tpu.memory_space<vmem>> -> memref<128xf32, #tpu.memory_space<vmem>>
    %dma_start3A_402 = arith.constant 0 : i32
    %dma_start3A_403 = tpu.memref_slice %arg7[%dma_start3A_398, %dma_start3A_402] : memref<32x128xi32, #tpu.memory_space<vmem>> -> memref<1x128xi32, #tpu.memory_space<vmem>>
    %dma_start3A_404 = tpu.memref_squeeze %dma_start3A_403 : memref<1x128xi32, #tpu.memory_space<vmem>> -> memref<128xi32, #tpu.memory_space<vmem>>
    %dma_start3A_405 = arith.constant 0 : i32
    %dma_start3A_406 = tpu.memref_slice %arg9[%dma_start3A_405] : memref<524288xf32, #tpu.memory_space<vmem_shared>> -> memref<524288xf32, #tpu.memory_space<vmem_shared>>
    tpu.enqueue_indirect_dma source(%dma_start3A_401 : memref<128xf32, #tpu.memory_space<vmem>>) target(%dma_start3A_406 : memref<524288xf32, #tpu.memory_space<vmem_shared>>) offsets(%dma_start3A_404 : memref<128xi32, #tpu.memory_space<vmem>>) semaphore(%arg12 : memref<!tpu.dma_semaphore, #tpu.memory_space<semaphore_mem>>) {add = true}
    %dma_start3A_407 = arith.constant 19 : i32
    %dma_start3A_408 = arith.constant 19 : i32
    %dma_start3A_409 = arith.constant 0 : i32
    %dma_start3A_410 = tpu.memref_slice %arg8[%dma_start3A_407, %dma_start3A_409] : memref<32x128xf32, #tpu.memory_space<vmem>> -> memref<1x128xf32, #tpu.memory_space<vmem>>
    %dma_start3A_411 = tpu.memref_squeeze %dma_start3A_410 : memref<1x128xf32, #tpu.memory_space<vmem>> -> memref<128xf32, #tpu.memory_space<vmem>>
    %dma_start3A_412 = arith.constant 0 : i32
    %dma_start3A_413 = tpu.memref_slice %arg7[%dma_start3A_408, %dma_start3A_412] : memref<32x128xi32, #tpu.memory_space<vmem>> -> memref<1x128xi32, #tpu.memory_space<vmem>>
    %dma_start3A_414 = tpu.memref_squeeze %dma_start3A_413 : memref<1x128xi32, #tpu.memory_space<vmem>> -> memref<128xi32, #tpu.memory_space<vmem>>
    %dma_start3A_415 = arith.constant 0 : i32
    %dma_start3A_416 = tpu.memref_slice %arg9[%dma_start3A_415] : memref<524288xf32, #tpu.memory_space<vmem_shared>> -> memref<524288xf32, #tpu.memory_space<vmem_shared>>
    tpu.enqueue_indirect_dma source(%dma_start3A_411 : memref<128xf32, #tpu.memory_space<vmem>>) target(%dma_start3A_416 : memref<524288xf32, #tpu.memory_space<vmem_shared>>) offsets(%dma_start3A_414 : memref<128xi32, #tpu.memory_space<vmem>>) semaphore(%arg12 : memref<!tpu.dma_semaphore, #tpu.memory_space<semaphore_mem>>) {add = true}
    %dma_start3A_417 = arith.constant 20 : i32
    %dma_start3A_418 = arith.constant 20 : i32
    %dma_start3A_419 = arith.constant 0 : i32
    %dma_start3A_420 = tpu.memref_slice %arg8[%dma_start3A_417, %dma_start3A_419] : memref<32x128xf32, #tpu.memory_space<vmem>> -> memref<1x128xf32, #tpu.memory_space<vmem>>
    %dma_start3A_421 = tpu.memref_squeeze %dma_start3A_420 : memref<1x128xf32, #tpu.memory_space<vmem>> -> memref<128xf32, #tpu.memory_space<vmem>>
    %dma_start3A_422 = arith.constant 0 : i32
    %dma_start3A_423 = tpu.memref_slice %arg7[%dma_start3A_418, %dma_start3A_422] : memref<32x128xi32, #tpu.memory_space<vmem>> -> memref<1x128xi32, #tpu.memory_space<vmem>>
    %dma_start3A_424 = tpu.memref_squeeze %dma_start3A_423 : memref<1x128xi32, #tpu.memory_space<vmem>> -> memref<128xi32, #tpu.memory_space<vmem>>
    %dma_start3A_425 = arith.constant 0 : i32
    %dma_start3A_426 = tpu.memref_slice %arg9[%dma_start3A_425] : memref<524288xf32, #tpu.memory_space<vmem_shared>> -> memref<524288xf32, #tpu.memory_space<vmem_shared>>
    tpu.enqueue_indirect_dma source(%dma_start3A_421 : memref<128xf32, #tpu.memory_space<vmem>>) target(%dma_start3A_426 : memref<524288xf32, #tpu.memory_space<vmem_shared>>) offsets(%dma_start3A_424 : memref<128xi32, #tpu.memory_space<vmem>>) semaphore(%arg12 : memref<!tpu.dma_semaphore, #tpu.memory_space<semaphore_mem>>) {add = true}
    %dma_start3A_427 = arith.constant 21 : i32
    %dma_start3A_428 = arith.constant 21 : i32
    %dma_start3A_429 = arith.constant 0 : i32
    %dma_start3A_430 = tpu.memref_slice %arg8[%dma_start3A_427, %dma_start3A_429] : memref<32x128xf32, #tpu.memory_space<vmem>> -> memref<1x128xf32, #tpu.memory_space<vmem>>
    %dma_start3A_431 = tpu.memref_squeeze %dma_start3A_430 : memref<1x128xf32, #tpu.memory_space<vmem>> -> memref<128xf32, #tpu.memory_space<vmem>>
    %dma_start3A_432 = arith.constant 0 : i32
    %dma_start3A_433 = tpu.memref_slice %arg7[%dma_start3A_428, %dma_start3A_432] : memref<32x128xi32, #tpu.memory_space<vmem>> -> memref<1x128xi32, #tpu.memory_space<vmem>>
    %dma_start3A_434 = tpu.memref_squeeze %dma_start3A_433 : memref<1x128xi32, #tpu.memory_space<vmem>> -> memref<128xi32, #tpu.memory_space<vmem>>
    %dma_start3A_435 = arith.constant 0 : i32
    %dma_start3A_436 = tpu.memref_slice %arg9[%dma_start3A_435] : memref<524288xf32, #tpu.memory_space<vmem_shared>> -> memref<524288xf32, #tpu.memory_space<vmem_shared>>
    tpu.enqueue_indirect_dma source(%dma_start3A_431 : memref<128xf32, #tpu.memory_space<vmem>>) target(%dma_start3A_436 : memref<524288xf32, #tpu.memory_space<vmem_shared>>) offsets(%dma_start3A_434 : memref<128xi32, #tpu.memory_space<vmem>>) semaphore(%arg12 : memref<!tpu.dma_semaphore, #tpu.memory_space<semaphore_mem>>) {add = true}
    %dma_start3A_437 = arith.constant 22 : i32
    %dma_start3A_438 = arith.constant 22 : i32
    %dma_start3A_439 = arith.constant 0 : i32
    %dma_start3A_440 = tpu.memref_slice %arg8[%dma_start3A_437, %dma_start3A_439] : memref<32x128xf32, #tpu.memory_space<vmem>> -> memref<1x128xf32, #tpu.memory_space<vmem>>
    %dma_start3A_441 = tpu.memref_squeeze %dma_start3A_440 : memref<1x128xf32, #tpu.memory_space<vmem>> -> memref<128xf32, #tpu.memory_space<vmem>>
    %dma_start3A_442 = arith.constant 0 : i32
    %dma_start3A_443 = tpu.memref_slice %arg7[%dma_start3A_438, %dma_start3A_442] : memref<32x128xi32, #tpu.memory_space<vmem>> -> memref<1x128xi32, #tpu.memory_space<vmem>>
    %dma_start3A_444 = tpu.memref_squeeze %dma_start3A_443 : memref<1x128xi32, #tpu.memory_space<vmem>> -> memref<128xi32, #tpu.memory_space<vmem>>
    %dma_start3A_445 = arith.constant 0 : i32
    %dma_start3A_446 = tpu.memref_slice %arg9[%dma_start3A_445] : memref<524288xf32, #tpu.memory_space<vmem_shared>> -> memref<524288xf32, #tpu.memory_space<vmem_shared>>
    tpu.enqueue_indirect_dma source(%dma_start3A_441 : memref<128xf32, #tpu.memory_space<vmem>>) target(%dma_start3A_446 : memref<524288xf32, #tpu.memory_space<vmem_shared>>) offsets(%dma_start3A_444 : memref<128xi32, #tpu.memory_space<vmem>>) semaphore(%arg12 : memref<!tpu.dma_semaphore, #tpu.memory_space<semaphore_mem>>) {add = true}
    %dma_start3A_447 = arith.constant 23 : i32
    %dma_start3A_448 = arith.constant 23 : i32
    %dma_start3A_449 = arith.constant 0 : i32
    %dma_start3A_450 = tpu.memref_slice %arg8[%dma_start3A_447, %dma_start3A_449] : memref<32x128xf32, #tpu.memory_space<vmem>> -> memref<1x128xf32, #tpu.memory_space<vmem>>
    %dma_start3A_451 = tpu.memref_squeeze %dma_start3A_450 : memref<1x128xf32, #tpu.memory_space<vmem>> -> memref<128xf32, #tpu.memory_space<vmem>>
    %dma_start3A_452 = arith.constant 0 : i32
    %dma_start3A_453 = tpu.memref_slice %arg7[%dma_start3A_448, %dma_start3A_452] : memref<32x128xi32, #tpu.memory_space<vmem>> -> memref<1x128xi32, #tpu.memory_space<vmem>>
    %dma_start3A_454 = tpu.memref_squeeze %dma_start3A_453 : memref<1x128xi32, #tpu.memory_space<vmem>> -> memref<128xi32, #tpu.memory_space<vmem>>
    %dma_start3A_455 = arith.constant 0 : i32
    %dma_start3A_456 = tpu.memref_slice %arg9[%dma_start3A_455] : memref<524288xf32, #tpu.memory_space<vmem_shared>> -> memref<524288xf32, #tpu.memory_space<vmem_shared>>
    tpu.enqueue_indirect_dma source(%dma_start3A_451 : memref<128xf32, #tpu.memory_space<vmem>>) target(%dma_start3A_456 : memref<524288xf32, #tpu.memory_space<vmem_shared>>) offsets(%dma_start3A_454 : memref<128xi32, #tpu.memory_space<vmem>>) semaphore(%arg12 : memref<!tpu.dma_semaphore, #tpu.memory_space<semaphore_mem>>) {add = true}
    %dma_start3A_457 = arith.constant 24 : i32
    %dma_start3A_458 = arith.constant 24 : i32
    %dma_start3A_459 = arith.constant 0 : i32
    %dma_start3A_460 = tpu.memref_slice %arg8[%dma_start3A_457, %dma_start3A_459] : memref<32x128xf32, #tpu.memory_space<vmem>> -> memref<1x128xf32, #tpu.memory_space<vmem>>
    %dma_start3A_461 = tpu.memref_squeeze %dma_start3A_460 : memref<1x128xf32, #tpu.memory_space<vmem>> -> memref<128xf32, #tpu.memory_space<vmem>>
    %dma_start3A_462 = arith.constant 0 : i32
    %dma_start3A_463 = tpu.memref_slice %arg7[%dma_start3A_458, %dma_start3A_462] : memref<32x128xi32, #tpu.memory_space<vmem>> -> memref<1x128xi32, #tpu.memory_space<vmem>>
    %dma_start3A_464 = tpu.memref_squeeze %dma_start3A_463 : memref<1x128xi32, #tpu.memory_space<vmem>> -> memref<128xi32, #tpu.memory_space<vmem>>
    %dma_start3A_465 = arith.constant 0 : i32
    %dma_start3A_466 = tpu.memref_slice %arg9[%dma_start3A_465] : memref<524288xf32, #tpu.memory_space<vmem_shared>> -> memref<524288xf32, #tpu.memory_space<vmem_shared>>
    tpu.enqueue_indirect_dma source(%dma_start3A_461 : memref<128xf32, #tpu.memory_space<vmem>>) target(%dma_start3A_466 : memref<524288xf32, #tpu.memory_space<vmem_shared>>) offsets(%dma_start3A_464 : memref<128xi32, #tpu.memory_space<vmem>>) semaphore(%arg12 : memref<!tpu.dma_semaphore, #tpu.memory_space<semaphore_mem>>) {add = true}
    %dma_start3A_467 = arith.constant 25 : i32
    %dma_start3A_468 = arith.constant 25 : i32
    %dma_start3A_469 = arith.constant 0 : i32
    %dma_start3A_470 = tpu.memref_slice %arg8[%dma_start3A_467, %dma_start3A_469] : memref<32x128xf32, #tpu.memory_space<vmem>> -> memref<1x128xf32, #tpu.memory_space<vmem>>
    %dma_start3A_471 = tpu.memref_squeeze %dma_start3A_470 : memref<1x128xf32, #tpu.memory_space<vmem>> -> memref<128xf32, #tpu.memory_space<vmem>>
    %dma_start3A_472 = arith.constant 0 : i32
    %dma_start3A_473 = tpu.memref_slice %arg7[%dma_start3A_468, %dma_start3A_472] : memref<32x128xi32, #tpu.memory_space<vmem>> -> memref<1x128xi32, #tpu.memory_space<vmem>>
    %dma_start3A_474 = tpu.memref_squeeze %dma_start3A_473 : memref<1x128xi32, #tpu.memory_space<vmem>> -> memref<128xi32, #tpu.memory_space<vmem>>
    %dma_start3A_475 = arith.constant 0 : i32
    %dma_start3A_476 = tpu.memref_slice %arg9[%dma_start3A_475] : memref<524288xf32, #tpu.memory_space<vmem_shared>> -> memref<524288xf32, #tpu.memory_space<vmem_shared>>
    tpu.enqueue_indirect_dma source(%dma_start3A_471 : memref<128xf32, #tpu.memory_space<vmem>>) target(%dma_start3A_476 : memref<524288xf32, #tpu.memory_space<vmem_shared>>) offsets(%dma_start3A_474 : memref<128xi32, #tpu.memory_space<vmem>>) semaphore(%arg12 : memref<!tpu.dma_semaphore, #tpu.memory_space<semaphore_mem>>) {add = true}
    %dma_start3A_477 = arith.constant 26 : i32
    %dma_start3A_478 = arith.constant 26 : i32
    %dma_start3A_479 = arith.constant 0 : i32
    %dma_start3A_480 = tpu.memref_slice %arg8[%dma_start3A_477, %dma_start3A_479] : memref<32x128xf32, #tpu.memory_space<vmem>> -> memref<1x128xf32, #tpu.memory_space<vmem>>
    %dma_start3A_481 = tpu.memref_squeeze %dma_start3A_480 : memref<1x128xf32, #tpu.memory_space<vmem>> -> memref<128xf32, #tpu.memory_space<vmem>>
    %dma_start3A_482 = arith.constant 0 : i32
    %dma_start3A_483 = tpu.memref_slice %arg7[%dma_start3A_478, %dma_start3A_482] : memref<32x128xi32, #tpu.memory_space<vmem>> -> memref<1x128xi32, #tpu.memory_space<vmem>>
    %dma_start3A_484 = tpu.memref_squeeze %dma_start3A_483 : memref<1x128xi32, #tpu.memory_space<vmem>> -> memref<128xi32, #tpu.memory_space<vmem>>
    %dma_start3A_485 = arith.constant 0 : i32
    %dma_start3A_486 = tpu.memref_slice %arg9[%dma_start3A_485] : memref<524288xf32, #tpu.memory_space<vmem_shared>> -> memref<524288xf32, #tpu.memory_space<vmem_shared>>
    tpu.enqueue_indirect_dma source(%dma_start3A_481 : memref<128xf32, #tpu.memory_space<vmem>>) target(%dma_start3A_486 : memref<524288xf32, #tpu.memory_space<vmem_shared>>) offsets(%dma_start3A_484 : memref<128xi32, #tpu.memory_space<vmem>>) semaphore(%arg12 : memref<!tpu.dma_semaphore, #tpu.memory_space<semaphore_mem>>) {add = true}
    %dma_start3A_487 = arith.constant 27 : i32
    %dma_start3A_488 = arith.constant 27 : i32
    %dma_start3A_489 = arith.constant 0 : i32
    %dma_start3A_490 = tpu.memref_slice %arg8[%dma_start3A_487, %dma_start3A_489] : memref<32x128xf32, #tpu.memory_space<vmem>> -> memref<1x128xf32, #tpu.memory_space<vmem>>
    %dma_start3A_491 = tpu.memref_squeeze %dma_start3A_490 : memref<1x128xf32, #tpu.memory_space<vmem>> -> memref<128xf32, #tpu.memory_space<vmem>>
    %dma_start3A_492 = arith.constant 0 : i32
    %dma_start3A_493 = tpu.memref_slice %arg7[%dma_start3A_488, %dma_start3A_492] : memref<32x128xi32, #tpu.memory_space<vmem>> -> memref<1x128xi32, #tpu.memory_space<vmem>>
    %dma_start3A_494 = tpu.memref_squeeze %dma_start3A_493 : memref<1x128xi32, #tpu.memory_space<vmem>> -> memref<128xi32, #tpu.memory_space<vmem>>
    %dma_start3A_495 = arith.constant 0 : i32
    %dma_start3A_496 = tpu.memref_slice %arg9[%dma_start3A_495] : memref<524288xf32, #tpu.memory_space<vmem_shared>> -> memref<524288xf32, #tpu.memory_space<vmem_shared>>
    tpu.enqueue_indirect_dma source(%dma_start3A_491 : memref<128xf32, #tpu.memory_space<vmem>>) target(%dma_start3A_496 : memref<524288xf32, #tpu.memory_space<vmem_shared>>) offsets(%dma_start3A_494 : memref<128xi32, #tpu.memory_space<vmem>>) semaphore(%arg12 : memref<!tpu.dma_semaphore, #tpu.memory_space<semaphore_mem>>) {add = true}
    %dma_start3A_497 = arith.constant 28 : i32
    %dma_start3A_498 = arith.constant 28 : i32
    %dma_start3A_499 = arith.constant 0 : i32
    %dma_start3A_500 = tpu.memref_slice %arg8[%dma_start3A_497, %dma_start3A_499] : memref<32x128xf32, #tpu.memory_space<vmem>> -> memref<1x128xf32, #tpu.memory_space<vmem>>
    %dma_start3A_501 = tpu.memref_squeeze %dma_start3A_500 : memref<1x128xf32, #tpu.memory_space<vmem>> -> memref<128xf32, #tpu.memory_space<vmem>>
    %dma_start3A_502 = arith.constant 0 : i32
    %dma_start3A_503 = tpu.memref_slice %arg7[%dma_start3A_498, %dma_start3A_502] : memref<32x128xi32, #tpu.memory_space<vmem>> -> memref<1x128xi32, #tpu.memory_space<vmem>>
    %dma_start3A_504 = tpu.memref_squeeze %dma_start3A_503 : memref<1x128xi32, #tpu.memory_space<vmem>> -> memref<128xi32, #tpu.memory_space<vmem>>
    %dma_start3A_505 = arith.constant 0 : i32
    %dma_start3A_506 = tpu.memref_slice %arg9[%dma_start3A_505] : memref<524288xf32, #tpu.memory_space<vmem_shared>> -> memref<524288xf32, #tpu.memory_space<vmem_shared>>
    tpu.enqueue_indirect_dma source(%dma_start3A_501 : memref<128xf32, #tpu.memory_space<vmem>>) target(%dma_start3A_506 : memref<524288xf32, #tpu.memory_space<vmem_shared>>) offsets(%dma_start3A_504 : memref<128xi32, #tpu.memory_space<vmem>>) semaphore(%arg12 : memref<!tpu.dma_semaphore, #tpu.memory_space<semaphore_mem>>) {add = true}
    %dma_start3A_507 = arith.constant 29 : i32
    %dma_start3A_508 = arith.constant 29 : i32
    %dma_start3A_509 = arith.constant 0 : i32
    %dma_start3A_510 = tpu.memref_slice %arg8[%dma_start3A_507, %dma_start3A_509] : memref<32x128xf32, #tpu.memory_space<vmem>> -> memref<1x128xf32, #tpu.memory_space<vmem>>
    %dma_start3A_511 = tpu.memref_squeeze %dma_start3A_510 : memref<1x128xf32, #tpu.memory_space<vmem>> -> memref<128xf32, #tpu.memory_space<vmem>>
    %dma_start3A_512 = arith.constant 0 : i32
    %dma_start3A_513 = tpu.memref_slice %arg7[%dma_start3A_508, %dma_start3A_512] : memref<32x128xi32, #tpu.memory_space<vmem>> -> memref<1x128xi32, #tpu.memory_space<vmem>>
    %dma_start3A_514 = tpu.memref_squeeze %dma_start3A_513 : memref<1x128xi32, #tpu.memory_space<vmem>> -> memref<128xi32, #tpu.memory_space<vmem>>
    %dma_start3A_515 = arith.constant 0 : i32
    %dma_start3A_516 = tpu.memref_slice %arg9[%dma_start3A_515] : memref<524288xf32, #tpu.memory_space<vmem_shared>> -> memref<524288xf32, #tpu.memory_space<vmem_shared>>
    tpu.enqueue_indirect_dma source(%dma_start3A_511 : memref<128xf32, #tpu.memory_space<vmem>>) target(%dma_start3A_516 : memref<524288xf32, #tpu.memory_space<vmem_shared>>) offsets(%dma_start3A_514 : memref<128xi32, #tpu.memory_space<vmem>>) semaphore(%arg12 : memref<!tpu.dma_semaphore, #tpu.memory_space<semaphore_mem>>) {add = true}
    %dma_start3A_517 = arith.constant 30 : i32
    %dma_start3A_518 = arith.constant 30 : i32
    %dma_start3A_519 = arith.constant 0 : i32
    %dma_start3A_520 = tpu.memref_slice %arg8[%dma_start3A_517, %dma_start3A_519] : memref<32x128xf32, #tpu.memory_space<vmem>> -> memref<1x128xf32, #tpu.memory_space<vmem>>
    %dma_start3A_521 = tpu.memref_squeeze %dma_start3A_520 : memref<1x128xf32, #tpu.memory_space<vmem>> -> memref<128xf32, #tpu.memory_space<vmem>>
    %dma_start3A_522 = arith.constant 0 : i32
    %dma_start3A_523 = tpu.memref_slice %arg7[%dma_start3A_518, %dma_start3A_522] : memref<32x128xi32, #tpu.memory_space<vmem>> -> memref<1x128xi32, #tpu.memory_space<vmem>>
    %dma_start3A_524 = tpu.memref_squeeze %dma_start3A_523 : memref<1x128xi32, #tpu.memory_space<vmem>> -> memref<128xi32, #tpu.memory_space<vmem>>
    %dma_start3A_525 = arith.constant 0 : i32
    %dma_start3A_526 = tpu.memref_slice %arg9[%dma_start3A_525] : memref<524288xf32, #tpu.memory_space<vmem_shared>> -> memref<524288xf32, #tpu.memory_space<vmem_shared>>
    tpu.enqueue_indirect_dma source(%dma_start3A_521 : memref<128xf32, #tpu.memory_space<vmem>>) target(%dma_start3A_526 : memref<524288xf32, #tpu.memory_space<vmem_shared>>) offsets(%dma_start3A_524 : memref<128xi32, #tpu.memory_space<vmem>>) semaphore(%arg12 : memref<!tpu.dma_semaphore, #tpu.memory_space<semaphore_mem>>) {add = true}
    %dma_start3A_527 = arith.constant 31 : i32
    %dma_start3A_528 = arith.constant 31 : i32
    %dma_start3A_529 = arith.constant 0 : i32
    %dma_start3A_530 = tpu.memref_slice %arg8[%dma_start3A_527, %dma_start3A_529] : memref<32x128xf32, #tpu.memory_space<vmem>> -> memref<1x128xf32, #tpu.memory_space<vmem>>
    %dma_start3A_531 = tpu.memref_squeeze %dma_start3A_530 : memref<1x128xf32, #tpu.memory_space<vmem>> -> memref<128xf32, #tpu.memory_space<vmem>>
    %dma_start3A_532 = arith.constant 0 : i32
    %dma_start3A_533 = tpu.memref_slice %arg7[%dma_start3A_528, %dma_start3A_532] : memref<32x128xi32, #tpu.memory_space<vmem>> -> memref<1x128xi32, #tpu.memory_space<vmem>>
    %dma_start3A_534 = tpu.memref_squeeze %dma_start3A_533 : memref<1x128xi32, #tpu.memory_space<vmem>> -> memref<128xi32, #tpu.memory_space<vmem>>
    %dma_start3A_535 = arith.constant 0 : i32
    %dma_start3A_536 = tpu.memref_slice %arg9[%dma_start3A_535] : memref<524288xf32, #tpu.memory_space<vmem_shared>> -> memref<524288xf32, #tpu.memory_space<vmem_shared>>
    tpu.enqueue_indirect_dma source(%dma_start3A_531 : memref<128xf32, #tpu.memory_space<vmem>>) target(%dma_start3A_536 : memref<524288xf32, #tpu.memory_space<vmem_shared>>) offsets(%dma_start3A_534 : memref<128xi32, #tpu.memory_space<vmem>>) semaphore(%arg12 : memref<!tpu.dma_semaphore, #tpu.memory_space<semaphore_mem>>) {add = true}
    %dma_wait3A_537 = arith.constant 0 : i32
    %dma_wait3A_538 = arith.constant 0 : i32
    %dma_wait3A_539 = arith.constant 0 : i32
    %dma_wait3A_540 = tpu.memref_slice %arg8[%dma_wait3A_537, %dma_wait3A_539] : memref<32x128xf32, #tpu.memory_space<vmem>> -> memref<1x128xf32, #tpu.memory_space<vmem>>
    %dma_wait3A_541 = tpu.memref_squeeze %dma_wait3A_540 : memref<1x128xf32, #tpu.memory_space<vmem>> -> memref<128xf32, #tpu.memory_space<vmem>>
    %dma_wait3A_542 = arith.constant 0 : i32
    %dma_wait3A_543 = tpu.memref_slice %arg7[%dma_wait3A_538, %dma_wait3A_542] : memref<32x128xi32, #tpu.memory_space<vmem>> -> memref<1x128xi32, #tpu.memory_space<vmem>>
    %dma_wait3A_544 = tpu.memref_squeeze %dma_wait3A_543 : memref<1x128xi32, #tpu.memory_space<vmem>> -> memref<128xi32, #tpu.memory_space<vmem>>
    %dma_wait3A_545 = arith.constant 0 : i32
    %dma_wait3A_546 = tpu.memref_slice %arg9[%dma_wait3A_545] : memref<524288xf32, #tpu.memory_space<vmem_shared>> -> memref<524288xf32, #tpu.memory_space<vmem_shared>>
    tpu.wait_indirect_dma semaphore(%arg12 : memref<!tpu.dma_semaphore, #tpu.memory_space<semaphore_mem>>) src(%dma_wait3A_541 : memref<128xf32, #tpu.memory_space<vmem>>) dst(%dma_wait3A_546 : memref<524288xf32, #tpu.memory_space<vmem_shared>>)
    %dma_wait3A_547 = arith.constant 1 : i32
    %dma_wait3A_548 = arith.constant 1 : i32
    %dma_wait3A_549 = arith.constant 0 : i32
    %dma_wait3A_550 = tpu.memref_slice %arg8[%dma_wait3A_547, %dma_wait3A_549] : memref<32x128xf32, #tpu.memory_space<vmem>> -> memref<1x128xf32, #tpu.memory_space<vmem>>
    %dma_wait3A_551 = tpu.memref_squeeze %dma_wait3A_550 : memref<1x128xf32, #tpu.memory_space<vmem>> -> memref<128xf32, #tpu.memory_space<vmem>>
    %dma_wait3A_552 = arith.constant 0 : i32
    %dma_wait3A_553 = tpu.memref_slice %arg7[%dma_wait3A_548, %dma_wait3A_552] : memref<32x128xi32, #tpu.memory_space<vmem>> -> memref<1x128xi32, #tpu.memory_space<vmem>>
    %dma_wait3A_554 = tpu.memref_squeeze %dma_wait3A_553 : memref<1x128xi32, #tpu.memory_space<vmem>> -> memref<128xi32, #tpu.memory_space<vmem>>
    %dma_wait3A_555 = arith.constant 0 : i32
    %dma_wait3A_556 = tpu.memref_slice %arg9[%dma_wait3A_555] : memref<524288xf32, #tpu.memory_space<vmem_shared>> -> memref<524288xf32, #tpu.memory_space<vmem_shared>>
    tpu.wait_indirect_dma semaphore(%arg12 : memref<!tpu.dma_semaphore, #tpu.memory_space<semaphore_mem>>) src(%dma_wait3A_551 : memref<128xf32, #tpu.memory_space<vmem>>) dst(%dma_wait3A_556 : memref<524288xf32, #tpu.memory_space<vmem_shared>>)
    %dma_wait3A_557 = arith.constant 2 : i32
    %dma_wait3A_558 = arith.constant 2 : i32
    %dma_wait3A_559 = arith.constant 0 : i32
    %dma_wait3A_560 = tpu.memref_slice %arg8[%dma_wait3A_557, %dma_wait3A_559] : memref<32x128xf32, #tpu.memory_space<vmem>> -> memref<1x128xf32, #tpu.memory_space<vmem>>
    %dma_wait3A_561 = tpu.memref_squeeze %dma_wait3A_560 : memref<1x128xf32, #tpu.memory_space<vmem>> -> memref<128xf32, #tpu.memory_space<vmem>>
    %dma_wait3A_562 = arith.constant 0 : i32
    %dma_wait3A_563 = tpu.memref_slice %arg7[%dma_wait3A_558, %dma_wait3A_562] : memref<32x128xi32, #tpu.memory_space<vmem>> -> memref<1x128xi32, #tpu.memory_space<vmem>>
    %dma_wait3A_564 = tpu.memref_squeeze %dma_wait3A_563 : memref<1x128xi32, #tpu.memory_space<vmem>> -> memref<128xi32, #tpu.memory_space<vmem>>
    %dma_wait3A_565 = arith.constant 0 : i32
    %dma_wait3A_566 = tpu.memref_slice %arg9[%dma_wait3A_565] : memref<524288xf32, #tpu.memory_space<vmem_shared>> -> memref<524288xf32, #tpu.memory_space<vmem_shared>>
    tpu.wait_indirect_dma semaphore(%arg12 : memref<!tpu.dma_semaphore, #tpu.memory_space<semaphore_mem>>) src(%dma_wait3A_561 : memref<128xf32, #tpu.memory_space<vmem>>) dst(%dma_wait3A_566 : memref<524288xf32, #tpu.memory_space<vmem_shared>>)
    %dma_wait3A_567 = arith.constant 3 : i32
    %dma_wait3A_568 = arith.constant 3 : i32
    %dma_wait3A_569 = arith.constant 0 : i32
    %dma_wait3A_570 = tpu.memref_slice %arg8[%dma_wait3A_567, %dma_wait3A_569] : memref<32x128xf32, #tpu.memory_space<vmem>> -> memref<1x128xf32, #tpu.memory_space<vmem>>
    %dma_wait3A_571 = tpu.memref_squeeze %dma_wait3A_570 : memref<1x128xf32, #tpu.memory_space<vmem>> -> memref<128xf32, #tpu.memory_space<vmem>>
    %dma_wait3A_572 = arith.constant 0 : i32
    %dma_wait3A_573 = tpu.memref_slice %arg7[%dma_wait3A_568, %dma_wait3A_572] : memref<32x128xi32, #tpu.memory_space<vmem>> -> memref<1x128xi32, #tpu.memory_space<vmem>>
    %dma_wait3A_574 = tpu.memref_squeeze %dma_wait3A_573 : memref<1x128xi32, #tpu.memory_space<vmem>> -> memref<128xi32, #tpu.memory_space<vmem>>
    %dma_wait3A_575 = arith.constant 0 : i32
    %dma_wait3A_576 = tpu.memref_slice %arg9[%dma_wait3A_575] : memref<524288xf32, #tpu.memory_space<vmem_shared>> -> memref<524288xf32, #tpu.memory_space<vmem_shared>>
    tpu.wait_indirect_dma semaphore(%arg12 : memref<!tpu.dma_semaphore, #tpu.memory_space<semaphore_mem>>) src(%dma_wait3A_571 : memref<128xf32, #tpu.memory_space<vmem>>) dst(%dma_wait3A_576 : memref<524288xf32, #tpu.memory_space<vmem_shared>>)
    %dma_wait3A_577 = arith.constant 4 : i32
    %dma_wait3A_578 = arith.constant 4 : i32
    %dma_wait3A_579 = arith.constant 0 : i32
    %dma_wait3A_580 = tpu.memref_slice %arg8[%dma_wait3A_577, %dma_wait3A_579] : memref<32x128xf32, #tpu.memory_space<vmem>> -> memref<1x128xf32, #tpu.memory_space<vmem>>
    %dma_wait3A_581 = tpu.memref_squeeze %dma_wait3A_580 : memref<1x128xf32, #tpu.memory_space<vmem>> -> memref<128xf32, #tpu.memory_space<vmem>>
    %dma_wait3A_582 = arith.constant 0 : i32
    %dma_wait3A_583 = tpu.memref_slice %arg7[%dma_wait3A_578, %dma_wait3A_582] : memref<32x128xi32, #tpu.memory_space<vmem>> -> memref<1x128xi32, #tpu.memory_space<vmem>>
    %dma_wait3A_584 = tpu.memref_squeeze %dma_wait3A_583 : memref<1x128xi32, #tpu.memory_space<vmem>> -> memref<128xi32, #tpu.memory_space<vmem>>
    %dma_wait3A_585 = arith.constant 0 : i32
    %dma_wait3A_586 = tpu.memref_slice %arg9[%dma_wait3A_585] : memref<524288xf32, #tpu.memory_space<vmem_shared>> -> memref<524288xf32, #tpu.memory_space<vmem_shared>>
    tpu.wait_indirect_dma semaphore(%arg12 : memref<!tpu.dma_semaphore, #tpu.memory_space<semaphore_mem>>) src(%dma_wait3A_581 : memref<128xf32, #tpu.memory_space<vmem>>) dst(%dma_wait3A_586 : memref<524288xf32, #tpu.memory_space<vmem_shared>>)
    %dma_wait3A_587 = arith.constant 5 : i32
    %dma_wait3A_588 = arith.constant 5 : i32
    %dma_wait3A_589 = arith.constant 0 : i32
    %dma_wait3A_590 = tpu.memref_slice %arg8[%dma_wait3A_587, %dma_wait3A_589] : memref<32x128xf32, #tpu.memory_space<vmem>> -> memref<1x128xf32, #tpu.memory_space<vmem>>
    %dma_wait3A_591 = tpu.memref_squeeze %dma_wait3A_590 : memref<1x128xf32, #tpu.memory_space<vmem>> -> memref<128xf32, #tpu.memory_space<vmem>>
    %dma_wait3A_592 = arith.constant 0 : i32
    %dma_wait3A_593 = tpu.memref_slice %arg7[%dma_wait3A_588, %dma_wait3A_592] : memref<32x128xi32, #tpu.memory_space<vmem>> -> memref<1x128xi32, #tpu.memory_space<vmem>>
    %dma_wait3A_594 = tpu.memref_squeeze %dma_wait3A_593 : memref<1x128xi32, #tpu.memory_space<vmem>> -> memref<128xi32, #tpu.memory_space<vmem>>
    %dma_wait3A_595 = arith.constant 0 : i32
    %dma_wait3A_596 = tpu.memref_slice %arg9[%dma_wait3A_595] : memref<524288xf32, #tpu.memory_space<vmem_shared>> -> memref<524288xf32, #tpu.memory_space<vmem_shared>>
    tpu.wait_indirect_dma semaphore(%arg12 : memref<!tpu.dma_semaphore, #tpu.memory_space<semaphore_mem>>) src(%dma_wait3A_591 : memref<128xf32, #tpu.memory_space<vmem>>) dst(%dma_wait3A_596 : memref<524288xf32, #tpu.memory_space<vmem_shared>>)
    %dma_wait3A_597 = arith.constant 6 : i32
    %dma_wait3A_598 = arith.constant 6 : i32
    %dma_wait3A_599 = arith.constant 0 : i32
    %dma_wait3A_600 = tpu.memref_slice %arg8[%dma_wait3A_597, %dma_wait3A_599] : memref<32x128xf32, #tpu.memory_space<vmem>> -> memref<1x128xf32, #tpu.memory_space<vmem>>
    %dma_wait3A_601 = tpu.memref_squeeze %dma_wait3A_600 : memref<1x128xf32, #tpu.memory_space<vmem>> -> memref<128xf32, #tpu.memory_space<vmem>>
    %dma_wait3A_602 = arith.constant 0 : i32
    %dma_wait3A_603 = tpu.memref_slice %arg7[%dma_wait3A_598, %dma_wait3A_602] : memref<32x128xi32, #tpu.memory_space<vmem>> -> memref<1x128xi32, #tpu.memory_space<vmem>>
    %dma_wait3A_604 = tpu.memref_squeeze %dma_wait3A_603 : memref<1x128xi32, #tpu.memory_space<vmem>> -> memref<128xi32, #tpu.memory_space<vmem>>
    %dma_wait3A_605 = arith.constant 0 : i32
    %dma_wait3A_606 = tpu.memref_slice %arg9[%dma_wait3A_605] : memref<524288xf32, #tpu.memory_space<vmem_shared>> -> memref<524288xf32, #tpu.memory_space<vmem_shared>>
    tpu.wait_indirect_dma semaphore(%arg12 : memref<!tpu.dma_semaphore, #tpu.memory_space<semaphore_mem>>) src(%dma_wait3A_601 : memref<128xf32, #tpu.memory_space<vmem>>) dst(%dma_wait3A_606 : memref<524288xf32, #tpu.memory_space<vmem_shared>>)
    %dma_wait3A_607 = arith.constant 7 : i32
    %dma_wait3A_608 = arith.constant 7 : i32
    %dma_wait3A_609 = arith.constant 0 : i32
    %dma_wait3A_610 = tpu.memref_slice %arg8[%dma_wait3A_607, %dma_wait3A_609] : memref<32x128xf32, #tpu.memory_space<vmem>> -> memref<1x128xf32, #tpu.memory_space<vmem>>
    %dma_wait3A_611 = tpu.memref_squeeze %dma_wait3A_610 : memref<1x128xf32, #tpu.memory_space<vmem>> -> memref<128xf32, #tpu.memory_space<vmem>>
    %dma_wait3A_612 = arith.constant 0 : i32
    %dma_wait3A_613 = tpu.memref_slice %arg7[%dma_wait3A_608, %dma_wait3A_612] : memref<32x128xi32, #tpu.memory_space<vmem>> -> memref<1x128xi32, #tpu.memory_space<vmem>>
    %dma_wait3A_614 = tpu.memref_squeeze %dma_wait3A_613 : memref<1x128xi32, #tpu.memory_space<vmem>> -> memref<128xi32, #tpu.memory_space<vmem>>
    %dma_wait3A_615 = arith.constant 0 : i32
    %dma_wait3A_616 = tpu.memref_slice %arg9[%dma_wait3A_615] : memref<524288xf32, #tpu.memory_space<vmem_shared>> -> memref<524288xf32, #tpu.memory_space<vmem_shared>>
    tpu.wait_indirect_dma semaphore(%arg12 : memref<!tpu.dma_semaphore, #tpu.memory_space<semaphore_mem>>) src(%dma_wait3A_611 : memref<128xf32, #tpu.memory_space<vmem>>) dst(%dma_wait3A_616 : memref<524288xf32, #tpu.memory_space<vmem_shared>>)
    %dma_wait3A_617 = arith.constant 8 : i32
    %dma_wait3A_618 = arith.constant 8 : i32
    %dma_wait3A_619 = arith.constant 0 : i32
    %dma_wait3A_620 = tpu.memref_slice %arg8[%dma_wait3A_617, %dma_wait3A_619] : memref<32x128xf32, #tpu.memory_space<vmem>> -> memref<1x128xf32, #tpu.memory_space<vmem>>
    %dma_wait3A_621 = tpu.memref_squeeze %dma_wait3A_620 : memref<1x128xf32, #tpu.memory_space<vmem>> -> memref<128xf32, #tpu.memory_space<vmem>>
    %dma_wait3A_622 = arith.constant 0 : i32
    %dma_wait3A_623 = tpu.memref_slice %arg7[%dma_wait3A_618, %dma_wait3A_622] : memref<32x128xi32, #tpu.memory_space<vmem>> -> memref<1x128xi32, #tpu.memory_space<vmem>>
    %dma_wait3A_624 = tpu.memref_squeeze %dma_wait3A_623 : memref<1x128xi32, #tpu.memory_space<vmem>> -> memref<128xi32, #tpu.memory_space<vmem>>
    %dma_wait3A_625 = arith.constant 0 : i32
    %dma_wait3A_626 = tpu.memref_slice %arg9[%dma_wait3A_625] : memref<524288xf32, #tpu.memory_space<vmem_shared>> -> memref<524288xf32, #tpu.memory_space<vmem_shared>>
    tpu.wait_indirect_dma semaphore(%arg12 : memref<!tpu.dma_semaphore, #tpu.memory_space<semaphore_mem>>) src(%dma_wait3A_621 : memref<128xf32, #tpu.memory_space<vmem>>) dst(%dma_wait3A_626 : memref<524288xf32, #tpu.memory_space<vmem_shared>>)
    %dma_wait3A_627 = arith.constant 9 : i32
    %dma_wait3A_628 = arith.constant 9 : i32
    %dma_wait3A_629 = arith.constant 0 : i32
    %dma_wait3A_630 = tpu.memref_slice %arg8[%dma_wait3A_627, %dma_wait3A_629] : memref<32x128xf32, #tpu.memory_space<vmem>> -> memref<1x128xf32, #tpu.memory_space<vmem>>
    %dma_wait3A_631 = tpu.memref_squeeze %dma_wait3A_630 : memref<1x128xf32, #tpu.memory_space<vmem>> -> memref<128xf32, #tpu.memory_space<vmem>>
    %dma_wait3A_632 = arith.constant 0 : i32
    %dma_wait3A_633 = tpu.memref_slice %arg7[%dma_wait3A_628, %dma_wait3A_632] : memref<32x128xi32, #tpu.memory_space<vmem>> -> memref<1x128xi32, #tpu.memory_space<vmem>>
    %dma_wait3A_634 = tpu.memref_squeeze %dma_wait3A_633 : memref<1x128xi32, #tpu.memory_space<vmem>> -> memref<128xi32, #tpu.memory_space<vmem>>
    %dma_wait3A_635 = arith.constant 0 : i32
    %dma_wait3A_636 = tpu.memref_slice %arg9[%dma_wait3A_635] : memref<524288xf32, #tpu.memory_space<vmem_shared>> -> memref<524288xf32, #tpu.memory_space<vmem_shared>>
    tpu.wait_indirect_dma semaphore(%arg12 : memref<!tpu.dma_semaphore, #tpu.memory_space<semaphore_mem>>) src(%dma_wait3A_631 : memref<128xf32, #tpu.memory_space<vmem>>) dst(%dma_wait3A_636 : memref<524288xf32, #tpu.memory_space<vmem_shared>>)
    %dma_wait3A_637 = arith.constant 10 : i32
    %dma_wait3A_638 = arith.constant 10 : i32
    %dma_wait3A_639 = arith.constant 0 : i32
    %dma_wait3A_640 = tpu.memref_slice %arg8[%dma_wait3A_637, %dma_wait3A_639] : memref<32x128xf32, #tpu.memory_space<vmem>> -> memref<1x128xf32, #tpu.memory_space<vmem>>
    %dma_wait3A_641 = tpu.memref_squeeze %dma_wait3A_640 : memref<1x128xf32, #tpu.memory_space<vmem>> -> memref<128xf32, #tpu.memory_space<vmem>>
    %dma_wait3A_642 = arith.constant 0 : i32
    %dma_wait3A_643 = tpu.memref_slice %arg7[%dma_wait3A_638, %dma_wait3A_642] : memref<32x128xi32, #tpu.memory_space<vmem>> -> memref<1x128xi32, #tpu.memory_space<vmem>>
    %dma_wait3A_644 = tpu.memref_squeeze %dma_wait3A_643 : memref<1x128xi32, #tpu.memory_space<vmem>> -> memref<128xi32, #tpu.memory_space<vmem>>
    %dma_wait3A_645 = arith.constant 0 : i32
    %dma_wait3A_646 = tpu.memref_slice %arg9[%dma_wait3A_645] : memref<524288xf32, #tpu.memory_space<vmem_shared>> -> memref<524288xf32, #tpu.memory_space<vmem_shared>>
    tpu.wait_indirect_dma semaphore(%arg12 : memref<!tpu.dma_semaphore, #tpu.memory_space<semaphore_mem>>) src(%dma_wait3A_641 : memref<128xf32, #tpu.memory_space<vmem>>) dst(%dma_wait3A_646 : memref<524288xf32, #tpu.memory_space<vmem_shared>>)
    %dma_wait3A_647 = arith.constant 11 : i32
    %dma_wait3A_648 = arith.constant 11 : i32
    %dma_wait3A_649 = arith.constant 0 : i32
    %dma_wait3A_650 = tpu.memref_slice %arg8[%dma_wait3A_647, %dma_wait3A_649] : memref<32x128xf32, #tpu.memory_space<vmem>> -> memref<1x128xf32, #tpu.memory_space<vmem>>
    %dma_wait3A_651 = tpu.memref_squeeze %dma_wait3A_650 : memref<1x128xf32, #tpu.memory_space<vmem>> -> memref<128xf32, #tpu.memory_space<vmem>>
    %dma_wait3A_652 = arith.constant 0 : i32
    %dma_wait3A_653 = tpu.memref_slice %arg7[%dma_wait3A_648, %dma_wait3A_652] : memref<32x128xi32, #tpu.memory_space<vmem>> -> memref<1x128xi32, #tpu.memory_space<vmem>>
    %dma_wait3A_654 = tpu.memref_squeeze %dma_wait3A_653 : memref<1x128xi32, #tpu.memory_space<vmem>> -> memref<128xi32, #tpu.memory_space<vmem>>
    %dma_wait3A_655 = arith.constant 0 : i32
    %dma_wait3A_656 = tpu.memref_slice %arg9[%dma_wait3A_655] : memref<524288xf32, #tpu.memory_space<vmem_shared>> -> memref<524288xf32, #tpu.memory_space<vmem_shared>>
    tpu.wait_indirect_dma semaphore(%arg12 : memref<!tpu.dma_semaphore, #tpu.memory_space<semaphore_mem>>) src(%dma_wait3A_651 : memref<128xf32, #tpu.memory_space<vmem>>) dst(%dma_wait3A_656 : memref<524288xf32, #tpu.memory_space<vmem_shared>>)
    %dma_wait3A_657 = arith.constant 12 : i32
    %dma_wait3A_658 = arith.constant 12 : i32
    %dma_wait3A_659 = arith.constant 0 : i32
    %dma_wait3A_660 = tpu.memref_slice %arg8[%dma_wait3A_657, %dma_wait3A_659] : memref<32x128xf32, #tpu.memory_space<vmem>> -> memref<1x128xf32, #tpu.memory_space<vmem>>
    %dma_wait3A_661 = tpu.memref_squeeze %dma_wait3A_660 : memref<1x128xf32, #tpu.memory_space<vmem>> -> memref<128xf32, #tpu.memory_space<vmem>>
    %dma_wait3A_662 = arith.constant 0 : i32
    %dma_wait3A_663 = tpu.memref_slice %arg7[%dma_wait3A_658, %dma_wait3A_662] : memref<32x128xi32, #tpu.memory_space<vmem>> -> memref<1x128xi32, #tpu.memory_space<vmem>>
    %dma_wait3A_664 = tpu.memref_squeeze %dma_wait3A_663 : memref<1x128xi32, #tpu.memory_space<vmem>> -> memref<128xi32, #tpu.memory_space<vmem>>
    %dma_wait3A_665 = arith.constant 0 : i32
    %dma_wait3A_666 = tpu.memref_slice %arg9[%dma_wait3A_665] : memref<524288xf32, #tpu.memory_space<vmem_shared>> -> memref<524288xf32, #tpu.memory_space<vmem_shared>>
    tpu.wait_indirect_dma semaphore(%arg12 : memref<!tpu.dma_semaphore, #tpu.memory_space<semaphore_mem>>) src(%dma_wait3A_661 : memref<128xf32, #tpu.memory_space<vmem>>) dst(%dma_wait3A_666 : memref<524288xf32, #tpu.memory_space<vmem_shared>>)
    %dma_wait3A_667 = arith.constant 13 : i32
    %dma_wait3A_668 = arith.constant 13 : i32
    %dma_wait3A_669 = arith.constant 0 : i32
    %dma_wait3A_670 = tpu.memref_slice %arg8[%dma_wait3A_667, %dma_wait3A_669] : memref<32x128xf32, #tpu.memory_space<vmem>> -> memref<1x128xf32, #tpu.memory_space<vmem>>
    %dma_wait3A_671 = tpu.memref_squeeze %dma_wait3A_670 : memref<1x128xf32, #tpu.memory_space<vmem>> -> memref<128xf32, #tpu.memory_space<vmem>>
    %dma_wait3A_672 = arith.constant 0 : i32
    %dma_wait3A_673 = tpu.memref_slice %arg7[%dma_wait3A_668, %dma_wait3A_672] : memref<32x128xi32, #tpu.memory_space<vmem>> -> memref<1x128xi32, #tpu.memory_space<vmem>>
    %dma_wait3A_674 = tpu.memref_squeeze %dma_wait3A_673 : memref<1x128xi32, #tpu.memory_space<vmem>> -> memref<128xi32, #tpu.memory_space<vmem>>
    %dma_wait3A_675 = arith.constant 0 : i32
    %dma_wait3A_676 = tpu.memref_slice %arg9[%dma_wait3A_675] : memref<524288xf32, #tpu.memory_space<vmem_shared>> -> memref<524288xf32, #tpu.memory_space<vmem_shared>>
    tpu.wait_indirect_dma semaphore(%arg12 : memref<!tpu.dma_semaphore, #tpu.memory_space<semaphore_mem>>) src(%dma_wait3A_671 : memref<128xf32, #tpu.memory_space<vmem>>) dst(%dma_wait3A_676 : memref<524288xf32, #tpu.memory_space<vmem_shared>>)
    %dma_wait3A_677 = arith.constant 14 : i32
    %dma_wait3A_678 = arith.constant 14 : i32
    %dma_wait3A_679 = arith.constant 0 : i32
    %dma_wait3A_680 = tpu.memref_slice %arg8[%dma_wait3A_677, %dma_wait3A_679] : memref<32x128xf32, #tpu.memory_space<vmem>> -> memref<1x128xf32, #tpu.memory_space<vmem>>
    %dma_wait3A_681 = tpu.memref_squeeze %dma_wait3A_680 : memref<1x128xf32, #tpu.memory_space<vmem>> -> memref<128xf32, #tpu.memory_space<vmem>>
    %dma_wait3A_682 = arith.constant 0 : i32
    %dma_wait3A_683 = tpu.memref_slice %arg7[%dma_wait3A_678, %dma_wait3A_682] : memref<32x128xi32, #tpu.memory_space<vmem>> -> memref<1x128xi32, #tpu.memory_space<vmem>>
    %dma_wait3A_684 = tpu.memref_squeeze %dma_wait3A_683 : memref<1x128xi32, #tpu.memory_space<vmem>> -> memref<128xi32, #tpu.memory_space<vmem>>
    %dma_wait3A_685 = arith.constant 0 : i32
    %dma_wait3A_686 = tpu.memref_slice %arg9[%dma_wait3A_685] : memref<524288xf32, #tpu.memory_space<vmem_shared>> -> memref<524288xf32, #tpu.memory_space<vmem_shared>>
    tpu.wait_indirect_dma semaphore(%arg12 : memref<!tpu.dma_semaphore, #tpu.memory_space<semaphore_mem>>) src(%dma_wait3A_681 : memref<128xf32, #tpu.memory_space<vmem>>) dst(%dma_wait3A_686 : memref<524288xf32, #tpu.memory_space<vmem_shared>>)
    %dma_wait3A_687 = arith.constant 15 : i32
    %dma_wait3A_688 = arith.constant 15 : i32
    %dma_wait3A_689 = arith.constant 0 : i32
    %dma_wait3A_690 = tpu.memref_slice %arg8[%dma_wait3A_687, %dma_wait3A_689] : memref<32x128xf32, #tpu.memory_space<vmem>> -> memref<1x128xf32, #tpu.memory_space<vmem>>
    %dma_wait3A_691 = tpu.memref_squeeze %dma_wait3A_690 : memref<1x128xf32, #tpu.memory_space<vmem>> -> memref<128xf32, #tpu.memory_space<vmem>>
    %dma_wait3A_692 = arith.constant 0 : i32
    %dma_wait3A_693 = tpu.memref_slice %arg7[%dma_wait3A_688, %dma_wait3A_692] : memref<32x128xi32, #tpu.memory_space<vmem>> -> memref<1x128xi32, #tpu.memory_space<vmem>>
    %dma_wait3A_694 = tpu.memref_squeeze %dma_wait3A_693 : memref<1x128xi32, #tpu.memory_space<vmem>> -> memref<128xi32, #tpu.memory_space<vmem>>
    %dma_wait3A_695 = arith.constant 0 : i32
    %dma_wait3A_696 = tpu.memref_slice %arg9[%dma_wait3A_695] : memref<524288xf32, #tpu.memory_space<vmem_shared>> -> memref<524288xf32, #tpu.memory_space<vmem_shared>>
    tpu.wait_indirect_dma semaphore(%arg12 : memref<!tpu.dma_semaphore, #tpu.memory_space<semaphore_mem>>) src(%dma_wait3A_691 : memref<128xf32, #tpu.memory_space<vmem>>) dst(%dma_wait3A_696 : memref<524288xf32, #tpu.memory_space<vmem_shared>>)
    %dma_wait3A_697 = arith.constant 16 : i32
    %dma_wait3A_698 = arith.constant 16 : i32
    %dma_wait3A_699 = arith.constant 0 : i32
    %dma_wait3A_700 = tpu.memref_slice %arg8[%dma_wait3A_697, %dma_wait3A_699] : memref<32x128xf32, #tpu.memory_space<vmem>> -> memref<1x128xf32, #tpu.memory_space<vmem>>
    %dma_wait3A_701 = tpu.memref_squeeze %dma_wait3A_700 : memref<1x128xf32, #tpu.memory_space<vmem>> -> memref<128xf32, #tpu.memory_space<vmem>>
    %dma_wait3A_702 = arith.constant 0 : i32
    %dma_wait3A_703 = tpu.memref_slice %arg7[%dma_wait3A_698, %dma_wait3A_702] : memref<32x128xi32, #tpu.memory_space<vmem>> -> memref<1x128xi32, #tpu.memory_space<vmem>>
    %dma_wait3A_704 = tpu.memref_squeeze %dma_wait3A_703 : memref<1x128xi32, #tpu.memory_space<vmem>> -> memref<128xi32, #tpu.memory_space<vmem>>
    %dma_wait3A_705 = arith.constant 0 : i32
    %dma_wait3A_706 = tpu.memref_slice %arg9[%dma_wait3A_705] : memref<524288xf32, #tpu.memory_space<vmem_shared>> -> memref<524288xf32, #tpu.memory_space<vmem_shared>>
    tpu.wait_indirect_dma semaphore(%arg12 : memref<!tpu.dma_semaphore, #tpu.memory_space<semaphore_mem>>) src(%dma_wait3A_701 : memref<128xf32, #tpu.memory_space<vmem>>) dst(%dma_wait3A_706 : memref<524288xf32, #tpu.memory_space<vmem_shared>>)
    %dma_wait3A_707 = arith.constant 17 : i32
    %dma_wait3A_708 = arith.constant 17 : i32
    %dma_wait3A_709 = arith.constant 0 : i32
    %dma_wait3A_710 = tpu.memref_slice %arg8[%dma_wait3A_707, %dma_wait3A_709] : memref<32x128xf32, #tpu.memory_space<vmem>> -> memref<1x128xf32, #tpu.memory_space<vmem>>
    %dma_wait3A_711 = tpu.memref_squeeze %dma_wait3A_710 : memref<1x128xf32, #tpu.memory_space<vmem>> -> memref<128xf32, #tpu.memory_space<vmem>>
    %dma_wait3A_712 = arith.constant 0 : i32
    %dma_wait3A_713 = tpu.memref_slice %arg7[%dma_wait3A_708, %dma_wait3A_712] : memref<32x128xi32, #tpu.memory_space<vmem>> -> memref<1x128xi32, #tpu.memory_space<vmem>>
    %dma_wait3A_714 = tpu.memref_squeeze %dma_wait3A_713 : memref<1x128xi32, #tpu.memory_space<vmem>> -> memref<128xi32, #tpu.memory_space<vmem>>
    %dma_wait3A_715 = arith.constant 0 : i32
    %dma_wait3A_716 = tpu.memref_slice %arg9[%dma_wait3A_715] : memref<524288xf32, #tpu.memory_space<vmem_shared>> -> memref<524288xf32, #tpu.memory_space<vmem_shared>>
    tpu.wait_indirect_dma semaphore(%arg12 : memref<!tpu.dma_semaphore, #tpu.memory_space<semaphore_mem>>) src(%dma_wait3A_711 : memref<128xf32, #tpu.memory_space<vmem>>) dst(%dma_wait3A_716 : memref<524288xf32, #tpu.memory_space<vmem_shared>>)
    %dma_wait3A_717 = arith.constant 18 : i32
    %dma_wait3A_718 = arith.constant 18 : i32
    %dma_wait3A_719 = arith.constant 0 : i32
    %dma_wait3A_720 = tpu.memref_slice %arg8[%dma_wait3A_717, %dma_wait3A_719] : memref<32x128xf32, #tpu.memory_space<vmem>> -> memref<1x128xf32, #tpu.memory_space<vmem>>
    %dma_wait3A_721 = tpu.memref_squeeze %dma_wait3A_720 : memref<1x128xf32, #tpu.memory_space<vmem>> -> memref<128xf32, #tpu.memory_space<vmem>>
    %dma_wait3A_722 = arith.constant 0 : i32
    %dma_wait3A_723 = tpu.memref_slice %arg7[%dma_wait3A_718, %dma_wait3A_722] : memref<32x128xi32, #tpu.memory_space<vmem>> -> memref<1x128xi32, #tpu.memory_space<vmem>>
    %dma_wait3A_724 = tpu.memref_squeeze %dma_wait3A_723 : memref<1x128xi32, #tpu.memory_space<vmem>> -> memref<128xi32, #tpu.memory_space<vmem>>
    %dma_wait3A_725 = arith.constant 0 : i32
    %dma_wait3A_726 = tpu.memref_slice %arg9[%dma_wait3A_725] : memref<524288xf32, #tpu.memory_space<vmem_shared>> -> memref<524288xf32, #tpu.memory_space<vmem_shared>>
    tpu.wait_indirect_dma semaphore(%arg12 : memref<!tpu.dma_semaphore, #tpu.memory_space<semaphore_mem>>) src(%dma_wait3A_721 : memref<128xf32, #tpu.memory_space<vmem>>) dst(%dma_wait3A_726 : memref<524288xf32, #tpu.memory_space<vmem_shared>>)
    %dma_wait3A_727 = arith.constant 19 : i32
    %dma_wait3A_728 = arith.constant 19 : i32
    %dma_wait3A_729 = arith.constant 0 : i32
    %dma_wait3A_730 = tpu.memref_slice %arg8[%dma_wait3A_727, %dma_wait3A_729] : memref<32x128xf32, #tpu.memory_space<vmem>> -> memref<1x128xf32, #tpu.memory_space<vmem>>
    %dma_wait3A_731 = tpu.memref_squeeze %dma_wait3A_730 : memref<1x128xf32, #tpu.memory_space<vmem>> -> memref<128xf32, #tpu.memory_space<vmem>>
    %dma_wait3A_732 = arith.constant 0 : i32
    %dma_wait3A_733 = tpu.memref_slice %arg7[%dma_wait3A_728, %dma_wait3A_732] : memref<32x128xi32, #tpu.memory_space<vmem>> -> memref<1x128xi32, #tpu.memory_space<vmem>>
    %dma_wait3A_734 = tpu.memref_squeeze %dma_wait3A_733 : memref<1x128xi32, #tpu.memory_space<vmem>> -> memref<128xi32, #tpu.memory_space<vmem>>
    %dma_wait3A_735 = arith.constant 0 : i32
    %dma_wait3A_736 = tpu.memref_slice %arg9[%dma_wait3A_735] : memref<524288xf32, #tpu.memory_space<vmem_shared>> -> memref<524288xf32, #tpu.memory_space<vmem_shared>>
    tpu.wait_indirect_dma semaphore(%arg12 : memref<!tpu.dma_semaphore, #tpu.memory_space<semaphore_mem>>) src(%dma_wait3A_731 : memref<128xf32, #tpu.memory_space<vmem>>) dst(%dma_wait3A_736 : memref<524288xf32, #tpu.memory_space<vmem_shared>>)
    %dma_wait3A_737 = arith.constant 20 : i32
    %dma_wait3A_738 = arith.constant 20 : i32
    %dma_wait3A_739 = arith.constant 0 : i32
    %dma_wait3A_740 = tpu.memref_slice %arg8[%dma_wait3A_737, %dma_wait3A_739] : memref<32x128xf32, #tpu.memory_space<vmem>> -> memref<1x128xf32, #tpu.memory_space<vmem>>
    %dma_wait3A_741 = tpu.memref_squeeze %dma_wait3A_740 : memref<1x128xf32, #tpu.memory_space<vmem>> -> memref<128xf32, #tpu.memory_space<vmem>>
    %dma_wait3A_742 = arith.constant 0 : i32
    %dma_wait3A_743 = tpu.memref_slice %arg7[%dma_wait3A_738, %dma_wait3A_742] : memref<32x128xi32, #tpu.memory_space<vmem>> -> memref<1x128xi32, #tpu.memory_space<vmem>>
    %dma_wait3A_744 = tpu.memref_squeeze %dma_wait3A_743 : memref<1x128xi32, #tpu.memory_space<vmem>> -> memref<128xi32, #tpu.memory_space<vmem>>
    %dma_wait3A_745 = arith.constant 0 : i32
    %dma_wait3A_746 = tpu.memref_slice %arg9[%dma_wait3A_745] : memref<524288xf32, #tpu.memory_space<vmem_shared>> -> memref<524288xf32, #tpu.memory_space<vmem_shared>>
    tpu.wait_indirect_dma semaphore(%arg12 : memref<!tpu.dma_semaphore, #tpu.memory_space<semaphore_mem>>) src(%dma_wait3A_741 : memref<128xf32, #tpu.memory_space<vmem>>) dst(%dma_wait3A_746 : memref<524288xf32, #tpu.memory_space<vmem_shared>>)
    %dma_wait3A_747 = arith.constant 21 : i32
    %dma_wait3A_748 = arith.constant 21 : i32
    %dma_wait3A_749 = arith.constant 0 : i32
    %dma_wait3A_750 = tpu.memref_slice %arg8[%dma_wait3A_747, %dma_wait3A_749] : memref<32x128xf32, #tpu.memory_space<vmem>> -> memref<1x128xf32, #tpu.memory_space<vmem>>
    %dma_wait3A_751 = tpu.memref_squeeze %dma_wait3A_750 : memref<1x128xf32, #tpu.memory_space<vmem>> -> memref<128xf32, #tpu.memory_space<vmem>>
    %dma_wait3A_752 = arith.constant 0 : i32
    %dma_wait3A_753 = tpu.memref_slice %arg7[%dma_wait3A_748, %dma_wait3A_752] : memref<32x128xi32, #tpu.memory_space<vmem>> -> memref<1x128xi32, #tpu.memory_space<vmem>>
    %dma_wait3A_754 = tpu.memref_squeeze %dma_wait3A_753 : memref<1x128xi32, #tpu.memory_space<vmem>> -> memref<128xi32, #tpu.memory_space<vmem>>
    %dma_wait3A_755 = arith.constant 0 : i32
    %dma_wait3A_756 = tpu.memref_slice %arg9[%dma_wait3A_755] : memref<524288xf32, #tpu.memory_space<vmem_shared>> -> memref<524288xf32, #tpu.memory_space<vmem_shared>>
    tpu.wait_indirect_dma semaphore(%arg12 : memref<!tpu.dma_semaphore, #tpu.memory_space<semaphore_mem>>) src(%dma_wait3A_751 : memref<128xf32, #tpu.memory_space<vmem>>) dst(%dma_wait3A_756 : memref<524288xf32, #tpu.memory_space<vmem_shared>>)
    %dma_wait3A_757 = arith.constant 22 : i32
    %dma_wait3A_758 = arith.constant 22 : i32
    %dma_wait3A_759 = arith.constant 0 : i32
    %dma_wait3A_760 = tpu.memref_slice %arg8[%dma_wait3A_757, %dma_wait3A_759] : memref<32x128xf32, #tpu.memory_space<vmem>> -> memref<1x128xf32, #tpu.memory_space<vmem>>
    %dma_wait3A_761 = tpu.memref_squeeze %dma_wait3A_760 : memref<1x128xf32, #tpu.memory_space<vmem>> -> memref<128xf32, #tpu.memory_space<vmem>>
    %dma_wait3A_762 = arith.constant 0 : i32
    %dma_wait3A_763 = tpu.memref_slice %arg7[%dma_wait3A_758, %dma_wait3A_762] : memref<32x128xi32, #tpu.memory_space<vmem>> -> memref<1x128xi32, #tpu.memory_space<vmem>>
    %dma_wait3A_764 = tpu.memref_squeeze %dma_wait3A_763 : memref<1x128xi32, #tpu.memory_space<vmem>> -> memref<128xi32, #tpu.memory_space<vmem>>
    %dma_wait3A_765 = arith.constant 0 : i32
    %dma_wait3A_766 = tpu.memref_slice %arg9[%dma_wait3A_765] : memref<524288xf32, #tpu.memory_space<vmem_shared>> -> memref<524288xf32, #tpu.memory_space<vmem_shared>>
    tpu.wait_indirect_dma semaphore(%arg12 : memref<!tpu.dma_semaphore, #tpu.memory_space<semaphore_mem>>) src(%dma_wait3A_761 : memref<128xf32, #tpu.memory_space<vmem>>) dst(%dma_wait3A_766 : memref<524288xf32, #tpu.memory_space<vmem_shared>>)
    %dma_wait3A_767 = arith.constant 23 : i32
    %dma_wait3A_768 = arith.constant 23 : i32
    %dma_wait3A_769 = arith.constant 0 : i32
    %dma_wait3A_770 = tpu.memref_slice %arg8[%dma_wait3A_767, %dma_wait3A_769] : memref<32x128xf32, #tpu.memory_space<vmem>> -> memref<1x128xf32, #tpu.memory_space<vmem>>
    %dma_wait3A_771 = tpu.memref_squeeze %dma_wait3A_770 : memref<1x128xf32, #tpu.memory_space<vmem>> -> memref<128xf32, #tpu.memory_space<vmem>>
    %dma_wait3A_772 = arith.constant 0 : i32
    %dma_wait3A_773 = tpu.memref_slice %arg7[%dma_wait3A_768, %dma_wait3A_772] : memref<32x128xi32, #tpu.memory_space<vmem>> -> memref<1x128xi32, #tpu.memory_space<vmem>>
    %dma_wait3A_774 = tpu.memref_squeeze %dma_wait3A_773 : memref<1x128xi32, #tpu.memory_space<vmem>> -> memref<128xi32, #tpu.memory_space<vmem>>
    %dma_wait3A_775 = arith.constant 0 : i32
    %dma_wait3A_776 = tpu.memref_slice %arg9[%dma_wait3A_775] : memref<524288xf32, #tpu.memory_space<vmem_shared>> -> memref<524288xf32, #tpu.memory_space<vmem_shared>>
    tpu.wait_indirect_dma semaphore(%arg12 : memref<!tpu.dma_semaphore, #tpu.memory_space<semaphore_mem>>) src(%dma_wait3A_771 : memref<128xf32, #tpu.memory_space<vmem>>) dst(%dma_wait3A_776 : memref<524288xf32, #tpu.memory_space<vmem_shared>>)
    %dma_wait3A_777 = arith.constant 24 : i32
    %dma_wait3A_778 = arith.constant 24 : i32
    %dma_wait3A_779 = arith.constant 0 : i32
    %dma_wait3A_780 = tpu.memref_slice %arg8[%dma_wait3A_777, %dma_wait3A_779] : memref<32x128xf32, #tpu.memory_space<vmem>> -> memref<1x128xf32, #tpu.memory_space<vmem>>
    %dma_wait3A_781 = tpu.memref_squeeze %dma_wait3A_780 : memref<1x128xf32, #tpu.memory_space<vmem>> -> memref<128xf32, #tpu.memory_space<vmem>>
    %dma_wait3A_782 = arith.constant 0 : i32
    %dma_wait3A_783 = tpu.memref_slice %arg7[%dma_wait3A_778, %dma_wait3A_782] : memref<32x128xi32, #tpu.memory_space<vmem>> -> memref<1x128xi32, #tpu.memory_space<vmem>>
    %dma_wait3A_784 = tpu.memref_squeeze %dma_wait3A_783 : memref<1x128xi32, #tpu.memory_space<vmem>> -> memref<128xi32, #tpu.memory_space<vmem>>
    %dma_wait3A_785 = arith.constant 0 : i32
    %dma_wait3A_786 = tpu.memref_slice %arg9[%dma_wait3A_785] : memref<524288xf32, #tpu.memory_space<vmem_shared>> -> memref<524288xf32, #tpu.memory_space<vmem_shared>>
    tpu.wait_indirect_dma semaphore(%arg12 : memref<!tpu.dma_semaphore, #tpu.memory_space<semaphore_mem>>) src(%dma_wait3A_781 : memref<128xf32, #tpu.memory_space<vmem>>) dst(%dma_wait3A_786 : memref<524288xf32, #tpu.memory_space<vmem_shared>>)
    %dma_wait3A_787 = arith.constant 25 : i32
    %dma_wait3A_788 = arith.constant 25 : i32
    %dma_wait3A_789 = arith.constant 0 : i32
    %dma_wait3A_790 = tpu.memref_slice %arg8[%dma_wait3A_787, %dma_wait3A_789] : memref<32x128xf32, #tpu.memory_space<vmem>> -> memref<1x128xf32, #tpu.memory_space<vmem>>
    %dma_wait3A_791 = tpu.memref_squeeze %dma_wait3A_790 : memref<1x128xf32, #tpu.memory_space<vmem>> -> memref<128xf32, #tpu.memory_space<vmem>>
    %dma_wait3A_792 = arith.constant 0 : i32
    %dma_wait3A_793 = tpu.memref_slice %arg7[%dma_wait3A_788, %dma_wait3A_792] : memref<32x128xi32, #tpu.memory_space<vmem>> -> memref<1x128xi32, #tpu.memory_space<vmem>>
    %dma_wait3A_794 = tpu.memref_squeeze %dma_wait3A_793 : memref<1x128xi32, #tpu.memory_space<vmem>> -> memref<128xi32, #tpu.memory_space<vmem>>
    %dma_wait3A_795 = arith.constant 0 : i32
    %dma_wait3A_796 = tpu.memref_slice %arg9[%dma_wait3A_795] : memref<524288xf32, #tpu.memory_space<vmem_shared>> -> memref<524288xf32, #tpu.memory_space<vmem_shared>>
    tpu.wait_indirect_dma semaphore(%arg12 : memref<!tpu.dma_semaphore, #tpu.memory_space<semaphore_mem>>) src(%dma_wait3A_791 : memref<128xf32, #tpu.memory_space<vmem>>) dst(%dma_wait3A_796 : memref<524288xf32, #tpu.memory_space<vmem_shared>>)
    %dma_wait3A_797 = arith.constant 26 : i32
    %dma_wait3A_798 = arith.constant 26 : i32
    %dma_wait3A_799 = arith.constant 0 : i32
    %dma_wait3A_800 = tpu.memref_slice %arg8[%dma_wait3A_797, %dma_wait3A_799] : memref<32x128xf32, #tpu.memory_space<vmem>> -> memref<1x128xf32, #tpu.memory_space<vmem>>
    %dma_wait3A_801 = tpu.memref_squeeze %dma_wait3A_800 : memref<1x128xf32, #tpu.memory_space<vmem>> -> memref<128xf32, #tpu.memory_space<vmem>>
    %dma_wait3A_802 = arith.constant 0 : i32
    %dma_wait3A_803 = tpu.memref_slice %arg7[%dma_wait3A_798, %dma_wait3A_802] : memref<32x128xi32, #tpu.memory_space<vmem>> -> memref<1x128xi32, #tpu.memory_space<vmem>>
    %dma_wait3A_804 = tpu.memref_squeeze %dma_wait3A_803 : memref<1x128xi32, #tpu.memory_space<vmem>> -> memref<128xi32, #tpu.memory_space<vmem>>
    %dma_wait3A_805 = arith.constant 0 : i32
    %dma_wait3A_806 = tpu.memref_slice %arg9[%dma_wait3A_805] : memref<524288xf32, #tpu.memory_space<vmem_shared>> -> memref<524288xf32, #tpu.memory_space<vmem_shared>>
    tpu.wait_indirect_dma semaphore(%arg12 : memref<!tpu.dma_semaphore, #tpu.memory_space<semaphore_mem>>) src(%dma_wait3A_801 : memref<128xf32, #tpu.memory_space<vmem>>) dst(%dma_wait3A_806 : memref<524288xf32, #tpu.memory_space<vmem_shared>>)
    %dma_wait3A_807 = arith.constant 27 : i32
    %dma_wait3A_808 = arith.constant 27 : i32
    %dma_wait3A_809 = arith.constant 0 : i32
    %dma_wait3A_810 = tpu.memref_slice %arg8[%dma_wait3A_807, %dma_wait3A_809] : memref<32x128xf32, #tpu.memory_space<vmem>> -> memref<1x128xf32, #tpu.memory_space<vmem>>
    %dma_wait3A_811 = tpu.memref_squeeze %dma_wait3A_810 : memref<1x128xf32, #tpu.memory_space<vmem>> -> memref<128xf32, #tpu.memory_space<vmem>>
    %dma_wait3A_812 = arith.constant 0 : i32
    %dma_wait3A_813 = tpu.memref_slice %arg7[%dma_wait3A_808, %dma_wait3A_812] : memref<32x128xi32, #tpu.memory_space<vmem>> -> memref<1x128xi32, #tpu.memory_space<vmem>>
    %dma_wait3A_814 = tpu.memref_squeeze %dma_wait3A_813 : memref<1x128xi32, #tpu.memory_space<vmem>> -> memref<128xi32, #tpu.memory_space<vmem>>
    %dma_wait3A_815 = arith.constant 0 : i32
    %dma_wait3A_816 = tpu.memref_slice %arg9[%dma_wait3A_815] : memref<524288xf32, #tpu.memory_space<vmem_shared>> -> memref<524288xf32, #tpu.memory_space<vmem_shared>>
    tpu.wait_indirect_dma semaphore(%arg12 : memref<!tpu.dma_semaphore, #tpu.memory_space<semaphore_mem>>) src(%dma_wait3A_811 : memref<128xf32, #tpu.memory_space<vmem>>) dst(%dma_wait3A_816 : memref<524288xf32, #tpu.memory_space<vmem_shared>>)
    %dma_wait3A_817 = arith.constant 28 : i32
    %dma_wait3A_818 = arith.constant 28 : i32
    %dma_wait3A_819 = arith.constant 0 : i32
    %dma_wait3A_820 = tpu.memref_slice %arg8[%dma_wait3A_817, %dma_wait3A_819] : memref<32x128xf32, #tpu.memory_space<vmem>> -> memref<1x128xf32, #tpu.memory_space<vmem>>
    %dma_wait3A_821 = tpu.memref_squeeze %dma_wait3A_820 : memref<1x128xf32, #tpu.memory_space<vmem>> -> memref<128xf32, #tpu.memory_space<vmem>>
    %dma_wait3A_822 = arith.constant 0 : i32
    %dma_wait3A_823 = tpu.memref_slice %arg7[%dma_wait3A_818, %dma_wait3A_822] : memref<32x128xi32, #tpu.memory_space<vmem>> -> memref<1x128xi32, #tpu.memory_space<vmem>>
    %dma_wait3A_824 = tpu.memref_squeeze %dma_wait3A_823 : memref<1x128xi32, #tpu.memory_space<vmem>> -> memref<128xi32, #tpu.memory_space<vmem>>
    %dma_wait3A_825 = arith.constant 0 : i32
    %dma_wait3A_826 = tpu.memref_slice %arg9[%dma_wait3A_825] : memref<524288xf32, #tpu.memory_space<vmem_shared>> -> memref<524288xf32, #tpu.memory_space<vmem_shared>>
    tpu.wait_indirect_dma semaphore(%arg12 : memref<!tpu.dma_semaphore, #tpu.memory_space<semaphore_mem>>) src(%dma_wait3A_821 : memref<128xf32, #tpu.memory_space<vmem>>) dst(%dma_wait3A_826 : memref<524288xf32, #tpu.memory_space<vmem_shared>>)
    %dma_wait3A_827 = arith.constant 29 : i32
    %dma_wait3A_828 = arith.constant 29 : i32
    %dma_wait3A_829 = arith.constant 0 : i32
    %dma_wait3A_830 = tpu.memref_slice %arg8[%dma_wait3A_827, %dma_wait3A_829] : memref<32x128xf32, #tpu.memory_space<vmem>> -> memref<1x128xf32, #tpu.memory_space<vmem>>
    %dma_wait3A_831 = tpu.memref_squeeze %dma_wait3A_830 : memref<1x128xf32, #tpu.memory_space<vmem>> -> memref<128xf32, #tpu.memory_space<vmem>>
    %dma_wait3A_832 = arith.constant 0 : i32
    %dma_wait3A_833 = tpu.memref_slice %arg7[%dma_wait3A_828, %dma_wait3A_832] : memref<32x128xi32, #tpu.memory_space<vmem>> -> memref<1x128xi32, #tpu.memory_space<vmem>>
    %dma_wait3A_834 = tpu.memref_squeeze %dma_wait3A_833 : memref<1x128xi32, #tpu.memory_space<vmem>> -> memref<128xi32, #tpu.memory_space<vmem>>
    %dma_wait3A_835 = arith.constant 0 : i32
    %dma_wait3A_836 = tpu.memref_slice %arg9[%dma_wait3A_835] : memref<524288xf32, #tpu.memory_space<vmem_shared>> -> memref<524288xf32, #tpu.memory_space<vmem_shared>>
    tpu.wait_indirect_dma semaphore(%arg12 : memref<!tpu.dma_semaphore, #tpu.memory_space<semaphore_mem>>) src(%dma_wait3A_831 : memref<128xf32, #tpu.memory_space<vmem>>) dst(%dma_wait3A_836 : memref<524288xf32, #tpu.memory_space<vmem_shared>>)
    %dma_wait3A_837 = arith.constant 30 : i32
    %dma_wait3A_838 = arith.constant 30 : i32
    %dma_wait3A_839 = arith.constant 0 : i32
    %dma_wait3A_840 = tpu.memref_slice %arg8[%dma_wait3A_837, %dma_wait3A_839] : memref<32x128xf32, #tpu.memory_space<vmem>> -> memref<1x128xf32, #tpu.memory_space<vmem>>
    %dma_wait3A_841 = tpu.memref_squeeze %dma_wait3A_840 : memref<1x128xf32, #tpu.memory_space<vmem>> -> memref<128xf32, #tpu.memory_space<vmem>>
    %dma_wait3A_842 = arith.constant 0 : i32
    %dma_wait3A_843 = tpu.memref_slice %arg7[%dma_wait3A_838, %dma_wait3A_842] : memref<32x128xi32, #tpu.memory_space<vmem>> -> memref<1x128xi32, #tpu.memory_space<vmem>>
    %dma_wait3A_844 = tpu.memref_squeeze %dma_wait3A_843 : memref<1x128xi32, #tpu.memory_space<vmem>> -> memref<128xi32, #tpu.memory_space<vmem>>
    %dma_wait3A_845 = arith.constant 0 : i32
    %dma_wait3A_846 = tpu.memref_slice %arg9[%dma_wait3A_845] : memref<524288xf32, #tpu.memory_space<vmem_shared>> -> memref<524288xf32, #tpu.memory_space<vmem_shared>>
    tpu.wait_indirect_dma semaphore(%arg12 : memref<!tpu.dma_semaphore, #tpu.memory_space<semaphore_mem>>) src(%dma_wait3A_841 : memref<128xf32, #tpu.memory_space<vmem>>) dst(%dma_wait3A_846 : memref<524288xf32, #tpu.memory_space<vmem_shared>>)
    %dma_wait3A_847 = arith.constant 31 : i32
    %dma_wait3A_848 = arith.constant 31 : i32
    %dma_wait3A_849 = arith.constant 0 : i32
    %dma_wait3A_850 = tpu.memref_slice %arg8[%dma_wait3A_847, %dma_wait3A_849] : memref<32x128xf32, #tpu.memory_space<vmem>> -> memref<1x128xf32, #tpu.memory_space<vmem>>
    %dma_wait3A_851 = tpu.memref_squeeze %dma_wait3A_850 : memref<1x128xf32, #tpu.memory_space<vmem>> -> memref<128xf32, #tpu.memory_space<vmem>>
    %dma_wait3A_852 = arith.constant 0 : i32
    %dma_wait3A_853 = tpu.memref_slice %arg7[%dma_wait3A_848, %dma_wait3A_852] : memref<32x128xi32, #tpu.memory_space<vmem>> -> memref<1x128xi32, #tpu.memory_space<vmem>>
    %dma_wait3A_854 = tpu.memref_squeeze %dma_wait3A_853 : memref<1x128xi32, #tpu.memory_space<vmem>> -> memref<128xi32, #tpu.memory_space<vmem>>
    %dma_wait3A_855 = arith.constant 0 : i32
    %dma_wait3A_856 = tpu.memref_slice %arg9[%dma_wait3A_855] : memref<524288xf32, #tpu.memory_space<vmem_shared>> -> memref<524288xf32, #tpu.memory_space<vmem_shared>>
    tpu.wait_indirect_dma semaphore(%arg12 : memref<!tpu.dma_semaphore, #tpu.memory_space<semaphore_mem>>) src(%dma_wait3A_851 : memref<128xf32, #tpu.memory_space<vmem>>) dst(%dma_wait3A_856 : memref<524288xf32, #tpu.memory_space<vmem_shared>>)
    %barrier3A_857 = arith.constant 0 : index
    tpu.barrier barrier_id(%barrier3A_857)
    %mul3A_858 = arith.constant 32768 : i32
    %mul3A_859 = arith.muli %arg1, %mul3A_858 : i32
    %mul3A_860 = arith.constant 524288 : i32
    %mul3A_861 = arith.muli %arg0, %mul3A_860 : i32
    %mul3A_862 = arith.constant 32768 : i32
    %mul3A_863 = arith.muli %arg1, %mul3A_862 : i32
    %add3A = arith.addi %mul3A_861, %mul3A_863 : i32
    "tpu.region"() ({
      %run_scoped3A = tpu.sem_alloc : memref<!tpu.dma_semaphore, #tpu.memory_space<semaphore_mem>>
      %dma_start3A_864 = tpu.memref_slice %arg4[%add3A] : memref<1048576xf32, #tpu.memory_space<hbm>> -> memref<32768xf32, #tpu.memory_space<hbm>>
      %dma_start3A_865 = tpu.memref_slice %arg9[%mul3A_859] : memref<524288xf32, #tpu.memory_space<vmem_shared>> -> memref<32768xf32, #tpu.memory_space<vmem_shared>>
      tpu.enqueue_dma source(%dma_start3A_865 : memref<32768xf32, #tpu.memory_space<vmem_shared>>) target(%dma_start3A_864 : memref<32768xf32, #tpu.memory_space<hbm>>) target_semaphore(%run_scoped3A : memref<!tpu.dma_semaphore, #tpu.memory_space<semaphore_mem>>)
      %dma_wait3A_866 = tpu.memref_slice %arg4[%add3A] : memref<1048576xf32, #tpu.memory_space<hbm>> -> memref<32768xf32, #tpu.memory_space<hbm>>
      %dma_wait3A_867 = tpu.memref_slice %arg9[%mul3A_859] : memref<524288xf32, #tpu.memory_space<vmem_shared>> -> memref<32768xf32, #tpu.memory_space<vmem_shared>>
      tpu.wait_dma2 semaphore(%run_scoped3A : memref<!tpu.dma_semaphore, #tpu.memory_space<semaphore_mem>>) src(%dma_wait3A_867 : memref<32768xf32, #tpu.memory_space<vmem_shared>>) dst(%dma_wait3A_866 : memref<32768xf32, #tpu.memory_space<hbm>>)
      tpu.yield
    }) : () -> ()
    return
  }
}

module attributes {stable_mosaic.version = 14 : i64} {
  func.func @_gcn_fc_body(%arg0: i32, %arg1: memref<8x1024x128xf32, #tpu.memory_space<vmem>>, %arg2: memref<1024x128xf32, #tpu.memory_space<vmem>>, %arg3: memref<128x64xf32, #tpu.memory_space<vmem>>, %arg4: memref<1x64xf32, #tpu.memory_space<vmem>>, %arg5: memref<64x64xf32, #tpu.memory_space<vmem>>, %arg6: memref<1x64xf32, #tpu.memory_space<vmem>>, %arg7: memref<2048x1024xf32, #tpu.memory_space<vmem>>, %arg8: memref<1x1024xf32, #tpu.memory_space<vmem>>, %arg9: memref<1024x15xf32, #tpu.memory_space<vmem>>, %arg10: memref<1x15xf32, #tpu.memory_space<vmem>>, %arg11: memref<1x15xf32, #tpu.memory_space<vmem>>, %arg12: memref<1024x64xf32, #tpu.memory_space<vmem>>, %arg13: memref<1x1024xf32, #tpu.memory_space<vmem>>) attributes {dimension_semantics = [#tpu.dimension_semantics<arbitrary>], iteration_bounds = array<i64: 32>, scalar_prefetch = 0 : i64, scratch_operands = 2 : i64, tpu.core_type = #tpu.core_type<tc>, window_params = [{pipeline_mode = #tpu.pipeline_mode<synchronous>, transform_indices = @transform_0, window_bounds = array<i64: 8, 1024, 128>}, {pipeline_mode = #tpu.pipeline_mode<synchronous>, transform_indices = @transform_1, window_bounds = array<i64: 1024, 128>}, {pipeline_mode = #tpu.pipeline_mode<synchronous>, transform_indices = @transform_2, window_bounds = array<i64: 128, 64>}, {pipeline_mode = #tpu.pipeline_mode<synchronous>, transform_indices = @transform_3, window_bounds = array<i64: 1, 64>}, {pipeline_mode = #tpu.pipeline_mode<synchronous>, transform_indices = @transform_4, window_bounds = array<i64: 64, 64>}, {pipeline_mode = #tpu.pipeline_mode<synchronous>, transform_indices = @transform_5, window_bounds = array<i64: 1, 64>}, {transform_indices = @transform_6, window_bounds = array<i64: 2048, 1024>}, {pipeline_mode = #tpu.pipeline_mode<synchronous>, transform_indices = @transform_7, window_bounds = array<i64: 1, 1024>}, {pipeline_mode = #tpu.pipeline_mode<synchronous>, transform_indices = @transform_8, window_bounds = array<i64: 1024, 15>}, {pipeline_mode = #tpu.pipeline_mode<synchronous>, transform_indices = @transform_9, window_bounds = array<i64: 1, 15>}, {pipeline_mode = #tpu.pipeline_mode<synchronous>, transform_indices = @transform_10, window_bounds = array<i64: 1, 15>}]} {
    %eq3A = arith.constant 0 : i32
    %eq3A_0 = arith.cmpi eq, %arg0, %eq3A : i32
    %convert_element_type3A = arith.extui %eq3A_0 : i1 to i32
    %cond3A = arith.constant 0 : i32
    %cond3A_1 = arith.cmpi ne, %convert_element_type3A, %cond3A : i32
    scf.if %cond3A_1 {
      %broadcast_in_dim3A_20 = arith.constant 0.000000e+00 : f32
      %broadcast_in_dim3A_21 = vector.broadcast %broadcast_in_dim3A_20 : f32 to vector<1024x1xf32>
      %add3A_22 = arith.constant 1.000000e+00 : f32
      %add3A_23 = vector.broadcast %add3A_22 : f32 to vector<1024x1xf32>
      %add3A_24 = arith.addf %broadcast_in_dim3A_21, %add3A_23 : vector<1024x1xf32>
      %get3A_25 = arith.constant 0 : index
      %get3A_26 = arith.constant 0 : index
      %get3A_27 = arith.constant 0 : index
      %get3A_28 = vector.load %arg1[%get3A_25, %get3A_26, %get3A_27] : memref<8x1024x128xf32, #tpu.memory_space<vmem>>, vector<1x1024x128xf32>
      %get3A_29 = vector.shape_cast %get3A_28 : vector<1x1024x128xf32> to vector<1024x128xf32>
      %reduce_sum3A_30 = arith.constant dense<0.000000e+00> : vector<1024xf32>
      %reduce_sum3A_31 = vector.multi_reduction <add>, %get3A_29, %reduce_sum3A_30 [1] : vector<1024x128xf32> to vector<1024xf32>
      %broadcast_in_dim3A_32 = vector.shape_cast %reduce_sum3A_31 : vector<1024xf32> to vector<1024x1xf32>
      %add3A_33 = arith.addf %add3A_24, %broadcast_in_dim3A_32 : vector<1024x1xf32>
      %get3A_34 = arith.constant 1 : index
      %get3A_35 = arith.constant 0 : index
      %get3A_36 = arith.constant 0 : index
      %get3A_37 = vector.load %arg1[%get3A_34, %get3A_35, %get3A_36] : memref<8x1024x128xf32, #tpu.memory_space<vmem>>, vector<1x1024x128xf32>
      %get3A_38 = vector.shape_cast %get3A_37 : vector<1x1024x128xf32> to vector<1024x128xf32>
      %reduce_sum3A_39 = arith.constant dense<0.000000e+00> : vector<1024xf32>
      %reduce_sum3A_40 = vector.multi_reduction <add>, %get3A_38, %reduce_sum3A_39 [1] : vector<1024x128xf32> to vector<1024xf32>
      %broadcast_in_dim3A_41 = vector.shape_cast %reduce_sum3A_40 : vector<1024xf32> to vector<1024x1xf32>
      %add3A_42 = arith.addf %add3A_33, %broadcast_in_dim3A_41 : vector<1024x1xf32>
      %get3A_43 = arith.constant 2 : index
      %get3A_44 = arith.constant 0 : index
      %get3A_45 = arith.constant 0 : index
      %get3A_46 = vector.load %arg1[%get3A_43, %get3A_44, %get3A_45] : memref<8x1024x128xf32, #tpu.memory_space<vmem>>, vector<1x1024x128xf32>
      %get3A_47 = vector.shape_cast %get3A_46 : vector<1x1024x128xf32> to vector<1024x128xf32>
      %reduce_sum3A_48 = arith.constant dense<0.000000e+00> : vector<1024xf32>
      %reduce_sum3A_49 = vector.multi_reduction <add>, %get3A_47, %reduce_sum3A_48 [1] : vector<1024x128xf32> to vector<1024xf32>
      %broadcast_in_dim3A_50 = vector.shape_cast %reduce_sum3A_49 : vector<1024xf32> to vector<1024x1xf32>
      %add3A_51 = arith.addf %add3A_42, %broadcast_in_dim3A_50 : vector<1024x1xf32>
      %get3A_52 = arith.constant 3 : index
      %get3A_53 = arith.constant 0 : index
      %get3A_54 = arith.constant 0 : index
      %get3A_55 = vector.load %arg1[%get3A_52, %get3A_53, %get3A_54] : memref<8x1024x128xf32, #tpu.memory_space<vmem>>, vector<1x1024x128xf32>
      %get3A_56 = vector.shape_cast %get3A_55 : vector<1x1024x128xf32> to vector<1024x128xf32>
      %reduce_sum3A_57 = arith.constant dense<0.000000e+00> : vector<1024xf32>
      %reduce_sum3A_58 = vector.multi_reduction <add>, %get3A_56, %reduce_sum3A_57 [1] : vector<1024x128xf32> to vector<1024xf32>
      %broadcast_in_dim3A_59 = vector.shape_cast %reduce_sum3A_58 : vector<1024xf32> to vector<1024x1xf32>
      %add3A_60 = arith.addf %add3A_51, %broadcast_in_dim3A_59 : vector<1024x1xf32>
      %get3A_61 = arith.constant 4 : index
      %get3A_62 = arith.constant 0 : index
      %get3A_63 = arith.constant 0 : index
      %get3A_64 = vector.load %arg1[%get3A_61, %get3A_62, %get3A_63] : memref<8x1024x128xf32, #tpu.memory_space<vmem>>, vector<1x1024x128xf32>
      %get3A_65 = vector.shape_cast %get3A_64 : vector<1x1024x128xf32> to vector<1024x128xf32>
      %reduce_sum3A_66 = arith.constant dense<0.000000e+00> : vector<1024xf32>
      %reduce_sum3A_67 = vector.multi_reduction <add>, %get3A_65, %reduce_sum3A_66 [1] : vector<1024x128xf32> to vector<1024xf32>
      %broadcast_in_dim3A_68 = vector.shape_cast %reduce_sum3A_67 : vector<1024xf32> to vector<1024x1xf32>
      %add3A_69 = arith.addf %add3A_60, %broadcast_in_dim3A_68 : vector<1024x1xf32>
      %get3A_70 = arith.constant 5 : index
      %get3A_71 = arith.constant 0 : index
      %get3A_72 = arith.constant 0 : index
      %get3A_73 = vector.load %arg1[%get3A_70, %get3A_71, %get3A_72] : memref<8x1024x128xf32, #tpu.memory_space<vmem>>, vector<1x1024x128xf32>
      %get3A_74 = vector.shape_cast %get3A_73 : vector<1x1024x128xf32> to vector<1024x128xf32>
      %reduce_sum3A_75 = arith.constant dense<0.000000e+00> : vector<1024xf32>
      %reduce_sum3A_76 = vector.multi_reduction <add>, %get3A_74, %reduce_sum3A_75 [1] : vector<1024x128xf32> to vector<1024xf32>
      %broadcast_in_dim3A_77 = vector.shape_cast %reduce_sum3A_76 : vector<1024xf32> to vector<1024x1xf32>
      %add3A_78 = arith.addf %add3A_69, %broadcast_in_dim3A_77 : vector<1024x1xf32>
      %get3A_79 = arith.constant 6 : index
      %get3A_80 = arith.constant 0 : index
      %get3A_81 = arith.constant 0 : index
      %get3A_82 = vector.load %arg1[%get3A_79, %get3A_80, %get3A_81] : memref<8x1024x128xf32, #tpu.memory_space<vmem>>, vector<1x1024x128xf32>
      %get3A_83 = vector.shape_cast %get3A_82 : vector<1x1024x128xf32> to vector<1024x128xf32>
      %reduce_sum3A_84 = arith.constant dense<0.000000e+00> : vector<1024xf32>
      %reduce_sum3A_85 = vector.multi_reduction <add>, %get3A_83, %reduce_sum3A_84 [1] : vector<1024x128xf32> to vector<1024xf32>
      %broadcast_in_dim3A_86 = vector.shape_cast %reduce_sum3A_85 : vector<1024xf32> to vector<1024x1xf32>
      %add3A_87 = arith.addf %add3A_78, %broadcast_in_dim3A_86 : vector<1024x1xf32>
      %get3A_88 = arith.constant 7 : index
      %get3A_89 = arith.constant 0 : index
      %get3A_90 = arith.constant 0 : index
      %get3A_91 = vector.load %arg1[%get3A_88, %get3A_89, %get3A_90] : memref<8x1024x128xf32, #tpu.memory_space<vmem>>, vector<1x1024x128xf32>
      %get3A_92 = vector.shape_cast %get3A_91 : vector<1x1024x128xf32> to vector<1024x128xf32>
      %reduce_sum3A_93 = arith.constant dense<0.000000e+00> : vector<1024xf32>
      %reduce_sum3A_94 = vector.multi_reduction <add>, %get3A_92, %reduce_sum3A_93 [1] : vector<1024x128xf32> to vector<1024xf32>
      %broadcast_in_dim3A_95 = vector.shape_cast %reduce_sum3A_94 : vector<1024xf32> to vector<1024x1xf32>
      %add3A_96 = arith.addf %add3A_87, %broadcast_in_dim3A_95 : vector<1024x1xf32>
      %rsqrt3A = math.rsqrt %add3A_96 : vector<1024x1xf32>
      %mul3A_97 = arith.mulf %rsqrt3A, %rsqrt3A : vector<1024x1xf32>
      %get3A_98 = arith.constant 0 : index
      %get3A_99 = arith.constant 0 : index
      %get3A_100 = vector.load %arg2[%get3A_98, %get3A_99] : memref<1024x128xf32, #tpu.memory_space<vmem>>, vector<1024x128xf32>
      %get3A_101 = arith.constant 0 : index
      %get3A_102 = arith.constant 0 : index
      %get3A_103 = vector.load %arg3[%get3A_101, %get3A_102] : memref<128x64xf32, #tpu.memory_space<vmem>>, vector<128x64xf32>
      %dot_general3A_104 = arith.constant dense<0.000000e+00> : vector<1024x64xf32>
      %dot_general3A_105 = tpu.matmul %get3A_100, %get3A_103, %dot_general3A_104 {dimension_numbers = #tpu.dot_dimension_numbers<[1], [0], [0], [1], [0, 0, 1, 1], [], []>, transpose_lhs_hint = false} : vector<1024x128xf32>, vector<128x64xf32>, vector<1024x64xf32> -> vector<1024x64xf32>
      %mul3A_106 = vector.broadcast %rsqrt3A : vector<1024x1xf32> to vector<1024x64xf32>
      %mul3A_107 = arith.mulf %mul3A_106, %dot_general3A_105 : vector<1024x64xf32>
      %get3A_108 = arith.constant 0 : index
      %get3A_109 = arith.constant 0 : index
      %get3A_110 = arith.constant 0 : index
      %get3A_111 = vector.load %arg1[%get3A_108, %get3A_109, %get3A_110] : memref<8x1024x128xf32, #tpu.memory_space<vmem>>, vector<1x1024x128xf32>
      %get3A_112 = vector.shape_cast %get3A_111 : vector<1x1024x128xf32> to vector<1024x128xf32>
      %slice3A = vector.extract_strided_slice %mul3A_107 {offsets = [0, 0], sizes = [128, 64], strides = [1, 1]} : vector<1024x64xf32> to vector<128x64xf32>
      %dot_general3A_113 = arith.constant dense<0.000000e+00> : vector<1024x64xf32>
      %dot_general3A_114 = tpu.matmul %get3A_112, %slice3A, %dot_general3A_113 {dimension_numbers = #tpu.dot_dimension_numbers<[1], [0], [0], [1], [0, 0, 1, 1], [], []>, transpose_lhs_hint = false} : vector<1024x128xf32>, vector<128x64xf32>, vector<1024x64xf32> -> vector<1024x64xf32>
      %get3A_115 = arith.constant 1 : index
      %get3A_116 = arith.constant 0 : index
      %get3A_117 = arith.constant 0 : index
      %get3A_118 = vector.load %arg1[%get3A_115, %get3A_116, %get3A_117] : memref<8x1024x128xf32, #tpu.memory_space<vmem>>, vector<1x1024x128xf32>
      %get3A_119 = vector.shape_cast %get3A_118 : vector<1x1024x128xf32> to vector<1024x128xf32>
      %slice3A_120 = vector.extract_strided_slice %mul3A_107 {offsets = [128, 0], sizes = [128, 64], strides = [1, 1]} : vector<1024x64xf32> to vector<128x64xf32>
      %dot_general3A_121 = arith.constant dense<0.000000e+00> : vector<1024x64xf32>
      %dot_general3A_122 = tpu.matmul %get3A_119, %slice3A_120, %dot_general3A_121 {dimension_numbers = #tpu.dot_dimension_numbers<[1], [0], [0], [1], [0, 0, 1, 1], [], []>, transpose_lhs_hint = false} : vector<1024x128xf32>, vector<128x64xf32>, vector<1024x64xf32> -> vector<1024x64xf32>
      %add3A_123 = arith.addf %dot_general3A_114, %dot_general3A_122 : vector<1024x64xf32>
      %get3A_124 = arith.constant 2 : index
      %get3A_125 = arith.constant 0 : index
      %get3A_126 = arith.constant 0 : index
      %get3A_127 = vector.load %arg1[%get3A_124, %get3A_125, %get3A_126] : memref<8x1024x128xf32, #tpu.memory_space<vmem>>, vector<1x1024x128xf32>
      %get3A_128 = vector.shape_cast %get3A_127 : vector<1x1024x128xf32> to vector<1024x128xf32>
      %slice3A_129 = vector.extract_strided_slice %mul3A_107 {offsets = [256, 0], sizes = [128, 64], strides = [1, 1]} : vector<1024x64xf32> to vector<128x64xf32>
      %dot_general3A_130 = arith.constant dense<0.000000e+00> : vector<1024x64xf32>
      %dot_general3A_131 = tpu.matmul %get3A_128, %slice3A_129, %dot_general3A_130 {dimension_numbers = #tpu.dot_dimension_numbers<[1], [0], [0], [1], [0, 0, 1, 1], [], []>, transpose_lhs_hint = false} : vector<1024x128xf32>, vector<128x64xf32>, vector<1024x64xf32> -> vector<1024x64xf32>
      %add3A_132 = arith.addf %add3A_123, %dot_general3A_131 : vector<1024x64xf32>
      %get3A_133 = arith.constant 3 : index
      %get3A_134 = arith.constant 0 : index
      %get3A_135 = arith.constant 0 : index
      %get3A_136 = vector.load %arg1[%get3A_133, %get3A_134, %get3A_135] : memref<8x1024x128xf32, #tpu.memory_space<vmem>>, vector<1x1024x128xf32>
      %get3A_137 = vector.shape_cast %get3A_136 : vector<1x1024x128xf32> to vector<1024x128xf32>
      %slice3A_138 = vector.extract_strided_slice %mul3A_107 {offsets = [384, 0], sizes = [128, 64], strides = [1, 1]} : vector<1024x64xf32> to vector<128x64xf32>
      %dot_general3A_139 = arith.constant dense<0.000000e+00> : vector<1024x64xf32>
      %dot_general3A_140 = tpu.matmul %get3A_137, %slice3A_138, %dot_general3A_139 {dimension_numbers = #tpu.dot_dimension_numbers<[1], [0], [0], [1], [0, 0, 1, 1], [], []>, transpose_lhs_hint = false} : vector<1024x128xf32>, vector<128x64xf32>, vector<1024x64xf32> -> vector<1024x64xf32>
      %add3A_141 = arith.addf %add3A_132, %dot_general3A_140 : vector<1024x64xf32>
      %get3A_142 = arith.constant 4 : index
      %get3A_143 = arith.constant 0 : index
      %get3A_144 = arith.constant 0 : index
      %get3A_145 = vector.load %arg1[%get3A_142, %get3A_143, %get3A_144] : memref<8x1024x128xf32, #tpu.memory_space<vmem>>, vector<1x1024x128xf32>
      %get3A_146 = vector.shape_cast %get3A_145 : vector<1x1024x128xf32> to vector<1024x128xf32>
      %slice3A_147 = vector.extract_strided_slice %mul3A_107 {offsets = [512, 0], sizes = [128, 64], strides = [1, 1]} : vector<1024x64xf32> to vector<128x64xf32>
      %dot_general3A_148 = arith.constant dense<0.000000e+00> : vector<1024x64xf32>
      %dot_general3A_149 = tpu.matmul %get3A_146, %slice3A_147, %dot_general3A_148 {dimension_numbers = #tpu.dot_dimension_numbers<[1], [0], [0], [1], [0, 0, 1, 1], [], []>, transpose_lhs_hint = false} : vector<1024x128xf32>, vector<128x64xf32>, vector<1024x64xf32> -> vector<1024x64xf32>
      %add3A_150 = arith.addf %add3A_141, %dot_general3A_149 : vector<1024x64xf32>
      %get3A_151 = arith.constant 5 : index
      %get3A_152 = arith.constant 0 : index
      %get3A_153 = arith.constant 0 : index
      %get3A_154 = vector.load %arg1[%get3A_151, %get3A_152, %get3A_153] : memref<8x1024x128xf32, #tpu.memory_space<vmem>>, vector<1x1024x128xf32>
      %get3A_155 = vector.shape_cast %get3A_154 : vector<1x1024x128xf32> to vector<1024x128xf32>
      %slice3A_156 = vector.extract_strided_slice %mul3A_107 {offsets = [640, 0], sizes = [128, 64], strides = [1, 1]} : vector<1024x64xf32> to vector<128x64xf32>
      %dot_general3A_157 = arith.constant dense<0.000000e+00> : vector<1024x64xf32>
      %dot_general3A_158 = tpu.matmul %get3A_155, %slice3A_156, %dot_general3A_157 {dimension_numbers = #tpu.dot_dimension_numbers<[1], [0], [0], [1], [0, 0, 1, 1], [], []>, transpose_lhs_hint = false} : vector<1024x128xf32>, vector<128x64xf32>, vector<1024x64xf32> -> vector<1024x64xf32>
      %add3A_159 = arith.addf %add3A_150, %dot_general3A_158 : vector<1024x64xf32>
      %get3A_160 = arith.constant 6 : index
      %get3A_161 = arith.constant 0 : index
      %get3A_162 = arith.constant 0 : index
      %get3A_163 = vector.load %arg1[%get3A_160, %get3A_161, %get3A_162] : memref<8x1024x128xf32, #tpu.memory_space<vmem>>, vector<1x1024x128xf32>
      %get3A_164 = vector.shape_cast %get3A_163 : vector<1x1024x128xf32> to vector<1024x128xf32>
      %slice3A_165 = vector.extract_strided_slice %mul3A_107 {offsets = [768, 0], sizes = [128, 64], strides = [1, 1]} : vector<1024x64xf32> to vector<128x64xf32>
      %dot_general3A_166 = arith.constant dense<0.000000e+00> : vector<1024x64xf32>
      %dot_general3A_167 = tpu.matmul %get3A_164, %slice3A_165, %dot_general3A_166 {dimension_numbers = #tpu.dot_dimension_numbers<[1], [0], [0], [1], [0, 0, 1, 1], [], []>, transpose_lhs_hint = false} : vector<1024x128xf32>, vector<128x64xf32>, vector<1024x64xf32> -> vector<1024x64xf32>
      %add3A_168 = arith.addf %add3A_159, %dot_general3A_167 : vector<1024x64xf32>
      %get3A_169 = arith.constant 7 : index
      %get3A_170 = arith.constant 0 : index
      %get3A_171 = arith.constant 0 : index
      %get3A_172 = vector.load %arg1[%get3A_169, %get3A_170, %get3A_171] : memref<8x1024x128xf32, #tpu.memory_space<vmem>>, vector<1x1024x128xf32>
      %get3A_173 = vector.shape_cast %get3A_172 : vector<1x1024x128xf32> to vector<1024x128xf32>
      %slice3A_174 = vector.extract_strided_slice %mul3A_107 {offsets = [896, 0], sizes = [128, 64], strides = [1, 1]} : vector<1024x64xf32> to vector<128x64xf32>
      %dot_general3A_175 = arith.constant dense<0.000000e+00> : vector<1024x64xf32>
      %dot_general3A_176 = tpu.matmul %get3A_173, %slice3A_174, %dot_general3A_175 {dimension_numbers = #tpu.dot_dimension_numbers<[1], [0], [0], [1], [0, 0, 1, 1], [], []>, transpose_lhs_hint = false} : vector<1024x128xf32>, vector<128x64xf32>, vector<1024x64xf32> -> vector<1024x64xf32>
      %add3A_177 = arith.addf %add3A_168, %dot_general3A_176 : vector<1024x64xf32>
      %mul3A_178 = vector.broadcast %rsqrt3A : vector<1024x1xf32> to vector<1024x64xf32>
      %mul3A_179 = arith.mulf %mul3A_178, %add3A_177 : vector<1024x64xf32>
      %mul3A_180 = vector.broadcast %mul3A_97 : vector<1024x1xf32> to vector<1024x64xf32>
      %mul3A_181 = arith.mulf %mul3A_180, %dot_general3A_105 : vector<1024x64xf32>
      %add3A_182 = arith.addf %mul3A_179, %mul3A_181 : vector<1024x64xf32>
      %get3A_183 = arith.constant 0 : index
      %get3A_184 = arith.constant 0 : index
      %get3A_185 = vector.load %arg4[%get3A_183, %get3A_184] : memref<1x64xf32, #tpu.memory_space<vmem>>, vector<1x64xf32>
      %add3A_186 = vector.broadcast %get3A_185 : vector<1x64xf32> to vector<1024x64xf32>
      %add3A_187 = arith.addf %add3A_182, %add3A_186 : vector<1024x64xf32>
      %gt3A = arith.constant 0.000000e+00 : f32
      %gt3A_188 = vector.broadcast %gt3A : f32 to vector<1024x64xf32>
      %gt3A_189 = arith.cmpf ogt, %add3A_187, %gt3A_188 : vector<1024x64xf32>
      %exp3A = math.exp %add3A_187 : vector<1024x64xf32>
      %sub3A = arith.constant 1.000000e+00 : f32
      %sub3A_190 = vector.broadcast %sub3A : f32 to vector<1024x64xf32>
      %sub3A_191 = arith.subf %exp3A, %sub3A_190 : vector<1024x64xf32>
      %mul3A_192 = arith.constant 1.67326319 : f32
      %mul3A_193 = vector.broadcast %mul3A_192 : f32 to vector<1024x64xf32>
      %mul3A_194 = arith.mulf %mul3A_193, %sub3A_191 : vector<1024x64xf32>
      %select_n3A = arith.select %gt3A_189, %add3A_187, %mul3A_194 : vector<1024x64xi1>, vector<1024x64xf32>
      %mul3A_195 = arith.constant 1.05070102 : f32
      %mul3A_196 = vector.broadcast %mul3A_195 : f32 to vector<1024x64xf32>
      %mul3A_197 = arith.mulf %mul3A_196, %select_n3A : vector<1024x64xf32>
      %get3A_198 = arith.constant 0 : index
      %get3A_199 = arith.constant 0 : index
      %get3A_200 = vector.load %arg5[%get3A_198, %get3A_199] : memref<64x64xf32, #tpu.memory_space<vmem>>, vector<64x64xf32>
      %dot_general3A_201 = arith.constant dense<0.000000e+00> : vector<1024x64xf32>
      %dot_general3A_202 = tpu.matmul %mul3A_197, %get3A_200, %dot_general3A_201 {dimension_numbers = #tpu.dot_dimension_numbers<[1], [0], [0], [1], [0, 0, 1, 1], [], []>, transpose_lhs_hint = false} : vector<1024x64xf32>, vector<64x64xf32>, vector<1024x64xf32> -> vector<1024x64xf32>
      %mul3A_203 = vector.broadcast %rsqrt3A : vector<1024x1xf32> to vector<1024x64xf32>
      %mul3A_204 = arith.mulf %mul3A_203, %dot_general3A_202 : vector<1024x64xf32>
      %get3A_205 = arith.constant 0 : index
      %get3A_206 = arith.constant 0 : index
      %get3A_207 = arith.constant 0 : index
      %get3A_208 = vector.load %arg1[%get3A_205, %get3A_206, %get3A_207] : memref<8x1024x128xf32, #tpu.memory_space<vmem>>, vector<1x1024x128xf32>
      %get3A_209 = vector.shape_cast %get3A_208 : vector<1x1024x128xf32> to vector<1024x128xf32>
      %slice3A_210 = vector.extract_strided_slice %mul3A_204 {offsets = [0, 0], sizes = [128, 64], strides = [1, 1]} : vector<1024x64xf32> to vector<128x64xf32>
      %dot_general3A_211 = arith.constant dense<0.000000e+00> : vector<1024x64xf32>
      %dot_general3A_212 = tpu.matmul %get3A_209, %slice3A_210, %dot_general3A_211 {dimension_numbers = #tpu.dot_dimension_numbers<[1], [0], [0], [1], [0, 0, 1, 1], [], []>, transpose_lhs_hint = false} : vector<1024x128xf32>, vector<128x64xf32>, vector<1024x64xf32> -> vector<1024x64xf32>
      %get3A_213 = arith.constant 1 : index
      %get3A_214 = arith.constant 0 : index
      %get3A_215 = arith.constant 0 : index
      %get3A_216 = vector.load %arg1[%get3A_213, %get3A_214, %get3A_215] : memref<8x1024x128xf32, #tpu.memory_space<vmem>>, vector<1x1024x128xf32>
      %get3A_217 = vector.shape_cast %get3A_216 : vector<1x1024x128xf32> to vector<1024x128xf32>
      %slice3A_218 = vector.extract_strided_slice %mul3A_204 {offsets = [128, 0], sizes = [128, 64], strides = [1, 1]} : vector<1024x64xf32> to vector<128x64xf32>
      %dot_general3A_219 = arith.constant dense<0.000000e+00> : vector<1024x64xf32>
      %dot_general3A_220 = tpu.matmul %get3A_217, %slice3A_218, %dot_general3A_219 {dimension_numbers = #tpu.dot_dimension_numbers<[1], [0], [0], [1], [0, 0, 1, 1], [], []>, transpose_lhs_hint = false} : vector<1024x128xf32>, vector<128x64xf32>, vector<1024x64xf32> -> vector<1024x64xf32>
      %add3A_221 = arith.addf %dot_general3A_212, %dot_general3A_220 : vector<1024x64xf32>
      %get3A_222 = arith.constant 2 : index
      %get3A_223 = arith.constant 0 : index
      %get3A_224 = arith.constant 0 : index
      %get3A_225 = vector.load %arg1[%get3A_222, %get3A_223, %get3A_224] : memref<8x1024x128xf32, #tpu.memory_space<vmem>>, vector<1x1024x128xf32>
      %get3A_226 = vector.shape_cast %get3A_225 : vector<1x1024x128xf32> to vector<1024x128xf32>
      %slice3A_227 = vector.extract_strided_slice %mul3A_204 {offsets = [256, 0], sizes = [128, 64], strides = [1, 1]} : vector<1024x64xf32> to vector<128x64xf32>
      %dot_general3A_228 = arith.constant dense<0.000000e+00> : vector<1024x64xf32>
      %dot_general3A_229 = tpu.matmul %get3A_226, %slice3A_227, %dot_general3A_228 {dimension_numbers = #tpu.dot_dimension_numbers<[1], [0], [0], [1], [0, 0, 1, 1], [], []>, transpose_lhs_hint = false} : vector<1024x128xf32>, vector<128x64xf32>, vector<1024x64xf32> -> vector<1024x64xf32>
      %add3A_230 = arith.addf %add3A_221, %dot_general3A_229 : vector<1024x64xf32>
      %get3A_231 = arith.constant 3 : index
      %get3A_232 = arith.constant 0 : index
      %get3A_233 = arith.constant 0 : index
      %get3A_234 = vector.load %arg1[%get3A_231, %get3A_232, %get3A_233] : memref<8x1024x128xf32, #tpu.memory_space<vmem>>, vector<1x1024x128xf32>
      %get3A_235 = vector.shape_cast %get3A_234 : vector<1x1024x128xf32> to vector<1024x128xf32>
      %slice3A_236 = vector.extract_strided_slice %mul3A_204 {offsets = [384, 0], sizes = [128, 64], strides = [1, 1]} : vector<1024x64xf32> to vector<128x64xf32>
      %dot_general3A_237 = arith.constant dense<0.000000e+00> : vector<1024x64xf32>
      %dot_general3A_238 = tpu.matmul %get3A_235, %slice3A_236, %dot_general3A_237 {dimension_numbers = #tpu.dot_dimension_numbers<[1], [0], [0], [1], [0, 0, 1, 1], [], []>, transpose_lhs_hint = false} : vector<1024x128xf32>, vector<128x64xf32>, vector<1024x64xf32> -> vector<1024x64xf32>
      %add3A_239 = arith.addf %add3A_230, %dot_general3A_238 : vector<1024x64xf32>
      %get3A_240 = arith.constant 4 : index
      %get3A_241 = arith.constant 0 : index
      %get3A_242 = arith.constant 0 : index
      %get3A_243 = vector.load %arg1[%get3A_240, %get3A_241, %get3A_242] : memref<8x1024x128xf32, #tpu.memory_space<vmem>>, vector<1x1024x128xf32>
      %get3A_244 = vector.shape_cast %get3A_243 : vector<1x1024x128xf32> to vector<1024x128xf32>
      %slice3A_245 = vector.extract_strided_slice %mul3A_204 {offsets = [512, 0], sizes = [128, 64], strides = [1, 1]} : vector<1024x64xf32> to vector<128x64xf32>
      %dot_general3A_246 = arith.constant dense<0.000000e+00> : vector<1024x64xf32>
      %dot_general3A_247 = tpu.matmul %get3A_244, %slice3A_245, %dot_general3A_246 {dimension_numbers = #tpu.dot_dimension_numbers<[1], [0], [0], [1], [0, 0, 1, 1], [], []>, transpose_lhs_hint = false} : vector<1024x128xf32>, vector<128x64xf32>, vector<1024x64xf32> -> vector<1024x64xf32>
      %add3A_248 = arith.addf %add3A_239, %dot_general3A_247 : vector<1024x64xf32>
      %get3A_249 = arith.constant 5 : index
      %get3A_250 = arith.constant 0 : index
      %get3A_251 = arith.constant 0 : index
      %get3A_252 = vector.load %arg1[%get3A_249, %get3A_250, %get3A_251] : memref<8x1024x128xf32, #tpu.memory_space<vmem>>, vector<1x1024x128xf32>
      %get3A_253 = vector.shape_cast %get3A_252 : vector<1x1024x128xf32> to vector<1024x128xf32>
      %slice3A_254 = vector.extract_strided_slice %mul3A_204 {offsets = [640, 0], sizes = [128, 64], strides = [1, 1]} : vector<1024x64xf32> to vector<128x64xf32>
      %dot_general3A_255 = arith.constant dense<0.000000e+00> : vector<1024x64xf32>
      %dot_general3A_256 = tpu.matmul %get3A_253, %slice3A_254, %dot_general3A_255 {dimension_numbers = #tpu.dot_dimension_numbers<[1], [0], [0], [1], [0, 0, 1, 1], [], []>, transpose_lhs_hint = false} : vector<1024x128xf32>, vector<128x64xf32>, vector<1024x64xf32> -> vector<1024x64xf32>
      %add3A_257 = arith.addf %add3A_248, %dot_general3A_256 : vector<1024x64xf32>
      %get3A_258 = arith.constant 6 : index
      %get3A_259 = arith.constant 0 : index
      %get3A_260 = arith.constant 0 : index
      %get3A_261 = vector.load %arg1[%get3A_258, %get3A_259, %get3A_260] : memref<8x1024x128xf32, #tpu.memory_space<vmem>>, vector<1x1024x128xf32>
      %get3A_262 = vector.shape_cast %get3A_261 : vector<1x1024x128xf32> to vector<1024x128xf32>
      %slice3A_263 = vector.extract_strided_slice %mul3A_204 {offsets = [768, 0], sizes = [128, 64], strides = [1, 1]} : vector<1024x64xf32> to vector<128x64xf32>
      %dot_general3A_264 = arith.constant dense<0.000000e+00> : vector<1024x64xf32>
      %dot_general3A_265 = tpu.matmul %get3A_262, %slice3A_263, %dot_general3A_264 {dimension_numbers = #tpu.dot_dimension_numbers<[1], [0], [0], [1], [0, 0, 1, 1], [], []>, transpose_lhs_hint = false} : vector<1024x128xf32>, vector<128x64xf32>, vector<1024x64xf32> -> vector<1024x64xf32>
      %add3A_266 = arith.addf %add3A_257, %dot_general3A_265 : vector<1024x64xf32>
      %get3A_267 = arith.constant 7 : index
      %get3A_268 = arith.constant 0 : index
      %get3A_269 = arith.constant 0 : index
      %get3A_270 = vector.load %arg1[%get3A_267, %get3A_268, %get3A_269] : memref<8x1024x128xf32, #tpu.memory_space<vmem>>, vector<1x1024x128xf32>
      %get3A_271 = vector.shape_cast %get3A_270 : vector<1x1024x128xf32> to vector<1024x128xf32>
      %slice3A_272 = vector.extract_strided_slice %mul3A_204 {offsets = [896, 0], sizes = [128, 64], strides = [1, 1]} : vector<1024x64xf32> to vector<128x64xf32>
      %dot_general3A_273 = arith.constant dense<0.000000e+00> : vector<1024x64xf32>
      %dot_general3A_274 = tpu.matmul %get3A_271, %slice3A_272, %dot_general3A_273 {dimension_numbers = #tpu.dot_dimension_numbers<[1], [0], [0], [1], [0, 0, 1, 1], [], []>, transpose_lhs_hint = false} : vector<1024x128xf32>, vector<128x64xf32>, vector<1024x64xf32> -> vector<1024x64xf32>
      %add3A_275 = arith.addf %add3A_266, %dot_general3A_274 : vector<1024x64xf32>
      %mul3A_276 = vector.broadcast %rsqrt3A : vector<1024x1xf32> to vector<1024x64xf32>
      %mul3A_277 = arith.mulf %mul3A_276, %add3A_275 : vector<1024x64xf32>
      %mul3A_278 = vector.broadcast %mul3A_97 : vector<1024x1xf32> to vector<1024x64xf32>
      %mul3A_279 = arith.mulf %mul3A_278, %dot_general3A_202 : vector<1024x64xf32>
      %add3A_280 = arith.addf %mul3A_277, %mul3A_279 : vector<1024x64xf32>
      %get3A_281 = arith.constant 0 : index
      %get3A_282 = arith.constant 0 : index
      %get3A_283 = vector.load %arg6[%get3A_281, %get3A_282] : memref<1x64xf32, #tpu.memory_space<vmem>>, vector<1x64xf32>
      %add3A_284 = vector.broadcast %get3A_283 : vector<1x64xf32> to vector<1024x64xf32>
      %add3A_285 = arith.addf %add3A_280, %add3A_284 : vector<1024x64xf32>
      %gt3A_286 = arith.constant 0.000000e+00 : f32
      %gt3A_287 = vector.broadcast %gt3A_286 : f32 to vector<1024x64xf32>
      %gt3A_288 = arith.cmpf ogt, %add3A_285, %gt3A_287 : vector<1024x64xf32>
      %exp3A_289 = math.exp %add3A_285 : vector<1024x64xf32>
      %sub3A_290 = arith.constant 1.000000e+00 : f32
      %sub3A_291 = vector.broadcast %sub3A_290 : f32 to vector<1024x64xf32>
      %sub3A_292 = arith.subf %exp3A_289, %sub3A_291 : vector<1024x64xf32>
      %mul3A_293 = arith.constant 1.67326319 : f32
      %mul3A_294 = vector.broadcast %mul3A_293 : f32 to vector<1024x64xf32>
      %mul3A_295 = arith.mulf %mul3A_294, %sub3A_292 : vector<1024x64xf32>
      %select_n3A_296 = arith.select %gt3A_288, %add3A_285, %mul3A_295 : vector<1024x64xi1>, vector<1024x64xf32>
      %mul3A_297 = arith.constant 1.05070102 : f32
      %mul3A_298 = vector.broadcast %mul3A_297 : f32 to vector<1024x64xf32>
      %mul3A_299 = arith.mulf %mul3A_298, %select_n3A_296 : vector<1024x64xf32>
      %swap3A_300 = arith.constant 0 : index
      %swap3A_301 = arith.constant 0 : index
      %swap3A_302 = vector.load %arg12[%swap3A_300, %swap3A_301] : memref<1024x64xf32, #tpu.memory_space<vmem>>, vector<1024x64xf32>
      tpu.vector_store %arg12[%swap3A_300, %swap3A_301], %mul3A_299 {strides = array<i32>} : memref<1024x64xf32, #tpu.memory_space<vmem>>, vector<1024x64xf32>,
      %get3A_303 = arith.constant 0 : index
      %get3A_304 = arith.constant 0 : index
      %get3A_305 = vector.load %arg8[%get3A_303, %get3A_304] : memref<1x1024xf32, #tpu.memory_space<vmem>>, vector<1x1024xf32>
      %swap3A_306 = arith.constant 0 : index
      %swap3A_307 = arith.constant 0 : index
      %swap3A_308 = vector.load %arg13[%swap3A_306, %swap3A_307] : memref<1x1024xf32, #tpu.memory_space<vmem>>, vector<1x1024xf32>
      tpu.vector_store %arg13[%swap3A_306, %swap3A_307], %get3A_305 {strides = array<i32>} : memref<1x1024xf32, #tpu.memory_space<vmem>>, vector<1x1024xf32>,
    } else {
    }
    %mul3A = arith.constant 32 : i32
    %mul3A_2 = arith.muli %arg0, %mul3A : i32
    %get3A = arith.index_cast %mul3A_2 : i32 to index
    %get3A_3 = arith.constant 0 : index
    %get3A_4 = vector.load %arg12[%get3A, %get3A_3] : memref<1024x64xf32, #tpu.memory_space<vmem>>, vector<32x64xf32>
    %get3A_5 = arith.constant 0 : index
    %get3A_6 = arith.constant 0 : index
    %get3A_7 = vector.load %arg7[%get3A_5, %get3A_6] : memref<2048x1024xf32, #tpu.memory_space<vmem>>, vector<2048x1024xf32>
    %reshape3A = vector.shape_cast %get3A_7 : vector<2048x1024xf32> to vector<32x64x1024xf32>
    %dot_general3A = arith.constant dense<0.000000e+00> : vector<32x1024xf32>
    %dot_general3A_8 = tpu.matmul %get3A_4, %reshape3A, %dot_general3A {dimension_numbers = #tpu.dot_dimension_numbers<[1], [1], [], [2], [0, 0, 1, 2], [0], [0]>, transpose_lhs_hint = false} : vector<32x64xf32>, vector<32x64x1024xf32>, vector<32x1024xf32> -> vector<32x1024xf32>
    %get3A_9 = arith.constant 0 : index
    %get3A_10 = arith.constant 0 : index
    %get3A_11 = vector.load %arg13[%get3A_9, %get3A_10] : memref<1x1024xf32, #tpu.memory_space<vmem>>, vector<1x1024xf32>
    %reduce_sum3A = arith.constant dense<0.000000e+00> : vector<1024xf32>
    %reduce_sum3A_12 = vector.multi_reduction <add>, %dot_general3A_8, %reduce_sum3A [0] : vector<32x1024xf32> to vector<1024xf32>
    %broadcast_in_dim3A = vector.shape_cast %reduce_sum3A_12 : vector<1024xf32> to vector<1x1024xf32>
    %add3A = arith.addf %get3A_11, %broadcast_in_dim3A : vector<1x1024xf32>
    %swap3A = arith.constant 0 : index
    %swap3A_13 = arith.constant 0 : index
    %swap3A_14 = vector.load %arg13[%swap3A, %swap3A_13] : memref<1x1024xf32, #tpu.memory_space<vmem>>, vector<1x1024xf32>
    tpu.vector_store %arg13[%swap3A, %swap3A_13], %add3A {strides = array<i32>} : memref<1x1024xf32, #tpu.memory_space<vmem>>, vector<1x1024xf32>,
    %eq3A_15 = arith.constant 31 : i32
    %eq3A_16 = arith.cmpi eq, %arg0, %eq3A_15 : i32
    %convert_element_type3A_17 = arith.extui %eq3A_16 : i1 to i32
    %cond3A_18 = arith.constant 0 : i32
    %cond3A_19 = arith.cmpi ne, %convert_element_type3A_17, %cond3A_18 : i32
    scf.if %cond3A_19 {
      %get3A_20 = arith.constant 0 : index
      %get3A_21 = arith.constant 0 : index
      %get3A_22 = vector.load %arg13[%get3A_20, %get3A_21] : memref<1x1024xf32, #tpu.memory_space<vmem>>, vector<1x1024xf32>
      %gt3A = arith.constant 0.000000e+00 : f32
      %gt3A_23 = vector.broadcast %gt3A : f32 to vector<1x1024xf32>
      %gt3A_24 = arith.cmpf ogt, %get3A_22, %gt3A_23 : vector<1x1024xf32>
      %exp3A = math.exp %get3A_22 : vector<1x1024xf32>
      %sub3A = arith.constant 1.000000e+00 : f32
      %sub3A_25 = vector.broadcast %sub3A : f32 to vector<1x1024xf32>
      %sub3A_26 = arith.subf %exp3A, %sub3A_25 : vector<1x1024xf32>
      %mul3A_27 = arith.constant 1.67326319 : f32
      %mul3A_28 = vector.broadcast %mul3A_27 : f32 to vector<1x1024xf32>
      %mul3A_29 = arith.mulf %mul3A_28, %sub3A_26 : vector<1x1024xf32>
      %select_n3A = arith.select %gt3A_24, %get3A_22, %mul3A_29 : vector<1x1024xi1>, vector<1x1024xf32>
      %mul3A_30 = arith.constant 1.05070102 : f32
      %mul3A_31 = vector.broadcast %mul3A_30 : f32 to vector<1x1024xf32>
      %mul3A_32 = arith.mulf %mul3A_31, %select_n3A : vector<1x1024xf32>
      %get3A_33 = arith.constant 0 : index
      %get3A_34 = arith.constant 0 : index
      %get3A_35 = vector.load %arg9[%get3A_33, %get3A_34] : memref<1024x15xf32, #tpu.memory_space<vmem>>, vector<1024x15xf32>
      %dot_general3A_36 = arith.constant dense<0.000000e+00> : vector<1x15xf32>
      %dot_general3A_37 = tpu.matmul %mul3A_32, %get3A_35, %dot_general3A_36 {dimension_numbers = #tpu.dot_dimension_numbers<[1], [0], [0], [1], [0, 0, 1, 1], [], []>, transpose_lhs_hint = false} : vector<1x1024xf32>, vector<1024x15xf32>, vector<1x15xf32> -> vector<1x15xf32>
      %get3A_38 = arith.constant 0 : index
      %get3A_39 = arith.constant 0 : index
      %get3A_40 = vector.load %arg10[%get3A_38, %get3A_39] : memref<1x15xf32, #tpu.memory_space<vmem>>, vector<1x15xf32>
      %add3A_41 = arith.addf %dot_general3A_37, %get3A_40 : vector<1x15xf32>
      %swap3A_42 = arith.constant 0 : index
      %swap3A_43 = arith.constant 0 : index
      %swap3A_44 = vector.load %arg11[%swap3A_42, %swap3A_43] : memref<1x15xf32, #tpu.memory_space<vmem>>, vector<1x15xf32>
      tpu.vector_store %arg11[%swap3A_42, %swap3A_43], %add3A_41 {strides = array<i32>} : memref<1x15xf32, #tpu.memory_space<vmem>>, vector<1x15xf32>,
    } else {
    }
    return
  }
  func.func @transform_0(%arg0: i32) -> (i32, i32, i32) {
    %c0_i32 = arith.constant 0 : i32
    %c0_i32_0 = arith.constant 0 : i32
    %c0_i32_1 = arith.constant 0 : i32
    %c0_i32_2 = arith.constant 0 : i32
    return %c0_i32, %c0_i32_0, %c0_i32_1 : i32, i32, i32
  }
  func.func @transform_1(%arg0: i32) -> (i32, i32) {
    %c0_i32 = arith.constant 0 : i32
    %c0_i32_0 = arith.constant 0 : i32
    %c0_i32_1 = arith.constant 0 : i32
    return %c0_i32, %c0_i32_0 : i32, i32
  }
  func.func @transform_2(%arg0: i32) -> (i32, i32) {
    %c0_i32 = arith.constant 0 : i32
    %c0_i32_0 = arith.constant 0 : i32
    %c0_i32_1 = arith.constant 0 : i32
    return %c0_i32, %c0_i32_0 : i32, i32
  }
  func.func @transform_3(%arg0: i32) -> (i32, i32) {
    %c0_i32 = arith.constant 0 : i32
    %c0_i32_0 = arith.constant 0 : i32
    %c0_i32_1 = arith.constant 0 : i32
    return %c0_i32, %c0_i32_0 : i32, i32
  }
  func.func @transform_4(%arg0: i32) -> (i32, i32) {
    %c0_i32 = arith.constant 0 : i32
    %c0_i32_0 = arith.constant 0 : i32
    %c0_i32_1 = arith.constant 0 : i32
    return %c0_i32, %c0_i32_0 : i32, i32
  }
  func.func @transform_5(%arg0: i32) -> (i32, i32) {
    %c0_i32 = arith.constant 0 : i32
    %c0_i32_0 = arith.constant 0 : i32
    %c0_i32_1 = arith.constant 0 : i32
    return %c0_i32, %c0_i32_0 : i32, i32
  }
  func.func @transform_6(%arg0: i32) -> (i32, i32) {
    %c0_i32 = arith.constant 0 : i32
    %c0_i32_0 = arith.constant 0 : i32
    return %arg0, %c0_i32 : i32, i32
  }
  func.func @transform_7(%arg0: i32) -> (i32, i32) {
    %c0_i32 = arith.constant 0 : i32
    %c0_i32_0 = arith.constant 0 : i32
    %c0_i32_1 = arith.constant 0 : i32
    return %c0_i32, %c0_i32_0 : i32, i32
  }
  func.func @transform_8(%arg0: i32) -> (i32, i32) {
    %c0_i32 = arith.constant 0 : i32
    %c0_i32_0 = arith.constant 0 : i32
    %c0_i32_1 = arith.constant 0 : i32
    return %c0_i32, %c0_i32_0 : i32, i32
  }
  func.func @transform_9(%arg0: i32) -> (i32, i32) {
    %c0_i32 = arith.constant 0 : i32
    %c0_i32_0 = arith.constant 0 : i32
    %c0_i32_1 = arith.constant 0 : i32
    return %c0_i32, %c0_i32_0 : i32, i32
  }
  func.func @transform_10(%arg0: i32) -> (i32, i32) {
    %c0_i32 = arith.constant 0 : i32
    %c0_i32_0 = arith.constant 0 : i32
    %c0_i32_1 = arith.constant 0 : i32
    return %c0_i32, %c0_i32_0 : i32, i32
  }
}

</mosaic_0001>

<sc_bundles>
// kernel: kernel.4.cloned.1.call-start
scs
__scs_entry_jumppad:
0x0: {  	(pc) =	sbr.rel $0x88, $3  }
0x1: {  	(tag) =	ssettag $0x0;
	lr =	simm.s32 $0x1  }
0x2: {  	[smem:$0x3F97] =	sst lr;
	_ =	strace $0xD0000000  }
0x3: {  	_ = 	snop  }
0x4: {  	_ = 	snop  }
0x5: {  	_ = 	snop  }
0x6: {  	_ = 	snop  }
0x7: {  	_ = 	snop  }
__scs_overlays_trampoline_lowered:
0x8: {  	[smem:$0x3FA6] =	sst s0  }
0x9: {  	[smem:$0x3FA7] =	sst s1  }
0xa: {  	[smem:$0x3FA8] =	sst s2  }
0xb: {  	[smem:$0x3FA9] =	sst s3  }
0xc: {  	[smem:$0x3FAA] =	sst s4  }
0xd: {  	[smem:$0x3FAB] =	sst s5  }
0xe: {  	[smem:$0x3FAC] =	sst s6  }
0xf: {  	[smem:$0x3FAD] =	sst s7  }
0x10: {  	[smem:$0x3FAE] =	sst s8  }
0x11: {  	[smem:$0x3FAF] =	sst s9;
	s0 =	simm.s32 @!p0 $0x0  }
0x12: {  	s1 =	sld [smem:$0x3F95];
	s0 =	simm.s32 @p0 $0x1  }
0x13: {  	[smem:$0x3FB0] =	sst s0;
	s0 =	simm.s32 @!p1 $0x0  }
0x14: {  	s2 =	sld [smem:$0x3F94];
	s0 =	simm.s32 @p1 $0x1  }
0x15: {  	[smem:$0x3FB1] =	sst s0;
	s0 =	simm.s32 @!p2 $0x0  }
0x16: {  	s3 =	sld [smem:$0x3FDB];
	s0 =	simm.s32 @p2 $0x1  }
0x17: {  	s4 =	simm.s32 $0x1BF5;
	[smem:$0x3FB3] =	sst s0  }
0x18: {  	s0 =	sld [smem:$0x3F96];
	_ =	swait.ge [sflag:s4], $0x0  }
0x19: {  	s7 =	sld [smem:$0x3F97]  }
0x1a: {  	s8 =	sadd.s32 $0xFFFFE003, lr  }
0x1b: {  	s9 =	sadd.s32 $0xFFFFFEF7, lr;
	s5 =	simm.s32 $0xFFFFFFFF;
	p2 =	slt.u32 s8, $0xFFFFF086  }
0x1c: {  	p1 =	slt.u32 s9, $0xF7A;
	s5 =	simm.s32 @!p2 $0x0  }
0x1d: {  	s5 =	simm.s32 @p1 $0x1;
	p0 =	seq.s32 s7, s2  }
0x1e: {  	s7 =	smul.u32 @!p0 $0xF7A, s2;
	p2 =	seq.s32 @!p0 s5, $0x0  }
0x1f: {  	s9 =	smul.u32 $0xF7A, s1;
	s8 =	simm.s32 @!p0 $0x1BF5;
	p2 =	por !p2, p0  }
0x20: {  	[sflag:s8] =	ssyncset.s32 @!p0 $0xFFFFF086;
	s6 =	sadd.s32 @!p0 s3, s7;
	s7 =	simm.s32 @!p0 $0x108  }
0x21: {  	s3 =	sadd.s32 s3, s9;
	s6 =	sadd.s32 @!p0 $0x88, s6;
	s7 =	simm.s32 @p2 $0x1082  }
0x22: {  	[simem:s7], [sflag:s8] =	dma.local @!p0 [hbm:s6], $0xF7A  }
0x23: {  	s9 =	sor.u32 $0xD0000000, s2;
	s6 =	simm.s32 $0x108;
	_ =	swait.ge @!p0 [sflag:s8], $0x0  }
0x24: {  	s3 =	sadd.s32 $0x88, s3;
	s6 =	simm.s32 @!p1 $0x1082;
	[sflag:s4] =	ssyncset.s32 $0xFFFFF086  }
0x25: {  	[simem:s6], [sflag:s4] =	dma.local [hbm:s3], $0xF7A  }
0x26: {  	[smem:$0x3F97] =	sst s1;
	(tag) =	ssettag s2;
	_ =	strace s9  }
0x27: {  	s1 =	sld [smem:$0x3FA7]  }
0x28: {  	s2 =	sld [smem:$0x3FA8]  }
0x29: {  	s4 =	sld [smem:$0x3FAA]  }
0x2a: {  	p0 =	seq.s32 s5, $0x0;
	s5 =	sld [smem:$0x3FAB]  }
0x2b: {  	s6 =	sld [smem:$0x3FAC]  }
0x2c: {  	s7 =	sld [smem:$0x3FAD]  }
0x2d: {  	s3 =	simm.s32 $0x108;
	s8 =	sld [smem:$0x3FAE]  }
0x2e: {  	s3 =	simm.s32 @!p0 $0x1082;
	s9 =	sld [smem:$0x3FAF]  }
0x2f: {  	lr =	sadd.s32 s0, s3;
	s0 =	sld [smem:$0x3FA6]  }
0x30: {  	s3 =	sld [smem:$0x3FA9]  }
0x31: {  	[smem:$0x3FB2] =	sst s10  }
0x32: {  	s10 =	sld [smem:$0x3FB0];
	_ =	sdelay $0x3  }
0x33: {  	p0 =	seq.s32 s10, $0x1;
	s10 =	sld [smem:$0x3FB2];
	_ =	sdelay $0x3  }
0x34: {  	[smem:$0x3FB2] =	sst s10  }
0x35: {  	s10 =	sld [smem:$0x3FB1];
	_ =	sdelay $0x3  }
0x36: {  	p1 =	seq.s32 s10, $0x1;
	s10 =	sld [smem:$0x3FB2];
	_ =	sdelay $0x3  }
0x37: {  	[smem:$0x3FB2] =	sst s10  }
0x38: {  	s10 =	sld [smem:$0x3FB3]  }
0x39: {  	_ = 	snop;
	(pc) =	sbr.ind lr, $3  }
0x3a: {  	_ = 	snop  }
0x3b: {  	_ = 	snop  }
0x3c: {  	p2 =	seq.s32 s10, $0x1;
	s10 =	sld [smem:$0x3FB2]  }
0x3d: {  	_ =	shalt  }
0x3e: {  	_ =	shalt  }
0x3f: {  	_ =	shalt  }
0x40: {  	_ =	shalt  }
0x41: {  	_ =	shalt  }
0x42: {  	_ =	shalt  }
0x43: {  	_ =	shalt  }
0x44: {  	_ =	shalt  }
0x45: {  	_ =	shalt  }
0x46: {  	_ =	shalt  }
0x47: {  	_ =	shalt  }
0x48: {  	_ =	shalt  }
0x49: {  	_ =	shalt  }
0x4a: {  	_ =	shalt  }
0x4b: {  	_ =	shalt  }
0x4c: {  	_ =	shalt  }
0x4d: {  	_ =	shalt  }
0x4e: {  	_ =	shalt  }
0x4f: {  	_ =	shalt  }
0x50: {  	_ =	shalt  }
0x51: {  	_ =	shalt  }
0x52: {  	_ =	shalt  }
0x53: {  	_ =	shalt  }
0x54: {  	_ =	shalt  }
0x55: {  	_ =	shalt  }
0x56: {  	_ =	shalt  }
0x57: {  	_ =	shalt  }
0x58: {  	_ =	shalt  }
0x59: {  	_ =	shalt  }
0x5a: {  	_ =	shalt  }
0x5b: {  	_ =	shalt  }
0x5c: {  	_ =	shalt  }
0x5d: {  	_ =	shalt  }
0x5e: {  	_ =	shalt  }
0x5f: {  	_ =	shalt  }
0x60: {  	_ =	shalt  }
0x61: {  	_ =	shalt  }
0x62: {  	_ =	shalt  }
0x63: {  	_ =	shalt  }
0x64: {  	_ =	shalt  }
0x65: {  	_ =	shalt  }
0x66: {  	_ =	shalt  }
0x67: {  	_ =	shalt  }
0x68: {  	_ =	shalt  }
0x69: {  	_ =	shalt  }
0x6a: {  	_ =	shalt  }
0x6b: {  	_ =	shalt  }
0x6c: {  	_ =	shalt  }
0x6d: {  	_ =	shalt  }
0x6e: {  	_ =	shalt  }
0x6f: {  	_ =	shalt  }
0x70: {  	_ =	shalt  }
0x71: {  	_ =	shalt  }
0x72: {  	_ =	shalt  }
0x73: {  	_ =	shalt  }
0x74: {  	_ =	shalt  }
0x75: {  	_ =	shalt  }
0x76: {  	_ =	shalt  }
0x77: {  	_ =	shalt  }
0x78: {  	_ =	shalt  }
0x79: {  	_ =	shalt  }
0x7a: {  	_ =	shalt  }
0x7b: {  	_ =	shalt  }
0x7c: {  	_ =	shalt  }
0x7d: {  	_ =	shalt  }
0x7e: {  	_ =	shalt  }
0x7f: {  	_ =	shalt  }
0x80: {  	_ =	shalt  }
0x81: {  	_ =	shalt  }
0x82: {  	_ =	shalt  }
0x83: {  	_ =	shalt  }
0x84: {  	_ =	shalt  }
0x85: {  	_ =	shalt  }
0x86: {  	_ =	shalt  }
0x87: {  	_ =	shalt  }
.Lfunc_end0:
.L_simem_size_0:
called_computation_lowered:
.L_overlay_start_0:
0x88: {  	s2 =	sld [smem:$0x3FD9]  }
0x89: {  	s3 =	sld [smem:$0x3FFE];
	_ =	sdelay $0x1  }
0x8a: {  	s1 =	srdreg.scid  }
0x8b: {  	s0 =	sand.u32 $0x1, s1  }
0x8c: {  	s17 =	sshll.u32 s0, $0xA;
	s2 =	sadd.s32 s3, s2  }
0x8d: {  	s2 =	sadd.s32 s2, s17  }
0x8e: {  	[smem:$0x3FBE] =	sst s2  }
0x8f: {  	_ = 	snop  }
0x90: {  	s2 =	sld [smem:$0x3FC8];
	(tm) =	ssettm $0x1  }
0x91: {  	s18 =	sld [smem:$0x3FFB];
	_ =	sdelay $0x3  }
0x92: {  	_ =	strace s18  }
0x93: {  	s3 =	sld [smem:$0x3FFC];
	_ =	sdelay $0x3  }
0x94: {  	_ =	strace s3  }
0x95: {  	s3 =	sld [smem:$0x3FFD];
	_ =	sdelay $0x3  }
0x96: {  	_ =	strace s3  }
0x97: {  	_ =	strace $0x8FFFFFFF  }
0x98: {  	s19 =	sld [smem:$0x3FDB];
	_ =	sdelay $0x1  }
0x99: {  	s4 =	simm.s32 $_scs_section_size  }
0x9a: {  	s5 =	simm.s32 $_size__tile_overlayer_lowered;
	s6 =	simm.s32 $_tile_overlayer_lowered  }
0x9b: {  	s22 =	simm.s32 $0x1BFF;
	s21 =	sshll.u32 s6, $0x1;
	s3 =	sadd.s32 s4, s19  }
0x9c: {  	s7 =	simm.s32 $0x0;
	s20 =	sshll.u32 s5, $0x1;
	s5 =	sadd.s32 s21, s3  }
0x9d: {  	[timem:s7], [sflag:s22] =	dma.local [hbm:s5], s20  }
0x9e: {  	_ =	swait.ge [sflag:s22], s20  }
0x9f: {  	s4 =	ssub.s32 $0x0, s20;
	[sflag:s22] =	ssyncset.done $0x0  }
0xa0: {  	[sflag:s22] =	ssyncadd.s32 s4;
	_ =	sdelay $0x1  }
0xa1: {  	s23 =	simm.s32 $0x1B8B  }
0xa2: {  	_ =	swait.ge [sflag:s23], $0x1  }
0xa3: {  	[sflag:s23] =	ssyncset.done $0x0  }
0xa4: {  	s25 =	simm.s32 $0x1B8E;
	s24 =	sld [smem:$0x3FFE];
	[sflag:s23] =	ssyncadd.s32 $0xFFFFFFFF  }
0xa5: {  	s26 =	simm.s32 $execute0_lowered;
	[smem:$0x3FD2] =	sst s25  }
0xa6: {  	s5 =	sshll.u32 s26, $0x1;
	_ =	strace $0x80000046;
	[dreg:$0x1] =	wrdreg $0xFFFFFFFF  }
0xa7: {  	s28 =	simm.s32 $_size_execute0_lowered;
	s3 =	sadd.s32 s3, s5;
	[dreg:$0x0] =	wrdreg $0x0  }
0xa8: {  	s5 =	sshll.u32 s28, $0x1;
	[dreg:$0x2] =	wrdreg s3  }
0xa9: {  	[dreg:$0x3] =	wrdreg s5  }
0xaa: {  	[dreg:$0x4] =	wrdreg $0xC0  }
0xab: {  	_ =	task [dreg:s7], $0x5FFFF  }
0xac: {  	[dreg:$0x1] =	wrdreg $0xFFFFFFFF  }
0xad: {  	[dreg:$0x0] =	wrdreg $0x60  }
0xae: {  	[dreg:$0x2] =	wrdreg s2  }
0xaf: {  	[dreg:$0x3] =	wrdreg s24  }
0xb0: {  	[dreg:$0x4] =	wrdreg $0x40000  }
0xb1: {  	[dreg:$0x5] =	wrdreg $0x9  }
0xb2: {  	_ =	task.clear_ibuf [dreg:s7], $0x6FFFF;
	_ =	strace $0x90000046  }
0xb3: {  	s29 =	simm.s32 $0x9;
	_ =	strace $0x80000048  }
0xb4: {  	_ =	swait.ge [sflag:s29], $0x1  }
0xb5: {  	[sflag:s29] =	ssyncadd.s32 $0xFFFFFFFF  }
0xb6: {  	_ =	strace $0x90000048  }
0xb7: {  	_ =	sfence  }
0xb8: {  	s30 =	sld [smem:$0x0];
	_ =	sdelay $0x2  }
0xb9: {  	s31 =	sshll.u32 s1, $0xD;
	s1 =	sshrl.u32 s1, $0x2  }
0xba: {  	s3 =	sand.u32 $0x4000, s31;
	s1 =	sadd.s32 s1, s30  }
0xbb: {  	s0 =	sor.u32 s3, s0;
	s1 =	sshll.u32 s1, $0x11  }
0xbc: {  	s0 =	sor.u32 s1, s0  }
0xbd: {  	s0 =	sadd.s32 $0x8F2B, s0  }
0xbe: {  	[sflag:s0] =	ssyncadd.remote.s32 $0x1  }
0xbf: {  	_ =	sfence.sel $0xFFFF  }
0xc0: {  	[dreg:$0x0] =	wrdreg $0xFFFFFFFF;
	(pc) =	sbr.abs _section_cstart, $3  }
0xc1: {  	[dreg:$0x1] =	wrdreg $0xFFFFFFFF  }
0xc2: {  	_ =	task.clear_ibuf [dreg:s7], $0x2FFFF;
	_ =	strace $0x9FFFFFFF  }
0xc3: {  	(tm) =	ssettm $0x7FFFFFFF  }
tec
execute0_lowered:
.L_overlay_start_1:
0x0: {  	(tag) =	ssettag $0x1  }
0x1: {  	s5 =	rddreg [dreg:$0x0]  }
0x2: {  	s7 =	rddreg [dreg:$0x1]  }
0x3: {  	s1 =	rddreg [dreg:$0x2];
	s2 =	simm.s32 $0x0  }
0x4: {  	[smem:$0x7FF] =	sst s2;
	s6 =	sadd.s32 $0x1200, s7  }
0x5: {  	s20 =	simm.s32 $0x1000;
	_ =	strace $0x80000047;
	[dreg:$0x4] =	wrdreg s6  }
0x6: {  	s21 =	simm.s32 $0x2000;
	[dreg:$0x8] =	wrdreg s20  }
0x7: {  	s22 =	simm.s32 $0x3000;
	[dreg:$0x9] =	wrdreg s21  }
0x8: {  	s23 =	simm.s32 $0x2080;
	[dreg:$0xa] =	wrdreg s22  }
0x9: {  	s24 =	simm.s32 $0x3080;
	[dreg:$0xb] =	wrdreg s23  }
0xa: {  	s25 =	simm.s32 $0x2100;
	[dreg:$0xc] =	wrdreg s24  }
0xb: {  	s26 =	simm.s32 $0x3100;
	[dreg:$0xd] =	wrdreg s25  }
0xc: {  	s3 =	simm.s32 $0x3180;
	[dreg:$0xe] =	wrdreg s26  }
0xd: {  	s11 =	simm.s32 $0x3280;
	[dreg:$0x10] =	wrdreg s3  }
0xe: {  	s12 =	simm.s32 $0x2300;
	[dreg:$0x14] =	wrdreg s11  }
0xf: {  	s13 =	simm.s32 $0x3300;
	[dreg:$0x15] =	wrdreg s12  }
0x10: {  	s14 =	simm.s32 $0x2380;
	[dreg:$0x16] =	wrdreg s13  }
0x11: {  	s4 =	srdreg.scid;
	s15 =	simm.s32 $0x3380;
	[dreg:$0x17] =	wrdreg s14  }
0x12: {  	s0 =	stileid.u32;
	s16 =	simm.s32 $0x2400;
	[dreg:$0x18] =	wrdreg s15  }
0x13: {  	s17 =	simm.s32 $0x3400;
	s18 =	simm.s32 $0x2480;
	[dreg:$0x19] =	wrdreg s16  }
0x14: {  	s29 =	sand.u32 $0x1, s4;
	s4 =	sshll.u32 s0, $0x6;
	[dreg:$0x1a] =	wrdreg s17  }
0x15: {  	s9 =	sshll.u32 s0, $0xA;
	s10 =	sor.u32 $0x1C01, s4;
	[dreg:$0x1b] =	wrdreg s18  }
0x16: {  	s6 =	sshll.u32 s0, $0xF;
	s0 =	simm.s32 $0x2180;
	[dreg:$0x5] =	wrdreg s10  }
0x17: {  	s5 =	sadd.s32 s5, s9;
	s9 =	simm.s32 $0x3200;
	[dreg:$0xf] =	wrdreg s0  }
0x18: {  	s20 =	simm.s32 $0x2500;
	[dreg:$0x12] =	wrdreg s9  }
0x19: {  	s21 =	simm.s32 $0x3500;
	[dreg:$0x1d] =	wrdreg s20  }
0x1a: {  	s22 =	simm.s32 $0x2580;
	[dreg:$0x1e] =	wrdreg s21  }
0x1b: {  	s23 =	simm.s32 $0x3580;
	[dreg:$0x1f] =	wrdreg s22  }
0x1c: {  	s24 =	simm.s32 $0x2600;
	[smem:$0x7E6] =	sst s23  }
0x1d: {  	s25 =	simm.s32 $0x3600;
	[smem:$0x7E7] =	sst s24  }
0x1e: {  	s26 =	simm.s32 $0x2680;
	[smem:$0x7E8] =	sst s25  }
0x1f: {  	s3 =	simm.s32 $0x2700;
	[smem:$0x7E9] =	sst s26  }
0x20: {  	s11 =	simm.s32 $0x2800;
	[smem:$0x7EB] =	sst s3  }
0x21: {  	s12 =	simm.s32 $0x3800;
	[smem:$0x7EF] =	sst s11  }
0x22: {  	s13 =	simm.s32 $0x2880;
	[smem:$0x7F0] =	sst s12  }
0x23: {  	s14 =	simm.s32 $0x3880;
	[smem:$0x7F1] =	sst s13  }
0x24: {  	s28 =	simm.s32 $0x2F80;
	s15 =	simm.s32 $0x2900;
	[smem:$0x7F2] =	sst s14  }
0x25: {  	s31 =	simm.s32 $0x4;
	s16 =	simm.s32 $0x3900;
	[smem:$0x7F3] =	sst s15  }
0x26: {  	s30 =	sshll.u32 s29, $0x13;
	s18 =	simm.s32 $0x2980;
	[smem:$0x7F4] =	sst s16  }
0x27: {  	s17 =	ssub.s32 $0x2, s29;
	s19 =	sadd.s32 $0x10, s5;
	[smem:$0x7F5] =	sst s18  }
0x28: {  	v0 =	vmov s29;
	s29 =	simm.s32 $0x3F80;
	s10 =	simm.s32 $0x2280;
	[dreg:$0x6] =	wrdreg s19  }
0x29: {  	s8 =	sor.u32 s6, s30;
	s0 =	simm.s32 $0x3680;
	[dreg:$0x13] =	wrdreg s10  }
0x2a: {  	s9 =	simm.s32 $0x2780;
	s20 =	simm.s32 $0x3980;
	[smem:$0x7EA] =	sst s0  }
0x2b: {  	s21 =	simm.s32 $0x2A00;
	s22 =	sadd.s32 s6, s1;
	[smem:$0x7ED] =	sst s9  }
0x2c: {  	s23 =	simm.s32 $0x3A00;
	s24 =	simm.s32 $0x2A80;
	[smem:$0x7F6] =	sst s20  }
0x2d: {  	s25 =	simm.s32 $0x3A80;
	s26 =	simm.s32 $0x2B00;
	[smem:$0x7F7] =	sst s21  }
0x2e: {  	s11 =	simm.s32 $0x3B00;
	s12 =	simm.s32 $0x2B80;
	[smem:$0x7F8] =	sst s23  }
0x2f: {  	s14 =	simm.s32 $0x3C00;
	s15 =	simm.s32 $0x2C80;
	[smem:$0x7F9] =	sst s24  }
0x30: {  	s16 =	simm.s32 $0x3C80;
	s18 =	simm.s32 $0x3D00;
	[smem:$0x7FA] =	sst s25  }
0x31: {  	v1 =	vmov s30;
	s30 =	simm.s32 $0x3;
	s8 =	sshrl.u32 s8, $0x3;
	[smem:$0x7FB] =	sst s26  }
0x32: {  	s19 =	simm.s32 $0x3480;
	s10 =	simm.s32 $0x3780;
	[smem:$0x7FC] =	sst s11  }
0x33: {  	s9 =	simm.s32 $0x100;
	s11 =	simm.s32 $0x1;
	[smem:$0x7FD] =	sst s12  }
0x34: {  	s20 =	simm.s32 $0x3D80;
	s21 =	simm.s32 $0x2E00;
	s23 =	simm.s32 $0x2E80  }
0x35: {  	s24 =	simm.s32 $0x3E80;
	s25 =	simm.s32 $0x2F00;
	[dreg:$0x1c] =	wrdreg s19  }
0x36: {  	s7 =	sadd.s32 s8, s7;
	s8 =	simm.s32 $0x2200;
	[smem:$0x7EE] =	sst s10  }
0x37: {  	s26 =	simm.s32 $0x3F00;
	s7 =	sadd.s32 $0x2200, s7;
	[dreg:$0x11] =	wrdreg s8  }
0x38: {  	s19 =	sshrl.u32 s17, $0x1;
	s8 =	simm.s32 $0x3700;
	[dreg:$0x7] =	wrdreg s7  }
0x39: {  	s10 =	simm.s32 $0x2;
	[smem:$0x7EC] =	sst s8;
	s8 =	ssub.s32 s17, s19  }
0x3a: {  	s7 =	sshrl.u32 s22, $0x3;
	s17 =	simm.s32 $0x2D00;
	s19 =	simm.s32 $0x2D80  }
0x3b: {  	v60 =	vimm.f32 $0.0e+00;
	s22 =	simm.s32 $0x3E00;
	s6 =	smax.u32 s8, $0x1;
	s8 =	simm.s32 $0x80  }
.LBB2_1:
0x3c: {  	s0 =	rddreg [dreg:$0x4]  }
0x3d: {  	s3 =	rddreg [dreg:$0x5]  }
0x3e: {  	[spmem:s7], [sflag:s3] =	dma.local [hbm:s0], $0x1000  }
0x3f: {  	s0 =	rddreg [dreg:$0x6]  }
0x40: {  	[tilespmem:s2], [sflag:$0x2] =	stream.strided.gather [hbm4b:s5+s8], $0x1000, s9, s8, $0x38;
	[tilespmem:$0xC000] =	vst v63  }
0x41: {  	s3 =	rddreg [dreg:$0x8]  }
0x42: {  	[tilespmem:s3], [sflag:$0x2] =	stream.strided.gather [hbm4b:s0+s8], $0x1000, s9, s8, $0x38;
	[tilespmem:$0xC000] =	vst v63  }
0x43: {  	_ =	swait.ge [sflag:s10], $0x1000  }
0x44: {  	[sflag:s10] =	ssyncset.done $0x0  }
0x45: {  	[sflag:s10] =	ssyncadd.s32 $0xFFFFF000  }
0x46: {  	_ =	swait.ge [sflag:s10], $0x1000  }
0x47: {  	[sflag:s10] =	ssyncset.done $0x0  }
0x48: {  	[sflag:s10] =	ssyncadd.s32 $0xFFFFF000  }
0x49: {  	v3 =	vld [tilespmem:$0x0]  }
0x4a: {  	v4 =	vld [tilespmem:$0x1000]  }
0x4b: {  	v5 =	vld [tilespmem:$0x10]  }
0x4c: {  	v7 =	vld [tilespmem:$0x1010]  }
0x4d: {  	v8 =	vld [tilespmem:$0x20]  }
0x4e: {  	v9 =	vld [tilespmem:$0x1020]  }
0x4f: {  	v10 =	vld [tilespmem:$0x30]  }
0x50: {  	v11 =	vld [tilespmem:$0x1030]  }
0x51: {  	v12 =	vld [tilespmem:$0x40]  }
0x52: {  	v13 =	vld [tilespmem:$0x1040]  }
0x53: {  	v14 =	vld [tilespmem:$0x50]  }
0x54: {  	v15 =	vld [tilespmem:$0x1050]  }
0x55: {  	v16 =	vld [tilespmem:$0x60]  }
0x56: {  	v17 =	vld [tilespmem:$0x1060];
	v6 =	vshll.u32 v3, $0xA;
	v4 =	vshll.u32 v4, $0x7;
	v26 =	vand.u32 $0x7F, v3  }
0x57: {  	v18 =	vld [tilespmem:$0x70];
	v3 =	vshra.s32 v3, $0x9;
	v27 =	vshll.u32 v5, $0xA;
	v7 =	vshll.u32 v7, $0x7  }
0x58: {  	v19 =	vld [tilespmem:$0x1070];
	v28 =	vand.u32 $0x7F, v5;
	v5 =	vshra.s32 v5, $0x9;
	v30 =	vshll.u32 v8, $0xA  }
0x59: {  	v20 =	vld [tilespmem:$0x80];
	v9 =	vshll.u32 v9, $0x7;
	v31 =	vand.u32 $0x7F, v8;
	v8 =	vshra.s32 v8, $0x9  }
0x5a: {  	v21 =	vld [tilespmem:$0x1080];
	v33 =	vshll.u32 v10, $0xA;
	v11 =	vshll.u32 v11, $0x7;
	v34 =	vand.u32 $0x7F, v10  }
0x5b: {  	v22 =	vld [tilespmem:$0x90];
	v10 =	vshra.s32 v10, $0x9;
	v36 =	vshll.u32 v12, $0xA;
	v13 =	vshll.u32 v13, $0x7  }
0x5c: {  	v23 =	vld [tilespmem:$0x1090];
	v37 =	vand.u32 $0x7F, v12;
	v12 =	vshra.s32 v12, $0x9;
	v39 =	vshll.u32 v14, $0xA  }
0x5d: {  	v24 =	vld [tilespmem:$0xA0];
	v15 =	vshll.u32 v15, $0x7;
	v40 =	vand.u32 $0x7F, v14;
	v14 =	vshra.s32 v14, $0x9  }
0x5e: {  	v25 =	vld [tilespmem:$0x10A0];
	v42 =	vshll.u32 v16, $0xA;
	v17 =	vshll.u32 v17, $0x7;
	v43 =	vand.u32 $0x7F, v16  }
0x5f: {  	v16 =	vshra.s32 v16, $0x9;
	v45 =	vshll.u32 v18, $0xA;
	v19 =	vshll.u32 v19, $0x7  }
0x60: {  	v46 =	vand.u32 $0x7F, v18;
	v18 =	vshra.s32 v18, $0x9;
	v48 =	vshll.u32 v20, $0xA  }
0x61: {  	v21 =	vshll.u32 v21, $0x7;
	v49 =	vand.u32 $0x7F, v20;
	v20 =	vshra.s32 v20, $0x9  }
0x62: {  	v51 =	vshll.u32 v22, $0xA;
	v23 =	vshll.u32 v23, $0x7;
	v52 =	vand.u32 $0x7F, v22  }
0x63: {  	v22 =	vshra.s32 v22, $0x9;
	v54 =	vshll.u32 v24, $0xA;
	v25 =	vshll.u32 v25, $0x7  }
0x64: {  	v55 =	vand.u32 $0x7F, v24;
	v24 =	vshra.s32 v24, $0x9;
	v6 =	vand.u32 $0xFFFE0000, v6  }
0x65: {  	vm0 =	veq.s32 v3, v0;
	vm10 =	veq.s32 v5, v0;
	vm11 =	veq.s32 v8, v0  }
0x66: {  	vm12 =	veq.s32 v10, v0;
	vm13 =	veq.s32 v12, v0;
	vm14 =	veq.s32 v14, v0  }
0x67: {  	vm15 =	veq.s32 v16, v0;
	vm4 =	veq.s32 v18, v0;
	vm5 =	veq.s32 v20, v0  }
0x68: {  	vm6 =	veq.s32 v22, v0;
	vm7 =	veq.s32 v24, v0;
	v4 =	vadd.s32 v4, v6  }
0x69: {  	v6 =	vand.u32 $0xFFFE0000, v27;
	v5 =	vsel vm10, $0x3F800000, v60;
	v4 =	vor.u32 v26, v4  }
0x6a: {  	v6 =	vadd.s32 v7, v6;
	v7 =	vand.u32 $0xFFFE0000, v30;
	v3 =	vsub.s32 v4, v1  }
0x6b: {  	v4 =	vand.u32 $0x7FFFF, v4;
	v6 =	vor.u32 v28, v6;
	v7 =	vadd.s32 v9, v7  }
0x6c: {  	v9 =	vand.u32 $0xFFFE0000, v33;
	v4 =	vsel vm0, v3, v4;
	v3 =	vsel vm0, $0x3F800000, v60  }
0x6d: {  	v29 =	vsub.s32 v6, v1;
	v6 =	vand.u32 $0x7FFFF, v6;
	v7 =	vor.u32 v31, v7  }
0x6e: {  	v27 =	vld [tilespmem:$0x10B0];
	v9 =	vadd.s32 v11, v9;
	v11 =	vand.u32 $0xFFFE0000, v36;
	v6 =	vsel vm10, v29, v6  }
0x6f: {  	v32 =	vsub.s32 v7, v1;
	v7 =	vand.u32 $0x7FFFF, v7;
	v9 =	vor.u32 v34, v9  }
0x70: {  	v26 =	vld [tilespmem:$0xB0];
	v11 =	vadd.s32 v13, v11;
	v13 =	vand.u32 $0xFFFE0000, v39;
	v8 =	vsel vm11, v32, v7  }
0x71: {  	v30 =	vld [tilespmem:$0xD0];
	v7 =	vsel vm11, $0x3F800000, v60;
	v35 =	vsub.s32 v9, v1;
	v9 =	vand.u32 $0x7FFFF, v9  }
0x72: {  	v11 =	vor.u32 v37, v11;
	v13 =	vadd.s32 v15, v13;
	v15 =	vand.u32 $0xFFFE0000, v42  }
0x73: {  	v27 =	vshll.u32 v27, $0x7;
	v10 =	vsel vm12, v35, v9;
	v9 =	vsel vm12, $0x3F800000, v60  }
0x74: {  	v38 =	vsub.s32 v11, v1;
	v11 =	vand.u32 $0x7FFFF, v11;
	v13 =	vor.u32 v40, v13  }
0x75: {  	v28 =	vld [tilespmem:$0xC0];
	v15 =	vadd.s32 v17, v15;
	v17 =	vand.u32 $0xFFFE0000, v45;
	v57 =	vshll.u32 v26, $0xA  }
0x76: {  	v33 =	vld [tilespmem:$0x10E0];
	v58 =	vand.u32 $0x7F, v26;
	v26 =	vshra.s32 v26, $0x9;
	v36 =	vshll.u32 v30, $0xA  }
0x77: {  	v37 =	vand.u32 $0x7F, v30;
	v30 =	vshra.s32 v30, $0x9;
	v12 =	vsel vm13, v38, v11  }
0x78: {  	v11 =	vsel vm13, $0x3F800000, v60;
	v41 =	vsub.s32 v13, v1;
	v13 =	vand.u32 $0x7FFFF, v13  }
0x79: {  	v31 =	vld [tilespmem:$0x10D0];
	v15 =	vor.u32 v43, v15;
	v17 =	vadd.s32 v19, v17;
	v19 =	vand.u32 $0xFFFE0000, v48  }
0x7a: {  	vm8 =	veq.s32 v26, v0;
	v61 =	vshll.u32 v28, $0xA;
	v62 =	vand.u32 $0x7F, v28  }
0x7b: {  	v29 =	vld [tilespmem:$0x10C0];
	v28 =	vshra.s32 v28, $0x9;
	vm10 =	veq.s32 v30, v0;
	v33 =	vshll.u32 v33, $0x7  }
0x7c: {  	v34 =	vld [tilespmem:$0xF0];
	v14 =	vsel vm14, v41, v13;
	v13 =	vsel vm14, $0x3F800000, v60;
	v44 =	vsub.s32 v15, v1  }
0x7d: {  	v15 =	vand.u32 $0x7FFFF, v15;
	v17 =	vor.u32 v46, v17;
	v19 =	vadd.s32 v21, v19  }
0x7e: {  	v21 =	vand.u32 $0xFFFE0000, v51;
	vm9 =	veq.s32 v28, v0;
	v31 =	vshll.u32 v31, $0x7  }
0x7f: {  	v16 =	vsel vm15, v44, v15;
	v15 =	vsel vm15, $0x3F800000, v60;
	v47 =	vsub.s32 v17, v1  }
0x80: {  	v32 =	vld [tilespmem:$0xE0];
	v17 =	vand.u32 $0x7FFFF, v17;
	v19 =	vor.u32 v49, v19;
	v21 =	vadd.s32 v23, v21  }
0x81: {  	v23 =	vand.u32 $0xFFFE0000, v54;
	v29 =	vshll.u32 v29, $0x7;
	v42 =	vshll.u32 v34, $0xA  }
0x82: {  	v43 =	vand.u32 $0x7F, v34;
	v34 =	vshra.s32 v34, $0x9;
	v18 =	vsel vm4, v47, v17  }
0x83: {  	v17 =	vsel vm4, $0x3F800000, v60;
	v50 =	vsub.s32 v19, v1;
	v19 =	vand.u32 $0x7FFFF, v19  }
0x84: {  	v35 =	vld [tilespmem:$0x10F0];
	v21 =	vor.u32 v52, v21;
	v23 =	vadd.s32 v25, v23;
	v25 =	vand.u32 $0xFFFE0000, v57  }
0x85: {  	v39 =	vshll.u32 v32, $0xA;
	v40 =	vand.u32 $0x7F, v32;
	v32 =	vshra.s32 v32, $0x9  }
0x86: {  	vm12 =	veq.s32 v34, v0;
	v20 =	vsel vm5, v50, v19;
	v19 =	vsel vm5, $0x3F800000, v60  }
0x87: {  	v53 =	vsub.s32 v21, v1;
	v21 =	vand.u32 $0x7FFFF, v21;
	v23 =	vor.u32 v55, v23  }
0x88: {  	v25 =	vadd.s32 v27, v25;
	v27 =	vand.u32 $0xFFFE0000, v61;
	vm11 =	veq.s32 v32, v0  }
0x89: {  	v35 =	vshll.u32 v35, $0x7;
	v22 =	vsel vm6, v53, v21;
	v21 =	vsel vm6, $0x3F800000, v60  }
0x8a: {  	v56 =	vsub.s32 v23, v1;
	v23 =	vand.u32 $0x7FFFF, v23;
	v25 =	vor.u32 v58, v25  }
0x8b: {  	v27 =	vadd.s32 v29, v27;
	v29 =	vand.u32 $0xFFFE0000, v36;
	v24 =	vsel vm7, v56, v23  }
0x8c: {  	v23 =	vsel vm7, $0x3F800000, v60;
	v59 =	vsub.s32 v25, v1;
	v25 =	vand.u32 $0x7FFFF, v25  }
0x8d: {  	v27 =	vor.u32 v62, v27;
	v29 =	vadd.s32 v31, v29;
	v31 =	vand.u32 $0xFFFE0000, v39  }
0x8e: {  	v26 =	vsel vm8, v59, v25;
	v25 =	vsel vm8, $0x3F800000, v60;
	v63 =	vsub.s32 v27, v1  }
0x8f: {  	v27 =	vand.u32 $0x7FFFF, v27;
	v29 =	vor.u32 v37, v29;
	v31 =	vadd.s32 v33, v31  }
0x90: {  	v36 =	vld [tilespmem:$0x100];
	v33 =	vand.u32 $0xFFFE0000, v42;
	v28 =	vsel vm9, v63, v27;
	v27 =	vsel vm9, $0x3F800000, v60  }
0x91: {  	v39 =	vld [tilespmem:$0x1110];
	v38 =	vsub.s32 v29, v1;
	v29 =	vand.u32 $0x7FFFF, v29;
	v31 =	vor.u32 v40, v31  }
0x92: {  	v37 =	vld [tilespmem:$0x1100];
	v33 =	vadd.s32 v35, v33;
	v30 =	vsel vm10, v38, v29;
	v29 =	vsel vm10, $0x3F800000, v60  }
0x93: {  	v42 =	vld [tilespmem:$0x130];
	v41 =	vsub.s32 v31, v1;
	v31 =	vand.u32 $0x7FFFF, v31;
	v33 =	vor.u32 v43, v33  }
0x94: {  	v40 =	vld [tilespmem:$0x120];
	v32 =	vsel vm11, v41, v31;
	v31 =	vsel vm11, $0x3F800000, v60;
	v44 =	vsub.s32 v33, v1  }
0x95: {  	v45 =	vshll.u32 v36, $0xA;
	v33 =	vand.u32 $0x7FFFF, v33;
	v46 =	vand.u32 $0x7F, v36  }
0x96: {  	v38 =	vld [tilespmem:$0x110];
	v36 =	vshra.s32 v36, $0x9;
	v35 =	vand.u32 $0xFFFE0000, v45;
	v34 =	vsel vm12, v44, v33  }
0x97: {  	v43 =	vld [tilespmem:$0x1130];
	v33 =	vsel vm12, $0x3F800000, v60;
	vm13 =	veq.s32 v36, v0;
	v39 =	vshll.u32 v39, $0x7  }
0x98: {  	[tilespmem:$0x20C0] =	vst v28;
	v28 =	vld [tilespmem:$0x11E0];
	v37 =	vshll.u32 v37, $0x7;
	v54 =	vshll.u32 v42, $0xA;
	v55 =	vand.u32 $0x7F, v42  }
0x99: {  	v41 =	vld [tilespmem:$0x1120];
	v42 =	vshra.s32 v42, $0x9;
	v35 =	vadd.s32 v37, v35;
	v51 =	vshll.u32 v40, $0xA  }
0x9a: {  	v44 =	vld [tilespmem:$0x140];
	v52 =	vand.u32 $0x7F, v40;
	v40 =	vshra.s32 v40, $0x9;
	vm4 =	veq.s32 v42, v0  }
0x9b: {  	v45 =	vld [tilespmem:$0x1140];
	v35 =	vor.u32 v46, v35;
	v48 =	vshll.u32 v38, $0xA;
	v49 =	vand.u32 $0x7F, v38  }
0x9c: {  	v38 =	vshra.s32 v38, $0x9;
	vm15 =	veq.s32 v40, v0;
	v43 =	vshll.u32 v43, $0x7  }
0x9d: {  	[tilespmem:$0x30A0] =	vst v23;
	v23 =	vshll.u32 v28, $0x7;
	v47 =	vsub.s32 v35, v1;
	v35 =	vand.u32 $0x7FFFF, v35  }
0x9e: {  	v59 =	vld [tilespmem:$0x160];
	v37 =	vand.u32 $0xFFFE0000, v48;
	vm14 =	veq.s32 v38, v0;
	v41 =	vshll.u32 v41, $0x7  }
0x9f: {  	v36 =	vsel vm13, v47, v35;
	v37 =	vadd.s32 v39, v37;
	v35 =	vsel vm13, $0x3F800000, v60  }
0xa0: {  	v39 =	vand.u32 $0xFFFE0000, v51;
	v57 =	vshll.u32 v44, $0xA;
	v45 =	vshll.u32 v45, $0x7  }
0xa1: {  	v58 =	vand.u32 $0x7F, v44;
	v44 =	vshra.s32 v44, $0x9;
	v37 =	vor.u32 v49, v37  }
0xa2: {  	v46 =	vld [tilespmem:$0x150];
	v39 =	vadd.s32 v41, v39;
	v41 =	vand.u32 $0xFFFE0000, v54;
	vm5 =	veq.s32 v44, v0  }
0xa3: {  	v54 =	vand.u32 $0x7F, v59;
	v50 =	vsub.s32 v37, v1;
	v37 =	vand.u32 $0x7FFFF, v37  }
0xa4: {  	v39 =	vor.u32 v52, v39;
	v41 =	vadd.s32 v43, v41;
	v43 =	vand.u32 $0xFFFE0000, v57  }
0xa5: {  	v38 =	vsel vm14, v50, v37;
	v37 =	vsel vm14, $0x3F800000, v60;
	v53 =	vsub.s32 v39, v1  }
0xa6: {  	v39 =	vand.u32 $0x7FFFF, v39;
	v41 =	vor.u32 v55, v41;
	v43 =	vadd.s32 v45, v43  }
0xa7: {  	v47 =	vld [tilespmem:$0x1150];
	v48 =	vshll.u32 v46, $0xA;
	v62 =	vand.u32 $0x7F, v46;
	v46 =	vshra.s32 v46, $0x9  }
0xa8: {  	v51 =	vld [tilespmem:$0x1170];
	v50 =	vshll.u32 v59, $0xA;
	v45 =	vshra.s32 v59, $0x9;
	v40 =	vsel vm15, v53, v39  }
0xa9: {  	v49 =	vld [tilespmem:$0x1160];
	v39 =	vsel vm15, $0x3F800000, v60;
	v56 =	vsub.s32 v41, v1;
	v41 =	vand.u32 $0x7FFFF, v41  }
0xaa: {  	v43 =	vor.u32 v58, v43;
	v48 =	vand.u32 $0xFFFE0000, v48;
	vm6 =	veq.s32 v46, v0  }
0xab: {  	v57 =	vld [tilespmem:$0x1180];
	v50 =	vand.u32 $0xFFFE0000, v50;
	vm7 =	veq.s32 v45, v0;
	v42 =	vsel vm4, v56, v41  }
0xac: {  	v41 =	vsel vm4, $0x3F800000, v60;
	v61 =	vsub.s32 v43, v1;
	v47 =	vshll.u32 v47, $0x7  }
0xad: {  	[tilespmem:$0x3000] =	vst v3;
	v43 =	vand.u32 $0x7FFFF, v43;
	v3 =	vsel vm6, $0x3F800000, v60;
	v47 =	vadd.s32 v47, v48  }
0xae: {  	[tilespmem:$0x2010] =	vst v6;
	v59 =	vshll.u32 v51, $0x7;
	v48 =	vld [tilespmem:$0x170];
	v49 =	vshll.u32 v49, $0x7;
	v47 =	vor.u32 v62, v47  }
0xaf: {  	v6 =	vsel vm7, $0x3F800000, v60;
	[tilespmem:$0x2120] =	vst v40;
	v40 =	vld [tilespmem:$0x230];
	v53 =	vadd.s32 v49, v50;
	v63 =	vsub.s32 v47, v1  }
0xb0: {  	v47 =	vand.u32 $0x7FFFF, v47;
	v46 =	vor.u32 v54, v53;
	v54 =	vshll.u32 v57, $0x7;
	v57 =	vld [tilespmem:$0x1A0]  }
0xb1: {  	[tilespmem:$0x2000] =	vst v4;
	v4 =	vsel vm6, v63, v47;
	v47 =	vld [tilespmem:$0x180];
	v55 =	vsub.s32 v46, v1;
	v58 =	vand.u32 $0x7FFFF, v46  }
0xb2: {  	[tilespmem:$0x3010] =	vst v5;
	v52 =	vld [tilespmem:$0x1190];
	v44 =	vsel vm5, v61, v43;
	v43 =	vsel vm5, $0x3F800000, v60;
	v5 =	vsel vm7, v55, v58  }
0xb3: {  	v56 =	vshll.u32 v48, $0xA;
	v62 =	vand.u32 $0x7F, v48;
	v63 =	vshra.s32 v48, $0x9  }
0xb4: {  	[tilespmem:$0x2160] =	vst v5;
	v5 =	vshra.s32 v40, $0x9;
	v45 =	vand.u32 $0xFFFE0000, v56;
	vm8 =	veq.s32 v63, v0  }
0xb5: {  	[tilespmem:$0x3020] =	vst v7;
	v61 =	vadd.s32 v59, v45;
	v7 =	vsel vm8, $0x3F800000, v60;
	v46 =	vshll.u32 v57, $0xA  }
0xb6: {  	[tilespmem:$0x2020] =	vst v8;
	v48 =	vld [tilespmem:$0x190];
	v8 =	vor.u32 v62, v61;
	v51 =	vshll.u32 v47, $0xA;
	v55 =	vand.u32 $0x7F, v47  }
0xb7: {  	[tilespmem:$0x2050] =	vst v14;
	v56 =	vshra.s32 v47, $0x9;
	v61 =	vshll.u32 v52, $0x7;
	v14 =	vand.u32 $0xFFFE0000, v46  }
0xb8: {  	v59 =	vld [tilespmem:$0x11A0];
	v52 =	vshra.s32 v57, $0x9;
	v50 =	vsub.s32 v8, v1;
	v8 =	vand.u32 $0x7FFFF, v8  }
0xb9: {  	[tilespmem:$0x2030] =	vst v10;
	v45 =	vld [tilespmem:$0x1B0];
	v53 =	vand.u32 $0xFFFE0000, v51;
	vm9 =	veq.s32 v56, v0;
	v51 =	vand.u32 $0x7F, v57  }
0xba: {  	[tilespmem:$0x3030] =	vst v9;
	vm11 =	veq.s32 v52, v0;
	v8 =	vsel vm8, v50, v8;
	v9 =	vadd.s32 v54, v53  }
0xbb: {  	[tilespmem:$0x2040] =	vst v12;
	v58 =	vshll.u32 v48, $0xA;
	v62 =	vand.u32 $0x7F, v48;
	v63 =	vshra.s32 v48, $0x9  }
0xbc: {  	[tilespmem:$0x3040] =	vst v11;
	v46 =	vld [tilespmem:$0x11F0];
	vm8 =	veq.s32 v5, v0;
	v9 =	vor.u32 v55, v9;
	v11 =	vand.u32 $0xFFFE0000, v58  }
0xbd: {  	[tilespmem:$0x20E0] =	vst v32;
	v32 =	vld [tilespmem:$0x1F0];
	vm10 =	veq.s32 v63, v0;
	v10 =	vsub.s32 v9, v1;
	v9 =	vand.u32 $0x7FFFF, v9  }
0xbe: {  	[tilespmem:$0x3050] =	vst v13;
	v57 =	vld [tilespmem:$0x1D0];
	v11 =	vadd.s32 v61, v11;
	v49 =	vshll.u32 v59, $0x7;
	v54 =	vshll.u32 v45, $0xA  }
0xbf: {  	[tilespmem:$0x3060] =	vst v15;
	v48 =	vld [tilespmem:$0x11B0];
	v56 =	vand.u32 $0x7F, v45;
	v15 =	vshra.s32 v45, $0x9;
	v9 =	vsel vm9, v10, v9  }
0xc0: {  	[tilespmem:$0x3070] =	vst v17;
	v53 =	vld [tilespmem:$0x1C0];
	v10 =	vsel vm9, $0x3F800000, v60;
	v11 =	vor.u32 v62, v11;
	v50 =	vadd.s32 v49, v14  }
0xc1: {  	[tilespmem:$0x30B0] =	vst v25;
	v17 =	vand.u32 $0xFFFE0000, v54;
	vm12 =	veq.s32 v15, v0;
	v25 =	vshll.u32 v46, $0x7  }
0xc2: {  	[tilespmem:$0x30C0] =	vst v27;
	v52 =	vld [tilespmem:$0x1200];
	v54 =	vand.u32 $0x7F, v32;
	v13 =	vsub.s32 v11, v1;
	v11 =	vand.u32 $0x7FFFF, v11  }
0xc3: {  	[tilespmem:$0x20D0] =	vst v30;
	v55 =	vld [tilespmem:$0x11C0];
	v15 =	vsel vm12, $0x3F800000, v60;
	v27 =	vshll.u32 v57, $0xA;
	v30 =	vand.u32 $0x7F, v57  }
0xc4: {  	[tilespmem:$0x2060] =	vst v16;
	v63 =	vld [tilespmem:$0x1E0];
	v12 =	vsel vm10, v13, v11;
	v11 =	vsel vm10, $0x3F800000, v60;
	v13 =	vor.u32 v51, v50  }
0xc5: {  	[tilespmem:$0x2070] =	vst v18;
	v16 =	vshll.u32 v48, $0x7;
	v59 =	vshll.u32 v53, $0xA;
	v62 =	vand.u32 $0x7F, v53  }
0xc6: {  	[tilespmem:$0x2090] =	vst v22;
	v61 =	vld [tilespmem:$0x11D0];
	v18 =	vshra.s32 v53, $0x9;
	v22 =	vand.u32 $0xFFFE0000, v27;
	v51 =	vshll.u32 v32, $0xA  }
0xc7: {  	[tilespmem:$0x2080] =	vst v20;
	v27 =	vshll.u32 v52, $0x7;
	v14 =	vsub.s32 v13, v1;
	v13 =	vand.u32 $0x7FFFF, v13  }
0xc8: {  	[tilespmem:$0x3080] =	vst v19;
	v16 =	vadd.s32 v16, v17;
	v20 =	vand.u32 $0xFFFE0000, v59;
	v19 =	vshll.u32 v55, $0x7  }
0xc9: {  	vm13 =	veq.s32 v18, v0;
	v17 =	vshra.s32 v57, $0x9;
	v45 =	vshll.u32 v63, $0xA  }
0xca: {  	v48 =	vand.u32 $0x7F, v63;
	v13 =	vsel vm11, v14, v13;
	v14 =	vsel vm11, $0x3F800000, v60  }
0xcb: {  	[tilespmem:$0x3090] =	vst v21;
	v49 =	vld [tilespmem:$0x200];
	v16 =	vor.u32 v56, v16;
	v19 =	vadd.s32 v19, v20;
	v21 =	vshll.u32 v61, $0x7  }
0xcc: {  	[tilespmem:$0x20A0] =	vst v24;
	vm14 =	veq.s32 v17, v0;
	v24 =	vand.u32 $0xFFFE0000, v45;
	v20 =	vshra.s32 v63, $0x9  }
0xcd: {  	v58 =	vsub.s32 v16, v1;
	v16 =	vand.u32 $0x7FFFF, v16;
	v19 =	vor.u32 v62, v19  }
0xce: {  	[tilespmem:$0x30D0] =	vst v29;
	v29 =	vadd.s32 v21, v22;
	v22 =	vsel vm13, $0x3F800000, v60;
	v47 =	vadd.s32 v23, v24  }
0xcf: {  	v24 =	vsel vm14, $0x3F800000, v60;
	vm15 =	veq.s32 v20, v0;
	v21 =	vshra.s32 v32, $0x9  }
0xd0: {  	v57 =	vshll.u32 v49, $0xA;
	v61 =	vand.u32 $0x7F, v49;
	v23 =	vshra.s32 v49, $0x9  }
0xd1: {  	[tilespmem:$0x20B0] =	vst v26;
	v16 =	vsel vm12, v58, v16;
	v26 =	vsub.s32 v19, v1;
	v19 =	vand.u32 $0x7FFFF, v19  }
0xd2: {  	v55 =	vld [tilespmem:$0x210];
	vm4 =	veq.s32 v21, v0;
	v28 =	vand.u32 $0xFFFE0000, v57;
	vm5 =	veq.s32 v23, v0  }
0xd3: {  	[tilespmem:$0x20F0] =	vst v34;
	v23 =	vsel vm8, $0x3F800000, v60;
	v18 =	vsel vm13, v26, v19;
	v19 =	vor.u32 v30, v29  }
0xd4: {  	[tilespmem:$0x30F0] =	vst v33;
	v26 =	vand.u32 $0xFFFE0000, v51;
	v59 =	vadd.s32 v27, v28;
	v28 =	vsel vm4, $0x3F800000, v60  }
0xd5: {  	[tilespmem:$0x3160] =	vst v6;
	v6 =	vsel vm5, $0x3F800000, v60;
	v51 =	vshll.u32 v40, $0xA;
	v34 =	vsub.s32 v19, v1  }
0xd6: {  	[tilespmem:$0x3140] =	vst v43;
	v43 =	vld [tilespmem:$0x1230];
	v19 =	vand.u32 $0x7FFFF, v19;
	v53 =	vadd.s32 v25, v26;
	v26 =	vsel vm15, $0x3F800000, v60  }
0xd7: {  	[tilespmem:$0x2110] =	vst v38;
	v21 =	vor.u32 v61, v59;
	v33 =	vshll.u32 v55, $0xA;
	v38 =	vand.u32 $0x7F, v55  }
0xd8: {  	[tilespmem:$0x3120] =	vst v39;
	v62 =	vld [tilespmem:$0x220];
	v39 =	vshra.s32 v55, $0x9;
	v17 =	vsel vm14, v34, v19;
	v19 =	vor.u32 v48, v47  }
0xd9: {  	[tilespmem:$0x3150] =	vst v3;
	v49 =	vld [tilespmem:$0x240];
	v20 =	vor.u32 v54, v53;
	v63 =	vsub.s32 v21, v1;
	v3 =	vand.u32 $0x7FFFF, v21  }
0xda: {  	[tilespmem:$0x3100] =	vst v35;
	v52 =	vld [tilespmem:$0x1240];
	v35 =	vand.u32 $0xFFFE0000, v33;
	vm6 =	veq.s32 v39, v0;
	v53 =	vand.u32 $0xFFFE0000, v51  }
0xdb: {  	[tilespmem:$0x2100] =	vst v36;
	v58 =	vld [tilespmem:$0x1210];
	v54 =	vshll.u32 v43, $0x7;
	v50 =	vsub.s32 v19, v1;
	v19 =	vand.u32 $0x7FFFF, v19  }
0xdc: {  	[tilespmem:$0x3110] =	vst v37;
	v56 =	vsub.s32 v20, v1;
	v20 =	vand.u32 $0x7FFFF, v20;
	v3 =	vsel vm5, v63, v3  }
0xdd: {  	[tilespmem:$0x2130] =	vst v42;
	v42 =	vshll.u32 v62, $0xA;
	v46 =	vand.u32 $0x7F, v62;
	v47 =	vsel vm6, $0x3F800000, v60  }
0xde: {  	[tilespmem:$0x2140] =	vst v44;
	v48 =	vshra.s32 v62, $0x9;
	v55 =	vadd.s32 v54, v53;
	v61 =	vshll.u32 v49, $0xA  }
0xdf: {  	[tilespmem:$0x2170] =	vst v8;
	v30 =	vld [tilespmem:$0x1260];
	v63 =	vshll.u32 v52, $0x7;
	v21 =	vand.u32 $0x7F, v49;
	v8 =	vshra.s32 v49, $0x9  }
0xe0: {  	[tilespmem:$0x2150] =	vst v4;
	v25 =	vld [tilespmem:$0x260];
	v19 =	vsel vm15, v50, v19;
	v20 =	vsel vm4, v56, v20;
	v36 =	vshll.u32 v58, $0x7  }
0xe1: {  	[tilespmem:$0x3180] =	vst v10;
	v44 =	vand.u32 $0xFFFE0000, v42;
	vm7 =	veq.s32 v48, v0;
	v56 =	vand.u32 $0x7F, v40  }
0xe2: {  	[tilespmem:$0x21A0] =	vst v13;
	v34 =	vld [tilespmem:$0x1220];
	v13 =	vand.u32 $0xFFFE0000, v61;
	vm9 =	veq.s32 v8, v0;
	v37 =	vadd.s32 v36, v35  }
0xe3: {  	[tilespmem:$0x21C0] =	vst v18;
	v57 =	vsel vm7, $0x3F800000, v60;
	v10 =	vor.u32 v56, v55;
	v18 =	vadd.s32 v63, v13  }
0xe4: {  	[tilespmem:$0x21D0] =	vst v17;
	v33 =	vsel vm9, $0x3F800000, v60;
	v17 =	vshll.u32 v30, $0x7;
	v4 =	vor.u32 v38, v37  }
0xe5: {  	[tilespmem:$0x30E0] =	vst v31;
	v62 =	vld [tilespmem:$0x1250];
	v59 =	vsub.s32 v10, v1;
	v10 =	vand.u32 $0x7FFFF, v10;
	v36 =	vshll.u32 v25, $0xA  }
0xe6: {  	[tilespmem:$0x3130] =	vst v41;
	v52 =	vld [tilespmem:$0x290];
	v39 =	vand.u32 $0x7F, v25;
	v13 =	vshra.s32 v25, $0x9;
	v41 =	vsub.s32 v4, v1  }
0xe7: {  	[tilespmem:$0x3170] =	vst v7;
	v58 =	vld [tilespmem:$0x250];
	v4 =	vand.u32 $0x7FFFF, v4;
	v45 =	vshll.u32 v34, $0x7;
	v5 =	vsel vm8, v59, v10  }
0xe8: {  	[tilespmem:$0x2180] =	vst v9;
	v10 =	vor.u32 v21, v18;
	v18 =	vand.u32 $0xFFFE0000, v36;
	vm11 =	veq.s32 v13, v0  }
0xe9: {  	[tilespmem:$0x31B0] =	vst v15;
	v61 =	vld [tilespmem:$0x2A0];
	v4 =	vsel vm6, v41, v4;
	v7 =	vadd.s32 v45, v44;
	v27 =	vsub.s32 v10, v1  }
0xea: {  	[tilespmem:$0x31A0] =	vst v14;
	v10 =	vand.u32 $0x7FFFF, v10;
	v14 =	vshll.u32 v62, $0x7;
	v38 =	vadd.s32 v17, v18  }
0xeb: {  	[tilespmem:$0x21E0] =	vst v19;
	v55 =	vld [tilespmem:$0x1290];
	v62 =	vshll.u32 v52, $0xA;
	v19 =	vand.u32 $0x7F, v52;
	v9 =	vshra.s32 v52, $0x9  }
0xec: {  	[tilespmem:$0x3190] =	vst v11;
	v63 =	vld [tilespmem:$0x12A0];
	v7 =	vor.u32 v46, v7;
	v29 =	vshll.u32 v58, $0xA;
	v8 =	vsel vm9, v27, v10  }
0xed: {  	[tilespmem:$0x31C0] =	vst v22;
	v32 =	vand.u32 $0x7F, v58;
	v11 =	vshra.s32 v58, $0x9;
	vm14 =	veq.s32 v9, v0  }
0xee: {  	[tilespmem:$0x21B0] =	vst v16;
	v37 =	vld [tilespmem:$0x1270];
	v22 =	vshll.u32 v61, $0xA;
	v25 =	vand.u32 $0x7F, v61;
	v27 =	vshra.s32 v61, $0x9  }
0xef: {  	[tilespmem:$0x3230] =	vst v23;
	v34 =	vld [tilespmem:$0x270];
	v50 =	vsub.s32 v7, v1;
	v7 =	vand.u32 $0x7FFFF, v7;
	v16 =	vand.u32 $0xFFFE0000, v29  }
0xf0: {  	[tilespmem:$0x3200] =	vst v6;
	vm10 =	veq.s32 v11, v0;
	v17 =	vshll.u32 v55, $0x7;
	v6 =	vand.u32 $0xFFFE0000, v22  }
0xf1: {  	[tilespmem:$0x31E0] =	vst v26;
	v41 =	vld [tilespmem:$0x280];
	v23 =	vshll.u32 v63, $0x7;
	v26 =	vsel vm14, $0x3F800000, v60;
	vm15 =	veq.s32 v27, v0  }
0xf2: {  	[tilespmem:$0x3210] =	vst v47;
	v44 =	vld [tilespmem:$0x1280];
	v7 =	vsel vm7, v50, v7;
	v31 =	vadd.s32 v14, v16;
	v40 =	vsel vm10, $0x3F800000, v60  }
0xf3: {  	[tilespmem:$0x3240] =	vst v33;
	v33 =	vld [tilespmem:$0x2D0];
	v47 =	vshll.u32 v37, $0x7;
	v50 =	vsel vm11, $0x3F800000, v60;
	v16 =	vand.u32 $0xFFFE0000, v62  }
0xf4: {  	[tilespmem:$0x31D0] =	vst v24;
	v52 =	vld [tilespmem:$0x310];
	v24 =	vadd.s32 v23, v6;
	v10 =	vor.u32 v32, v31;
	v43 =	vshll.u32 v34, $0xA  }
0xf5: {  	[tilespmem:$0x2190] =	vst v12;
	v49 =	vand.u32 $0x7F, v34;
	v51 =	vshra.s32 v34, $0x9;
	v18 =	vadd.s32 v17, v16  }
0xf6: {  	[tilespmem:$0x31F0] =	vst v28;
	v35 =	vsub.s32 v10, v1;
	v10 =	vand.u32 $0x7FFFF, v10;
	v46 =	vand.u32 $0xFFFE0000, v43  }
0xf7: {  	[tilespmem:$0x2200] =	vst v3;
	vm12 =	veq.s32 v51, v0;
	v54 =	vshll.u32 v41, $0xA;
	v56 =	vshll.u32 v44, $0x7  }
0xf8: {  	[tilespmem:$0x21F0] =	vst v20;
	v29 =	vld [tilespmem:$0x2C0];
	v58 =	vand.u32 $0x7F, v41;
	v11 =	vshra.s32 v41, $0x9;
	v41 =	vand.u32 $0x7F, v33  }
0xf9: {  	[tilespmem:$0x3220] =	vst v57;
	v63 =	vld [tilespmem:$0x330];
	v62 =	vand.u32 $0x7F, v52;
	v3 =	vsel vm10, v35, v10;
	v10 =	vor.u32 v39, v38  }
0xfa: {  	[tilespmem:$0x2230] =	vst v5;
	v48 =	vadd.s32 v47, v46;
	v12 =	vand.u32 $0xFFFE0000, v54;
	v59 =	vsel vm12, $0x3F800000, v60  }
0xfb: {  	[tilespmem:$0x2210] =	vst v4;
	v37 =	vld [tilespmem:$0x2E0];
	vm13 =	veq.s32 v11, v0;
	v39 =	vshll.u32 v33, $0xA;
	v42 =	vsub.s32 v10, v1  }
0xfc: {  	[tilespmem:$0x2220] =	vst v7;
	v45 =	vand.u32 $0x7FFFF, v10;
	v7 =	vor.u32 v49, v48;
	v57 =	vadd.s32 v56, v12  }
0xfd: {  	[tilespmem:$0x2240] =	vst v8;
	v20 =	vsel vm13, $0x3F800000, v60;
	v34 =	vshll.u32 v29, $0xA;
	v36 =	vand.u32 $0x7F, v29  }
0xfe: {  	[tilespmem:$0x3270] =	vst v59;
	v59 =	vshll.u32 v52, $0xA;
	v23 =	vshll.u32 v63, $0xA;
	v4 =	vsel vm11, v42, v45  }
0xff: {  	v31 =	vld [tilespmem:$0x12C0];
	[tilespmem:$0x2250] =	vst v3;
	v53 =	vsub.s32 v7, v1;
	v7 =	vand.u32 $0x7FFFF, v7;
	v8 =	vand.u32 $0xFFFE0000, v34  }
0x100: {  	v35 =	vld [tilespmem:$0x12D0];
	[tilespmem:$0x3280] =	vst v20;
	v44 =	vshll.u32 v37, $0xA;
	v5 =	vsel vm12, v53, v7;
	v7 =	vor.u32 v58, v57  }
0x101: {  	v47 =	vld [tilespmem:$0x300];
	[tilespmem:$0x2260] =	vst v4;
	v4 =	vor.u32 v19, v18;
	v3 =	vsub.s32 v7, v1;
	v15 =	vand.u32 $0x7FFFF, v7  }
0x102: {  	v28 =	vld [tilespmem:$0x12B0];
	[tilespmem:$0x2270] =	vst v5;
	v21 =	vsub.s32 v4, v1;
	v4 =	vand.u32 $0x7FFFF, v4;
	v3 =	vsel vm13, v3, v15  }
0x103: {  	v42 =	vld [tilespmem:$0x2F0];
	v46 =	vand.u32 $0x7F, v37;
	[tilespmem:$0x2280] =	vst v3;
	v3 =	vsel vm14, v21, v4;
	v4 =	vor.u32 v25, v24  }
0x104: {  	v20 =	vld [tilespmem:$0x340];
	v5 =	vshra.s32 v29, $0x9;
	[tilespmem:$0x2290] =	vst v3;
	v3 =	vsub.s32 v4, v1;
	v4 =	vand.u32 $0x7FFFF, v4  }
0x105: {  	[tilespmem:$0x3290] =	vst v26;
	v57 =	vld [tilespmem:$0x320];
	v7 =	vshll.u32 v31, $0x7;
	vm5 =	veq.s32 v5, v0;
	v3 =	vsel vm15, v3, v4  }
0x106: {  	v26 =	vld [tilespmem:$0x350];
	v9 =	vshll.u32 v35, $0x7;
	v54 =	vshll.u32 v47, $0xA;
	[tilespmem:$0x22A0] =	vst v3;
	v3 =	vsel vm15, $0x3F800000, v60  }
0x107: {  	v56 =	vand.u32 $0x7F, v47;
	v14 =	vsel vm5, $0x3F800000, v60;
	v25 =	vand.u32 $0x7F, v63;
	[tilespmem:$0x32A0] =	vst v3;
	v3 =	vld [tilespmem:$0x2B0]  }
0x108: {  	v49 =	vshll.u32 v42, $0xA;
	v51 =	vand.u32 $0x7F, v42;
	v5 =	vshra.s32 v42, $0x9  }
0x109: {  	v29 =	vshll.u32 v20, $0xA;
	v4 =	vshll.u32 v28, $0x7;
	vm8 =	veq.s32 v5, v0  }
0x10a: {  	v16 =	vshll.u32 v57, $0xA;
	v19 =	vand.u32 $0x7F, v57;
	v5 =	vshra.s32 v57, $0x9  }
0x10b: {  	v35 =	vsel vm8, $0x3F800000, v60;
	vm11 =	veq.s32 v5, v0;
	v5 =	vshra.s32 v26, $0x9  }
0x10c: {  	v30 =	vshll.u32 v3, $0xA;
	v32 =	vand.u32 $0x7F, v3;
	v3 =	vshra.s32 v3, $0x9  }
0x10d: {  	vm14 =	veq.s32 v5, v0;
	v6 =	vand.u32 $0xFFFE0000, v30;
	vm4 =	veq.s32 v3, v0  }
0x10e: {  	[tilespmem:$0x3250] =	vst v40;
	v40 =	vld [tilespmem:$0x12E0];
	v4 =	vadd.s32 v4, v6;
	v2 =	vsel vm4, $0x3F800000, v60;
	v6 =	vshra.s32 v33, $0x9  }
0x10f: {  	v4 =	vor.u32 v32, v4;
	vm6 =	veq.s32 v6, v0;
	v6 =	vshra.s32 v47, $0x9  }
0x110: {  	v32 =	vand.u32 $0x7F, v20;
	[tilespmem:$0x32B0] =	vst v2;
	v2 =	vimm.s32 $0x0;
	v3 =	vsub.s32 v4, v1  }
0x111: {  	v4 =	vand.u32 $0x7FFFF, v4;
	v17 =	vsel vm6, $0x3F800000, v60;
	vm9 =	veq.s32 v6, v0  }
0x112: {  	v6 =	vshra.s32 v63, $0x9;
	v13 =	vsel vm4, v3, v4;
	v3 =	vadd.s32 v7, v8  }
0x113: {  	v7 =	vand.u32 $0xFFFE0000, v39;
	v8 =	vshll.u32 v40, $0x7;
	v3 =	vor.u32 v36, v3  }
0x114: {  	v45 =	vld [tilespmem:$0x12F0];
	v4 =	vshra.s32 v37, $0x9;
	v38 =	vsub.s32 v3, v1;
	v3 =	vand.u32 $0x7FFFF, v3  }
0x115: {  	v39 =	vsel vm9, $0x3F800000, v60;
	v15 =	vsel vm5, v38, v3;
	v3 =	vadd.s32 v9, v7  }
0x116: {  	vm12 =	veq.s32 v6, v0;
	vm7 =	veq.s32 v4, v0;
	v3 =	vor.u32 v41, v3  }
0x117: {  	[tilespmem:$0x3260] =	vst v50;
	v50 =	vld [tilespmem:$0x1300];
	v7 =	vand.u32 $0xFFFE0000, v44;
	v43 =	vsub.s32 v3, v1;
	v3 =	vand.u32 $0x7FFFF, v3  }
0x118: {  	v4 =	vshra.s32 v52, $0x9;
	v22 =	vsel vm6, v43, v3;
	v3 =	vadd.s32 v8, v7  }
0x119: {  	v36 =	vshll.u32 v26, $0xA;
	v9 =	vshll.u32 v45, $0x7;
	v3 =	vor.u32 v46, v3  }
0x11a: {  	v55 =	vld [tilespmem:$0x1310];
	v7 =	vand.u32 $0xFFFE0000, v49;
	v48 =	vsub.s32 v3, v1;
	v3 =	vand.u32 $0x7FFFF, v3  }
0x11b: {  	v52 =	vsel vm14, $0x3F800000, v60;
	v30 =	vsel vm7, v48, v3;
	v3 =	vadd.s32 v9, v7  }
0x11c: {  	v33 =	vld [tilespmem:$0x360];
	v27 =	vsel vm7, $0x3F800000, v60;
	v8 =	vshll.u32 v50, $0x7;
	v3 =	vor.u32 v51, v3  }
0x11d: {  	v61 =	vld [tilespmem:$0x1320];
	v7 =	vand.u32 $0xFFFE0000, v54;
	v53 =	vsub.s32 v3, v1;
	v3 =	vand.u32 $0x7FFFF, v3  }
0x11e: {  	vm10 =	veq.s32 v4, v0;
	v37 =	vsel vm8, v53, v3;
	v3 =	vadd.s32 v8, v7  }
0x11f: {  	v4 =	vshra.s32 v20, $0x9;
	v9 =	vshll.u32 v55, $0x7;
	v3 =	vor.u32 v56, v3  }
0x120: {  	v18 =	vld [tilespmem:$0x1330];
	v7 =	vand.u32 $0xFFFE0000, v59;
	v58 =	vsub.s32 v3, v1;
	v3 =	vand.u32 $0x7FFFF, v3  }
0x121: {  	v47 =	vshll.u32 v33, $0xA;
	v40 =	vsel vm9, v58, v3;
	v3 =	vadd.s32 v9, v7  }
0x122: {  	v6 =	vshra.s32 v33, $0x9;
	v8 =	vshll.u32 v61, $0x7;
	v3 =	vor.u32 v62, v3  }
0x123: {  	v7 =	vand.u32 $0xFFFE0000, v16;
	v12 =	vsub.s32 v3, v1;
	v3 =	vand.u32 $0x7FFFF, v3  }
0x124: {  	v42 =	vsel vm10, $0x3F800000, v60;
	v45 =	vld [tilespmem:$0x370];
	v44 =	vsel vm10, v12, v3;
	v3 =	vadd.s32 v8, v7  }
0x125: {  	v24 =	vld [tilespmem:$0x1340];
	vm13 =	veq.s32 v4, v0;
	v9 =	vshll.u32 v18, $0x7;
	v3 =	vor.u32 v19, v3  }
0x126: {  	v7 =	vand.u32 $0xFFFE0000, v23;
	v21 =	vsub.s32 v3, v1;
	v3 =	vand.u32 $0x7FFFF, v3  }
0x127: {  	v41 =	vand.u32 $0x7F, v26;
	v26 =	vld [tilespmem:$0x3B0];
	v50 =	vsel vm11, v21, v3;
	v3 =	vadd.s32 v9, v7  }
0x128: {  	vm15 =	veq.s32 v6, v0;
	v43 =	vsel vm13, $0x3F800000, v60;
	v3 =	vor.u32 v25, v3  }
0x129: {  	v31 =	vld [tilespmem:$0x1350];
	v4 =	vshra.s32 v45, $0x9;
	v28 =	vsub.s32 v3, v1;
	v3 =	vand.u32 $0x7FFFF, v3  }
0x12a: {  	v8 =	vshll.u32 v24, $0x7;
	v7 =	vand.u32 $0xFFFE0000, v29;
	v3 =	vsel vm12, v28, v3  }
0x12b: {  	v48 =	vsel vm11, $0x3F800000, v60;
	v54 =	vsel vm12, $0x3F800000, v60;
	[tilespmem:$0x1F9D0] =	vst v3;
	v3 =	vadd.s32 v8, v7  }
0x12c: {  	[tilespmem:$0x1F9F0] =	vst v43;
	vm4 =	veq.s32 v4, v0;
	v43 =	vand.u32 $0x7F, v26;
	v53 =	vld [tilespmem:$0x380];
	v3 =	vor.u32 v32, v3  }
0x12d: {  	v38 =	vld [tilespmem:$0x1360];
	v51 =	vand.u32 $0x7F, v33;
	v34 =	vsub.s32 v3, v1;
	v3 =	vand.u32 $0x7FFFF, v3  }
0x12e: {  	v9 =	vshll.u32 v31, $0x7;
	v7 =	vand.u32 $0xFFFE0000, v36;
	v3 =	vsel vm13, v34, v3  }
0x12f: {  	v59 =	vsel vm15, $0x3F800000, v60;
	v61 =	vld [tilespmem:$0x390];
	v56 =	vshll.u32 v45, $0xA;
	[tilespmem:$0x1F9E0] =	vst v3;
	v3 =	vadd.s32 v9, v7  }
0x130: {  	v58 =	vand.u32 $0x7F, v45;
	v18 =	vsel vm4, $0x3F800000, v60;
	v3 =	vor.u32 v41, v3  }
0x131: {  	v49 =	vld [tilespmem:$0x1370];
	v63 =	vshll.u32 v53, $0xA;
	v46 =	vsub.s32 v3, v1;
	v3 =	vand.u32 $0x7FFFF, v3  }
0x132: {  	v8 =	vshll.u32 v38, $0x7;
	v7 =	vand.u32 $0xFFFE0000, v47;
	v3 =	vsel vm14, v46, v3  }
0x133: {  	v16 =	vand.u32 $0x7F, v53;
	v5 =	vshra.s32 v53, $0x9;
	[tilespmem:$0x1FA00] =	vst v3;
	v3 =	vadd.s32 v8, v7  }
0x134: {  	v6 =	vshra.s32 v61, $0x9;
	vm5 =	veq.s32 v5, v0;
	v3 =	vor.u32 v51, v3  }
0x135: {  	v57 =	vld [tilespmem:$0x1380];
	v24 =	vand.u32 $0x7F, v61;
	v55 =	vsub.s32 v3, v1;
	v3 =	vand.u32 $0x7FFFF, v3  }
0x136: {  	v9 =	vshll.u32 v49, $0x7;
	v7 =	vand.u32 $0xFFFE0000, v56;
	v3 =	vsel vm15, v55, v3  }
0x137: {  	vm6 =	veq.s32 v6, v0;
	v5 =	vshra.s32 v26, $0x9;
	v19 =	vld [tilespmem:$0x3A0];
	[tilespmem:$0x1FA20] =	vst v3;
	v3 =	vadd.s32 v9, v7  }
0x138: {  	v33 =	vsel vm6, $0x3F800000, v60;
	vm8 =	veq.s32 v5, v0;
	v3 =	vor.u32 v58, v3  }
0x139: {  	v12 =	vld [tilespmem:$0x1390];
	v53 =	vsel vm8, $0x3F800000, v60;
	v62 =	vsub.s32 v3, v1;
	v3 =	vand.u32 $0x7FFFF, v3  }
0x13a: {  	v8 =	vshll.u32 v57, $0x7;
	v7 =	vand.u32 $0xFFFE0000, v63;
	v3 =	vsel vm4, v62, v3  }
0x13b: {  	v21 =	vshll.u32 v61, $0xA;
	v25 =	vsel vm5, $0x3F800000, v60;
	v34 =	vld [tilespmem:$0x3C0];
	[tilespmem:$0x1FA40] =	vst v3;
	v3 =	vadd.s32 v8, v7  }
0x13c: {  	v29 =	vshll.u32 v19, $0xA;
	v4 =	vshra.s32 v19, $0x9;
	v3 =	vor.u32 v16, v3  }
0x13d: {  	v23 =	vld [tilespmem:$0x13A0];
	vm7 =	veq.s32 v4, v0;
	v20 =	vsub.s32 v3, v1;
	v3 =	vand.u32 $0x7FFFF, v3  }
0x13e: {  	v9 =	vshll.u32 v12, $0x7;
	v7 =	vand.u32 $0xFFFE0000, v21;
	v3 =	vsel vm5, v20, v3  }
0x13f: {  	v38 =	vshll.u32 v26, $0xA;
	v32 =	vand.u32 $0x7F, v19;
	v46 =	vld [tilespmem:$0x3D0];
	[tilespmem:$0x1FA60] =	vst v3;
	v3 =	vadd.s32 v9, v7  }
0x140: {  	v45 =	vsel vm7, $0x3F800000, v60;
	v49 =	vshll.u32 v34, $0xA;
	v3 =	vor.u32 v24, v3  }
0x141: {  	v31 =	vld [tilespmem:$0x13B0];
	v6 =	vshra.s32 v34, $0x9;
	v28 =	vsub.s32 v3, v1;
	v3 =	vand.u32 $0x7FFFF, v3  }
0x142: {  	[tilespmem:$0x1FA10] =	vst v52;
	v8 =	vshll.u32 v23, $0x7;
	v7 =	vand.u32 $0xFFFE0000, v29;
	v3 =	vsel vm6, v28, v3  }
0x143: {  	v52 =	vand.u32 $0x7F, v34;
	vm9 =	veq.s32 v6, v0;
	v55 =	vld [tilespmem:$0x3E0];
	[tilespmem:$0x1FA80] =	vst v3;
	v3 =	vadd.s32 v8, v7  }
0x144: {  	v61 =	vsel vm9, $0x3F800000, v60;
	v57 =	vshll.u32 v46, $0xA;
	v3 =	vor.u32 v32, v3  }
0x145: {  	[tilespmem:$0x1FA30] =	vst v59;
	v41 =	vld [tilespmem:$0x13C0];
	v4 =	vshra.s32 v46, $0x9;
	v36 =	vsub.s32 v3, v1;
	v3 =	vand.u32 $0x7FFFF, v3  }
0x146: {  	[tilespmem:$0x1FAF0] =	vst v61;
	v9 =	vshll.u32 v31, $0x7;
	v7 =	vand.u32 $0xFFFE0000, v38;
	v3 =	vsel vm7, v36, v3  }
0x147: {  	v61 =	vld [tilespmem:$0x450];
	v59 =	vand.u32 $0x7F, v46;
	vm10 =	veq.s32 v4, v0;
	[tilespmem:$0x1FAA0] =	vst v3;
	v3 =	vadd.s32 v9, v7  }
0x148: {  	v19 =	vsel vm10, $0x3F800000, v60;
	v62 =	vld [tilespmem:$0x3F0];
	v12 =	vshll.u32 v55, $0xA;
	v3 =	vor.u32 v43, v3  }
0x149: {  	v51 =	vld [tilespmem:$0x13D0];
	v5 =	vshra.s32 v55, $0x9;
	v47 =	vsub.s32 v3, v1;
	v3 =	vand.u32 $0x7FFFF, v3  }
0x14a: {  	[tilespmem:$0x1FA50] =	vst v18;
	v8 =	vshll.u32 v41, $0x7;
	v7 =	vand.u32 $0xFFFE0000, v49;
	v3 =	vsel vm8, v47, v3  }
0x14b: {  	v18 =	vand.u32 $0x7F, v55;
	v55 =	vld [tilespmem:$0x440];
	vm11 =	veq.s32 v5, v0;
	[tilespmem:$0x1FAC0] =	vst v3;
	v3 =	vadd.s32 v8, v7  }
0x14c: {  	[tilespmem:$0x1FB10] =	vst v19;
	v19 =	vshll.u32 v61, $0xA;
	v26 =	vsel vm11, $0x3F800000, v60;
	v3 =	vor.u32 v52, v3  }
0x14d: {  	v58 =	vld [tilespmem:$0x13E0];
	v23 =	vshll.u32 v62, $0xA;
	v56 =	vsub.s32 v3, v1;
	v3 =	vand.u32 $0x7FFFF, v3  }
0x14e: {  	[tilespmem:$0x1FA70] =	vst v25;
	v20 =	vld [tilespmem:$0x400];
	v9 =	vshll.u32 v51, $0x7;
	v7 =	vand.u32 $0xFFFE0000, v57;
	v3 =	vsel vm9, v56, v3  }
0x14f: {  	v25 =	vand.u32 $0x7F, v62;
	v6 =	vshra.s32 v62, $0x9;
	[tilespmem:$0x1FAE0] =	vst v3;
	v3 =	vadd.s32 v9, v7  }
0x150: {  	vm12 =	veq.s32 v6, v0;
	v62 =	vshll.u32 v55, $0xA;
	v3 =	vor.u32 v59, v3  }
0x151: {  	v16 =	vld [tilespmem:$0x13F0];
	v6 =	vand.u32 $0x7F, v55;
	v63 =	vsub.s32 v3, v1;
	v3 =	vand.u32 $0x7FFFF, v3  }
0x152: {  	v28 =	vld [tilespmem:$0x410];
	v8 =	vshll.u32 v58, $0x7;
	v7 =	vand.u32 $0xFFFE0000, v12;
	v3 =	vsel vm10, v63, v3  }
0x153: {  	v34 =	vsel vm12, $0x3F800000, v60;
	v31 =	vshll.u32 v20, $0xA;
	[tilespmem:$0x1FB00] =	vst v3;
	v3 =	vadd.s32 v8, v7  }
0x154: {  	[tilespmem:$0x1FA90] =	vst v33;
	v33 =	vand.u32 $0x7F, v20;
	v4 =	vshra.s32 v20, $0x9;
	v36 =	vld [tilespmem:$0x420];
	v3 =	vor.u32 v18, v3  }
0x155: {  	v24 =	vld [tilespmem:$0x1400];
	vm6 =	veq.s32 v4, v0;
	v21 =	vsub.s32 v3, v1;
	v3 =	vand.u32 $0x7FFFF, v3  }
0x156: {  	[tilespmem:$0x1FAB0] =	vst v45;
	v32 =	vld [tilespmem:$0x1410];
	v9 =	vshll.u32 v16, $0x7;
	v7 =	vand.u32 $0xFFFE0000, v23;
	v3 =	vsel vm11, v21, v3  }
0x157: {  	v41 =	vshll.u32 v28, $0xA;
	v45 =	vshra.s32 v28, $0x9;
	v43 =	vld [tilespmem:$0x1420];
	[tilespmem:$0x1FB20] =	vst v3;
	v3 =	vadd.s32 v9, v7  }
0x158: {  	v5 =	vand.u32 $0x7F, v28;
	vm7 =	veq.s32 v45, v0;
	v3 =	vor.u32 v25, v3  }
0x159: {  	v46 =	vld [tilespmem:$0x430];
	v49 =	vshll.u32 v36, $0xA;
	v29 =	vsub.s32 v3, v1;
	v3 =	vand.u32 $0x7FFFF, v3  }
0x15a: {  	[tilespmem:$0x1FAD0] =	vst v53;
	v47 =	vld [tilespmem:$0x1430];
	v8 =	vshll.u32 v24, $0x7;
	v7 =	vand.u32 $0xFFFE0000, v31;
	v3 =	vsel vm12, v29, v3  }
0x15b: {  	v53 =	vand.u32 $0x7F, v36;
	v52 =	vshra.s32 v36, $0x9;
	[tilespmem:$0x1FB40] =	vst v3;
	v3 =	vadd.s32 v8, v7  }
0x15c: {  	v51 =	vshll.u32 v43, $0x7;
	v9 =	vshll.u32 v32, $0x7;
	v3 =	vor.u32 v33, v3  }
0x15d: {  	v16 =	vld [tilespmem:$0x460];
	v7 =	vand.u32 $0xFFFE0000, v41;
	v38 =	vsub.s32 v3, v1;
	v3 =	vand.u32 $0x7FFFF, v3  }
0x15e: {  	vm8 =	veq.s32 v52, v0;
	v63 =	vld [tilespmem:$0x1450];
	v7 =	vadd.s32 v9, v7;
	v3 =	vsel vm6, v38, v3  }
0x15f: {  	v56 =	vshll.u32 v46, $0xA;
	v4 =	vshll.u32 v47, $0x7;
	v23 =	vld [tilespmem:$0x470];
	[tilespmem:$0x1FB60] =	vst v3;
	v3 =	vor.u32 v5, v7  }
0x160: {  	v12 =	vshra.s32 v55, $0x9;
	v5 =	vsub.s32 v3, v1;
	v3 =	vand.u32 $0x7FFFF, v3  }
0x161: {  	v59 =	vand.u32 $0x7F, v46;
	vm10 =	veq.s32 v12, v0;
	v3 =	vsel vm7, v5, v3  }
0x162: {  	v57 =	vld [tilespmem:$0x1440];
	v24 =	vshll.u32 v16, $0xA;
	v28 =	vand.u32 $0x7F, v16;
	[tilespmem:$0x1FB70] =	vst v3;
	v3 =	vand.u32 $0xFFFE0000, v49  }
0x163: {  	v21 =	vshra.s32 v61, $0x9;
	v20 =	vshll.u32 v63, $0x7;
	v3 =	vadd.s32 v51, v3  }
0x164: {  	v52 =	vld [tilespmem:$0x4B0];
	vm11 =	veq.s32 v21, v0;
	v31 =	vshll.u32 v23, $0xA;
	v3 =	vor.u32 v53, v3  }
0x165: {  	v32 =	vld [tilespmem:$0x1480];
	v5 =	vand.u32 $0xFFFE0000, v56;
	v58 =	vsub.s32 v3, v1;
	v3 =	vand.u32 $0x7FFFF, v3  }
0x166: {  	v8 =	vand.u32 $0xFFFE0000, v62;
	v4 =	vadd.s32 v4, v5;
	v3 =	vsel vm8, v58, v3  }
0x167: {  	v63 =	vld [tilespmem:$0x4D0];
	v7 =	vshll.u32 v57, $0x7;
	v4 =	vor.u32 v59, v4;
	[tilespmem:$0x1FB80] =	vst v3;
	v3 =	vshra.s32 v46, $0x9  }
0x168: {  	v29 =	vld [tilespmem:$0x480];
	vm9 =	veq.s32 v3, v0;
	v3 =	vsub.s32 v4, v1;
	v4 =	vand.u32 $0x7FFFF, v4  }
0x169: {  	v62 =	vshra.s32 v52, $0x9;
	v7 =	vadd.s32 v7, v8;
	v3 =	vsel vm9, v3, v4  }
0x16a: {  	v18 =	vld [tilespmem:$0x1460];
	v33 =	vshra.s32 v23, $0x9;
	v41 =	vshll.u32 v32, $0x7;
	[tilespmem:$0x1FB90] =	vst v3;
	v3 =	vor.u32 v6, v7  }
0x16b: {  	vm4 =	veq.s32 v62, v0;
	v6 =	vsub.s32 v3, v1;
	v3 =	vand.u32 $0x7FFFF, v3  }
0x16c: {  	v45 =	vld [tilespmem:$0x4A0];
	v21 =	vshll.u32 v63, $0xA;
	vm14 =	veq.s32 v33, v0;
	v3 =	vsel vm10, v6, v3  }
0x16d: {  	v25 =	vld [tilespmem:$0x1470];
	v38 =	vshll.u32 v29, $0xA;
	v43 =	vshra.s32 v29, $0x9;
	[tilespmem:$0x1FBA0] =	vst v3;
	v3 =	vand.u32 $0xFFFE0000, v19  }
0x16e: {  	v8 =	vand.u32 $0xFFFE0000, v31;
	v5 =	vand.u32 $0x7F, v61;
	v3 =	vadd.s32 v20, v3  }
0x16f: {  	vm1 =	veq.s32 v43, v0;
	v4 =	vshll.u32 v18, $0x7;
	v3 =	vor.u32 v5, v3  }
0x170: {  	[tilespmem:$0x1FB30] =	vst v26;
	v32 =	vld [tilespmem:$0x500];
	v5 =	vand.u32 $0xFFFE0000, v24;
	v26 =	vsub.s32 v3, v1;
	v3 =	vand.u32 $0x7FFFF, v3  }
0x171: {  	[tilespmem:$0x1FB50] =	vst v34;
	v55 =	vld [tilespmem:$0x14B0];
	v56 =	vshra.s32 v45, $0x9;
	v4 =	vadd.s32 v4, v5;
	v3 =	vsel vm11, v26, v3  }
0x172: {  	v34 =	vld [tilespmem:$0x490];
	v7 =	vshll.u32 v25, $0x7;
	v4 =	vor.u32 v28, v4;
	[tilespmem:$0x1FBB0] =	vst v3;
	v3 =	vshra.s32 v16, $0x9  }
0x173: {  	v57 =	vld [tilespmem:$0x4C0];
	vm12 =	veq.s32 v3, v0;
	v3 =	vsub.s32 v4, v1;
	v4 =	vand.u32 $0x7FFFF, v4  }
0x174: {  	v7 =	vadd.s32 v7, v8;
	v6 =	vand.u32 $0x7F, v23;
	v3 =	vsel vm12, v3, v4  }
0x175: {  	v36 =	vld [tilespmem:$0x1490];
	v43 =	vshll.u32 v32, $0xA;
	vm3 =	veq.s32 v56, v0;
	[tilespmem:$0x1FBC0] =	vst v3;
	v3 =	vor.u32 v6, v7  }
0x176: {  	v61 =	vshll.u32 v55, $0x7;
	v6 =	vsub.s32 v3, v1;
	v3 =	vand.u32 $0x7FFFF, v3  }
0x177: {  	v51 =	vand.u32 $0x7F, v34;
	v59 =	vshll.u32 v52, $0xA;
	v3 =	vsel vm14, v6, v3  }
0x178: {  	v47 =	vld [tilespmem:$0x14A0];
	v53 =	vshll.u32 v45, $0xA;
	v12 =	vshll.u32 v57, $0xA;
	[tilespmem:$0x1FBD0] =	vst v3;
	v3 =	vand.u32 $0xFFFE0000, v38  }
0x179: {  	v46 =	vshll.u32 v34, $0xA;
	v5 =	vand.u32 $0x7F, v29;
	v3 =	vadd.s32 v41, v3  }
0x17a: {  	v8 =	vand.u32 $0xFFFE0000, v53;
	v4 =	vshll.u32 v36, $0x7;
	v3 =	vor.u32 v5, v3  }
0x17b: {  	v5 =	vand.u32 $0xFFFE0000, v46;
	v49 =	vsub.s32 v3, v1;
	v3 =	vand.u32 $0x7FFFF, v3  }
0x17c: {  	v25 =	vld [tilespmem:$0x4F0];
	v53 =	vsel vm6, $0x3F800000, v60;
	v4 =	vadd.s32 v4, v5;
	v3 =	vsel vm1, v49, v3  }
0x17d: {  	v23 =	vld [tilespmem:$0x14E0];
	v7 =	vshll.u32 v47, $0x7;
	v4 =	vor.u32 v51, v4;
	[tilespmem:$0x1FBE0] =	vst v3;
	v3 =	vshra.s32 v34, $0x9  }
0x17e: {  	v20 =	vld [tilespmem:$0x4E0];
	vm2 =	veq.s32 v3, v0;
	v3 =	vsub.s32 v4, v1;
	v4 =	vand.u32 $0x7FFFF, v4  }
0x17f: {  	v7 =	vadd.s32 v7, v8;
	v6 =	vand.u32 $0x7F, v45;
	v3 =	vsel vm2, v3, v4  }
0x180: {  	v58 =	vld [tilespmem:$0x14C0];
	v19 =	vand.u32 $0x7F, v57;
	v24 =	vshra.s32 v63, $0x9;
	[tilespmem:$0x1FBF0] =	vst v3;
	v3 =	vor.u32 v6, v7  }
0x181: {  	v33 =	vshll.u32 v25, $0xA;
	v6 =	vsub.s32 v3, v1;
	v3 =	vand.u32 $0x7FFFF, v3  }
0x182: {  	vm15 =	veq.s32 v24, v0;
	v29 =	vshll.u32 v23, $0x7;
	v3 =	vsel vm3, v6, v3  }
0x183: {  	v16 =	vld [tilespmem:$0x14D0];
	v28 =	vshll.u32 v20, $0xA;
	v31 =	vshra.s32 v20, $0x9;
	[tilespmem:$0x1FC00] =	vst v3;
	v3 =	vand.u32 $0xFFFE0000, v59  }
0x184: {  	vm0 =	veq.s32 v31, v0;
	v5 =	vand.u32 $0x7F, v52;
	v3 =	vadd.s32 v61, v3  }
0x185: {  	v8 =	vand.u32 $0xFFFE0000, v21;
	v4 =	vshll.u32 v58, $0x7;
	v3 =	vor.u32 v5, v3  }
0x186: {  	v47 =	vld [tilespmem:$0x520];
	v5 =	vand.u32 $0xFFFE0000, v12;
	v18 =	vsub.s32 v3, v1;
	v3 =	vand.u32 $0x7FFFF, v3  }
0x187: {  	v38 =	vand.u32 $0x7F, v25;
	v4 =	vadd.s32 v4, v5;
	v3 =	vsel vm4, v18, v3  }
0x188: {  	v45 =	vld [tilespmem:$0x1510];
	v7 =	vshll.u32 v16, $0x7;
	v4 =	vor.u32 v19, v4;
	[tilespmem:$0x1FC10] =	vst v3;
	v3 =	vshra.s32 v57, $0x9  }
0x189: {  	vm13 =	veq.s32 v3, v0;
	v3 =	vsub.s32 v4, v1;
	v4 =	vand.u32 $0x7FFFF, v4  }
0x18a: {  	v26 =	vld [tilespmem:$0x14F0];
	v7 =	vadd.s32 v7, v8;
	v6 =	vand.u32 $0x7F, v63;
	v3 =	vsel vm13, v3, v4  }
0x18b: {  	v41 =	vld [tilespmem:$0x510];
	v46 =	vand.u32 $0x7F, v32;
	v62 =	vshll.u32 v47, $0xA;
	[tilespmem:$0x1FC30] =	vst v3;
	v3 =	vor.u32 v6, v7  }
0x18c: {  	v11 =	vand.u32 $0x7F, v47;
	v6 =	vsub.s32 v3, v1;
	v3 =	vand.u32 $0x7FFFF, v3  }
0x18d: {  	v52 =	vsel vm10, $0x3F800000, v60;
	v9 =	vshll.u32 v45, $0x7;
	v3 =	vsel vm15, v6, v3  }
0x18e: {  	v51 =	vsel vm7, $0x3F800000, v60;
	v49 =	vsel vm9, $0x3F800000, v60;
	[tilespmem:$0x1FC40] =	vst v3;
	v3 =	vand.u32 $0xFFFE0000, v28  }
0x18f: {  	v45 =	vsel vm14, $0x3F800000, v60;
	v34 =	vld [tilespmem:$0x1500];
	v5 =	vand.u32 $0x7F, v20;
	v3 =	vadd.s32 v29, v3  }
0x190: {  	v56 =	vshll.u32 v41, $0xA;
	v59 =	vld [tilespmem:$0x530];
	v4 =	vshll.u32 v26, $0x7;
	v3 =	vor.u32 v5, v3  }
0x191: {  	v5 =	vand.u32 $0xFFFE0000, v33;
	v36 =	vsub.s32 v3, v1;
	v3 =	vand.u32 $0x7FFFF, v3  }
0x192: {  	v31 =	vld [tilespmem:$0x560];
	v58 =	vand.u32 $0x7F, v41;
	v4 =	vadd.s32 v4, v5;
	v3 =	vsel vm0, v36, v3  }
0x193: {  	v8 =	vand.u32 $0xFFFE0000, v43;
	v4 =	vor.u32 v38, v4;
	[tilespmem:$0x1FC60] =	vst v3;
	v3 =	vshra.s32 v25, $0x9  }
0x194: {  	v23 =	vld [tilespmem:$0x550];
	vm5 =	veq.s32 v3, v0;
	v3 =	vsub.s32 v4, v1;
	v4 =	vand.u32 $0x7FFFF, v4  }
0x195: {  	v12 =	vld [tilespmem:$0x540];
	v18 =	vshll.u32 v59, $0xA;
	v7 =	vshll.u32 v34, $0x7;
	v3 =	vsel vm5, v3, v4  }
0x196: {  	v20 =	vand.u32 $0x7F, v59;
	v21 =	vshra.s32 v59, $0x9;
	[tilespmem:$0x1FC70] =	vst v3;
	v3 =	vadd.s32 v7, v8  }
0x197: {  	v59 =	vand.u32 $0x7F, v31;
	v6 =	vshra.s32 v32, $0x9;
	v3 =	vor.u32 v46, v3  }
0x198: {  	v57 =	vld [tilespmem:$0x1520];
	vm6 =	veq.s32 v6, v0;
	v55 =	vsub.s32 v3, v1;
	v3 =	vand.u32 $0x7FFFF, v3  }
0x199: {  	vm9 =	veq.s32 v21, v0;
	v7 =	vand.u32 $0xFFFE0000, v56;
	v3 =	vsel vm6, v55, v3  }
0x19a: {  	v34 =	vshll.u32 v23, $0xA;
	v28 =	vand.u32 $0x7F, v12;
	[tilespmem:$0x1FC90] =	vst v3;
	v3 =	vadd.s32 v9, v7  }
0x19b: {  	v29 =	vshra.s32 v12, $0x9;
	v5 =	vshra.s32 v41, $0x9;
	v3 =	vor.u32 v58, v3  }
0x19c: {  	v63 =	vld [tilespmem:$0x1530];
	vm7 =	veq.s32 v5, v0;
	v61 =	vsub.s32 v3, v1;
	v3 =	vand.u32 $0x7FFFF, v3  }
0x19d: {  	v8 =	vshll.u32 v57, $0x7;
	v7 =	vand.u32 $0xFFFE0000, v62;
	v3 =	vsel vm7, v61, v3  }
0x19e: {  	v43 =	vld [tilespmem:$0x570];
	v33 =	vsel vm8, $0x3F800000, v60;
	vm10 =	veq.s32 v29, v0;
	[tilespmem:$0x1FCA0] =	vst v3;
	v3 =	vadd.s32 v8, v7  }
0x19f: {  	v41 =	vshra.s32 v23, $0x9;
	v4 =	vshra.s32 v47, $0x9;
	v3 =	vor.u32 v11, v3  }
0x1a0: {  	v19 =	vld [tilespmem:$0x1540];
	vm8 =	veq.s32 v4, v0;
	v16 =	vsub.s32 v3, v1;
	v3 =	vand.u32 $0x7FFFF, v3  }
0x1a1: {  	v9 =	vshll.u32 v63, $0x7;
	v7 =	vand.u32 $0xFFFE0000, v18;
	v3 =	vsel vm8, v16, v3  }
0x1a2: {  	v38 =	vand.u32 $0x7F, v23;
	v25 =	vshll.u32 v12, $0xA;
	[tilespmem:$0x1FCB0] =	vst v3;
	v3 =	vadd.s32 v9, v7  }
0x1a3: {  	v12 =	vshll.u32 v43, $0xA;
	v47 =	vsel vm12, $0x3F800000, v60;
	v3 =	vor.u32 v20, v3  }
0x1a4: {  	v26 =	vld [tilespmem:$0x1550];
	v57 =	vshll.u32 v31, $0xA;
	v24 =	vsub.s32 v3, v1;
	v3 =	vand.u32 $0x7FFFF, v3  }
0x1a5: {  	v8 =	vshll.u32 v19, $0x7;
	v7 =	vand.u32 $0xFFFE0000, v25;
	v3 =	vsel vm9, v24, v3  }
0x1a6: {  	v55 =	vsel vm11, $0x3F800000, v60;
	vm11 =	veq.s32 v41, v0;
	v62 =	vld [tilespmem:$0x580];
	[tilespmem:$0x1FCC0] =	vst v3;
	v3 =	vadd.s32 v8, v7  }
0x1a7: {  	v41 =	vsel vm4, $0x3F800000, v60;
	v61 =	vshra.s32 v31, $0x9;
	v3 =	vor.u32 v28, v3  }
0x1a8: {  	v36 =	vld [tilespmem:$0x1560];
	vm12 =	veq.s32 v61, v0;
	v32 =	vsub.s32 v3, v1;
	v3 =	vand.u32 $0x7FFFF, v3  }
0x1a9: {  	v46 =	vld [tilespmem:$0x5B0];
	v9 =	vshll.u32 v26, $0x7;
	v7 =	vand.u32 $0xFFFE0000, v34;
	v3 =	vsel vm10, v32, v3  }
0x1aa: {  	v18 =	vand.u32 $0x7F, v43;
	v19 =	vshra.s32 v43, $0x9;
	[tilespmem:$0x1FCD0] =	vst v3;
	v3 =	vadd.s32 v9, v7  }
0x1ab: {  	v23 =	vshll.u32 v62, $0xA;
	v25 =	vand.u32 $0x7F, v62;
	v3 =	vor.u32 v38, v3  }
0x1ac: {  	v58 =	vld [tilespmem:$0x1570];
	v26 =	vshra.s32 v62, $0x9;
	v56 =	vsub.s32 v3, v1;
	v3 =	vand.u32 $0x7FFFF, v3  }
0x1ad: {  	v62 =	vld [tilespmem:$0x5C0];
	v8 =	vshll.u32 v36, $0x7;
	v7 =	vand.u32 $0xFFFE0000, v57;
	v3 =	vsel vm11, v56, v3  }
0x1ae: {  	vm14 =	veq.s32 v19, v0;
	v19 =	vshra.s32 v46, $0x9;
	v20 =	vld [tilespmem:$0x590];
	[tilespmem:$0x1FCE0] =	vst v3;
	v3 =	vadd.s32 v8, v7  }
0x1af: {  	v43 =	vsel vm2, $0x3F800000, v60;
	vm4 =	veq.s32 v19, v0;
	v3 =	vor.u32 v59, v3  }
0x1b0: {  	v16 =	vld [tilespmem:$0x1580];
	v34 =	vsel vm1, $0x3F800000, v60;
	v63 =	vsub.s32 v3, v1;
	v3 =	vand.u32 $0x7FFFF, v3  }
0x1b1: {  	v28 =	vld [tilespmem:$0x5A0];
	v9 =	vshll.u32 v58, $0x7;
	v7 =	vand.u32 $0xFFFE0000, v12;
	v3 =	vsel vm12, v63, v3  }
0x1b2: {  	vm1 =	veq.s32 v26, v0;
	v26 =	vshra.s32 v62, $0x9;
	[tilespmem:$0x1FCF0] =	vst v3;
	v3 =	vadd.s32 v9, v7  }
0x1b3: {  	v31 =	vshll.u32 v20, $0xA;
	v36 =	vand.u32 $0x7F, v20;
	v3 =	vor.u32 v18, v3  }
0x1b4: {  	v24 =	vld [tilespmem:$0x1590];
	v38 =	vshra.s32 v20, $0x9;
	v21 =	vsub.s32 v3, v1;
	v3 =	vand.u32 $0x7FFFF, v3  }
0x1b5: {  	v8 =	vshll.u32 v16, $0x7;
	v7 =	vand.u32 $0xFFFE0000, v23;
	v3 =	vsel vm14, v21, v3  }
0x1b6: {  	vm2 =	veq.s32 v38, v0;
	v57 =	vshll.u32 v28, $0xA;
	[tilespmem:$0x1FD00] =	vst v3;
	v3 =	vadd.s32 v8, v7  }
0x1b7: {  	v61 =	vshra.s32 v28, $0x9;
	v12 =	vshll.u32 v46, $0xA;
	v3 =	vor.u32 v25, v3  }
0x1b8: {  	v32 =	vld [tilespmem:$0x15A0];
	v59 =	vand.u32 $0x7F, v28;
	v29 =	vsub.s32 v3, v1;
	v3 =	vand.u32 $0x7FFFF, v3  }
0x1b9: {  	v20 =	vld [tilespmem:$0x5D0];
	v9 =	vshll.u32 v24, $0x7;
	v7 =	vand.u32 $0xFFFE0000, v31;
	v3 =	vsel vm1, v29, v3  }
0x1ba: {  	v28 =	vsel vm13, $0x3F800000, v60;
	vm13 =	veq.s32 v26, v0;
	[tilespmem:$0x1FD10] =	vst v3;
	v3 =	vadd.s32 v9, v7  }
0x1bb: {  	v58 =	vld [tilespmem:$0x15B0];
	v26 =	vsel vm0, $0x3F800000, v60;
	v23 =	vshll.u32 v62, $0xA;
	v3 =	vor.u32 v36, v3  }
0x1bc: {  	v18 =	vand.u32 $0x7F, v46;
	v56 =	vsub.s32 v3, v1;
	v3 =	vand.u32 $0x7FFFF, v3  }
0x1bd: {  	v8 =	vshll.u32 v32, $0x7;
	v32 =	vld [tilespmem:$0x5E0];
	v7 =	vand.u32 $0xFFFE0000, v57;
	v3 =	vsel vm2, v56, v3  }
0x1be: {  	v46 =	vshll.u32 v20, $0xA;
	v25 =	vand.u32 $0x7F, v62;
	[tilespmem:$0x1FD20] =	vst v3;
	v3 =	vadd.s32 v8, v7  }
0x1bf: {  	v16 =	vld [tilespmem:$0x15C0];
	v29 =	vsel vm3, $0x3F800000, v60;
	vm3 =	veq.s32 v61, v0;
	v3 =	vor.u32 v59, v3  }
0x1c0: {  	v24 =	vld [tilespmem:$0x15D0];
	v9 =	vshll.u32 v58, $0x7;
	v63 =	vsub.s32 v3, v1;
	v3 =	vand.u32 $0x7FFFF, v3  }
0x1c1: {  	v57 =	vand.u32 $0x7F, v20;
	v7 =	vand.u32 $0xFFFE0000, v12;
	v12 =	vld [tilespmem:$0x600];
	v3 =	vsel vm3, v63, v3  }
0x1c2: {  	v58 =	vshra.s32 v20, $0x9;
	v62 =	vshll.u32 v32, $0xA;
	v59 =	vld [tilespmem:$0x5F0];
	[tilespmem:$0x1FD30] =	vst v3;
	v3 =	vadd.s32 v9, v7  }
0x1c3: {  	v10 =	vand.u32 $0x7F, v32;
	v11 =	vshra.s32 v32, $0x9;
	v3 =	vor.u32 v18, v3  }
0x1c4: {  	v36 =	vsel vm5, $0x3F800000, v60;
	v21 =	vsub.s32 v3, v1;
	v3 =	vand.u32 $0x7FFFF, v3  }
0x1c5: {  	v56 =	vld [tilespmem:$0x15E0];
	v8 =	vshll.u32 v16, $0x7;
	v7 =	vand.u32 $0xFFFE0000, v23;
	v3 =	vsel vm4, v21, v3  }
0x1c6: {  	vm0 =	veq.s32 v11, v0;
	v9 =	vshll.u32 v24, $0x7;
	[tilespmem:$0x1FD40] =	vst v3;
	v3 =	vadd.s32 v8, v7  }
0x1c7: {  	v32 =	vand.u32 $0x7F, v12;
	v18 =	vshll.u32 v59, $0xA;
	v3 =	vor.u32 v25, v3  }
0x1c8: {  	v20 =	vand.u32 $0x7F, v59;
	v38 =	vsub.s32 v3, v1;
	v3 =	vand.u32 $0x7FFFF, v3  }
0x1c9: {  	v23 =	vld [tilespmem:$0x610];
	v21 =	vshra.s32 v59, $0x9;
	v7 =	vand.u32 $0xFFFE0000, v46;
	v3 =	vsel vm13, v38, v3  }
0x1ca: {  	v63 =	vld [tilespmem:$0x15F0];
	v8 =	vshll.u32 v56, $0x7;
	vm5 =	veq.s32 v21, v0;
	[tilespmem:$0x1FD50] =	vst v3;
	v3 =	vadd.s32 v9, v7  }
0x1cb: {  	v19 =	vld [tilespmem:$0x1600];
	v46 =	vshra.s32 v12, $0x9;
	v38 =	vsel vm15, $0x3F800000, v60;
	v3 =	vor.u32 v57, v3  }
0x1cc: {  	v56 =	vld [tilespmem:$0x620];
	vm15 =	veq.s32 v58, v0;
	v61 =	vsub.s32 v3, v1;
	v3 =	vand.u32 $0x7FFFF, v3  }
0x1cd: {  	v31 =	vld [tilespmem:$0x1610];
	v25 =	vshll.u32 v12, $0xA;
	v7 =	vand.u32 $0xFFFE0000, v62;
	v3 =	vsel vm15, v61, v3  }
0x1ce: {  	v12 =	vand.u32 $0x7F, v23;
	v58 =	vshll.u32 v23, $0xA;
	[tilespmem:$0x1FD60] =	vst v3;
	v3 =	vadd.s32 v8, v7  }
0x1cf: {  	v9 =	vshll.u32 v63, $0x7;
	v7 =	vand.u32 $0xFFFE0000, v18;
	v18 =	vld [tilespmem:$0x630];
	v3 =	vor.u32 v10, v3  }
0x1d0: {  	v8 =	vshll.u32 v19, $0x7;
	v16 =	vsub.s32 v3, v1;
	v3 =	vand.u32 $0x7FFFF, v3  }
0x1d1: {  	v3 =	vsel vm0, v16, v3;
	v16 =	vshra.s32 v23, $0x9;
	v23 =	vand.u32 $0x7F, v56  }
0x1d2: {  	v59 =	vld [tilespmem:$0x1620];
	[tilespmem:$0x1FD70] =	vst v3;
	v3 =	vadd.s32 v9, v7;
	v7 =	vand.u32 $0xFFFE0000, v25;
	v9 =	vshll.u32 v31, $0x7  }
0x1d3: {  	v25 =	vshra.s32 v56, $0x9;
	v3 =	vor.u32 v20, v3;
	v20 =	vshll.u32 v56, $0xA  }
0x1d4: {  	v10 =	vand.u32 $0x7F, v18;
	v24 =	vsub.s32 v3, v1;
	v3 =	vand.u32 $0x7FFFF, v3  }
0x1d5: {  	v31 =	vld [tilespmem:$0x640];
	v11 =	vshra.s32 v18, $0x9;
	v3 =	vsel vm5, v24, v3;
	v24 =	vsel vm6, $0x3F800000, v60  }
0x1d6: {  	v21 =	vld [tilespmem:$0x1630];
	vm6 =	veq.s32 v46, v0;
	v46 =	vsel vm8, $0x3F800000, v60;
	vm8 =	veq.s32 v25, v0  }
0x1d7: {  	[tilespmem:$0x1FD80] =	vst v3;
	v3 =	vadd.s32 v8, v7;
	v7 =	vand.u32 $0xFFFE0000, v58;
	v8 =	vshll.u32 v59, $0x7  }
0x1d8: {  	v58 =	vshll.u32 v18, $0xA;
	v3 =	vor.u32 v32, v3;
	v32 =	vsel vm7, $0x3F800000, v60  }
0x1d9: {  	vm7 =	veq.s32 v16, v0;
	v57 =	vsub.s32 v3, v1;
	v3 =	vand.u32 $0x7FFFF, v3  }
0x1da: {  	v16 =	vshll.u32 v31, $0xA;
	v63 =	vsel vm6, v57, v3;
	v3 =	vadd.s32 v9, v7  }
0x1db: {  	v5 =	vld [tilespmem:$0x660];
	v7 =	vand.u32 $0xFFFE0000, v20;
	v9 =	vshll.u32 v21, $0x7;
	v3 =	vor.u32 v12, v3  }
0x1dc: {  	v59 =	vld [tilespmem:$0x1640];
	v20 =	vsel vm9, $0x3F800000, v60;
	v19 =	vsub.s32 v3, v1;
	v3 =	vand.u32 $0x7FFFF, v3  }
0x1dd: {  	v18 =	vld [tilespmem:$0x1650];
	vm9 =	veq.s32 v11, v0;
	v62 =	vsel vm7, v19, v3;
	v3 =	vadd.s32 v8, v7  }
0x1de: {  	v21 =	vshra.s32 v31, $0x9;
	v11 =	vld [tilespmem:$0x1680];
	v7 =	vand.u32 $0xFFFE0000, v58;
	v3 =	vor.u32 v23, v3  }
0x1df: {  	v19 =	vand.u32 $0x7F, v31;
	v31 =	vld [tilespmem:$0x1660];
	v57 =	vsub.s32 v3, v1;
	v3 =	vand.u32 $0x7FFFF, v3  }
0x1e0: {  	v6 =	vsel vm10, $0x3F800000, v60;
	v61 =	vsel vm8, v57, v3;
	v3 =	vadd.s32 v9, v7;
	v7 =	vld [tilespmem:$0x650]  }
0x1e1: {  	vm10 =	veq.s32 v21, v0;
	v8 =	vshll.u32 v59, $0x7;
	v3 =	vor.u32 v10, v3  }
0x1e2: {  	v9 =	vand.u32 $0xFFFE0000, v16;
	v12 =	vsub.s32 v3, v1;
	v3 =	vand.u32 $0x7FFFF, v3  }
0x1e3: {  	v11 =	vshll.u32 v11, $0x7;
	v59 =	vsel vm9, v12, v3;
	v3 =	vadd.s32 v8, v9  }
0x1e4: {  	v10 =	vshll.u32 v18, $0x7;
	v9 =	vshll.u32 v31, $0x7;
	v3 =	vor.u32 v19, v3  }
0x1e5: {  	v21 =	vld [tilespmem:$0x1670];
	v19 =	vshll.u32 v5, $0xA;
	v23 =	vsub.s32 v3, v1;
	v25 =	vshll.u32 v7, $0xA  }
0x1e6: {  	v3 =	vand.u32 $0x7FFFF, v3;
	v12 =	vand.u32 $0x7F, v7;
	v16 =	vshra.s32 v7, $0x9  }
0x1e7: {  	v7 =	vld [tilespmem:$0x670];
	v8 =	vand.u32 $0xFFFE0000, v25;
	v58 =	vsel vm10, v23, v3;
	v25 =	vsel vm11, $0x3F800000, v60  }
0x1e8: {  	vm11 =	veq.s32 v16, v0;
	v23 =	vand.u32 $0x7F, v5;
	v3 =	vadd.s32 v10, v8  }
0x1e9: {  	v5 =	vshra.s32 v5, $0x9;
	v8 =	vand.u32 $0xFFFE0000, v19;
	v3 =	vor.u32 v12, v3  }
0x1ea: {  	v10 =	vshll.u32 v21, $0x7;
	v18 =	vsub.s32 v3, v1;
	v3 =	vand.u32 $0x7FFFF, v3  }
0x1eb: {  	v57 =	vsel vm11, v18, v3;
	v3 =	vadd.s32 v9, v8;
	v18 =	vsel vm12, $0x3F800000, v60  }
0x1ec: {  	v8 =	vld [tilespmem:$0x680];
	vm12 =	veq.s32 v5, v0;
	v56 =	vshll.u32 v7, $0xA;
	v16 =	vand.u32 $0x7F, v7  }
0x1ed: {  	v19 =	vshra.s32 v7, $0x9;
	v4 =	vor.u32 v23, v3;
	v9 =	vand.u32 $0xFFFE0000, v56  }
0x1ee: {  	v7 =	vld [tilespmem:$0x690];
	v31 =	vsub.s32 v4, v1;
	v4 =	vand.u32 $0x7FFFF, v4;
	v12 =	vadd.s32 v10, v9  }
0x1ef: {  	v23 =	vsel vm14, $0x3F800000, v60;
	v10 =	vld [tilespmem:$0x1690];
	v56 =	vsel vm12, v31, v4;
	v4 =	vor.u32 v16, v12  }
0x1f0: {  	vm14 =	veq.s32 v19, v0;
	v16 =	vsel vm1, $0x3F800000, v60;
	v21 =	vsub.s32 v4, v1  }
0x1f1: {  	v4 =	vand.u32 $0x7FFFF, v4;
	v31 =	vshll.u32 v8, $0xA;
	v12 =	vshra.s32 v8, $0x9  }
0x1f2: {  	v3 =	vsel vm14, v21, v4;
	v9 =	vand.u32 $0xFFFE0000, v31;
	vm1 =	veq.s32 v12, v0  }
0x1f3: {  	v31 =	vshll.u32 v7, $0xA;
	v9 =	vadd.s32 v11, v9;
	v11 =	vand.u32 $0x7F, v8;
	v8 =	vld [tilespmem:$0x6A0]  }
0x1f4: {  	v12 =	vshra.s32 v7, $0x9;
	v10 =	vshll.u32 v10, $0x7;
	v4 =	vor.u32 v11, v9  }
0x1f5: {  	v11 =	vld [tilespmem:$0x16A0];
	v9 =	vand.u32 $0xFFFE0000, v31;
	v21 =	vsub.s32 v4, v1;
	v4 =	vand.u32 $0x7FFFF, v4  }
0x1f6: {  	[tilespmem:$0x1FD90] =	vst v3;
	v9 =	vadd.s32 v10, v9;
	v10 =	vand.u32 $0x7F, v7;
	v7 =	vld [tilespmem:$0x6B0];
	v3 =	vsel vm1, v21, v4  }
0x1f7: {  	v4 =	vor.u32 v10, v9;
	v21 =	vsel vm2, $0x3F800000, v60;
	vm2 =	veq.s32 v12, v0  }
0x1f8: {  	v10 =	vld [tilespmem:$0x16B0];
	v19 =	vsub.s32 v4, v1;
	v4 =	vand.u32 $0x7FFFF, v4;
	v31 =	vshll.u32 v8, $0xA  }
0x1f9: {  	[tilespmem:$0x1FDA0] =	vst v3;
	v3 =	vsel vm2, v19, v4;
	v12 =	vand.u32 $0x7F, v8;
	v8 =	vshra.s32 v8, $0x9  }
0x1fa: {  	v9 =	vand.u32 $0xFFFE0000, v31;
	v11 =	vshll.u32 v11, $0x7;
	v31 =	vsel vm3, $0x3F800000, v60  }
0x1fb: {  	vm3 =	veq.s32 v8, v0;
	v11 =	vadd.s32 v11, v9;
	v19 =	vshll.u32 v7, $0xA  }
0x1fc: {  	v9 =	vld [tilespmem:$0x6C0];
	v4 =	vand.u32 $0x7F, v7;
	v5 =	vor.u32 v12, v11;
	v11 =	vand.u32 $0xFFFE0000, v19  }
0x1fd: {  	v12 =	vld [tilespmem:$0x16C0];
	v10 =	vshll.u32 v10, $0x7;
	v8 =	vsub.s32 v5, v1;
	v5 =	vand.u32 $0x7FFFF, v5  }
0x1fe: {  	[tilespmem:$0x1FDB0] =	vst v3;
	v7 =	vshra.s32 v7, $0x9;
	v19 =	vadd.s32 v10, v11;
	v3 =	vsel vm3, v8, v5  }
0x1ff: {  	[tilespmem:$0x22B0] =	vst v13;
	v5 =	vor.u32 v4, v19;
	v19 =	vsel vm4, $0x3F800000, v60;
	vm4 =	veq.s32 v7, v0  }
0x200: {  	v8 =	vld [tilespmem:$0x6D0];
	[tilespmem:$0x1FDC0] =	vst v3;
	v2 =	vsel vm4, $0xFFFFFFFF, v2  }
0x201: {  	v7 =	vsub.s32 v5, v1;
	[tilespmem:$0x1FC20] =	vst v2;
	v13 =	vshll.u32 v9, $0xA  }
0x202: {  	v11 =	vld [tilespmem:$0x16D0];
	v5 =	vand.u32 $0x7FFFF, v5;
	[tilespmem:$0x22C0] =	vst v15;
	v10 =	vand.u32 $0xFFFE0000, v13;
	v12 =	vshll.u32 v12, $0x7  }
0x203: {  	[tilespmem:$0x32C0] =	vst v14;
	v2 =	vsel vm4, v7, v5;
	v15 =	vand.u32 $0x7F, v9;
	v14 =	vadd.s32 v12, v10  }
0x204: {  	v9 =	vshra.s32 v9, $0x9;
	[tilespmem:$0x1FDD0] =	vst v2;
	v2 =	vimm.s32 $0x0;
	v13 =	vld [tilespmem:$0x16E0];
	v7 =	vor.u32 v15, v14  }
0x205: {  	[tilespmem:$0x22D0] =	vst v22;
	v10 =	vld [tilespmem:$0x6E0];
	v14 =	vsel vm13, $0x3F800000, v60;
	vm13 =	veq.s32 v9, v0;
	v22 =	vshll.u32 v8, $0xA  }
0x206: {  	[tilespmem:$0x32D0] =	vst v17;
	v2 =	vsel vm13, $0xFFFFFFFF, v2;
	v17 =	vsub.s32 v7, v1;
	v7 =	vand.u32 $0x7FFFF, v7  }
0x207: {  	v11 =	vshll.u32 v11, $0x7;
	v12 =	vand.u32 $0xFFFE0000, v22;
	[tilespmem:$0x1FC50] =	vst v2;
	v2 =	vsel vm13, v17, v7  }
0x208: {  	[tilespmem:$0x32E0] =	vst v27;
	v15 =	vadd.s32 v11, v12;
	v17 =	vand.u32 $0x7F, v8;
	v8 =	vshra.s32 v8, $0x9  }
0x209: {  	[tilespmem:$0x22F0] =	vst v37;
	v7 =	vor.u32 v17, v15;
	vm13 =	veq.s32 v8, v0  }
0x20a: {  	[tilespmem:$0x1FDE0] =	vst v2;
	v2 =	vimm.s32 $0x0;
	v13 =	vshll.u32 v13, $0x7;
	v27 =	vshll.u32 v10, $0xA  }
0x20b: {  	[tilespmem:$0x32F0] =	vst v35;
	v2 =	vsel vm13, $0xFFFFFFFF, v2;
	v22 =	vsub.s32 v7, v1;
	v11 =	vand.u32 $0xFFFE0000, v27  }
0x20c: {  	[tilespmem:$0x3300] =	vst v39;
	v7 =	vand.u32 $0x7FFFF, v7;
	v37 =	vand.u32 $0x7F, v10;
	v35 =	vadd.s32 v13, v11  }
0x20d: {  	v39 =	vshra.s32 v10, $0x9;
	[tilespmem:$0x1FC80] =	vst v2;
	v2 =	vsel vm13, v22, v7;
	v7 =	vor.u32 v37, v35  }
0x20e: {  	[tilespmem:$0x3310] =	vst v42;
	vm4 =	veq.s32 v39, v0;
	v42 =	vsub.s32 v7, v1;
	v7 =	vand.u32 $0x7FFFF, v7  }
0x20f: {  	[tilespmem:$0x1FDF0] =	vst v2;
	v2 =	vsel vm4, v42, v7  }
0x210: {  	[tilespmem:$0x1FE00] =	vst v2;
	v2 =	vld [tilespmem:$0x1F9D0];
	_ =	sdelay $0x3  }
0x211: {  	v9 =	vld [tilespmem:$0x6F0]  }
0x212: {  	[tilespmem:$0x2330] =	vst v2;
	v2 =	vld [tilespmem:$0x1F9E0]  }
0x213: {  	[tilespmem:$0x22E0] =	vst v30;
	v30 =	vld [tilespmem:$0x16F0];
	_ =	sdelay $0x2  }
0x214: {  	[tilespmem:$0x2310] =	vst v44  }
0x215: {  	v44 =	vshll.u32 v9, $0xA;
	[tilespmem:$0x2340] =	vst v2;
	v2 =	vld [tilespmem:$0x1F9F0]  }
0x216: {  	v12 =	vshll.u32 v30, $0x7;
	v10 =	vand.u32 $0xFFFE0000, v44  }
0x217: {  	v27 =	vand.u32 $0x7F, v9;
	v22 =	vadd.s32 v12, v10  }
0x218: {  	v30 =	vshra.s32 v9, $0x9;
	v10 =	vsel vm5, $0x3F800000, v60;
	v7 =	vor.u32 v27, v22  }
0x219: {  	vm5 =	veq.s32 v30, v0;
	v44 =	vsub.s32 v7, v1;
	v7 =	vand.u32 $0x7FFFF, v7  }
0x21a: {  	[tilespmem:$0x3340] =	vst v2;
	v2 =	vsel vm5, v44, v7  }
0x21b: {  	[tilespmem:$0x1FE10] =	vst v2;
	v2 =	vld [tilespmem:$0x1FA00];
	_ =	sdelay $0x4  }
0x21c: {  	[tilespmem:$0x2350] =	vst v2;
	v2 =	vld [tilespmem:$0x1FA10];
	_ =	sdelay $0x3  }
0x21d: {  	[tilespmem:$0x2300] =	vst v40;
	v40 =	vld [tilespmem:$0x700]  }
0x21e: {  	[tilespmem:$0x3350] =	vst v2;
	v2 =	vld [tilespmem:$0x1FA20]  }
0x21f: {  	v15 =	vld [tilespmem:$0x1700];
	_ =	sdelay $0x2  }
0x220: {  	[tilespmem:$0x3320] =	vst v48  }
0x221: {  	v48 =	vshll.u32 v40, $0xA;
	[tilespmem:$0x2360] =	vst v2;
	v2 =	vld [tilespmem:$0x1FA30]  }
0x222: {  	v9 =	vand.u32 $0xFFFE0000, v48;
	v15 =	vshll.u32 v15, $0x7  }
0x223: {  	[tilespmem:$0x3330] =	vst v54;
	v5 =	vand.u32 $0x7F, v40;
	v54 =	vadd.s32 v15, v9  }
0x224: {  	v15 =	vshra.s32 v40, $0x9;
	v9 =	vsel vm6, $0x3F800000, v60;
	v7 =	vor.u32 v5, v54  }
0x225: {  	vm6 =	veq.s32 v15, v0;
	v37 =	vsub.s32 v7, v1;
	v7 =	vand.u32 $0x7FFFF, v7  }
0x226: {  	[tilespmem:$0x3360] =	vst v2;
	v2 =	vsel vm6, v37, v7  }
0x227: {  	[tilespmem:$0x1FE20] =	vst v2;
	v2 =	vld [tilespmem:$0x1FA40];
	_ =	sdelay $0x4  }
0x228: {  	[tilespmem:$0x2370] =	vst v2;
	v2 =	vld [tilespmem:$0x1FA50];
	_ =	sdelay $0x3  }
0x229: {  	v35 =	vld [tilespmem:$0x710]  }
0x22a: {  	[tilespmem:$0x3370] =	vst v2;
	v2 =	vld [tilespmem:$0x1FA60]  }
0x22b: {  	[tilespmem:$0x2320] =	vst v50;
	v50 =	vld [tilespmem:$0x1710];
	_ =	sdelay $0x3  }
0x22c: {  	v39 =	vshll.u32 v35, $0xA;
	[tilespmem:$0x2380] =	vst v2;
	v2 =	vld [tilespmem:$0x1FA70]  }
0x22d: {  	v27 =	vshll.u32 v50, $0x7;
	v15 =	vand.u32 $0xFFFE0000, v39  }
0x22e: {  	v42 =	vadd.s32 v27, v15;
	v44 =	vand.u32 $0x7F, v35  }
0x22f: {  	v8 =	vsel vm7, $0x3F800000, v60;
	v12 =	vshra.s32 v35, $0x9;
	v7 =	vor.u32 v44, v42  }
0x230: {  	vm7 =	veq.s32 v12, v0;
	v48 =	vsub.s32 v7, v1;
	v7 =	vand.u32 $0x7FFFF, v7  }
0x231: {  	[tilespmem:$0x3380] =	vst v2;
	v2 =	vsel vm7, v48, v7  }
0x232: {  	[tilespmem:$0x1FE30] =	vst v2;
	v2 =	vld [tilespmem:$0x1FA80];
	_ =	sdelay $0x4  }
0x233: {  	[tilespmem:$0x2390] =	vst v2;
	v2 =	vld [tilespmem:$0x1FA90];
	_ =	sdelay $0x4  }
0x234: {  	[tilespmem:$0x3390] =	vst v2;
	v2 =	vld [tilespmem:$0x1FAA0];
	_ =	sdelay $0x4  }
0x235: {  	[tilespmem:$0x23A0] =	vst v2;
	v2 =	vld [tilespmem:$0x1FAB0];
	_ =	sdelay $0x4  }
0x236: {  	[tilespmem:$0x33A0] =	vst v2;
	v2 =	vld [tilespmem:$0x1FAC0];
	_ =	sdelay $0x4  }
0x237: {  	[tilespmem:$0x23B0] =	vst v2;
	v2 =	vld [tilespmem:$0x1FAD0];
	_ =	sdelay $0x2  }
0x238: {  	v3 =	vld [tilespmem:$0x1FB20]  }
0x239: {  	v22 =	vld [tilespmem:$0x720]  }
0x23a: {  	[tilespmem:$0x33B0] =	vst v2;
	v2 =	vld [tilespmem:$0x1FAE0]  }
0x23b: {  	v40 =	vld [tilespmem:$0x1720];
	_ =	sdelay $0x1  }
0x23c: {  	[tilespmem:$0x23E0] =	vst v3;
	v3 =	vld [tilespmem:$0x1FB30]  }
0x23d: {  	v15 =	vld [tilespmem:$0x730]  }
0x23e: {  	v50 =	vshll.u32 v22, $0xA;
	[tilespmem:$0x23C0] =	vst v2;
	v2 =	vld [tilespmem:$0x1FAF0]  }
0x23f: {  	v30 =	vshll.u32 v40, $0x7;
	v27 =	vand.u32 $0xFFFE0000, v50;
	v54 =	vld [tilespmem:$0x1730]  }
0x240: {  	v39 =	vand.u32 $0x7F, v22;
	v37 =	vadd.s32 v30, v27;
	v27 =	vld [tilespmem:$0x740]  }
0x241: {  	v12 =	vor.u32 v39, v37;
	v37 =	vld [tilespmem:$0x1740]  }
0x242: {  	v39 =	vld [tilespmem:$0x1750]  }
0x243: {  	v42 =	vshll.u32 v15, $0xA;
	[tilespmem:$0x33C0] =	vst v2;
	v2 =	vld [tilespmem:$0x1FB00]  }
0x244: {  	[tilespmem:$0x33E0] =	vst v3;
	v3 =	vld [tilespmem:$0x1FB40];
	v35 =	vshll.u32 v54, $0x7;
	v30 =	vand.u32 $0xFFFE0000, v42  }
0x245: {  	v13 =	vsel vm0, $0x3F800000, v60;
	v11 =	vshra.s32 v22, $0x9;
	v44 =	vadd.s32 v35, v30;
	v30 =	vld [tilespmem:$0x750]  }
0x246: {  	v22 =	vsel vm8, $0x3F800000, v60;
	vm8 =	veq.s32 v11, v0;
	v54 =	vshra.s32 v15, $0x9  }
0x247: {  	vm0 =	veq.s32 v54, v0;
	v5 =	vshll.u32 v27, $0xA;
	v37 =	vshll.u32 v37, $0x7  }
0x248: {  	v39 =	vshll.u32 v39, $0x7;
	v48 =	vand.u32 $0x7F, v15;
	v7 =	vand.u32 $0xFFFE0000, v5;
	[tilespmem:$0x23D0] =	vst v2;
	v2 =	vld [tilespmem:$0x1FB10]  }
0x249: {  	v11 =	vor.u32 v48, v44;
	v42 =	vadd.s32 v37, v7;
	v44 =	vand.u32 $0x7F, v27  }
0x24a: {  	[tilespmem:$0x23F0] =	vst v3;
	v3 =	vld [tilespmem:$0x1FB50];
	v7 =	vshll.u32 v30, $0xA;
	v4 =	vsub.s32 v11, v1;
	v11 =	vand.u32 $0x7FFFF, v11  }
0x24b: {  	v37 =	vld [tilespmem:$0x760];
	v35 =	vsel vm0, v4, v11;
	v11 =	vor.u32 v44, v42;
	v44 =	vand.u32 $0xFFFE0000, v7  }
0x24c: {  	v7 =	vadd.s32 v39, v44;
	v44 =	vld [tilespmem:$0x1FB60]  }
0x24d: {  	[tilespmem:$0x33D0] =	vst v2;
	v2 =	vld [tilespmem:$0x1760]  }
0x24e: {  	[tilespmem:$0x3400] =	vst v53  }
0x24f: {  	[tilespmem:$0x3430] =	vst v49;
	v49 =	vld [tilespmem:$0x1FBA0];
	v17 =	vsel vm15, $0x3F800000, v60;
	v40 =	vsub.s32 v12, v1;
	v12 =	vand.u32 $0x7FFFF, v12  }
0x250: {  	[tilespmem:$0x33F0] =	vst v3;
	v3 =	vld [tilespmem:$0x1770];
	v15 =	vsel vm9, $0x3F800000, v60;
	v27 =	vshra.s32 v27, $0x9;
	v39 =	vand.u32 $0x7F, v30  }
0x251: {  	[tilespmem:$0x3410] =	vst v51;
	vm9 =	veq.s32 v27, v0;
	v27 =	vor.u32 v39, v7;
	v39 =	vld [tilespmem:$0x770];
	v42 =	vshll.u32 v37, $0xA  }
0x252: {  	v30 =	vshra.s32 v30, $0x9;
	v54 =	vand.u32 $0xFFFE0000, v42;
	[tilespmem:$0x2400] =	vst v44;
	v44 =	vld [tilespmem:$0x1FB80];
	v2 =	vshll.u32 v2, $0x7  }
0x253: {  	[tilespmem:$0x3440] =	vst v52;
	v50 =	vsel vm8, v40, v12;
	vm13 =	veq.s32 v30, v0;
	v2 =	vadd.s32 v2, v54;
	v54 =	vld [tilespmem:$0x1FB70]  }
0x254: {  	[tilespmem:$0x3450] =	vst v55;
	v55 =	vld [tilespmem:$0x1FBC0];
	v40 =	vsub.s32 v27, v1;
	v27 =	vand.u32 $0x7FFFF, v27;
	v53 =	vand.u32 $0x7F, v37  }
0x255: {  	[tilespmem:$0x3460] =	vst v47;
	v52 =	vld [tilespmem:$0x1FBE0];
	v37 =	vshra.s32 v37, $0x9;
	v30 =	vsel vm13, v40, v27;
	v2 =	vor.u32 v53, v2  }
0x256: {  	[tilespmem:$0x2440] =	vst v49;
	vm15 =	veq.s32 v37, v0;
	v53 =	vld [tilespmem:$0x780];
	v40 =	vsub.s32 v2, v1;
	v2 =	vand.u32 $0x7FFFF, v2  }
0x257: {  	v47 =	vsel vm2, $0x3F800000, v60;
	[tilespmem:$0x2420] =	vst v44;
	v44 =	vsel vm15, v40, v2;
	v40 =	vld [tilespmem:$0x1FB90]  }
0x258: {  	v49 =	vsel vm1, $0x3F800000, v60;
	v3 =	vshll.u32 v3, $0x7;
	v42 =	vshll.u32 v39, $0xA;
	[tilespmem:$0x2410] =	vst v54;
	v54 =	vld [tilespmem:$0x1780]  }
0x259: {  	[tilespmem:$0x3480] =	vst v34;
	v34 =	vld [tilespmem:$0x1FC10];
	v48 =	vsub.s32 v11, v1;
	v11 =	vand.u32 $0x7FFFF, v11;
	v51 =	vand.u32 $0xFFFE0000, v42  }
0x25a: {  	v48 =	vsel vm9, v48, v11;
	v37 =	vld [tilespmem:$0x790];
	v2 =	vadd.s32 v3, v51;
	v3 =	vand.u32 $0x7F, v39  }
0x25b: {  	v4 =	vld [tilespmem:$0x1790];
	v51 =	vsel vm14, $0x3F800000, v60;
	v2 =	vor.u32 v3, v2;
	v3 =	vshra.s32 v39, $0x9  }
0x25c: {  	vm14 =	veq.s32 v3, v0;
	v3 =	vsub.s32 v2, v1;
	v42 =	vshll.u32 v53, $0xA;
	[tilespmem:$0x2430] =	vst v40;
	v40 =	vld [tilespmem:$0x1FBB0]  }
0x25d: {  	[tilespmem:$0x2480] =	vst v52;
	v52 =	vld [tilespmem:$0x1FC00];
	v2 =	vand.u32 $0x7FFFF, v2;
	v39 =	vand.u32 $0xFFFE0000, v42;
	v7 =	vshll.u32 v54, $0x7  }
0x25e: {  	[tilespmem:$0x3420] =	vst v33;
	v33 =	vsel vm14, v3, v2;
	v3 =	vand.u32 $0x7F, v53;
	v54 =	vld [tilespmem:$0x17A0];
	v2 =	vadd.s32 v7, v39  }
0x25f: {  	v42 =	vshll.u32 v37, $0xA;
	v2 =	vor.u32 v3, v2;
	v3 =	vshra.s32 v53, $0x9;
	v53 =	vld [tilespmem:$0x7A0]  }
0x260: {  	[tilespmem:$0x2460] =	vst v55;
	v55 =	vld [tilespmem:$0x17B0];
	v27 =	vsel vm12, $0x3F800000, v60;
	v4 =	vshll.u32 v4, $0x7;
	v39 =	vand.u32 $0xFFFE0000, v42  }
0x261: {  	[tilespmem:$0x2450] =	vst v40;
	vm12 =	veq.s32 v3, v0;
	v3 =	vsub.s32 v2, v1;
	v2 =	vand.u32 $0x7FFFF, v2;
	v40 =	vld [tilespmem:$0x1FBD0]  }
0x262: {  	[tilespmem:$0x3470] =	vst v45;
	v42 =	vsel vm12, v3, v2;
	v2 =	vadd.s32 v4, v39;
	v3 =	vand.u32 $0x7F, v37;
	v4 =	vld [tilespmem:$0x7B0]  }
0x263: {  	[tilespmem:$0x24B0] =	vst v34;
	v34 =	vld [tilespmem:$0x1FC50];
	v11 =	vsel vm11, $0x3F800000, v60;
	v2 =	vor.u32 v3, v2;
	v3 =	vshra.s32 v37, $0x9  }
0x264: {  	[tilespmem:$0x24A0] =	vst v52;
	v52 =	vld [tilespmem:$0x1FC30];
	v54 =	vshll.u32 v54, $0x7;
	vm11 =	veq.s32 v3, v0;
	v45 =	vshll.u32 v53, $0xA  }
0x265: {  	v39 =	vld [tilespmem:$0x1FBF0];
	v3 =	vsub.s32 v2, v1;
	v2 =	vand.u32 $0x7FFFF, v2;
	v37 =	vand.u32 $0xFFFE0000, v45  }
0x266: {  	v55 =	vshll.u32 v55, $0x7;
	[tilespmem:$0x2470] =	vst v40;
	v40 =	vsel vm11, v3, v2;
	v2 =	vadd.s32 v54, v37;
	v54 =	vld [tilespmem:$0x17C0]  }
0x267: {  	[tilespmem:$0x3490] =	vst v43;
	v12 =	vsel vm10, $0x3F800000, v60;
	v3 =	vand.u32 $0x7F, v53;
	v43 =	vshll.u32 v4, $0xA;
	v37 =	vld [tilespmem:$0x1FC20]  }
0x268: {  	[tilespmem:$0x34A0] =	vst v29;
	v2 =	vor.u32 v3, v2;
	v3 =	vshra.s32 v53, $0x9;
	v53 =	vld [tilespmem:$0x7C0];
	v7 =	vand.u32 $0xFFFE0000, v43  }
0x269: {  	v29 =	vld [tilespmem:$0x1FC40];
	[tilespmem:$0x24C0] =	vst v52;
	vm10 =	veq.s32 v3, v0;
	v3 =	vsub.s32 v2, v1;
	v2 =	vand.u32 $0x7FFFF, v2  }
0x26a: {  	v52 =	vld [tilespmem:$0x1FC60];
	[tilespmem:$0x2490] =	vst v39;
	v39 =	vsel vm10, v3, v2;
	v2 =	vadd.s32 v55, v7;
	v3 =	vand.u32 $0x7F, v4  }
0x26b: {  	vm2 =	vnez.u8 v34;
	v45 =	vsel vm3, $0x3F800000, v60;
	v55 =	vld [tilespmem:$0x17D0];
	v2 =	vor.u32 v3, v2  }
0x26c: {  	[tilespmem:$0x34B0] =	vst v41;
	v3 =	vshra.s32 v4, $0x9;
	v4 =	vld [tilespmem:$0x7D0];
	vm1 =	vnez.u8 v37;
	v54 =	vshll.u32 v54, $0x7  }
0x26d: {  	[tilespmem:$0x34C0] =	vst v28;
	v43 =	vsel vm1, $0x3F800000, v60;
	vm1 =	veq.s32 v3, v0;
	v41 =	vshll.u32 v53, $0xA  }
0x26e: {  	[tilespmem:$0x34D0] =	vst v38;
	v28 =	vld [tilespmem:$0x1FC70];
	v3 =	vsub.s32 v2, v1;
	v2 =	vand.u32 $0x7FFFF, v2;
	v7 =	vand.u32 $0xFFFE0000, v41  }
0x26f: {  	[tilespmem:$0x24D0] =	vst v29;
	v29 =	vld [tilespmem:$0x1FC80];
	v37 =	vsel vm1, v3, v2;
	v3 =	vand.u32 $0x7F, v53;
	v2 =	vadd.s32 v54, v7  }
0x270: {  	[tilespmem:$0x24E0] =	vst v52;
	v52 =	vld [tilespmem:$0x1FC90];
	v41 =	vsel vm2, $0x3F800000, v60;
	v2 =	vor.u32 v3, v2;
	v3 =	vshra.s32 v53, $0x9  }
0x271: {  	[tilespmem:$0x34E0] =	vst v26;
	v55 =	vshll.u32 v55, $0x7;
	v53 =	vld [tilespmem:$0x7E0];
	v38 =	vshll.u32 v4, $0xA;
	vm2 =	veq.s32 v3, v0  }
0x272: {  	[tilespmem:$0x34F0] =	vst v36;
	v54 =	vld [tilespmem:$0x17E0];
	v3 =	vsub.s32 v2, v1;
	v2 =	vand.u32 $0x7FFFF, v2;
	v7 =	vand.u32 $0xFFFE0000, v38  }
0x273: {  	[tilespmem:$0x3500] =	vst v24;
	v34 =	vsel vm2, v3, v2;
	v2 =	vadd.s32 v55, v7;
	v3 =	vand.u32 $0x7F, v4  }
0x274: {  	[tilespmem:$0x3510] =	vst v32;
	vm3 =	vnez.u8 v29;
	v2 =	vor.u32 v3, v2;
	v3 =	vshra.s32 v4, $0x9;
	v4 =	vld [tilespmem:$0x7F0]  }
0x275: {  	[tilespmem:$0x2500] =	vst v52;
	v52 =	vld [tilespmem:$0x1FCB0];
	v38 =	vsel vm3, $0x3F800000, v60  }
0x276: {  	[tilespmem:$0x3520] =	vst v46;
	v55 =	vld [tilespmem:$0x17F0];
	vm3 =	veq.s32 v3, v0;
	v3 =	vsub.s32 v2, v1;
	v36 =	vshll.u32 v53, $0xA  }
0x277: {  	[tilespmem:$0x24F0] =	vst v28;
	v28 =	vld [tilespmem:$0x1FCA0];
	v2 =	vand.u32 $0x7FFFF, v2;
	v54 =	vshll.u32 v54, $0x7;
	v26 =	vand.u32 $0xFFFE0000, v36  }
0x278: {  	[tilespmem:$0x3530] =	vst v20;
	v29 =	vsel vm3, v3, v2;
	v3 =	vand.u32 $0x7F, v53;
	v2 =	vadd.s32 v54, v26;
	v54 =	vld [tilespmem:$0x1800]  }
0x279: {  	[tilespmem:$0x3540] =	vst v6;
	v2 =	vor.u32 v3, v2;
	v3 =	vshra.s32 v53, $0x9;
	v53 =	vld [tilespmem:$0x800];
	v32 =	vshll.u32 v4, $0xA  }
0x27a: {  	[tilespmem:$0x3550] =	vst v25;
	v26 =	vand.u32 $0xFFFE0000, v32;
	v32 =	vld [tilespmem:$0x1FCC0]  }
0x27b: {  	[tilespmem:$0x2520] =	vst v52;
	v52 =	vld [tilespmem:$0x1FCD0];
	v36 =	vsel vm4, $0x3F800000, v60;
	v55 =	vshll.u32 v55, $0x7  }
0x27c: {  	[tilespmem:$0x3560] =	vst v18;
	vm4 =	veq.s32 v3, v0;
	v3 =	vsub.s32 v2, v1;
	v2 =	vand.u32 $0x7FFFF, v2  }
0x27d: {  	[tilespmem:$0x2510] =	vst v28;
	v28 =	vsel vm4, v3, v2;
	v2 =	vadd.s32 v55, v26;
	v3 =	vand.u32 $0x7F, v4;
	v55 =	vld [tilespmem:$0x1810]  }
0x27e: {  	[tilespmem:$0x3570] =	vst v23;
	v2 =	vor.u32 v3, v2;
	v3 =	vshra.s32 v4, $0x9;
	v4 =	vld [tilespmem:$0x810];
	v54 =	vshll.u32 v54, $0x7  }
0x27f: {  	v24 =	vld [tilespmem:$0x1FCE0];
	v46 =	vshll.u32 v53, $0xA;
	[tilespmem:$0x2530] =	vst v32;
	v32 =	vsel vm5, $0x3F800000, v60;
	vm5 =	veq.s32 v3, v0  }
0x280: {  	[tilespmem:$0x2540] =	vst v52;
	v52 =	vld [tilespmem:$0x1FCF0];
	v3 =	vsub.s32 v2, v1;
	v2 =	vand.u32 $0x7FFFF, v2;
	v20 =	vand.u32 $0xFFFE0000, v46  }
0x281: {  	[tilespmem:$0x3580] =	vst v16;
	v25 =	vld [tilespmem:$0x1FD00];
	v26 =	vsel vm5, v3, v2;
	v2 =	vadd.s32 v54, v20;
	v3 =	vand.u32 $0x7F, v53  }
0x282: {  	[tilespmem:$0x3590] =	vst v21;
	v7 =	vsel vm6, $0x3F800000, v60;
	v2 =	vor.u32 v3, v2;
	v3 =	vshra.s32 v53, $0x9;
	v53 =	vld [tilespmem:$0x820]  }
0x283: {  	[tilespmem:$0x35A0] =	vst v31;
	v54 =	vld [tilespmem:$0x1820];
	v55 =	vshll.u32 v55, $0x7;
	v46 =	vshll.u32 v4, $0xA;
	vm6 =	veq.s32 v3, v0  }
0x284: {  	[tilespmem:$0x35B0] =	vst v19;
	v23 =	vld [tilespmem:$0x1FD20];
	v3 =	vsub.s32 v2, v1;
	v2 =	vand.u32 $0x7FFFF, v2;
	v6 =	vand.u32 $0xFFFE0000, v46  }
0x285: {  	[tilespmem:$0x2560] =	vst v52;
	v52 =	vld [tilespmem:$0x1FD10];
	v20 =	vsel vm6, v3, v2;
	v2 =	vadd.s32 v55, v6;
	v3 =	vand.u32 $0x7F, v4  }
0x286: {  	[tilespmem:$0x2570] =	vst v25;
	v25 =	vsel vm7, $0x3F800000, v60;
	v55 =	vld [tilespmem:$0x1830];
	v2 =	vor.u32 v3, v2;
	v3 =	vshra.s32 v4, $0x9  }
0x287: {  	[tilespmem:$0x2600] =	vst v63;
	v4 =	vld [tilespmem:$0x830];
	vm7 =	veq.s32 v3, v0;
	v3 =	vsub.s32 v2, v1;
	v46 =	vshll.u32 v53, $0xA  }
0x288: {  	[tilespmem:$0x2610] =	vst v62;
	v2 =	vand.u32 $0x7FFFF, v2;
	v54 =	vshll.u32 v54, $0x7;
	v6 =	vand.u32 $0xFFFE0000, v46  }
0x289: {  	[tilespmem:$0x2620] =	vst v61;
	v21 =	vld [tilespmem:$0x1FD40];
	v18 =	vsel vm7, v3, v2;
	v3 =	vand.u32 $0x7F, v53;
	v2 =	vadd.s32 v54, v6  }
0x28a: {  	[tilespmem:$0x2550] =	vst v24;
	v2 =	vor.u32 v3, v2;
	v3 =	vshra.s32 v53, $0x9;
	v53 =	vld [tilespmem:$0x840]  }
0x28b: {  	v31 =	vld [tilespmem:$0x1FD50];
	[tilespmem:$0x2590] =	vst v23;
	v23 =	vsel vm8, $0x3F800000, v60  }
0x28c: {  	[tilespmem:$0x2580] =	vst v52;
	v52 =	vld [tilespmem:$0x1FD30];
	v55 =	vshll.u32 v55, $0x7;
	v24 =	vshll.u32 v4, $0xA;
	vm8 =	veq.s32 v3, v0  }
0x28d: {  	[tilespmem:$0x2630] =	vst v59;
	v46 =	vld [tilespmem:$0x1840];
	v3 =	vsub.s32 v2, v1;
	v2 =	vand.u32 $0x7FFFF, v2;
	v6 =	vand.u32 $0xFFFE0000, v24  }
0x28e: {  	[tilespmem:$0x2640] =	vst v58;
	v16 =	vsel vm8, v3, v2;
	v2 =	vadd.s32 v55, v6;
	v55 =	vld [tilespmem:$0x850]  }
0x28f: {  	[tilespmem:$0x25B0] =	vst v21;
	v21 =	vsel vm0, $0x3F800000, v60;
	v5 =	vld [tilespmem:$0x1850];
	v3 =	vand.u32 $0x7F, v4;
	v24 =	vshll.u32 v53, $0xA  }
0x290: {  	[tilespmem:$0x2650] =	vst v57;
	v2 =	vor.u32 v3, v2;
	v3 =	vshra.s32 v4, $0x9;
	v4 =	vand.u32 $0xFFFE0000, v24;
	v24 =	vld [tilespmem:$0x1FD70]  }
0x291: {  	[tilespmem:$0x35C0] =	vst v14;
	vm0 =	veq.s32 v3, v0;
	v3 =	vsub.s32 v2, v1;
	v2 =	vand.u32 $0x7FFFF, v2  }
0x292: {  	[tilespmem:$0x25A0] =	vst v52;
	v52 =	vld [tilespmem:$0x1FD60];
	v19 =	vsel vm9, $0x3F800000, v60;
	v14 =	vsel vm0, v3, v2;
	v3 =	vshra.s32 v53, $0x9  }
0x293: {  	[tilespmem:$0x25C0] =	vst v31;
	v46 =	vshll.u32 v46, $0x7;
	vm9 =	veq.s32 v3, v0;
	v6 =	vshll.u32 v55, $0xA  }
0x294: {  	v31 =	vld [tilespmem:$0x860];
	[tilespmem:$0x35D0] =	vst v17;
	v2 =	vadd.s32 v46, v4;
	v46 =	vshll.u32 v5, $0x7;
	v3 =	vand.u32 $0xFFFE0000, v6  }
0x295: {  	v17 =	vand.u32 $0x7F, v55;
	v3 =	vadd.s32 v46, v3;
	[tilespmem:$0x25E0] =	vst v24;
	v24 =	vld [tilespmem:$0x1FD80]  }
0x296: {  	[tilespmem:$0x2660] =	vst v56;
	v54 =	vand.u32 $0x7F, v53;
	v53 =	vld [tilespmem:$0x1860];
	v3 =	vor.u32 v17, v3  }
0x297: {  	[tilespmem:$0x25D0] =	vst v52;
	v2 =	vor.u32 v54, v2;
	v52 =	vsub.s32 v3, v1;
	v54 =	vand.u32 $0x7FFFF, v3;
	v3 =	vld [tilespmem:$0x1FD90]  }
0x298: {  	[tilespmem:$0x3690] =	vst v47;
	v5 =	vshra.s32 v55, $0x9;
	v6 =	vsel vm13, $0x3F800000, v60  }
0x299: {  	[tilespmem:$0x35E0] =	vst v13;
	vm13 =	veq.s32 v5, v0;
	v46 =	vsub.s32 v2, v1;
	v2 =	vand.u32 $0x7FFFF, v2  }
0x29a: {  	v13 =	vsel vm9, v46, v2;
	v2 =	vshll.u32 v31, $0xA;
	[tilespmem:$0x25F0] =	vst v24;
	v24 =	vsel vm13, v52, v54;
	v54 =	vld [tilespmem:$0x870]  }
0x29b: {  	[tilespmem:$0x3610] =	vst v8;
	v55 =	vshll.u32 v53, $0x7;
	v53 =	vld [tilespmem:$0x1870];
	v2 =	vand.u32 $0xFFFE0000, v2  }
0x29c: {  	v63 =	vand.u32 $0x7F, v31;
	v2 =	vadd.s32 v55, v2;
	[tilespmem:$0x2670] =	vst v3;
	v3 =	vld [tilespmem:$0x1FDA0]  }
0x29d: {  	[tilespmem:$0x3680] =	vst v49;
	v4 =	vsel vm14, $0x3F800000, v60;
	v31 =	vshra.s32 v31, $0x9;
	v55 =	vld [tilespmem:$0x880];
	v2 =	vor.u32 v63, v2  }
0x29e: {  	[tilespmem:$0x35F0] =	vst v10;
	vm14 =	veq.s32 v31, v0;
	v46 =	vsub.s32 v2, v1;
	v2 =	vand.u32 $0x7FFFF, v2;
	v52 =	vld [tilespmem:$0x1880]  }
0x29f: {  	[tilespmem:$0x3600] =	vst v9;
	v46 =	vsel vm14, v46, v2;
	v2 =	vshra.s32 v54, $0x9  }
0x2a0: {  	[tilespmem:$0x3620] =	vst v22;
	v5 =	vsel vm15, $0x3F800000, v60;
	vm15 =	veq.s32 v2, v0;
	v2 =	vshll.u32 v54, $0xA  }
0x2a1: {  	v53 =	vshll.u32 v53, $0x7;
	[tilespmem:$0x2680] =	vst v3;
	v3 =	vld [tilespmem:$0x1FDB0];
	v2 =	vand.u32 $0xFFFE0000, v2  }
0x2a2: {  	[tilespmem:$0x3710] =	vst v25;
	v10 =	vshll.u32 v55, $0xA;
	v54 =	vand.u32 $0x7F, v54;
	v2 =	vadd.s32 v53, v2  }
0x2a3: {  	[tilespmem:$0x3640] =	vst v12;
	v12 =	vand.u32 $0xFFFE0000, v10;
	v31 =	vshll.u32 v52, $0x7;
	v2 =	vor.u32 v54, v2;
	v54 =	vld [tilespmem:$0x890]  }
0x2a4: {  	[tilespmem:$0x3630] =	vst v15;
	v22 =	vshra.s32 v55, $0x9;
	v53 =	vadd.s32 v31, v12;
	v12 =	vld [tilespmem:$0x1890]  }
0x2a5: {  	[tilespmem:$0x3650] =	vst v11;
	v58 =	vsel vm4, $0x3F800000, v60;
	vm4 =	veq.s32 v22, v0;
	v22 =	vand.u32 $0x7F, v55  }
0x2a6: {  	v11 =	vor.u32 v22, v53;
	[tilespmem:$0x2690] =	vst v3;
	v3 =	vld [tilespmem:$0x1FDC0]  }
0x2a7: {  	[tilespmem:$0x3660] =	vst v27;
	v27 =	vld [tilespmem:$0x18A0];
	v31 =	vsub.s32 v2, v1;
	v2 =	vand.u32 $0x7FFFF, v2;
	v22 =	vsub.s32 v11, v1  }
0x2a8: {  	[tilespmem:$0x2760] =	vst v44;
	v44 =	vld [tilespmem:$0x1910];
	v11 =	vand.u32 $0x7FFFF, v11;
	v15 =	vsel vm15, v31, v2;
	v2 =	vshll.u32 v54, $0xA  }
0x2a9: {  	[tilespmem:$0x2780] =	vst v42;
	v22 =	vsel vm4, v22, v11;
	v11 =	vld [tilespmem:$0x8A0];
	v12 =	vshll.u32 v12, $0x7;
	v2 =	vand.u32 $0xFFFE0000, v2  }
0x2aa: {  	v42 =	vld [tilespmem:$0x1920];
	[tilespmem:$0x2790] =	vst v40;
	v31 =	vand.u32 $0x7F, v54;
	v2 =	vadd.s32 v12, v2  }
0x2ab: {  	v49 =	vsel vm9, $0x3F800000, v60;
	v52 =	vshra.s32 v54, $0x9;
	[tilespmem:$0x26A0] =	vst v3;
	v3 =	vld [tilespmem:$0x1FDD0];
	v2 =	vor.u32 v31, v2  }
0x2ac: {  	[tilespmem:$0x27A0] =	vst v39;
	vm9 =	veq.s32 v52, v0;
	v31 =	vld [tilespmem:$0x8B0];
	v54 =	vsub.s32 v2, v1;
	v2 =	vand.u32 $0x7FFFF, v2  }
0x2ad: {  	[tilespmem:$0x36C0] =	vst v41;
	v12 =	vsel vm9, v54, v2;
	v54 =	vld [tilespmem:$0x18B0]  }
0x2ae: {  	[tilespmem:$0x27B0] =	vst v37;
	v37 =	vld [tilespmem:$0x940];
	v62 =	vsel vm2, $0x3F800000, v60;
	v2 =	vshll.u32 v11, $0xA  }
0x2af: {  	v27 =	vshll.u32 v27, $0x7;
	[tilespmem:$0x37C0] =	vst v62;
	v62 =	vld [tilespmem:$0x950];
	v2 =	vand.u32 $0xFFFE0000, v2  }
0x2b0: {  	v44 =	vshll.u32 v44, $0x7;
	[tilespmem:$0x37E0] =	vst v58;
	v58 =	vld [tilespmem:$0x1960];
	v56 =	vand.u32 $0x7F, v11;
	v2 =	vadd.s32 v27, v2  }
0x2b1: {  	v61 =	vsel vm3, $0x3F800000, v60;
	[tilespmem:$0x26B0] =	vst v3;
	v3 =	vld [tilespmem:$0x1FDE0];
	v2 =	vor.u32 v56, v2;
	v56 =	vshll.u32 v31, $0xA  }
0x2b2: {  	v9 =	vsel vm11, $0x3F800000, v60;
	[tilespmem:$0x37D0] =	vst v61;
	v41 =	vand.u32 $0xFFFE0000, v56;
	v56 =	vshll.u32 v54, $0x7;
	v54 =	vld [tilespmem:$0x1FDF0]  }
0x2b3: {  	v40 =	vshll.u32 v42, $0x7;
	v8 =	vsel vm10, $0x3F800000, v60;
	v39 =	vshll.u32 v37, $0xA;
	[tilespmem:$0x36E0] =	vst v36  }
0x2b4: {  	v36 =	vld [tilespmem:$0x1FE10];
	v61 =	vand.u32 $0x7F, v62;
	[tilespmem:$0x27E0] =	vst v28;
	v28 =	vand.u32 $0xFFFE0000, v39;
	v59 =	vsel vm5, $0x3F800000, v60  }
0x2b5: {  	[tilespmem:$0x3670] =	vst v51;
	v39 =	vshll.u32 v58, $0x7;
	v57 =	vsel vm6, $0x3F800000, v60;
	v52 =	vld [tilespmem:$0x8C0];
	v27 =	vshra.s32 v11, $0x9  }
0x2b6: {  	vm11 =	veq.s32 v27, v0;
	v27 =	vsub.s32 v2, v1;
	v2 =	vand.u32 $0x7FFFF, v2;
	[tilespmem:$0x26C0] =	vst v3;
	v3 =	vld [tilespmem:$0x18C0]  }
0x2b7: {  	v51 =	vsel vm0, $0x3F800000, v60;
	v17 =	vsel vm12, $0x3F800000, v60;
	[tilespmem:$0x26D0] =	vst v54;
	v54 =	vsel vm11, v27, v2  }
0x2b8: {  	[tilespmem:$0x36A0] =	vst v45;
	v2 =	vadd.s32 v56, v41;
	v41 =	vand.u32 $0x7F, v31;
	v31 =	vshra.s32 v31, $0x9;
	v56 =	vld [tilespmem:$0x1FE00]  }
0x2b9: {  	[tilespmem:$0x36B0] =	vst v43;
	v47 =	vsel vm14, $0x3F800000, v60;
	v2 =	vor.u32 v41, v2;
	v41 =	vld [tilespmem:$0x8D0];
	vm12 =	veq.s32 v31, v0  }
0x2ba: {  	[tilespmem:$0x2860] =	vst v46;
	v46 =	vld [tilespmem:$0x9B0];
	v31 =	vshll.u32 v52, $0xA;
	v27 =	vsub.s32 v2, v1;
	v2 =	vand.u32 $0x7FFFF, v2  }
0x2bb: {  	[tilespmem:$0x26F0] =	vst v36;
	v3 =	vshll.u32 v3, $0x7;
	v31 =	vand.u32 $0xFFFE0000, v31;
	v36 =	vsel vm12, v27, v2  }
0x2bc: {  	[tilespmem:$0x3700] =	vst v7;
	v2 =	vadd.s32 v3, v31;
	v3 =	vand.u32 $0x7F, v52;
	v31 =	vshra.s32 v52, $0x9;
	v52 =	vld [tilespmem:$0x1FE20]  }
0x2bd: {  	v63 =	vsel vm1, $0x3F800000, v60;
	v10 =	vsel vm7, $0x3F800000, v60;
	v55 =	vsel vm8, $0x3F800000, v60;
	[tilespmem:$0x26E0] =	vst v56;
	v56 =	vld [tilespmem:$0x18D0]  }
0x2be: {  	[tilespmem:$0x36F0] =	vst v32;
	v45 =	vsel vm15, $0x3F800000, v60;
	v53 =	vsel vm13, $0x3F800000, v60;
	v32 =	vshll.u32 v41, $0xA  }
0x2bf: {  	[tilespmem:$0x2880] =	vst v22;
	v22 =	vshra.s32 v46, $0x9;
	v43 =	vsel vm9, $0x3F800000, v60;
	v7 =	vand.u32 $0xFFFE0000, v32;
	v32 =	vld [tilespmem:$0x1FE30]  }
0x2c0: {  	[tilespmem:$0x36D0] =	vst v38;
	v11 =	vsel vm4, $0x3F800000, v60;
	v38 =	vsel vm11, $0x3F800000, v60;
	v2 =	vor.u32 v3, v2;
	v3 =	vld [tilespmem:$0x8E0]  }
0x2c1: {  	[tilespmem:$0x28A0] =	vst v54;
	v54 =	vshll.u32 v46, $0xA;
	v27 =	vsel vm12, $0x3F800000, v60;
	vm13 =	veq.s32 v31, v0  }
0x2c2: {  	v31 =	vsub.s32 v2, v1;
	v2 =	vand.u32 $0x7FFFF, v2;
	[tilespmem:$0x2700] =	vst v52;
	v52 =	vld [tilespmem:$0x18E0];
	v56 =	vshll.u32 v56, $0x7  }
0x2c3: {  	[tilespmem:$0x2720] =	vst v50;
	v7 =	vadd.s32 v56, v7;
	v56 =	vand.u32 $0x7F, v41;
	v41 =	vshra.s32 v41, $0x9  }
0x2c4: {  	v50 =	vld [tilespmem:$0x18F0];
	[tilespmem:$0x2710] =	vst v32;
	v32 =	vsel vm13, v31, v2;
	v2 =	vsel vm13, $0x3F800000, v60;
	v7 =	vor.u32 v56, v7  }
0x2c5: {  	[tilespmem:$0x3720] =	vst v23;
	v31 =	vld [tilespmem:$0x8F0];
	vm14 =	veq.s32 v41, v0;
	v56 =	vshll.u32 v3, $0xA;
	v41 =	vand.u32 $0x7F, v3  }
0x2c6: {  	[tilespmem:$0x3730] =	vst v21;
	v3 =	vshra.s32 v3, $0x9;
	v25 =	vsub.s32 v7, v1;
	v7 =	vand.u32 $0x7FFFF, v7  }
0x2c7: {  	v21 =	vld [tilespmem:$0x900];
	[tilespmem:$0x2730] =	vst v35;
	v56 =	vand.u32 $0xFFFE0000, v56;
	v52 =	vshll.u32 v52, $0x7;
	v35 =	vsel vm14, $0x3F800000, v60  }
0x2c8: {  	[tilespmem:$0x3740] =	vst v19;
	vm15 =	veq.s32 v3, v0;
	v25 =	vsel vm14, v25, v7;
	v56 =	vadd.s32 v52, v56  }
0x2c9: {  	[tilespmem:$0x2740] =	vst v48;
	v23 =	vsel vm15, $0x3F800000, v60;
	v7 =	vor.u32 v41, v56;
	v41 =	vld [tilespmem:$0x1900];
	v56 =	vshll.u32 v50, $0x7  }
0x2ca: {  	[tilespmem:$0x2750] =	vst v30;
	v3 =	vsub.s32 v7, v1;
	v7 =	vand.u32 $0x7FFFF, v7;
	v48 =	vshll.u32 v31, $0xA  }
0x2cb: {  	[tilespmem:$0x3750] =	vst v6;
	v6 =	vld [tilespmem:$0x920];
	v30 =	vsel vm15, v3, v7;
	v19 =	vand.u32 $0x7F, v31;
	v52 =	vand.u32 $0xFFFE0000, v48  }
0x2cc: {  	v7 =	vld [tilespmem:$0x910];
	v48 =	vshra.s32 v31, $0x9;
	v3 =	vadd.s32 v56, v52;
	v52 =	vshll.u32 v21, $0xA  }
0x2cd: {  	vm4 =	veq.s32 v48, v0;
	v3 =	vor.u32 v19, v3;
	v56 =	vand.u32 $0xFFFE0000, v52  }
0x2ce: {  	[tilespmem:$0x2770] =	vst v33;
	v48 =	vshll.u32 v41, $0x7;
	v33 =	vsel vm4, $0x3F800000, v60;
	v52 =	vshra.s32 v21, $0x9  }
0x2cf: {  	v50 =	vsub.s32 v3, v1;
	v3 =	vand.u32 $0x7FFFF, v3;
	vm5 =	veq.s32 v52, v0  }
0x2d0: {  	v52 =	vshll.u32 v6, $0xA;
	v31 =	vsel vm4, v50, v3;
	v3 =	vadd.s32 v48, v56  }
0x2d1: {  	v50 =	vand.u32 $0x7F, v21;
	v41 =	vshll.u32 v7, $0xA;
	vm4 =	veq.s32 v22, v0  }
0x2d2: {  	[tilespmem:$0x3760] =	vst v5;
	v3 =	vor.u32 v50, v3;
	v5 =	vand.u32 $0xFFFE0000, v41;
	v50 =	vand.u32 $0x7F, v7  }
0x2d3: {  	v7 =	vshra.s32 v7, $0x9;
	v41 =	vand.u32 $0x7F, v6;
	v6 =	vshra.s32 v6, $0x9  }
0x2d4: {  	v21 =	vld [tilespmem:$0x930];
	v56 =	vsub.s32 v3, v1;
	v3 =	vand.u32 $0x7FFFF, v3;
	v48 =	vadd.s32 v44, v5  }
0x2d5: {  	[tilespmem:$0x3770] =	vst v4;
	vm6 =	veq.s32 v7, v0;
	v7 =	vand.u32 $0xFFFE0000, v52;
	vm7 =	veq.s32 v6, v0  }
0x2d6: {  	[tilespmem:$0x3780] =	vst v17;
	v17 =	vsel vm5, v56, v3;
	v3 =	vsel vm5, $0x3F800000, v60;
	v4 =	vor.u32 v50, v48;
	v56 =	vld [tilespmem:$0x1930]  }
0x2d7: {  	v7 =	vadd.s32 v40, v7;
	v48 =	vld [tilespmem:$0x1940];
	v5 =	vsub.s32 v4, v1;
	v4 =	vand.u32 $0x7FFFF, v4  }
0x2d8: {  	v40 =	vld [tilespmem:$0x1950];
	v7 =	vor.u32 v41, v7;
	v4 =	vsel vm6, v5, v4;
	v5 =	vsel vm6, $0x3F800000, v60  }
0x2d9: {  	[tilespmem:$0x3790] =	vst v9;
	v42 =	vsub.s32 v7, v1;
	v44 =	vshll.u32 v21, $0xA;
	v7 =	vand.u32 $0x7FFFF, v7  }
0x2da: {  	[tilespmem:$0x37A0] =	vst v8;
	v8 =	vand.u32 $0xFFFE0000, v44;
	v9 =	vsel vm7, v42, v7;
	v7 =	vshra.s32 v62, $0x9  }
0x2db: {  	v44 =	vand.u32 $0x7F, v37;
	vm10 =	veq.s32 v7, v0;
	v50 =	vshll.u32 v56, $0x7  }
0x2dc: {  	[tilespmem:$0x27D0] =	vst v29;
	v56 =	vand.u32 $0x7F, v21;
	v21 =	vshra.s32 v21, $0x9;
	v41 =	vshll.u32 v48, $0x7  }
0x2dd: {  	[tilespmem:$0x37F0] =	vst v59;
	v48 =	vshra.s32 v37, $0x9;
	v29 =	vshll.u32 v40, $0x7;
	v52 =	vadd.s32 v50, v8  }
0x2de: {  	[tilespmem:$0x2800] =	vst v20;
	v37 =	vld [tilespmem:$0x1970];
	v8 =	vsel vm7, $0x3F800000, v60;
	vm8 =	veq.s32 v21, v0;
	v42 =	vadd.s32 v41, v28  }
0x2df: {  	[tilespmem:$0x3800] =	vst v57;
	v50 =	vld [tilespmem:$0x960];
	vm9 =	veq.s32 v48, v0;
	v6 =	vor.u32 v56, v52;
	v21 =	vsel vm8, $0x3F800000, v60  }
0x2e0: {  	[tilespmem:$0x37B0] =	vst v63;
	v56 =	vshll.u32 v62, $0xA;
	v63 =	vsub.s32 v6, v1;
	v6 =	vand.u32 $0x7FFFF, v6  }
0x2e1: {  	[tilespmem:$0x2810] =	vst v18;
	v18 =	vsel vm9, $0x3F800000, v60;
	v19 =	vsel vm8, v63, v6;
	v6 =	vor.u32 v44, v42  }
0x2e2: {  	[tilespmem:$0x2820] =	vst v16;
	v62 =	vld [tilespmem:$0x970];
	v28 =	vand.u32 $0xFFFE0000, v56;
	v52 =	vsub.s32 v6, v1;
	v6 =	vand.u32 $0x7FFFF, v6  }
0x2e3: {  	[tilespmem:$0x2830] =	vst v14;
	v59 =	vadd.s32 v29, v28;
	v29 =	vshll.u32 v37, $0x7;
	v20 =	vsel vm9, v52, v6  }
0x2e4: {  	[tilespmem:$0x3830] =	vst v51;
	v56 =	vld [tilespmem:$0x990];
	v6 =	vor.u32 v61, v59;
	v16 =	vshll.u32 v50, $0xA;
	v41 =	vand.u32 $0x7F, v50  }
0x2e5: {  	[tilespmem:$0x3840] =	vst v49;
	v42 =	vshra.s32 v50, $0x9;
	v63 =	vsub.s32 v6, v1;
	v6 =	vand.u32 $0x7FFFF, v6  }
0x2e6: {  	[tilespmem:$0x3810] =	vst v10;
	v44 =	vld [tilespmem:$0x980];
	v10 =	vand.u32 $0xFFFE0000, v16;
	v16 =	vsel vm10, $0x3F800000, v60;
	vm11 =	veq.s32 v42, v0  }
0x2e7: {  	v58 =	vld [tilespmem:$0x1990];
	[tilespmem:$0x3820] =	vst v55;
	v48 =	vshll.u32 v62, $0xA;
	v52 =	vand.u32 $0x7F, v62;
	v55 =	vshra.s32 v62, $0x9  }
0x2e8: {  	v49 =	vld [tilespmem:$0x19B0];
	[tilespmem:$0x3870] =	vst v45;
	v14 =	vsel vm10, v63, v6;
	v40 =	vadd.s32 v39, v10;
	v10 =	vand.u32 $0xFFFE0000, v48  }
0x2e9: {  	[tilespmem:$0x3890] =	vst v43;
	v43 =	vld [tilespmem:$0x19E0];
	vm12 =	veq.s32 v55, v0;
	v37 =	vshll.u32 v56, $0xA;
	v45 =	vshra.s32 v56, $0x9  }
0x2ea: {  	[tilespmem:$0x28E0] =	vst v30;
	v30 =	vld [tilespmem:$0xA10];
	v6 =	vor.u32 v41, v40;
	v51 =	vadd.s32 v29, v10;
	v10 =	vsel vm11, $0x3F800000, v60  }
0x2eb: {  	[tilespmem:$0x2870] =	vst v15;
	v57 =	vshll.u32 v44, $0xA;
	v61 =	vand.u32 $0x7F, v44;
	v15 =	vsel vm12, $0x3F800000, v60  }
0x2ec: {  	[tilespmem:$0x27F0] =	vst v26;
	v26 =	vshra.s32 v44, $0x9;
	v40 =	vand.u32 $0xFFFE0000, v37;
	v41 =	vshll.u32 v58, $0x7  }
0x2ed: {  	v50 =	vld [tilespmem:$0x1980];
	v44 =	vand.u32 $0x7F, v56;
	vm14 =	veq.s32 v45, v0;
	v56 =	vand.u32 $0xFFFE0000, v54  }
0x2ee: {  	v29 =	vshll.u32 v49, $0x7;
	v58 =	vand.u32 $0x7F, v46;
	v54 =	vshll.u32 v43, $0x7  }
0x2ef: {  	[tilespmem:$0x27C0] =	vst v34;
	v62 =	vld [tilespmem:$0x9A0];
	v43 =	vshll.u32 v30, $0xA;
	v7 =	vsub.s32 v6, v1;
	v6 =	vand.u32 $0x7FFFF, v6  }
0x2f0: {  	[tilespmem:$0x2850] =	vst v24;
	v24 =	vand.u32 $0xFFFE0000, v57;
	vm13 =	veq.s32 v26, v0;
	v42 =	vadd.s32 v41, v40  }
0x2f1: {  	[tilespmem:$0x38B0] =	vst v27;
	v39 =	vld [tilespmem:$0x19A0];
	v27 =	vsel vm14, $0x3F800000, v60;
	v57 =	vadd.s32 v29, v56;
	v29 =	vsel vm4, $0x3F800000, v60  }
0x2f2: {  	[tilespmem:$0x2840] =	vst v13;
	v55 =	vld [tilespmem:$0x19C0];
	v13 =	vsel vm11, v7, v6;
	v6 =	vor.u32 v52, v51;
	v34 =	vshll.u32 v50, $0x7  }
0x2f3: {  	[tilespmem:$0x3880] =	vst v11;
	v11 =	vsel vm13, $0x3F800000, v60;
	v7 =	vsub.s32 v6, v1;
	v6 =	vand.u32 $0x7FFFF, v6  }
0x2f4: {  	v49 =	vld [tilespmem:$0x9F0];
	v59 =	vadd.s32 v34, v24;
	v48 =	vshll.u32 v62, $0xA;
	v51 =	vand.u32 $0x7F, v62  }
0x2f5: {  	v24 =	vshra.s32 v62, $0x9;
	v7 =	vsel vm12, v7, v6;
	v6 =	vor.u32 v61, v59  }
0x2f6: {  	v40 =	vld [tilespmem:$0x9E0];
	v28 =	vand.u32 $0xFFFE0000, v48;
	v34 =	vshll.u32 v39, $0x7;
	vm15 =	veq.s32 v24, v0  }
0x2f7: {  	[tilespmem:$0x38D0] =	vst v35;
	v24 =	vor.u32 v58, v57;
	v37 =	vshll.u32 v55, $0x7;
	v63 =	vsub.s32 v6, v1  }
0x2f8: {  	[tilespmem:$0x28D0] =	vst v25;
	v6 =	vand.u32 $0x7FFFF, v6;
	v50 =	vadd.s32 v34, v28;
	v61 =	vsub.s32 v24, v1  }
0x2f9: {  	[tilespmem:$0x2900] =	vst v17;
	v52 =	vld [tilespmem:$0x9C0];
	v35 =	vand.u32 $0x7FFFF, v24;
	v25 =	vand.u32 $0x7F, v49;
	v17 =	vshra.s32 v49, $0x9  }
0x2fa: {  	[tilespmem:$0x2890] =	vst v12;
	v12 =	vsel vm13, v63, v6;
	v6 =	vor.u32 v44, v42;
	v26 =	vor.u32 v51, v50  }
0x2fb: {  	[tilespmem:$0x3860] =	vst v47;
	v22 =	vsel vm4, v61, v35;
	v51 =	vshll.u32 v40, $0xA;
	v55 =	vand.u32 $0x7F, v40  }
0x2fc: {  	[tilespmem:$0x3850] =	vst v53;
	v56 =	vshra.s32 v40, $0x9;
	vm8 =	veq.s32 v17, v0;
	v47 =	vsub.s32 v6, v1  }
0x2fd: {  	[tilespmem:$0x38C0] =	vst v2;
	v59 =	vld [tilespmem:$0x9D0];
	v6 =	vand.u32 $0x7FFFF, v6;
	v53 =	vsub.s32 v26, v1;
	v2 =	vand.u32 $0x7FFFF, v26  }
0x2fe: {  	v26 =	vsel vm15, $0x3F800000, v60;
	v62 =	vshll.u32 v52, $0xA;
	v39 =	vand.u32 $0x7F, v52  }
0x2ff: {  	v57 =	vld [tilespmem:$0xA00];
	v28 =	vshra.s32 v52, $0x9;
	vm7 =	veq.s32 v56, v0;
	v40 =	vsel vm8, $0x3F800000, v60  }
0x300: {  	[tilespmem:$0x28B0] =	vst v36;
	v6 =	vsel vm14, v47, v6;
	v2 =	vsel vm15, v53, v2;
	v36 =	vand.u32 $0xFFFE0000, v62  }
0x301: {  	[tilespmem:$0x38A0] =	vst v38;
	vm5 =	veq.s32 v28, v0;
	v53 =	vand.u32 $0xFFFE0000, v51;
	v28 =	vsel vm7, $0x3F800000, v60  }
0x302: {  	[tilespmem:$0x28C0] =	vst v32;
	v51 =	vshra.s32 v30, $0x9;
	v38 =	vadd.s32 v37, v36;
	v42 =	vshll.u32 v59, $0xA  }
0x303: {  	[tilespmem:$0x3910] =	vst v5;
	v47 =	vand.u32 $0x7F, v59;
	v5 =	vsel vm5, $0x3F800000, v60;
	v48 =	vshra.s32 v59, $0x9  }
0x304: {  	[tilespmem:$0x3920] =	vst v8;
	v63 =	vld [tilespmem:$0x19D0];
	v8 =	vadd.s32 v54, v53;
	v59 =	vshll.u32 v49, $0xA;
	v32 =	vshll.u32 v57, $0xA  }
0x305: {  	[tilespmem:$0x2920] =	vst v9;
	v9 =	vshra.s32 v57, $0x9;
	v49 =	vand.u32 $0x7F, v30;
	vm10 =	veq.s32 v51, v0  }
0x306: {  	[tilespmem:$0x38E0] =	vst v23;
	v61 =	vld [tilespmem:$0x1A00];
	v23 =	vor.u32 v39, v38;
	v44 =	vand.u32 $0xFFFE0000, v42;
	vm6 =	veq.s32 v48, v0  }
0x307: {  	v52 =	vld [tilespmem:$0x19F0];
	v8 =	vor.u32 v55, v8;
	v62 =	vand.u32 $0xFFFE0000, v59;
	v35 =	vand.u32 $0xFFFE0000, v32  }
0x308: {  	[tilespmem:$0x38F0] =	vst v33;
	v39 =	vand.u32 $0x7F, v57;
	vm9 =	veq.s32 v9, v0;
	v57 =	vsel vm10, $0x3F800000, v60  }
0x309: {  	v33 =	vld [tilespmem:$0x1A10];
	[tilespmem:$0x3900] =	vst v3;
	v41 =	vsub.s32 v23, v1;
	v3 =	vand.u32 $0x7FFFF, v23;
	v45 =	vshll.u32 v63, $0x7  }
0x30a: {  	[tilespmem:$0x2930] =	vst v19;
	v19 =	vsel vm6, $0x3F800000, v60;
	v58 =	vsub.s32 v8, v1;
	v8 =	vand.u32 $0x7FFFF, v8  }
0x30b: {  	[tilespmem:$0x28F0] =	vst v31;
	v54 =	vld [tilespmem:$0x1A30];
	v36 =	vshll.u32 v61, $0x7;
	v3 =	vsel vm5, v41, v3;
	v46 =	vadd.s32 v45, v44  }
0x30c: {  	[tilespmem:$0x3990] =	vst v27;
	v27 =	vld [tilespmem:$0x1A50];
	v63 =	vshll.u32 v52, $0x7;
	v8 =	vsel vm7, v58, v8;
	v38 =	vadd.s32 v36, v35  }
0x30d: {  	[tilespmem:$0x2910] =	vst v4;
	v32 =	vld [tilespmem:$0xA60];
	v45 =	vand.u32 $0xFFFE0000, v43;
	v4 =	vor.u32 v47, v46;
	v24 =	vadd.s32 v63, v62  }
0x30e: {  	[tilespmem:$0x3960] =	vst v10;
	v61 =	vld [tilespmem:$0x1A40];
	v10 =	vor.u32 v39, v38;
	v46 =	vshll.u32 v33, $0x7;
	v50 =	vsub.s32 v4, v1  }
0x30f: {  	[tilespmem:$0x2950] =	vst v14;
	v41 =	vld [tilespmem:$0xA20];
	v4 =	vand.u32 $0x7FFFF, v4;
	v14 =	vor.u32 v25, v24;
	v42 =	vsub.s32 v10, v1  }
0x310: {  	[tilespmem:$0x2940] =	vst v20;
	v44 =	vld [tilespmem:$0x1A20];
	v10 =	vand.u32 $0x7FFFF, v10;
	v48 =	vadd.s32 v46, v45;
	v20 =	vshll.u32 v54, $0x7  }
0x311: {  	[tilespmem:$0x3940] =	vst v18;
	v52 =	vld [tilespmem:$0xA30];
	v4 =	vsel vm6, v50, v4;
	v31 =	vsub.s32 v14, v1;
	v34 =	vand.u32 $0x7FFFF, v14  }
0x312: {  	[tilespmem:$0x3970] =	vst v15;
	v58 =	vld [tilespmem:$0xA40];
	v47 =	vsel vm9, v42, v10;
	v50 =	vsel vm9, $0x3F800000, v60;
	v9 =	vor.u32 v49, v48  }
0x313: {  	v35 =	vld [tilespmem:$0x1A60];
	[tilespmem:$0x29E0] =	vst v8;
	v42 =	vshll.u32 v32, $0xA;
	v46 =	vand.u32 $0x7F, v32;
	v8 =	vshra.s32 v32, $0x9  }
0x314: {  	[tilespmem:$0x29A0] =	vst v2;
	v43 =	vld [tilespmem:$0x1A70];
	v37 =	vsel vm8, v31, v34;
	v2 =	vsub.s32 v9, v1;
	v9 =	vand.u32 $0x7FFFF, v9  }
0x315: {  	[tilespmem:$0x39E0] =	vst v28;
	v28 =	vshll.u32 v61, $0x7;
	vm15 =	veq.s32 v8, v0;
	v53 =	vshll.u32 v41, $0xA  }
0x316: {  	[tilespmem:$0x2960] =	vst v13;
	v15 =	vshll.u32 v44, $0x7;
	v2 =	vsel vm10, v2, v9;
	v56 =	vand.u32 $0x7F, v41  }
0x317: {  	[tilespmem:$0x29B0] =	vst v22;
	v13 =	vshra.s32 v41, $0x9;
	v59 =	vshll.u32 v52, $0xA;
	v22 =	vand.u32 $0x7F, v52  }
0x318: {  	[tilespmem:$0x39A0] =	vst v26;
	v10 =	vshra.s32 v52, $0x9;
	v26 =	vshll.u32 v58, $0xA;
	v30 =	vand.u32 $0x7F, v58  }
0x319: {  	v24 =	vld [tilespmem:$0xA50];
	[tilespmem:$0x29F0] =	vst v37;
	v37 =	vshll.u32 v27, $0x7;
	v44 =	vshll.u32 v35, $0x7;
	v49 =	vshll.u32 v43, $0x7  }
0x31a: {  	v18 =	vld [tilespmem:$0xAD0];
	[tilespmem:$0x2980] =	vst v12;
	v51 =	vsel vm15, $0x3F800000, v60;
	v12 =	vand.u32 $0xFFFE0000, v53;
	vm11 =	veq.s32 v13, v0  }
0x31b: {  	[tilespmem:$0x3930] =	vst v21;
	v63 =	vand.u32 $0xFFFE0000, v59;
	vm12 =	veq.s32 v10, v0;
	v10 =	vand.u32 $0xFFFE0000, v26  }
0x31c: {  	[tilespmem:$0x39B0] =	vst v29;
	v55 =	vadd.s32 v15, v12;
	v21 =	vadd.s32 v20, v63;
	v23 =	vsel vm11, $0x3F800000, v60  }
0x31d: {  	[tilespmem:$0x2970] =	vst v7;
	v29 =	vadd.s32 v28, v10;
	v31 =	vsel vm12, $0x3F800000, v60;
	v12 =	vshra.s32 v58, $0x9  }
0x31e: {  	[tilespmem:$0x39C0] =	vst v5;
	v34 =	vshll.u32 v24, $0xA;
	v39 =	vand.u32 $0x7F, v24;
	v5 =	vshra.s32 v24, $0x9  }
0x31f: {  	[tilespmem:$0x29D0] =	vst v4;
	v24 =	vand.u32 $0x7F, v18;
	v9 =	vor.u32 v56, v55;
	v4 =	vor.u32 v22, v21  }
0x320: {  	[tilespmem:$0x2990] =	vst v6;
	v41 =	vld [tilespmem:$0xA70];
	v7 =	vor.u32 v30, v29;
	vm13 =	veq.s32 v12, v0;
	v36 =	vand.u32 $0xFFFE0000, v34  }
0x321: {  	[tilespmem:$0x29C0] =	vst v3;
	vm14 =	veq.s32 v5, v0;
	v5 =	vand.u32 $0xFFFE0000, v42;
	v3 =	vsub.s32 v9, v1  }
0x322: {  	[tilespmem:$0x3A10] =	vst v57;
	v62 =	vand.u32 $0x7FFFF, v9;
	v25 =	vsub.s32 v4, v1;
	v4 =	vand.u32 $0x7FFFF, v4  }
0x323: {  	[tilespmem:$0x3A00] =	vst v50;
	v33 =	vsub.s32 v7, v1;
	v7 =	vand.u32 $0x7FFFF, v7;
	v38 =	vadd.s32 v37, v36  }
0x324: {  	[tilespmem:$0x2A10] =	vst v2;
	v45 =	vadd.s32 v44, v5;
	v3 =	vsel vm11, v3, v62;
	v4 =	vsel vm12, v25, v4  }
0x325: {  	v57 =	vld [tilespmem:$0xAA0];
	v2 =	vsel vm13, v33, v7;
	v6 =	vor.u32 v39, v38;
	v48 =	vshll.u32 v41, $0xA;
	[tilespmem:$0x2A20] =	vst v3  }
0x326: {  	v53 =	vld [tilespmem:$0xA90];
	v50 =	vand.u32 $0x7F, v41;
	v3 =	vsub.s32 v6, v1;
	v6 =	vand.u32 $0x7FFFF, v6;
	[tilespmem:$0x2A30] =	vst v4  }
0x327: {  	v59 =	vld [tilespmem:$0x1AA0];
	v4 =	vor.u32 v46, v45;
	[tilespmem:$0x2A40] =	vst v2;
	v5 =	vand.u32 $0xFFFE0000, v48;
	v3 =	vsel vm14, v3, v6  }
0x328: {  	v13 =	vld [tilespmem:$0xAC0];
	v2 =	vsub.s32 v4, v1;
	v4 =	vand.u32 $0x7FFFF, v4;
	[tilespmem:$0x2A50] =	vst v3;
	v3 =	vadd.s32 v49, v5  }
0x329: {  	[tilespmem:$0x39F0] =	vst v40;
	v55 =	vld [tilespmem:$0x1A90];
	v52 =	vshra.s32 v41, $0x9;
	v2 =	vsel vm15, v2, v4;
	v3 =	vor.u32 v50, v3  }
0x32a: {  	v44 =	vld [tilespmem:$0xB20];
	vm4 =	veq.s32 v52, v0;
	[tilespmem:$0x2A60] =	vst v2;
	v2 =	vsub.s32 v3, v1;
	v3 =	vand.u32 $0x7FFFF, v3  }
0x32b: {  	[tilespmem:$0x2A00] =	vst v47;
	v12 =	vand.u32 $0x7F, v57;
	v22 =	vshll.u32 v18, $0xA;
	v25 =	vld [tilespmem:$0xAF0];
	v2 =	vsel vm4, v2, v3  }
0x32c: {  	v40 =	vsel vm13, $0x3F800000, v60;
	v47 =	vsel vm14, $0x3F800000, v60;
	v33 =	vld [tilespmem:$0xB00];
	[tilespmem:$0x2A70] =	vst v2;
	v2 =	vsel vm4, $0x3F800000, v60  }
0x32d: {  	v62 =	vshll.u32 v57, $0xA;
	v58 =	vshll.u32 v53, $0xA;
	v8 =	vshll.u32 v59, $0x7;
	[tilespmem:$0x3A70] =	vst v2;
	v2 =	vld [tilespmem:$0xA80]  }
0x32e: {  	[tilespmem:$0x39D0] =	vst v19;
	v19 =	vshll.u32 v13, $0xA;
	v7 =	vand.u32 $0xFFFE0000, v58;
	v4 =	vshra.s32 v53, $0x9;
	v3 =	vld [tilespmem:$0x1A80]  }
0x32f: {  	v6 =	vshll.u32 v55, $0x7;
	vm6 =	veq.s32 v4, v0;
	v4 =	vshra.s32 v13, $0x9  }
0x330: {  	v37 =	vsel vm6, $0x3F800000, v60;
	vm9 =	veq.s32 v4, v0;
	v34 =	vshll.u32 v25, $0xA  }
0x331: {  	v4 =	vshra.s32 v25, $0x9;
	v39 =	vshll.u32 v33, $0xA;
	v41 =	vand.u32 $0x7F, v33  }
0x332: {  	v58 =	vsel vm9, $0x3F800000, v60;
	vm12 =	veq.s32 v4, v0;
	v54 =	vshll.u32 v2, $0xA  }
0x333: {  	v4 =	vshra.s32 v44, $0x9;
	v3 =	vshll.u32 v3, $0x7;
	v5 =	vand.u32 $0xFFFE0000, v54  }
0x334: {  	v43 =	vsel vm12, $0x3F800000, v60;
	v56 =	vand.u32 $0x7F, v2;
	v3 =	vadd.s32 v3, v5  }
0x335: {  	vm15 =	veq.s32 v4, v0;
	v2 =	vshra.s32 v2, $0x9;
	v3 =	vor.u32 v56, v3  }
0x336: {  	vm5 =	veq.s32 v2, v0;
	v2 =	vsub.s32 v3, v1;
	v3 =	vand.u32 $0x7FFFF, v3  }
0x337: {  	v29 =	vsel vm5, v2, v3;
	v2 =	vadd.s32 v6, v7;
	v3 =	vand.u32 $0x7F, v53  }
0x338: {  	v54 =	vshll.u32 v44, $0xA;
	v5 =	vshra.s32 v57, $0x9;
	v2 =	vor.u32 v3, v2;
	v3 =	vld [tilespmem:$0xAB0]  }
0x339: {  	v63 =	vld [tilespmem:$0x1AB0];
	v27 =	vsel vm5, $0x3F800000, v60;
	vm7 =	veq.s32 v5, v0;
	v5 =	vshra.s32 v18, $0x9  }
0x33a: {  	v6 =	vand.u32 $0xFFFE0000, v62;
	v61 =	vsub.s32 v2, v1;
	v2 =	vand.u32 $0x7FFFF, v2  }
0x33b: {  	[tilespmem:$0x3950] =	vst v16;
	v16 =	vld [tilespmem:$0x1AC0];
	v49 =	vsel vm7, $0x3F800000, v60;
	v42 =	vsel vm6, v61, v2;
	v2 =	vadd.s32 v8, v6  }
0x33c: {  	vm10 =	veq.s32 v5, v0;
	v5 =	vshra.s32 v33, $0x9;
	v2 =	vor.u32 v12, v2  }
0x33d: {  	v14 =	vsub.s32 v2, v1;
	v2 =	vand.u32 $0x7FFFF, v2;
	v15 =	vshll.u32 v3, $0xA  }
0x33e: {  	[tilespmem:$0x3A60] =	vst v51;
	v20 =	vld [tilespmem:$0x1AD0];
	v7 =	vshll.u32 v63, $0x7;
	v51 =	vsel vm7, v14, v2;
	v6 =	vand.u32 $0xFFFE0000, v15  }
0x33f: {  	v53 =	vld [tilespmem:$0xB30];
	v17 =	vand.u32 $0x7F, v3;
	v3 =	vshra.s32 v3, $0x9;
	v2 =	vadd.s32 v7, v6  }
0x340: {  	v8 =	vshll.u32 v16, $0x7;
	vm8 =	veq.s32 v3, v0;
	v2 =	vor.u32 v17, v2  }
0x341: {  	v6 =	vand.u32 $0xFFFE0000, v19;
	v3 =	vsub.s32 v2, v1;
	v2 =	vand.u32 $0x7FFFF, v2  }
0x342: {  	v57 =	vsel vm8, v3, v2;
	v2 =	vadd.s32 v8, v6;
	v3 =	vand.u32 $0x7F, v13  }
0x343: {  	v32 =	vsel vm10, $0x3F800000, v60;
	vm13 =	veq.s32 v5, v0;
	v2 =	vor.u32 v3, v2;
	v3 =	vld [tilespmem:$0xAE0]  }
0x344: {  	[tilespmem:$0x3A20] =	vst v23;
	v23 =	vld [tilespmem:$0x1AE0];
	v50 =	vsel vm13, $0x3F800000, v60;
	v62 =	vshll.u32 v53, $0xA;
	v7 =	vshll.u32 v20, $0x7  }
0x345: {  	v6 =	vand.u32 $0xFFFE0000, v22;
	v21 =	vsub.s32 v2, v1;
	v2 =	vand.u32 $0x7FFFF, v2  }
0x346: {  	v5 =	vshra.s32 v53, $0x9;
	v59 =	vsel vm9, v21, v2;
	v2 =	vadd.s32 v7, v6  }
0x347: {  	v12 =	vand.u32 $0x7F, v53;
	vm4 =	veq.s32 v5, v0;
	v2 =	vor.u32 v24, v2  }
0x348: {  	v30 =	vld [tilespmem:$0x1AF0];
	v26 =	vsub.s32 v2, v1;
	v2 =	vand.u32 $0x7FFFF, v2;
	v28 =	vshll.u32 v3, $0xA  }
0x349: {  	[tilespmem:$0x3A30] =	vst v31;
	v14 =	vld [tilespmem:$0xB50];
	v8 =	vshll.u32 v23, $0x7;
	v2 =	vsel vm10, v26, v2;
	v6 =	vand.u32 $0xFFFE0000, v28  }
0x34a: {  	v52 =	vsel vm8, $0x3F800000, v60;
	v31 =	vand.u32 $0x7F, v3;
	[tilespmem:$0x1FE40] =	vst v2;
	v2 =	vadd.s32 v8, v6  }
0x34b: {  	v19 =	vsel vm4, $0x3F800000, v60;
	v20 =	vld [tilespmem:$0xB60];
	v3 =	vshra.s32 v3, $0x9;
	v2 =	vor.u32 v31, v2  }
0x34c: {  	v35 =	vld [tilespmem:$0x1B00];
	vm11 =	veq.s32 v3, v0;
	v3 =	vsub.s32 v2, v1;
	v2 =	vand.u32 $0x7FFFF, v2  }
0x34d: {  	v17 =	vld [tilespmem:$0x1B50];
	v7 =	vshll.u32 v30, $0x7;
	v6 =	vand.u32 $0xFFFE0000, v34;
	v2 =	vsel vm11, v3, v2  }
0x34e: {  	v4 =	vshra.s32 v14, $0x9;
	v3 =	vand.u32 $0x7F, v25;
	[tilespmem:$0x1FE60] =	vst v2;
	v2 =	vadd.s32 v7, v6  }
0x34f: {  	v13 =	vsel vm15, $0x3F800000, v60;
	vm6 =	veq.s32 v4, v0;
	v2 =	vor.u32 v3, v2;
	v3 =	vld [tilespmem:$0xB10]  }
0x350: {  	[tilespmem:$0x3A40] =	vst v40;
	v40 =	vld [tilespmem:$0x1B10];
	v5 =	vshra.s32 v20, $0x9;
	v38 =	vsub.s32 v2, v1;
	v2 =	vand.u32 $0x7FFFF, v2  }
0x351: {  	v8 =	vshll.u32 v35, $0x7;
	v6 =	vand.u32 $0xFFFE0000, v39;
	v2 =	vsel vm12, v38, v2  }
0x352: {  	v21 =	vshll.u32 v14, $0xA;
	v9 =	vshll.u32 v17, $0x7;
	[tilespmem:$0x1FE80] =	vst v2;
	v2 =	vadd.s32 v8, v6  }
0x353: {  	v30 =	vand.u32 $0x7F, v20;
	vm7 =	veq.s32 v5, v0;
	v2 =	vor.u32 v41, v2  }
0x354: {  	[tilespmem:$0x3A50] =	vst v47;
	v47 =	vld [tilespmem:$0x1B20];
	v45 =	vsub.s32 v2, v1;
	v46 =	vshll.u32 v3, $0xA;
	v2 =	vand.u32 $0x7FFFF, v2  }
0x355: {  	v7 =	vshll.u32 v40, $0x7;
	v6 =	vand.u32 $0xFFFE0000, v46;
	v2 =	vsel vm13, v45, v2  }
0x356: {  	v24 =	vld [tilespmem:$0xB70];
	v26 =	vshll.u32 v20, $0xA;
	v48 =	vand.u32 $0x7F, v3;
	[tilespmem:$0x1FEA0] =	vst v2;
	v2 =	vadd.s32 v7, v6  }
0x357: {  	v4 =	vand.u32 $0xFFFE0000, v26;
	v34 =	vld [tilespmem:$0x1B80];
	v3 =	vshra.s32 v3, $0x9;
	v2 =	vor.u32 v48, v2  }
0x358: {  	v55 =	vld [tilespmem:$0x1B30];
	vm14 =	veq.s32 v3, v0;
	v3 =	vsub.s32 v2, v1;
	v2 =	vand.u32 $0x7FFFF, v2  }
0x359: {  	v31 =	vld [tilespmem:$0xB80];
	v8 =	vshll.u32 v47, $0x7;
	v6 =	vand.u32 $0xFFFE0000, v54;
	v2 =	vsel vm14, v3, v2  }
0x35a: {  	v36 =	vsel vm11, $0x3F800000, v60;
	v40 =	vld [tilespmem:$0x1B90];
	v3 =	vand.u32 $0x7F, v44;
	[tilespmem:$0x1FEC0] =	vst v2;
	v2 =	vadd.s32 v8, v6  }
0x35b: {  	v33 =	vshll.u32 v24, $0xA;
	v35 =	vand.u32 $0x7F, v24;
	v2 =	vor.u32 v3, v2;
	v3 =	vld [tilespmem:$0xB40]  }
0x35c: {  	v63 =	vld [tilespmem:$0x1B40];
	v10 =	vshll.u32 v34, $0x7;
	v61 =	vsub.s32 v2, v1;
	v2 =	vand.u32 $0x7FFFF, v2  }
0x35d: {  	[tilespmem:$0x1FE90] =	vst v43;
	v7 =	vshll.u32 v55, $0x7;
	v6 =	vand.u32 $0xFFFE0000, v62;
	v2 =	vsel vm15, v61, v2  }
0x35e: {  	v39 =	vshll.u32 v31, $0xA;
	v43 =	vand.u32 $0x7F, v31;
	[tilespmem:$0x1FEE0] =	vst v2;
	v2 =	vadd.s32 v7, v6  }
0x35f: {  	[tilespmem:$0x3980] =	vst v11;
	v41 =	vand.u32 $0xFFFE0000, v39;
	v11 =	vshll.u32 v40, $0x7;
	v2 =	vor.u32 v12, v2  }
0x360: {  	v15 =	vsub.s32 v2, v1;
	v16 =	vshll.u32 v3, $0xA;
	v2 =	vand.u32 $0x7FFFF, v2  }
0x361: {  	[tilespmem:$0x1FE50] =	vst v32;
	v22 =	vld [tilespmem:$0x1B60];
	v8 =	vshll.u32 v63, $0x7;
	v6 =	vand.u32 $0xFFFE0000, v16;
	v2 =	vsel vm4, v15, v2  }
0x362: {  	v18 =	vand.u32 $0x7F, v3;
	v3 =	vshra.s32 v3, $0x9;
	[tilespmem:$0x1FF00] =	vst v2;
	v2 =	vadd.s32 v8, v6  }
0x363: {  	[tilespmem:$0x1FEB0] =	vst v50;
	v56 =	vsel vm14, $0x3F800000, v60;
	vm5 =	veq.s32 v3, v0;
	v2 =	vor.u32 v18, v2  }
0x364: {  	[tilespmem:$0x1FF10] =	vst v19;
	v6 =	vand.u32 $0xFFFE0000, v21;
	v3 =	vsub.s32 v2, v1;
	v2 =	vand.u32 $0x7FFFF, v2  }
0x365: {  	[tilespmem:$0x1FEF0] =	vst v13;
	v28 =	vld [tilespmem:$0x1B70];
	v25 =	vsel vm5, v3, v2;
	v2 =	vadd.s32 v9, v6;
	v3 =	vand.u32 $0x7F, v14  }
0x366: {  	[tilespmem:$0x1FE70] =	vst v36;
	v36 =	vld [tilespmem:$0xB90];
	v23 =	vsel vm5, $0x3F800000, v60;
	v8 =	vshll.u32 v22, $0x7;
	v2 =	vor.u32 v3, v2  }
0x367: {  	[tilespmem:$0x1FED0] =	vst v56;
	v44 =	vld [tilespmem:$0xBA0];
	v6 =	vshra.s32 v24, $0x9;
	v3 =	vsub.s32 v2, v1;
	v2 =	vand.u32 $0x7FFFF, v2  }
0x368: {  	[tilespmem:$0x1FF20] =	vst v23;
	v7 =	vsel vm6, v3, v2;
	v2 =	vadd.s32 v8, v4;
	v3 =	vsel vm6, $0x3F800000, v60  }
0x369: {  	vm8 =	veq.s32 v6, v0;
	[tilespmem:$0x1FF30] =	vst v3;
	v2 =	vor.u32 v30, v2;
	v3 =	vsel vm7, $0x3F800000, v60  }
0x36a: {  	v32 =	vsub.s32 v2, v1;
	v2 =	vand.u32 $0x7FFFF, v2;
	[tilespmem:$0x1FF50] =	vst v3;
	v3 =	vsel vm8, $0x3F800000, v60  }
0x36b: {  	v46 =	vshll.u32 v36, $0xA;
	v48 =	vand.u32 $0x7F, v36;
	v2 =	vsel vm7, v32, v2;
	[tilespmem:$0x1FF60] =	vst v3  }
0x36c: {  	v53 =	vshll.u32 v44, $0xA;
	v55 =	vand.u32 $0x7F, v44;
	v9 =	vshll.u32 v28, $0x7;
	[tilespmem:$0x1FF40] =	vst v2  }
0x36d: {  	v6 =	vand.u32 $0xFFFE0000, v46;
	v8 =	vand.u32 $0xFFFE0000, v33;
	v4 =	vshra.s32 v31, $0x9;
	v47 =	vld [tilespmem:$0x1BA0]  }
0x36e: {  	vm9 =	veq.s32 v4, v0;
	v2 =	vadd.s32 v9, v8;
	v9 =	vshra.s32 v36, $0x9;
	v50 =	vld [tilespmem:$0xBB0]  }
0x36f: {  	v5 =	vsel vm9, $0x3F800000, v60;
	v2 =	vor.u32 v35, v2;
	vm10 =	veq.s32 v9, v0;
	v54 =	vld [tilespmem:$0x1BB0]  }
0x370: {  	v9 =	vand.u32 $0xFFFE0000, v53;
	v56 =	vld [tilespmem:$0xBC0];
	v38 =	vsub.s32 v2, v1;
	v2 =	vand.u32 $0x7FFFF, v2  }
0x371: {  	v63 =	vld [tilespmem:$0x1BC0];
	v8 =	vsel vm8, v38, v2;
	v2 =	vadd.s32 v10, v41;
	v10 =	vshra.s32 v44, $0x9  }
0x372: {  	v20 =	vld [tilespmem:$0xBE0];
	v35 =	vsel vm10, $0x3F800000, v60;
	v2 =	vor.u32 v43, v2;
	vm11 =	veq.s32 v10, v0  }
0x373: {  	v31 =	vld [tilespmem:$0xBF0];
	v45 =	vsub.s32 v2, v1;
	v2 =	vand.u32 $0x7FFFF, v2;
	v30 =	vsel vm11, $0x3F800000, v60  }
0x374: {  	v24 =	vsel vm9, v45, v2;
	v2 =	vadd.s32 v11, v6;
	v12 =	vshll.u32 v47, $0x7  }
0x375: {  	v62 =	vshll.u32 v50, $0xA;
	v13 =	vshll.u32 v54, $0x7;
	v4 =	vand.u32 $0x7F, v50  }
0x376: {  	v11 =	vshra.s32 v50, $0x9;
	v17 =	vshll.u32 v56, $0xA;
	v14 =	vshll.u32 v63, $0x7  }
0x377: {  	v43 =	vld [tilespmem:$0x1BF0];
	v19 =	vand.u32 $0x7F, v56;
	v39 =	vshll.u32 v20, $0xA;
	v47 =	vshra.s32 v20, $0x9  }
0x378: {  	v53 =	vshll.u32 v31, $0xA;
	v2 =	vor.u32 v48, v2;
	vm12 =	veq.s32 v11, v0  }
0x379: {  	v11 =	vand.u32 $0x7F, v20;
	v6 =	vsub.s32 v2, v1;
	v2 =	vand.u32 $0x7FFFF, v2  }
0x37a: {  	v18 =	vld [tilespmem:$0x1BD0];
	vm3 =	veq.s32 v47, v0;
	v41 =	vsel vm12, $0x3F800000, v60;
	v33 =	vsel vm10, v6, v2  }
0x37b: {  	v48 =	vld [tilespmem:$0xC00];
	v2 =	vadd.s32 v12, v9;
	v12 =	vand.u32 $0xFFFE0000, v62;
	v9 =	vshra.s32 v56, $0x9  }
0x37c: {  	v54 =	vshll.u32 v43, $0x7;
	v2 =	vor.u32 v55, v2;
	vm13 =	veq.s32 v9, v0  }
0x37d: {  	v6 =	vld [tilespmem:$0xBD0];
	v55 =	vshra.s32 v31, $0x9;
	v9 =	vand.u32 $0x7F, v31;
	v61 =	vsub.s32 v2, v1  }
0x37e: {  	v56 =	vld [tilespmem:$0xC10];
	v2 =	vand.u32 $0x7FFFF, v2;
	v38 =	vsel vm13, $0x3F800000, v60;
	vm5 =	veq.s32 v55, v0  }
0x37f: {  	v23 =	vld [tilespmem:$0x1BE0];
	v40 =	vsel vm11, v61, v2;
	v2 =	vadd.s32 v13, v12;
	v12 =	vand.u32 $0xFFFE0000, v17  }
0x380: {  	v50 =	vld [tilespmem:$0x1C00];
	v13 =	vshll.u32 v18, $0x7;
	v61 =	vshll.u32 v48, $0xA;
	v2 =	vor.u32 v4, v2  }
0x381: {  	v4 =	vand.u32 $0x7F, v48;
	v16 =	vsub.s32 v2, v1;
	v2 =	vand.u32 $0x7FFFF, v2  }
0x382: {  	v22 =	vshll.u32 v6, $0xA;
	v26 =	vand.u32 $0x7F, v6;
	v10 =	vshra.s32 v6, $0x9  }
0x383: {  	v18 =	vshll.u32 v56, $0xA;
	v20 =	vshra.s32 v56, $0x9;
	v28 =	vsel vm12, v16, v2  }
0x384: {  	v6 =	vld [tilespmem:$0xC20];
	v2 =	vadd.s32 v14, v12;
	v12 =	vand.u32 $0xFFFE0000, v22;
	vm2 =	veq.s32 v10, v0  }
0x385: {  	v62 =	vld [tilespmem:$0x1C10];
	v14 =	vshll.u32 v23, $0x7;
	v10 =	vshll.u32 v50, $0x7;
	v2 =	vor.u32 v19, v2  }
0x386: {  	vm11 =	veq.s32 v20, v0;
	v19 =	vld [tilespmem:$0x1C20];
	v21 =	vsub.s32 v2, v1;
	v2 =	vand.u32 $0x7FFFF, v2  }
0x387: {  	v50 =	vld [tilespmem:$0xC50];
	v36 =	vsel vm13, v21, v2;
	v2 =	vadd.s32 v13, v12;
	v12 =	vand.u32 $0xFFFE0000, v39  }
0x388: {  	v13 =	vand.u32 $0xFFFE0000, v18;
	v21 =	vld [tilespmem:$0xC30];
	v2 =	vor.u32 v26, v2;
	v12 =	vadd.s32 v14, v12  }
0x389: {  	v39 =	vld [tilespmem:$0xC40];
	v31 =	vshra.s32 v6, $0x9;
	v34 =	vsub.s32 v2, v1;
	v2 =	vand.u32 $0x7FFFF, v2  }
0x38a: {  	v23 =	vshll.u32 v6, $0xA;
	vm14 =	veq.s32 v31, v0;
	v34 =	vsel vm2, v34, v2  }
0x38b: {  	v2 =	vor.u32 v11, v12;
	v12 =	vshll.u32 v62, $0x7;
	v26 =	vshll.u32 v19, $0x7  }
0x38c: {  	v62 =	vshll.u32 v50, $0xA;
	v11 =	vsub.s32 v2, v1;
	v2 =	vand.u32 $0x7FFFF, v2  }
0x38d: {  	v12 =	vadd.s32 v12, v13;
	v45 =	vsel vm3, v11, v2;
	v2 =	vand.u32 $0xFFFE0000, v53  }
0x38e: {  	v11 =	vand.u32 $0x7F, v56;
	v43 =	vshll.u32 v21, $0xA;
	v53 =	vshll.u32 v39, $0xA  }
0x38f: {  	v46 =	vld [tilespmem:$0x1C40];
	v55 =	vshra.s32 v39, $0x9;
	v2 =	vadd.s32 v54, v2;
	v13 =	vand.u32 $0xFFFE0000, v53  }
0x390: {  	v56 =	vld [tilespmem:$0xC60];
	vm13 =	veq.s32 v55, v0;
	v2 =	vor.u32 v9, v2;
	v9 =	vand.u32 $0xFFFE0000, v61  }
0x391: {  	v22 =	vld [tilespmem:$0x1C30];
	v63 =	vsub.s32 v2, v1;
	v2 =	vand.u32 $0x7FFFF, v2;
	v9 =	vadd.s32 v10, v9  }
0x392: {  	v20 =	vld [tilespmem:$0xC80];
	v10 =	vand.u32 $0x7F, v6;
	v32 =	vsel vm5, v63, v2;
	v2 =	vshra.s32 v48, $0x9  }
0x393: {  	v54 =	vld [tilespmem:$0x1C50];
	v9 =	vor.u32 v4, v9;
	v48 =	vand.u32 $0x7F, v21;
	v4 =	vshra.s32 v50, $0x9  }
0x394: {  	vm8 =	veq.s32 v2, v0;
	v2 =	vsub.s32 v9, v1;
	v9 =	vand.u32 $0x7FFFF, v9  }
0x395: {  	v6 =	vld [tilespmem:$0xC70];
	vm12 =	veq.s32 v4, v0;
	v16 =	vshll.u32 v56, $0xA;
	v19 =	vand.u32 $0x7F, v56  }
0x396: {  	v44 =	vsel vm8, v2, v9;
	v2 =	vor.u32 v11, v12;
	v9 =	vshll.u32 v22, $0x7  }
0x397: {  	v12 =	vshll.u32 v46, $0x7;
	v11 =	vsub.s32 v2, v1;
	v2 =	vand.u32 $0x7FFFF, v2  }
0x398: {  	v63 =	vshll.u32 v54, $0x7;
	v46 =	vshra.s32 v20, $0x9;
	v2 =	vsel vm11, v11, v2  }
0x399: {  	v22 =	vld [tilespmem:$0x1C80];
	v12 =	vadd.s32 v12, v13;
	vm7 =	veq.s32 v46, v0;
	[tilespmem:$0x1FF70] =	vst v2;
	v2 =	vand.u32 $0xFFFE0000, v23  }
0x39a: {  	v11 =	vand.u32 $0x7F, v39;
	v23 =	vshra.s32 v6, $0x9;
	v2 =	vadd.s32 v26, v2  }
0x39b: {  	v39 =	vshll.u32 v20, $0xA;
	vm9 =	veq.s32 v23, v0;
	v2 =	vor.u32 v10, v2  }
0x39c: {  	v10 =	vand.u32 $0xFFFE0000, v43;
	v47 =	vsub.s32 v2, v1;
	v2 =	vand.u32 $0x7FFFF, v2  }
0x39d: {  	v26 =	vld [tilespmem:$0xC90];
	v23 =	vsel vm2, $0x3F800000, v60;
	v9 =	vadd.s32 v9, v10;
	v2 =	vsel vm14, v47, v2  }
0x39e: {  	v17 =	vld [tilespmem:$0x1C70];
	v43 =	vshll.u32 v22, $0x7;
	v9 =	vor.u32 v48, v9;
	[tilespmem:$0x1FF80] =	vst v2;
	v2 =	vshra.s32 v21, $0x9  }
0x39f: {  	v61 =	vld [tilespmem:$0x1C60];
	vm15 =	veq.s32 v2, v0;
	v2 =	vsub.s32 v9, v1;
	v9 =	vand.u32 $0x7FFFF, v9  }
0x3a0: {  	v22 =	vsel vm3, $0x3F800000, v60;
	v47 =	vld [tilespmem:$0xCA0];
	v21 =	vshll.u32 v6, $0xA;
	v2 =	vsel vm15, v2, v9  }
0x3a1: {  	v10 =	vand.u32 $0x7F, v50;
	v13 =	vand.u32 $0xFFFE0000, v21;
	[tilespmem:$0x1FF90] =	vst v2;
	v2 =	vor.u32 v11, v12  }
0x3a2: {  	v50 =	vshll.u32 v26, $0xA;
	v11 =	vsub.s32 v2, v1;
	v2 =	vand.u32 $0x7FFFF, v2  }
0x3a3: {  	v46 =	vld [tilespmem:$0xCE0];
	v55 =	vand.u32 $0x7F, v26;
	v21 =	vsel vm8, $0x3F800000, v60;
	v2 =	vsel vm13, v11, v2  }
0x3a4: {  	v9 =	vshll.u32 v61, $0x7;
	v12 =	vshll.u32 v17, $0x7;
	[tilespmem:$0x1FFA0] =	vst v2;
	v2 =	vand.u32 $0xFFFE0000, v62  }
0x3a5: {  	v12 =	vadd.s32 v12, v13;
	v61 =	vshll.u32 v47, $0xA;
	v2 =	vadd.s32 v63, v2  }
0x3a6: {  	v11 =	vand.u32 $0x7F, v6;
	v13 =	vand.u32 $0xFFFE0000, v61;
	v2 =	vor.u32 v10, v2  }
0x3a7: {  	v62 =	vld [tilespmem:$0x1CB0];
	v10 =	vand.u32 $0xFFFE0000, v16;
	v18 =	vsub.s32 v2, v1;
	v2 =	vand.u32 $0x7FFFF, v2  }
0x3a8: {  	v53 =	vld [tilespmem:$0x1CA0];
	v61 =	vshll.u32 v46, $0xA;
	v9 =	vadd.s32 v9, v10;
	v2 =	vsel vm12, v18, v2  }
0x3a9: {  	v31 =	vld [tilespmem:$0x1C90];
	v63 =	vshra.s32 v47, $0x9;
	v9 =	vor.u32 v19, v9;
	[tilespmem:$0x1FFB0] =	vst v2;
	v2 =	vshra.s32 v56, $0x9  }
0x3aa: {  	v56 =	vld [tilespmem:$0xCB0];
	vm10 =	veq.s32 v2, v0;
	v2 =	vsub.s32 v9, v1;
	v9 =	vand.u32 $0x7FFFF, v9  }
0x3ab: {  	vm4 =	veq.s32 v63, v0;
	v63 =	vand.u32 $0x7F, v46;
	v19 =	vld [tilespmem:$0xCD0];
	v2 =	vsel vm10, v2, v9  }
0x3ac: {  	v4 =	vld [tilespmem:$0xCC0];
	v10 =	vand.u32 $0x7F, v20;
	v17 =	vshll.u32 v62, $0x7;
	[tilespmem:$0x1FFC0] =	vst v2;
	v2 =	vor.u32 v11, v12  }
0x3ad: {  	v12 =	vshll.u32 v53, $0x7;
	v53 =	vld [tilespmem:$0x1CE0];
	v11 =	vsub.s32 v2, v1;
	v2 =	vand.u32 $0x7FFFF, v2  }
0x3ae: {  	v9 =	vshll.u32 v31, $0x7;
	v12 =	vadd.s32 v12, v13;
	v2 =	vsel vm9, v11, v2  }
0x3af: {  	v11 =	vand.u32 $0x7F, v47;
	v16 =	vshll.u32 v56, $0xA;
	v18 =	vshra.s32 v56, $0x9  }
0x3b0: {  	v47 =	vshll.u32 v19, $0xA;
	[tilespmem:$0x1FFD0] =	vst v2;
	v2 =	vand.u32 $0xFFFE0000, v39;
	vm1 =	veq.s32 v18, v0  }
0x3b1: {  	v13 =	vand.u32 $0xFFFE0000, v47;
	v2 =	vadd.s32 v43, v2;
	v43 =	vand.u32 $0x7F, v4  }
0x3b2: {  	v2 =	vor.u32 v10, v2;
	v10 =	vand.u32 $0xFFFE0000, v50;
	v14 =	vshll.u32 v53, $0x7  }
0x3b3: {  	v6 =	vld [tilespmem:$0x1CC0];
	v54 =	vsub.s32 v2, v1;
	v2 =	vand.u32 $0x7FFFF, v2;
	v9 =	vadd.s32 v9, v10  }
0x3b4: {  	v31 =	vld [tilespmem:$0x1CD0];
	v50 =	vsel vm7, v54, v2;
	v2 =	vshra.s32 v26, $0x9;
	v9 =	vor.u32 v55, v9  }
0x3b5: {  	vm6 =	veq.s32 v2, v0;
	v2 =	vsub.s32 v9, v1;
	v9 =	vand.u32 $0x7FFFF, v9  }
0x3b6: {  	v10 =	vand.u32 $0x7F, v56;
	v55 =	vld [tilespmem:$0xCF0];
	v48 =	vsel vm6, v2, v9;
	v2 =	vor.u32 v11, v12  }
0x3b7: {  	v26 =	vshll.u32 v4, $0xA;
	v11 =	vsub.s32 v2, v1;
	v2 =	vand.u32 $0x7FFFF, v2  }
0x3b8: {  	v54 =	vand.u32 $0x7F, v19;
	v9 =	vshll.u32 v6, $0x7;
	v2 =	vsel vm4, v11, v2  }
0x3b9: {  	v12 =	vshll.u32 v31, $0x7;
	v11 =	vshra.s32 v19, $0x9;
	[tilespmem:$0x1FFE0] =	vst v2;
	v2 =	vand.u32 $0xFFFE0000, v16  }
0x3ba: {  	v20 =	vld [tilespmem:$0xD30];
	v31 =	vsel vm5, $0x3F800000, v60;
	vm2 =	veq.s32 v11, v0;
	v2 =	vadd.s32 v17, v2  }
0x3bb: {  	v19 =	vld [tilespmem:$0xD10];
	v16 =	vshll.u32 v55, $0xA;
	v18 =	vand.u32 $0x7F, v55;
	v2 =	vor.u32 v10, v2  }
0x3bc: {  	v10 =	vand.u32 $0xFFFE0000, v26;
	v39 =	vsub.s32 v2, v1;
	v2 =	vand.u32 $0x7FFFF, v2  }
0x3bd: {  	v62 =	vld [tilespmem:$0x1CF0];
	v9 =	vadd.s32 v9, v10;
	v10 =	vshra.s32 v46, $0x9;
	v39 =	vsel vm1, v39, v2  }
0x3be: {  	v2 =	vshra.s32 v4, $0x9;
	v9 =	vor.u32 v43, v9;
	v4 =	vld [tilespmem:$0xD00];
	vm3 =	veq.s32 v10, v0  }
0x3bf: {  	vm0 =	veq.s32 v2, v0;
	v2 =	vsub.s32 v9, v1;
	v9 =	vand.u32 $0x7FFFF, v9  }
0x3c0: {  	v15 =	vshra.s32 v19, $0x9;
	v10 =	vshra.s32 v20, $0x9;
	v2 =	vsel vm0, v2, v9  }
0x3c1: {  	v17 =	vld [tilespmem:$0x1D00];
	v9 =	vshra.s32 v55, $0x9;
	[tilespmem:$0x1FFF0] =	vst v2;
	v2 =	vadd.s32 v12, v13;
	v12 =	vand.u32 $0xFFFE0000, v61  }
0x3c2: {  	v13 =	vshll.u32 v62, $0x7;
	vm5 =	veq.s32 v9, v0;
	v2 =	vor.u32 v54, v2  }
0x3c3: {  	v56 =	vsub.s32 v2, v1;
	v2 =	vand.u32 $0x7FFFF, v2;
	v46 =	vshll.u32 v4, $0xA  }
0x3c4: {  	v53 =	vld [tilespmem:$0x1D10];
	v54 =	vand.u32 $0x7F, v4;
	v55 =	vshra.s32 v4, $0x9;
	v4 =	vshll.u32 v19, $0xA  }
0x3c5: {  	v43 =	vsel vm2, v56, v2;
	v2 =	vadd.s32 v14, v12;
	v12 =	vand.u32 $0xFFFE0000, v16  }
0x3c6: {  	v14 =	vshll.u32 v17, $0x7;
	v56 =	vld [tilespmem:$0xD20];
	vm8 =	veq.s32 v55, v0;
	v2 =	vor.u32 v63, v2  }
0x3c7: {  	v16 =	vsel vm15, $0x3F800000, v60;
	v6 =	vsub.s32 v2, v1;
	v2 =	vand.u32 $0x7FFFF, v2  }
0x3c8: {  	vm15 =	veq.s32 v10, v0;
	v47 =	vsel vm3, v6, v2;
	v2 =	vadd.s32 v13, v12  }
0x3c9: {  	v12 =	vand.u32 $0xFFFE0000, v46;
	v6 =	vld [tilespmem:$0x1D20];
	v13 =	vshll.u32 v53, $0x7;
	v2 =	vor.u32 v18, v2  }
0x3ca: {  	v18 =	vand.u32 $0x7F, v20;
	v26 =	vsub.s32 v2, v1;
	v2 =	vand.u32 $0x7FFFF, v2  }
0x3cb: {  	v53 =	vshll.u32 v56, $0xA;
	v46 =	vsel vm5, v26, v2;
	v2 =	vadd.s32 v14, v12  }
0x3cc: {  	v55 =	vand.u32 $0x7F, v56;
	v56 =	vshra.s32 v56, $0x9;
	v2 =	vor.u32 v54, v2  }
0x3cd: {  	v11 =	vld [tilespmem:$0xD40];
	v12 =	vand.u32 $0xFFFE0000, v4;
	v63 =	vsub.s32 v2, v1;
	v2 =	vand.u32 $0x7FFFF, v2  }
0x3ce: {  	v4 =	vshll.u32 v20, $0xA;
	v54 =	vld [tilespmem:$0x1D30];
	v14 =	vshll.u32 v6, $0x7;
	v63 =	vsel vm8, v63, v2  }
0x3cf: {  	v3 =	vld [tilespmem:$0x1FE60];
	v2 =	vadd.s32 v13, v12;
	v13 =	vand.u32 $0x7F, v19;
	v19 =	vsel vm11, $0x3F800000, v60  }
0x3d0: {  	v6 =	vld [tilespmem:$0x1D40];
	vm11 =	veq.s32 v15, v0;
	v12 =	vand.u32 $0xFFFE0000, v53;
	v2 =	vor.u32 v13, v2  }
0x3d1: {  	v15 =	vsel vm14, $0x3F800000, v60;
	v26 =	vsub.s32 v2, v1;
	v2 =	vand.u32 $0x7FFFF, v2  }
0x3d2: {  	vm14 =	veq.s32 v56, v0;
	v62 =	vsel vm11, v26, v2;
	v2 =	vadd.s32 v14, v12  }
0x3d3: {  	v12 =	vand.u32 $0xFFFE0000, v4;
	v13 =	vshll.u32 v54, $0x7;
	v26 =	vshll.u32 v11, $0xA  }
0x3d4: {  	[tilespmem:$0x2AE0] =	vst v3;
	v3 =	vld [tilespmem:$0x1FE70];
	v54 =	vand.u32 $0x7F, v11;
	v2 =	vor.u32 v55, v2;
	v17 =	vadd.s32 v13, v12  }
0x3d5: {  	v12 =	vld [tilespmem:$0xD50];
	v13 =	vand.u32 $0xFFFE0000, v26;
	v14 =	vshll.u32 v6, $0x7;
	v55 =	vshra.s32 v11, $0x9  }
0x3d6: {  	v26 =	vld [tilespmem:$0x1D60];
	v61 =	vsub.s32 v2, v1;
	v2 =	vand.u32 $0x7FFFF, v2;
	v9 =	vor.u32 v18, v17  }
0x3d7: {  	v17 =	vld [tilespmem:$0x1D50];
	v53 =	vadd.s32 v14, v13;
	v18 =	vsel vm13, $0x3F800000, v60;
	vm13 =	veq.s32 v55, v0  }
0x3d8: {  	v11 =	vld [tilespmem:$0xD60];
	v14 =	vsel vm9, $0x3F800000, v60;
	v20 =	vsub.s32 v9, v1;
	v9 =	vand.u32 $0x7FFFF, v9  }
0x3d9: {  	v61 =	vsel vm14, v61, v2;
	v56 =	vsel vm15, v20, v9;
	v9 =	vor.u32 v54, v53  }
0x3da: {  	v4 =	vsub.s32 v9, v1;
	v9 =	vand.u32 $0x7FFFF, v9;
	v6 =	vshll.u32 v12, $0xA  }
0x3db: {  	[tilespmem:$0x2A80] =	vst v29;
	v2 =	vld [tilespmem:$0x1FE40];
	v55 =	vsel vm13, v4, v9;
	v53 =	vand.u32 $0x7F, v12;
	v54 =	vshra.s32 v12, $0x9  }
0x3dc: {  	[tilespmem:$0x3AE0] =	vst v3;
	v3 =	vld [tilespmem:$0x1FE80];
	v26 =	vshll.u32 v26, $0x7;
	v13 =	vand.u32 $0xFFFE0000, v6;
	v17 =	vshll.u32 v17, $0x7  }
0x3dd: {  	[tilespmem:$0x3A80] =	vst v27;
	v12 =	vld [tilespmem:$0xD70];
	v29 =	vand.u32 $0x7F, v11;
	v6 =	vshll.u32 v11, $0xA;
	v20 =	vadd.s32 v17, v13  }
0x3de: {  	[tilespmem:$0x2A90] =	vst v42;
	v42 =	vshra.s32 v11, $0x9;
	v11 =	vld [tilespmem:$0xD80];
	v13 =	vand.u32 $0xFFFE0000, v6;
	v9 =	vor.u32 v53, v20  }
0x3df: {  	[tilespmem:$0x3A90] =	vst v37;
	v17 =	vld [tilespmem:$0x1D70];
	v20 =	vsel vm12, $0x3F800000, v60;
	vm12 =	veq.s32 v54, v0;
	v27 =	vadd.s32 v26, v13  }
0x3e0: {  	[tilespmem:$0x2AD0] =	vst v2;
	v2 =	vld [tilespmem:$0x1FE50];
	v13 =	vsel vm10, $0x3F800000, v60;
	v4 =	vsub.s32 v9, v1;
	v9 =	vand.u32 $0x7FFFF, v9  }
0x3e1: {  	[tilespmem:$0x2AA0] =	vst v51;
	v6 =	vld [tilespmem:$0x1D80];
	vm10 =	veq.s32 v42, v0;
	v54 =	vsel vm12, v4, v9;
	v9 =	vor.u32 v29, v27  }
0x3e2: {  	[tilespmem:$0x2AB0] =	vst v57;
	v42 =	vld [tilespmem:$0xD90];
	v4 =	vshll.u32 v12, $0xA;
	v29 =	vand.u32 $0x7F, v12;
	v37 =	vshra.s32 v12, $0x9  }
0x3e3: {  	[tilespmem:$0x3AB0] =	vst v52;
	v53 =	vsub.s32 v9, v1;
	v9 =	vand.u32 $0x7FFFF, v9;
	v26 =	vand.u32 $0xFFFE0000, v4  }
0x3e4: {  	v57 =	vld [tilespmem:$0x1D90];
	[tilespmem:$0x2AC0] =	vst v59;
	vm9 =	veq.s32 v37, v0;
	v52 =	vshll.u32 v11, $0xA;
	v59 =	vand.u32 $0x7F, v11  }
0x3e5: {  	v4 =	vshra.s32 v11, $0x9;
	v17 =	vshll.u32 v17, $0x7;
	v53 =	vsel vm10, v53, v9;
	[tilespmem:$0x3AD0] =	vst v2;
	v2 =	vld [tilespmem:$0x1DA0]  }
0x3e6: {  	[tilespmem:$0x3AA0] =	vst v49;
	v27 =	vshll.u32 v6, $0x7;
	v26 =	vadd.s32 v17, v26;
	v17 =	vand.u32 $0xFFFE0000, v52  }
0x3e7: {  	[tilespmem:$0x2AF0] =	vst v3;
	v3 =	vld [tilespmem:$0x1FE90];
	v12 =	vshll.u32 v42, $0xA;
	v37 =	vand.u32 $0x7F, v42;
	v42 =	vshra.s32 v42, $0x9  }
0x3e8: {  	[tilespmem:$0x3AC0] =	vst v58;
	v9 =	vor.u32 v29, v26;
	v58 =	vadd.s32 v27, v17;
	v17 =	vsel vm7, $0x3F800000, v60;
	v27 =	vld [tilespmem:$0xDA0]  }
0x3e9: {  	[tilespmem:$0x2B40] =	vst v25;
	v11 =	vand.u32 $0xFFFE0000, v12;
	v29 =	vshll.u32 v57, $0x7;
	v51 =	vsub.s32 v9, v1  }
0x3ea: {  	[tilespmem:$0x2B50] =	vst v7;
	v9 =	vand.u32 $0x7FFFF, v9;
	v29 =	vadd.s32 v29, v11;
	v11 =	vshll.u32 v2, $0x7;
	v2 =	vld [tilespmem:$0x1FEB0]  }
0x3eb: {  	v25 =	vld [tilespmem:$0x1FF40];
	[tilespmem:$0x3B80] =	vst v5;
	vm7 =	veq.s32 v4, v0;
	v52 =	vsel vm9, v51, v9;
	v9 =	vor.u32 v59, v58  }
0x3ec: {  	[tilespmem:$0x3B90] =	vst v35;
	v10 =	vld [tilespmem:$0x1FEE0];
	v12 =	vsel vm6, $0x3F800000, v60;
	v6 =	vsub.s32 v9, v1;
	v9 =	vand.u32 $0x7FFFF, v9  }
0x3ed: {  	[tilespmem:$0x3AF0] =	vst v3;
	v3 =	vld [tilespmem:$0x1DB0];
	v51 =	vsel vm7, v6, v9;
	v9 =	vor.u32 v37, v29;
	v58 =	vshll.u32 v27, $0xA  }
0x3ee: {  	[tilespmem:$0x2B70] =	vst v8;
	v26 =	vld [tilespmem:$0xDB0];
	vm6 =	veq.s32 v42, v0;
	v49 =	vsub.s32 v9, v1;
	v29 =	vand.u32 $0xFFFE0000, v58  }
0x3ef: {  	v9 =	vand.u32 $0x7FFFF, v9;
	v37 =	vand.u32 $0x7F, v27;
	v29 =	vadd.s32 v11, v29;
	[tilespmem:$0x3B00] =	vst v2;
	v2 =	vld [tilespmem:$0x1FEC0]  }
0x3f0: {  	[tilespmem:$0x2B60] =	vst v25;
	v49 =	vsel vm6, v49, v9;
	v9 =	vor.u32 v37, v29;
	v37 =	vld [tilespmem:$0x1FEF0]  }
0x3f1: {  	[tilespmem:$0x2B20] =	vst v10;
	v10 =	vld [tilespmem:$0x1FF00]  }
0x3f2: {  	[tilespmem:$0x3BA0] =	vst v30;
	v59 =	vld [tilespmem:$0x1FEA0]  }
0x3f3: {  	v25 =	vld [tilespmem:$0x1FF60];
	[tilespmem:$0x2B80] =	vst v24  }
0x3f4: {  	v42 =	vshll.u32 v26, $0xA;
	[tilespmem:$0x2B10] =	vst v2;
	v2 =	vld [tilespmem:$0x1FED0]  }
0x3f5: {  	v3 =	vshll.u32 v3, $0x7;
	v57 =	vand.u32 $0xFFFE0000, v42;
	[tilespmem:$0x3B20] =	vst v37;
	v37 =	vld [tilespmem:$0x1FF10]  }
0x3f6: {  	v7 =	vsel vm0, $0x3F800000, v60;
	[tilespmem:$0x2B30] =	vst v10;
	v3 =	vadd.s32 v3, v57;
	v57 =	vld [tilespmem:$0xDD0]  }
0x3f7: {  	v5 =	vsel vm5, $0x3F800000, v60;
	v30 =	vsel vm15, $0x3F800000, v60;
	v10 =	vsel vm1, $0x3F800000, v60;
	[tilespmem:$0x2B00] =	vst v59;
	v59 =	vld [tilespmem:$0x1DD0]  }
0x3f8: {  	[tilespmem:$0x3BB0] =	vst v41;
	v8 =	vsel vm11, $0x3F800000, v60;
	v27 =	vshra.s32 v27, $0x9;
	v42 =	vand.u32 $0x7F, v26;
	v29 =	vld [tilespmem:$0xDC0]  }
0x3f9: {  	v26 =	vshra.s32 v26, $0x9;
	v11 =	vsel vm4, $0x3F800000, v60;
	vm4 =	veq.s32 v27, v0;
	[tilespmem:$0x3B10] =	vst v2;
	v2 =	vld [tilespmem:$0x1DC0]  }
0x3fa: {  	vm1 =	veq.s32 v26, v0;
	v3 =	vor.u32 v42, v3;
	v27 =	vsub.s32 v9, v1;
	[tilespmem:$0x3B30] =	vst v37;
	v37 =	vld [tilespmem:$0x1FF20]  }
0x3fb: {  	[tilespmem:$0x2B90] =	vst v33;
	v9 =	vand.u32 $0x7FFFF, v9;
	v42 =	vsub.s32 v3, v1;
	v3 =	vand.u32 $0x7FFFF, v3  }
0x3fc: {  	[tilespmem:$0x3B70] =	vst v25;
	v35 =	vsel vm14, $0x3F800000, v60;
	v27 =	vsel vm4, v27, v9;
	v26 =	vsel vm1, v42, v3  }
0x3fd: {  	[tilespmem:$0x3BC0] =	vst v38;
	v58 =	vshll.u32 v57, $0xA;
	v6 =	vshll.u32 v29, $0xA;
	v3 =	vshra.s32 v29, $0x9  }
0x3fe: {  	[tilespmem:$0x2BA0] =	vst v40;
	v42 =	vand.u32 $0x7F, v29;
	v9 =	vand.u32 $0xFFFE0000, v6;
	vm0 =	veq.s32 v3, v0  }
0x3ff: {  	v29 =	vld [tilespmem:$0xDE0];
	v3 =	vand.u32 $0xFFFE0000, v58;
	v2 =	vshll.u32 v2, $0x7;
	[tilespmem:$0x3B40] =	vst v37;
	v37 =	vshll.u32 v59, $0x7  }
0x400: {  	[tilespmem:$0x2BB0] =	vst v28;
	v28 =	vsel vm13, $0x3F800000, v60;
	v59 =	vld [tilespmem:$0x1DE0];
	v2 =	vadd.s32 v2, v9;
	v3 =	vadd.s32 v37, v3  }
0x401: {  	[tilespmem:$0x2BC0] =	vst v36;
	v37 =	vand.u32 $0x7F, v57;
	v2 =	vor.u32 v42, v2;
	v42 =	vshra.s32 v57, $0x9  }
0x402: {  	[tilespmem:$0x3C00] =	vst v21;
	v21 =	vld [tilespmem:$0x1E30];
	v6 =	vsel vm2, $0x3F800000, v60;
	v3 =	vor.u32 v37, v3;
	vm2 =	veq.s32 v42, v0  }
0x403: {  	[tilespmem:$0x2BD0] =	vst v34;
	v58 =	vld [tilespmem:$0x1DF0];
	v42 =	vsub.s32 v2, v1;
	v2 =	vand.u32 $0x7FFFF, v2;
	v25 =	vsub.s32 v3, v1  }
0x404: {  	[tilespmem:$0x2BE0] =	vst v45;
	v57 =	vld [tilespmem:$0xDF0];
	v37 =	vand.u32 $0x7FFFF, v3;
	v24 =	vsel vm0, v42, v2;
	v2 =	vshll.u32 v29, $0xA  }
0x405: {  	[tilespmem:$0x2BF0] =	vst v32;
	v3 =	vld [tilespmem:$0x1FF70];
	v25 =	vsel vm2, v25, v37;
	v2 =	vand.u32 $0xFFFE0000, v2;
	v42 =	vshll.u32 v59, $0x7  }
0x406: {  	[tilespmem:$0x2C00] =	vst v44;
	v37 =	vand.u32 $0x7F, v29;
	v29 =	vshra.s32 v29, $0x9;
	v59 =	vld [tilespmem:$0xE00];
	v2 =	vadd.s32 v42, v2  }
0x407: {  	[tilespmem:$0x3CB0] =	vst v10;
	v4 =	vsel vm3, $0x3F800000, v60;
	vm3 =	veq.s32 v29, v0;
	v29 =	vld [tilespmem:$0x1E00];
	v2 =	vor.u32 v37, v2  }
0x408: {  	v10 =	vld [tilespmem:$0xEA0];
	[tilespmem:$0x3C40] =	vst v18;
	v41 =	vsel vm12, $0x3F800000, v60;
	v42 =	vsub.s32 v2, v1;
	v2 =	vand.u32 $0x7FFFF, v2  }
0x409: {  	v18 =	vshll.u32 v21, $0x7;
	[tilespmem:$0x3D50] =	vst v41;
	v41 =	vld [tilespmem:$0x1EE0];
	v42 =	vsel vm3, v42, v2;
	v2 =	vshll.u32 v57, $0xA  }
0x40a: {  	[tilespmem:$0x3BD0] =	vst v23;
	v33 =	vshll.u32 v58, $0x7;
	v37 =	vshra.s32 v57, $0x9;
	v2 =	vand.u32 $0xFFFE0000, v2  }
0x40b: {  	[tilespmem:$0x2C10] =	vst v3;
	v3 =	vld [tilespmem:$0x1FF80];
	v57 =	vand.u32 $0x7F, v57;
	v58 =	vshll.u32 v59, $0xA;
	v2 =	vadd.s32 v33, v2  }
0x40c: {  	[tilespmem:$0x3BE0] =	vst v22;
	v29 =	vshll.u32 v29, $0x7;
	v36 =	vand.u32 $0xFFFE0000, v58;
	v2 =	vor.u32 v57, v2;
	v57 =	vld [tilespmem:$0xE10]  }
0x40d: {  	[tilespmem:$0x2D10] =	vst v62;
	v62 =	vand.u32 $0x7F, v10;
	v38 =	vsel vm10, $0x3F800000, v60;
	v58 =	vadd.s32 v29, v36;
	v29 =	vld [tilespmem:$0x1E10]  }
0x40e: {  	[tilespmem:$0x3D30] =	vst v30;
	v34 =	vsel vm6, $0x3F800000, v60;
	v30 =	vshll.u32 v41, $0x7;
	v32 =	vsel vm4, $0x3F800000, v60  }
0x40f: {  	[tilespmem:$0x3BF0] =	vst v31;
	vm14 =	veq.s32 v37, v0;
	v40 =	vshra.s32 v59, $0x9;
	v59 =	vand.u32 $0x7F, v59  }
0x410: {  	v37 =	vor.u32 v59, v58;
	v58 =	vsub.s32 v2, v1;
	v2 =	vand.u32 $0x7FFFF, v2;
	[tilespmem:$0x2C20] =	vst v3;
	v3 =	vld [tilespmem:$0x1FF90]  }
0x411: {  	[tilespmem:$0x3C30] =	vst v16;
	v31 =	vsel vm1, $0x3F800000, v60;
	v33 =	vsel vm14, v58, v2;
	v58 =	vld [tilespmem:$0xE20];
	v2 =	vshll.u32 v57, $0xA  }
0x412: {  	[tilespmem:$0x3C10] =	vst v19;
	vm15 =	veq.s32 v40, v0;
	v59 =	vshll.u32 v29, $0x7;
	v29 =	vld [tilespmem:$0x1E20];
	v2 =	vand.u32 $0xFFFE0000, v2  }
0x413: {  	[tilespmem:$0x2D90] =	vst v49;
	v49 =	vld [tilespmem:$0xF20];
	v40 =	vsel vm9, $0x3F800000, v60;
	v44 =	vand.u32 $0x7F, v57;
	v2 =	vadd.s32 v59, v2  }
0x414: {  	[tilespmem:$0x3C20] =	vst v15;
	v9 =	vld [tilespmem:$0x1FF30];
	v45 =	vsub.s32 v37, v1;
	v59 =	vshra.s32 v57, $0x9;
	v2 =	vor.u32 v44, v2  }
0x415: {  	[tilespmem:$0x2D00] =	vst v63;
	v57 =	vld [tilespmem:$0xE30];
	vm9 =	veq.s32 v59, v0;
	v19 =	vsub.s32 v2, v1;
	v2 =	vand.u32 $0x7FFFF, v2  }
0x416: {  	[tilespmem:$0x3CD0] =	vst v6;
	v6 =	vld [tilespmem:$0xE90];
	v22 =	vand.u32 $0x7FFFF, v37;
	v19 =	vsel vm9, v19, v2;
	v2 =	vshll.u32 v58, $0xA  }
0x417: {  	v37 =	vsel vm15, v45, v22;
	[tilespmem:$0x2C30] =	vst v3;
	v3 =	vld [tilespmem:$0x1FFA0];
	v29 =	vshll.u32 v29, $0x7;
	v2 =	vand.u32 $0xFFFE0000, v2  }
0x418: {  	[tilespmem:$0x3C70] =	vst v14;
	v22 =	vshra.s32 v58, $0x9;
	v58 =	vand.u32 $0x7F, v58;
	v2 =	vadd.s32 v29, v2;
	v29 =	vld [tilespmem:$0xE40]  }
0x419: {  	[tilespmem:$0x3DA0] =	vst v32;
	v32 =	vand.u32 $0x7F, v49;
	vm10 =	veq.s32 v22, v0;
	v2 =	vor.u32 v58, v2  }
0x41a: {  	[tilespmem:$0x3B50] =	vst v9;
	v9 =	vld [tilespmem:$0x1FF50];
	v22 =	vshll.u32 v57, $0xA;
	v58 =	vsub.s32 v2, v1;
	v2 =	vand.u32 $0x7FFFF, v2  }
0x41b: {  	[tilespmem:$0x3C50] =	vst v20;
	v63 =	vshll.u32 v6, $0xA;
	v59 =	vand.u32 $0xFFFE0000, v22;
	v58 =	vsel vm10, v58, v2;
	v2 =	vld [tilespmem:$0x1FFC0]  }
0x41c: {  	[tilespmem:$0x2C40] =	vst v3;
	v3 =	vld [tilespmem:$0x1E40];
	v20 =	vshra.s32 v57, $0x9;
	v18 =	vadd.s32 v18, v59;
	v59 =	vand.u32 $0x7F, v57  }
0x41d: {  	[tilespmem:$0x3C60] =	vst v13;
	v22 =	vld [tilespmem:$0x1FFB0];
	vm11 =	veq.s32 v20, v0;
	v18 =	vor.u32 v59, v18;
	v59 =	vshll.u32 v29, $0xA  }
0x41e: {  	[tilespmem:$0x3CE0] =	vst v4;
	v20 =	vsub.s32 v18, v1;
	v13 =	vand.u32 $0x7FFFF, v18;
	v18 =	vand.u32 $0xFFFE0000, v59;
	v59 =	vld [tilespmem:$0x1FFD0]  }
0x41f: {  	v4 =	vand.u32 $0xFFFE0000, v63;
	v23 =	vsel vm3, $0x3F800000, v60;
	v15 =	vsel vm14, $0x3F800000, v60;
	[tilespmem:$0x3B60] =	vst v9;
	v57 =	vld [tilespmem:$0xE50]  }
0x420: {  	v9 =	vsel vm8, $0x3F800000, v60;
	v36 =	vsel vm7, $0x3F800000, v60;
	v16 =	vsel vm15, $0x3F800000, v60;
	[tilespmem:$0x2C60] =	vst v2;
	v2 =	vld [tilespmem:$0x1E50]  }
0x421: {  	v45 =	vsel vm0, $0x3F800000, v60;
	[tilespmem:$0x2DF0] =	vst v33;
	v44 =	vsel vm2, $0x3F800000, v60;
	v21 =	vsel vm9, $0x3F800000, v60  }
0x422: {  	v33 =	vld [tilespmem:$0xF40];
	v14 =	vsel vm11, $0x3F800000, v60;
	v3 =	vshll.u32 v3, $0x7;
	v13 =	vsel vm11, v20, v13;
	[tilespmem:$0x2C50] =	vst v22  }
0x423: {  	v22 =	vsel vm10, $0x3F800000, v60;
	v3 =	vadd.s32 v3, v18;
	v18 =	vld [tilespmem:$0xE60];
	[tilespmem:$0x2C70] =	vst v59;
	v59 =	vand.u32 $0x7F, v29  }
0x424: {  	[tilespmem:$0x2C80] =	vst v50;
	v50 =	vshll.u32 v57, $0xA;
	v29 =	vshra.s32 v29, $0x9;
	v3 =	vor.u32 v59, v3  }
0x425: {  	[tilespmem:$0x2C90] =	vst v48;
	vm12 =	veq.s32 v29, v0;
	v59 =	vld [tilespmem:$0x1E60];
	v29 =	vand.u32 $0xFFFE0000, v50;
	v2 =	vshll.u32 v2, $0x7  }
0x426: {  	[tilespmem:$0x2CB0] =	vst v39;
	v20 =	vsub.s32 v3, v1;
	v3 =	vand.u32 $0x7FFFF, v3;
	v2 =	vadd.s32 v2, v29;
	v29 =	vld [tilespmem:$0x1FFE0]  }
0x427: {  	[tilespmem:$0x2E30] =	vst v13;
	v13 =	vshra.s32 v33, $0x9;
	v50 =	vsel vm12, v20, v3;
	v3 =	vand.u32 $0x7F, v57  }
0x428: {  	[tilespmem:$0x3C80] =	vst v17;
	v48 =	vshll.u32 v18, $0xA;
	v57 =	vshra.s32 v57, $0x9;
	v2 =	vor.u32 v3, v2;
	v3 =	vld [tilespmem:$0xE70]  }
0x429: {  	[tilespmem:$0x3C90] =	vst v12;
	v17 =	vsel vm12, $0x3F800000, v60;
	v20 =	vld [tilespmem:$0x1FFF0];
	vm13 =	veq.s32 v57, v0;
	v57 =	vand.u32 $0xFFFE0000, v48  }
0x42a: {  	[tilespmem:$0x3CA0] =	vst v11;
	v11 =	vld [tilespmem:$0xE80];
	v12 =	vsub.s32 v2, v1;
	v2 =	vand.u32 $0x7FFFF, v2;
	v59 =	vshll.u32 v59, $0x7  }
0x42b: {  	v48 =	vsel vm13, v12, v2;
	v12 =	vand.u32 $0x7F, v18;
	v18 =	vshra.s32 v18, $0x9;
	[tilespmem:$0x2CA0] =	vst v29;
	v29 =	vld [tilespmem:$0x1E70]  }
0x42c: {  	[tilespmem:$0x3CC0] =	vst v7;
	v39 =	vsel vm13, $0x3F800000, v60;
	v2 =	vadd.s32 v59, v57;
	vm14 =	veq.s32 v18, v0  }
0x42d: {  	[tilespmem:$0x2CD0] =	vst v43;
	v2 =	vor.u32 v12, v2;
	v7 =	vsel vm14, $0x3F800000, v60;
	v59 =	vshll.u32 v3, $0xA  }
0x42e: {  	[tilespmem:$0x2CC0] =	vst v20;
	v57 =	vsub.s32 v2, v1;
	v2 =	vand.u32 $0x7FFFF, v2;
	v20 =	vand.u32 $0xFFFE0000, v59  }
0x42f: {  	[tilespmem:$0x2CE0] =	vst v47;
	v18 =	vld [tilespmem:$0x1E80];
	v43 =	vsel vm14, v57, v2;
	v57 =	vand.u32 $0x7F, v3;
	v3 =	vshra.s32 v3, $0x9  }
0x430: {  	[tilespmem:$0x2D40] =	vst v55;
	v59 =	vshll.u32 v11, $0xA;
	vm15 =	veq.s32 v3, v0;
	v29 =	vshll.u32 v29, $0x7  }
0x431: {  	v55 =	vld [tilespmem:$0x1EC0];
	[tilespmem:$0x2E60] =	vst v43;
	v43 =	vshll.u32 v33, $0xA;
	v47 =	vsel vm15, $0x3F800000, v60;
	v2 =	vadd.s32 v29, v20  }
0x432: {  	[tilespmem:$0x2E50] =	vst v48;
	v48 =	vand.u32 $0xFFFE0000, v43;
	v20 =	vld [tilespmem:$0x1E90];
	v29 =	vand.u32 $0xFFFE0000, v59;
	v2 =	vor.u32 v57, v2  }
0x433: {  	v63 =	vld [tilespmem:$0xEC0];
	v59 =	vshra.s32 v11, $0x9;
	v3 =	vsub.s32 v2, v1;
	v2 =	vand.u32 $0x7FFFF, v2  }
0x434: {  	[tilespmem:$0x2CF0] =	vst v46;
	v57 =	vshll.u32 v18, $0x7;
	vm4 =	veq.s32 v59, v0;
	v18 =	vld [tilespmem:$0x1EA0];
	v46 =	vsel vm15, v3, v2  }
0x435: {  	v59 =	vld [tilespmem:$0x1EB0];
	v2 =	vadd.s32 v57, v29;
	v3 =	vand.u32 $0x7F, v11;
	v57 =	vshll.u32 v10, $0xA  }
0x436: {  	v10 =	vshra.s32 v10, $0x9;
	v11 =	vshll.u32 v55, $0x7;
	v2 =	vor.u32 v3, v2  }
0x437: {  	[tilespmem:$0x3CF0] =	vst v5;
	v3 =	vsub.s32 v2, v1;
	v2 =	vand.u32 $0x7FFFF, v2;
	v20 =	vshll.u32 v20, $0x7  }
0x438: {  	[tilespmem:$0x2D60] =	vst v53;
	v53 =	vld [tilespmem:$0xEF0];
	vm6 =	veq.s32 v10, v0;
	v5 =	vsel vm4, v3, v2;
	v2 =	vadd.s32 v20, v4  }
0x439: {  	[tilespmem:$0x3D10] =	vst v8;
	v29 =	vld [tilespmem:$0xEB0];
	v3 =	vand.u32 $0x7F, v6;
	v4 =	vsel vm4, $0x3F800000, v60;
	v6 =	vshra.s32 v6, $0x9  }
0x43a: {  	[tilespmem:$0x2D20] =	vst v61;
	v61 =	vshll.u32 v18, $0x7;
	v8 =	vshll.u32 v59, $0x7;
	v59 =	vshll.u32 v63, $0xA  }
0x43b: {  	v18 =	vshra.s32 v63, $0x9;
	vm4 =	veq.s32 v13, v0;
	v2 =	vor.u32 v3, v2  }
0x43c: {  	[tilespmem:$0x3D20] =	vst v35;
	vm5 =	veq.s32 v6, v0;
	v6 =	vand.u32 $0xFFFE0000, v57;
	vm8 =	veq.s32 v18, v0  }
0x43d: {  	[tilespmem:$0x3E50] =	vst v39;
	v39 =	vld [tilespmem:$0x1F80];
	v18 =	vshra.s32 v53, $0x9;
	v3 =	vsub.s32 v2, v1;
	v2 =	vand.u32 $0x7FFFF, v2  }
0x43e: {  	[tilespmem:$0x2D30] =	vst v56;
	v35 =	vshll.u32 v29, $0xA;
	v56 =	vand.u32 $0x7F, v29;
	v12 =	vshra.s32 v29, $0x9  }
0x43f: {  	[tilespmem:$0x3D40] =	vst v28;
	vm11 =	veq.s32 v18, v0;
	v18 =	vshra.s32 v49, $0x9;
	v3 =	vsel vm5, v3, v2  }
0x440: {  	[tilespmem:$0x2D70] =	vst v52;
	v2 =	vadd.s32 v61, v6;
	v6 =	vsel vm5, $0x3F800000, v60;
	v10 =	vand.u32 $0xFFFE0000, v35  }
0x441: {  	[tilespmem:$0x3DF0] =	vst v15;
	v57 =	vld [tilespmem:$0xED0];
	vm7 =	veq.s32 v12, v0;
	v12 =	vand.u32 $0xFFFE0000, v59;
	v35 =	vand.u32 $0x7F, v53  }
0x442: {  	[tilespmem:$0x3D00] =	vst v9;
	v15 =	vsel vm11, $0x3F800000, v60;
	vm14 =	veq.s32 v18, v0;
	v18 =	vshll.u32 v39, $0x7  }
0x443: {  	[tilespmem:$0x3E20] =	vst v22;
	v61 =	vld [tilespmem:$0x1ED0];
	v2 =	vor.u32 v62, v2;
	v62 =	vand.u32 $0x7F, v63;
	v22 =	vsel vm14, $0x3F800000, v60  }
0x444: {  	v59 =	vld [tilespmem:$0xF00];
	[tilespmem:$0x3E90] =	vst v6;
	v6 =	vsel vm4, $0x3F800000, v60;
	v9 =	vsub.s32 v2, v1;
	v2 =	vand.u32 $0x7FFFF, v2  }
0x445: {  	[tilespmem:$0x2E40] =	vst v50;
	v50 =	vld [tilespmem:$0xF60];
	v9 =	vsel vm6, v9, v2;
	v2 =	vadd.s32 v8, v10;
	v8 =	vsel vm6, $0x3F800000, v60  }
0x446: {  	[tilespmem:$0x3D70] =	vst v40;
	v40 =	vshll.u32 v57, $0xA;
	v52 =	vand.u32 $0x7F, v57;
	v20 =	vshra.s32 v57, $0x9  }
0x447: {  	[tilespmem:$0x2D80] =	vst v51;
	v63 =	vld [tilespmem:$0xEE0];
	v2 =	vor.u32 v56, v2;
	v51 =	vand.u32 $0xFFFE0000, v40;
	vm9 =	veq.s32 v20, v0  }
0x448: {  	[tilespmem:$0x3DC0] =	vst v45;
	v10 =	vsub.s32 v2, v1;
	v2 =	vand.u32 $0x7FFFF, v2;
	v28 =	vshll.u32 v61, $0x7  }
0x449: {  	v41 =	vld [tilespmem:$0x1F10];
	[tilespmem:$0x3DD0] =	vst v44;
	v40 =	vshll.u32 v59, $0xA;
	v44 =	vand.u32 $0x7F, v59;
	v45 =	vshra.s32 v59, $0x9  }
0x44a: {  	[tilespmem:$0x3D80] =	vst v36;
	v36 =	vld [tilespmem:$0xF10];
	v59 =	vshll.u32 v49, $0xA;
	v49 =	vand.u32 $0x7F, v33;
	v33 =	vand.u32 $0x7F, v50  }
0x44b: {  	v10 =	vsel vm7, v10, v2;
	v2 =	vadd.s32 v11, v12;
	v11 =	vsel vm7, $0x3F800000, v60  }
0x44c: {  	[tilespmem:$0x3D60] =	vst v38;
	v55 =	vshll.u32 v63, $0xA;
	v57 =	vand.u32 $0x7F, v63;
	v12 =	vshra.s32 v63, $0x9  }
0x44d: {  	[tilespmem:$0x2DE0] =	vst v42;
	v42 =	vand.u32 $0xFFFE0000, v40;
	vm12 =	veq.s32 v45, v0;
	v2 =	vor.u32 v62, v2  }
0x44e: {  	[tilespmem:$0x2DA0] =	vst v27;
	v56 =	vld [tilespmem:$0x1EF0];
	v27 =	vand.u32 $0xFFFE0000, v55;
	vm10 =	veq.s32 v12, v0;
	v62 =	vshll.u32 v53, $0xA  }
0x44f: {  	[tilespmem:$0x3E00] =	vst v16;
	v55 =	vshll.u32 v41, $0x7;
	v16 =	vsel vm12, $0x3F800000, v60;
	v12 =	vshra.s32 v36, $0x9  }
0x450: {  	[tilespmem:$0x2D50] =	vst v54;
	v63 =	vld [tilespmem:$0x1F00];
	v38 =	vsub.s32 v2, v1;
	v2 =	vand.u32 $0x7FFFF, v2;
	v20 =	vand.u32 $0xFFFE0000, v62  }
0x451: {  	[tilespmem:$0x2DC0] =	vst v24;
	v53 =	vld [tilespmem:$0x1F20];
	v24 =	vsel vm10, $0x3F800000, v60;
	vm13 =	veq.s32 v12, v0;
	v62 =	vand.u32 $0xFFFE0000, v59  }
0x452: {  	[tilespmem:$0x3D90] =	vst v34;
	v41 =	vld [tilespmem:$0xF50];
	v29 =	vsel vm8, v38, v2;
	v2 =	vadd.s32 v28, v51;
	v28 =	vsel vm8, $0x3F800000, v60  }
0x453: {  	[tilespmem:$0x3DB0] =	vst v31;
	v34 =	vshll.u32 v56, $0x7;
	v56 =	vand.u32 $0x7F, v36;
	v2 =	vor.u32 v52, v2  }
0x454: {  	[tilespmem:$0x3E30] =	vst v14;
	v59 =	vld [tilespmem:$0xF70];
	v14 =	vsel vm13, $0x3F800000, v60;
	v54 =	vsub.s32 v2, v1;
	v2 =	vand.u32 $0x7FFFF, v2  }
0x455: {  	[tilespmem:$0x2DB0] =	vst v26;
	v43 =	vld [tilespmem:$0xF90];
	v52 =	vshll.u32 v36, $0xA;
	v31 =	vshll.u32 v63, $0x7;
	v26 =	vsel vm9, v54, v2  }
0x456: {  	v36 =	vld [tilespmem:$0x1F40];
	v2 =	vadd.s32 v30, v27;
	v27 =	vsel vm9, $0x3F800000, v60;
	v54 =	vand.u32 $0xFFFE0000, v52  }
0x457: {  	v63 =	vshll.u32 v53, $0x7;
	v52 =	vshll.u32 v41, $0xA;
	v2 =	vor.u32 v57, v2  }
0x458: {  	[tilespmem:$0x2DD0] =	vst v25;
	v57 =	vld [tilespmem:$0xF30];
	v13 =	vand.u32 $0xFFFE0000, v52;
	v61 =	vsub.s32 v2, v1;
	v2 =	vand.u32 $0x7FFFF, v2  }
0x459: {  	[tilespmem:$0x2E80] =	vst v5;
	v5 =	vshra.s32 v59, $0x9;
	v25 =	vsel vm10, v61, v2;
	v2 =	vadd.s32 v34, v20  }
0x45a: {  	v52 =	vshll.u32 v43, $0xA;
	vm7 =	veq.s32 v5, v0;
	v2 =	vor.u32 v35, v2  }
0x45b: {  	[tilespmem:$0x3DE0] =	vst v23;
	v53 =	vld [tilespmem:$0x1F60];
	v23 =	vshll.u32 v36, $0x7;
	v38 =	vsub.s32 v2, v1;
	v2 =	vand.u32 $0x7FFFF, v2  }
0x45c: {  	v20 =	vsel vm11, v38, v2;
	v2 =	vadd.s32 v31, v42;
	v31 =	vadd.s32 v63, v62  }
0x45d: {  	[tilespmem:$0x3E10] =	vst v21;
	v61 =	vld [tilespmem:$0x1F30];
	v35 =	vshll.u32 v57, $0xA;
	v40 =	vand.u32 $0x7F, v57;
	v21 =	vshra.s32 v57, $0x9  }
0x45e: {  	[tilespmem:$0x2E00] =	vst v37;
	v36 =	vld [tilespmem:$0xF80];
	v57 =	vand.u32 $0x7F, v41;
	v62 =	vshll.u32 v50, $0xA;
	v2 =	vor.u32 v44, v2  }
0x45f: {  	[tilespmem:$0x2E10] =	vst v19;
	v12 =	vor.u32 v32, v31;
	v37 =	vand.u32 $0xFFFE0000, v35;
	vm15 =	veq.s32 v21, v0  }
0x460: {  	[tilespmem:$0x2E20] =	vst v58;
	v31 =	vand.u32 $0xFFFE0000, v62;
	v32 =	vshll.u32 v53, $0x7;
	v35 =	vshra.s32 v50, $0x9  }
0x461: {  	[tilespmem:$0x3EA0] =	vst v8;
	v51 =	vsub.s32 v2, v1;
	v2 =	vand.u32 $0x7FFFF, v2;
	v34 =	vsub.s32 v12, v1  }
0x462: {  	[tilespmem:$0x3ED0] =	vst v27;
	v27 =	vld [tilespmem:$0xFC0];
	v12 =	vand.u32 $0x7FFFF, v12;
	v38 =	vshll.u32 v61, $0x7;
	v8 =	vadd.s32 v32, v31  }
0x463: {  	[tilespmem:$0x2EA0] =	vst v9;
	vm6 =	veq.s32 v35, v0;
	v9 =	vshra.s32 v36, $0x9;
	v19 =	vsel vm12, v51, v2  }
0x464: {  	[tilespmem:$0x3E40] =	vst v17;
	v2 =	vadd.s32 v55, v54;
	v12 =	vsel vm14, v34, v12;
	v17 =	vadd.s32 v38, v37  }
0x465: {  	[tilespmem:$0x3E60] =	vst v7;
	v8 =	vor.u32 v33, v8;
	v38 =	vshll.u32 v59, $0xA;
	vm8 =	veq.s32 v9, v0  }
0x466: {  	[tilespmem:$0x3E70] =	vst v47;
	v44 =	vld [tilespmem:$0x1F50];
	v2 =	vor.u32 v56, v2;
	v17 =	vor.u32 v40, v17;
	v37 =	vsub.s32 v8, v1  }
0x467: {  	v8 =	vand.u32 $0x7FFFF, v8;
	[tilespmem:$0x2F20] =	vst v12;
	v12 =	vshra.s32 v27, $0x9;
	v58 =	vsub.s32 v2, v1  }
0x468: {  	[tilespmem:$0x2E70] =	vst v46;
	v50 =	vld [tilespmem:$0xFA0];
	v2 =	vand.u32 $0x7FFFF, v2;
	v42 =	vsub.s32 v17, v1;
	v45 =	vand.u32 $0x7FFFF, v17  }
0x469: {  	[tilespmem:$0x3E80] =	vst v4;
	v17 =	vadd.s32 v23, v48;
	v23 =	vsel vm15, $0x3F800000, v60;
	v8 =	vsel vm6, v37, v8  }
0x46a: {  	v46 =	vld [tilespmem:$0x1F90];
	[tilespmem:$0x2E90] =	vst v3;
	v48 =	vand.u32 $0x7F, v36;
	vm12 =	veq.s32 v12, v0;
	v2 =	vsel vm13, v58, v2  }
0x46b: {  	[tilespmem:$0x3EF0] =	vst v15;
	v63 =	vld [tilespmem:$0x1F70];
	v7 =	vsel vm15, v42, v45;
	v17 =	vor.u32 v49, v17;
	v55 =	vshll.u32 v44, $0x7  }
0x46c: {  	[tilespmem:$0x3F20] =	vst v22;
	v58 =	vshra.s32 v41, $0x9;
	v41 =	vand.u32 $0x7F, v59;
	v42 =	vsel vm6, $0x3F800000, v60  }
0x46d: {  	[tilespmem:$0x3F40] =	vst v6;
	v45 =	vshll.u32 v36, $0xA;
	v49 =	vsel vm7, $0x3F800000, v60;
	v62 =	vshll.u32 v50, $0xA  }
0x46e: {  	[tilespmem:$0x2EE0] =	vst v25;
	v25 =	vand.u32 $0x7F, v50;
	v51 =	vsub.s32 v17, v1;
	v54 =	vand.u32 $0x7FFFF, v17  }
0x46f: {  	[tilespmem:$0x2EB0] =	vst v10;
	v56 =	vadd.s32 v55, v13;
	vm5 =	veq.s32 v58, v0;
	v13 =	vand.u32 $0xFFFE0000, v38  }
0x470: {  	[tilespmem:$0x3EB0] =	vst v11;
	v53 =	vld [tilespmem:$0x1FA0];
	v17 =	vshll.u32 v63, $0x7;
	v21 =	vand.u32 $0xFFFE0000, v45;
	v55 =	vshll.u32 v46, $0x7  }
0x471: {  	v58 =	vsel vm8, $0x3F800000, v60;
	v38 =	vshll.u32 v27, $0xA;
	[tilespmem:$0x3F60] =	vst v42;
	v42 =	vand.u32 $0x7F, v27  }
0x472: {  	[tilespmem:$0x3F70] =	vst v49;
	v49 =	vsel vm12, $0x3F800000, v60;
	v3 =	vsel vm4, v51, v54;
	v4 =	vor.u32 v57, v56  }
0x473: {  	[tilespmem:$0x2EC0] =	vst v29;
	v29 =	vld [tilespmem:$0x1FC0];
	v34 =	vsel vm5, $0x3F800000, v60;
	v40 =	vadd.s32 v17, v13;
	v47 =	vadd.s32 v18, v21  }
0x474: {  	[tilespmem:$0x3F00] =	vst v16;
	v54 =	vand.u32 $0xFFFE0000, v52;
	v57 =	vand.u32 $0x7F, v43;
	v13 =	vshra.s32 v43, $0x9  }
0x475: {  	[tilespmem:$0x3EE0] =	vst v24;
	v21 =	vshll.u32 v53, $0x7;
	v18 =	vshra.s32 v50, $0x9;
	v10 =	vand.u32 $0xFFFE0000, v38  }
0x476: {  	[tilespmem:$0x3EC0] =	vst v28;
	v61 =	vsub.s32 v4, v1;
	v4 =	vand.u32 $0x7FFFF, v4;
	v11 =	vor.u32 v41, v40  }
0x477: {  	[tilespmem:$0x3F10] =	vst v14;
	v59 =	vld [tilespmem:$0xFB0];
	v56 =	vadd.s32 v55, v54;
	vm9 =	veq.s32 v13, v0;
	v13 =	vand.u32 $0xFFFE0000, v62  }
0x478: {  	[tilespmem:$0x2ED0] =	vst v26;
	v36 =	vld [tilespmem:$0xFD0];
	vm10 =	veq.s32 v18, v0;
	v40 =	vshll.u32 v29, $0x7;
	v4 =	vsel vm5, v61, v4  }
0x479: {  	[tilespmem:$0x2EF0] =	vst v20;
	v44 =	vsub.s32 v11, v1;
	v11 =	vand.u32 $0x7FFFF, v11;
	v9 =	vor.u32 v57, v56  }
0x47a: {  	[tilespmem:$0x3F50] =	vst v34;
	v24 =	vadd.s32 v21, v13;
	v26 =	vsel vm9, $0x3F800000, v60;
	v34 =	vsel vm10, $0x3F800000, v60  }
0x47b: {  	[tilespmem:$0x2F00] =	vst v19;
	v63 =	vld [tilespmem:$0x1FB0];
	v41 =	vadd.s32 v40, v10;
	v5 =	vsel vm7, v44, v11;
	v11 =	vor.u32 v48, v47  }
0x47c: {  	[tilespmem:$0x3F30] =	vst v23;
	v61 =	vsub.s32 v9, v1;
	v9 =	vand.u32 $0x7FFFF, v9;
	v28 =	vshll.u32 v59, $0xA  }
0x47d: {  	[tilespmem:$0x2F60] =	vst v8;
	v46 =	vld [tilespmem:$0x1FE0];
	v33 =	vand.u32 $0x7F, v59;
	v35 =	vshra.s32 v59, $0x9;
	v45 =	vshll.u32 v36, $0xA  }
0x47e: {  	v39 =	vld [tilespmem:$0x1FD0];
	[tilespmem:$0x2F10] =	vst v2;
	v48 =	vand.u32 $0x7F, v36;
	v6 =	vshra.s32 v36, $0x9;
	v51 =	vsub.s32 v11, v1  }
0x47f: {  	[tilespmem:$0x2F30] =	vst v7;
	v50 =	vld [tilespmem:$0xFF0];
	v11 =	vand.u32 $0x7FFFF, v11;
	v22 =	vsel vm9, v61, v9;
	v9 =	vor.u32 v25, v24  }
0x480: {  	[tilespmem:$0x3F80] =	vst v58;
	v52 =	vld [tilespmem:$0x1FF0];
	v31 =	vand.u32 $0xFFFE0000, v28;
	v16 =	vshll.u32 v63, $0x7;
	vm11 =	veq.s32 v35, v0  }
0x481: {  	[tilespmem:$0x2F70] =	vst v5;
	v5 =	vor.u32 v42, v41;
	v12 =	vand.u32 $0xFFFE0000, v45;
	vm13 =	veq.s32 v6, v0  }
0x482: {  	[tilespmem:$0x2F40] =	vst v3;
	v53 =	vshll.u32 v46, $0x7;
	v2 =	vsel vm8, v51, v11;
	v3 =	vsub.s32 v9, v1  }
0x483: {  	[tilespmem:$0x3FC0] =	vst v49;
	v30 =	vand.u32 $0x7FFFF, v9;
	v32 =	vadd.s32 v16, v31;
	v43 =	vsel vm11, $0x3F800000, v60  }
0x484: {  	[tilespmem:$0x2F50] =	vst v4;
	v44 =	vld [tilespmem:$0xFE0];
	v11 =	vshll.u32 v39, $0x7;
	v56 =	vsel vm13, $0x3F800000, v60;
	v58 =	vshll.u32 v50, $0xA  }
0x485: {  	[tilespmem:$0x3F90] =	vst v26;
	v59 =	vshll.u32 v52, $0x7;
	v61 =	vand.u32 $0x7F, v50;
	v63 =	vshra.s32 v50, $0x9  }
0x486: {  	v3 =	vsel vm10, v3, v30;
	v4 =	vor.u32 v33, v32;
	[tilespmem:$0x2F80] =	vst v2;
	v2 =	vsub.s32 v5, v1  }
0x487: {  	[tilespmem:$0x3FA0] =	vst v34;
	v5 =	vand.u32 $0x7FFFF, v5;
	v47 =	vadd.s32 v11, v12;
	v37 =	vsub.s32 v4, v1  }
0x488: {  	[tilespmem:$0x2F90] =	vst v22;
	v4 =	vand.u32 $0x7FFFF, v4;
	v2 =	vsel vm12, v2, v5;
	v5 =	vor.u32 v48, v47  }
0x489: {  	[tilespmem:$0x2FA0] =	vst v3;
	v4 =	vsel vm11, v37, v4;
	v3 =	vsub.s32 v5, v1;
	v51 =	vshll.u32 v44, $0xA  }
0x48a: {  	[tilespmem:$0x3FB0] =	vst v43;
	v5 =	vand.u32 $0x7FFFF, v5;
	v55 =	vand.u32 $0x7F, v44;
	v6 =	vand.u32 $0xFFFE0000, v51  }
0x48b: {  	v57 =	vshra.s32 v44, $0x9;
	[tilespmem:$0x2FC0] =	vst v2;
	v3 =	vsel vm13, v3, v5;
	v54 =	vadd.s32 v53, v6  }
0x48c: {  	[tilespmem:$0x2FB0] =	vst v4;
	vm14 =	veq.s32 v57, v0;
	v6 =	vand.u32 $0xFFFE0000, v58;
	v4 =	vor.u32 v55, v54  }
0x48d: {  	[tilespmem:$0x2FD0] =	vst v3;
	v3 =	vadd.s32 v59, v6;
	v2 =	vsub.s32 v4, v1;
	v4 =	vand.u32 $0x7FFFF, v4  }
0x48e: {  	[tilespmem:$0x3FD0] =	vst v56;
	vm15 =	veq.s32 v63, v0;
	v3 =	vor.u32 v61, v3;
	v2 =	vsel vm14, v2, v4  }
0x48f: {  	v62 =	vsel vm14, $0x3F800000, v60;
	[tilespmem:$0x2FE0] =	vst v2;
	v2 =	vsub.s32 v3, v1;
	v3 =	vand.u32 $0x7FFFF, v3  }
0x490: {  	[tilespmem:$0x3FE0] =	vst v62;
	v2 =	vsel vm15, v2, v3  }
0x491: {  	[tilespmem:$0x2FF0] =	vst v2;
	v2 =	vsel vm15, $0x3F800000, v60  }
0x492: {  	[tilespmem:$0x3FF0] =	vst v2  }
0x493: {  	_ =	swait.ge [sflag:s11], $0x1000  }
0x494: {  	[sflag:s11] =	ssyncset.done $0x0  }
0x495: {  	[sflag:s11] =	ssyncadd.s32 $0xFFFFF000  }
0x496: {  	[bflag:$0x0] =	sbarrier.arrive $0xFFFF  }
0x497: {  	s12 =	rddreg [dreg:$0x9]  }
0x498: {  	s13 =	rddreg [dreg:$0xa]  }
0x499: {  	s0 =	rddreg [dreg:$0xb]  }
0x49a: {  	s3 =	rddreg [dreg:$0xc]  }
0x49b: {  	[spmem:s1] =	stream.indirect.scatter.add.f32 [tilespmem:s13], [sflag:$0x3], $0x1, s12, s8, $0xb8;
	[tilespmem:$0xC000] =	vst v63  }
0x49c: {  	s12 =	rddreg [dreg:$0xd]  }
0x49d: {  	s13 =	rddreg [dreg:$0xe]  }
0x49e: {  	[spmem:s1] =	stream.indirect.scatter.add.f32 [tilespmem:s3], [sflag:$0x3], $0x1, s0, s8, $0xb8;
	[tilespmem:$0xC000] =	vst v63  }
0x49f: {  	s0 =	rddreg [dreg:$0xf]  }
0x4a0: {  	s3 =	rddreg [dreg:$0x10]  }
0x4a1: {  	[spmem:s1] =	stream.indirect.scatter.add.f32 [tilespmem:s13], [sflag:$0x3], $0x1, s12, s8, $0xb8;
	[tilespmem:$0xC000] =	vst v63  }
0x4a2: {  	s12 =	rddreg [dreg:$0x11]  }
0x4a3: {  	s13 =	rddreg [dreg:$0x12]  }
0x4a4: {  	[spmem:s1] =	stream.indirect.scatter.add.f32 [tilespmem:s3], [sflag:$0x3], $0x1, s0, s8, $0xb8;
	[tilespmem:$0xC000] =	vst v63  }
0x4a5: {  	s0 =	rddreg [dreg:$0x13]  }
0x4a6: {  	s3 =	rddreg [dreg:$0x14]  }
0x4a7: {  	[spmem:s1] =	stream.indirect.scatter.add.f32 [tilespmem:s13], [sflag:$0x3], $0x1, s12, s8, $0xb8;
	[tilespmem:$0xC000] =	vst v63  }
0x4a8: {  	s12 =	rddreg [dreg:$0x15]  }
0x4a9: {  	s13 =	rddreg [dreg:$0x16]  }
0x4aa: {  	[spmem:s1] =	stream.indirect.scatter.add.f32 [tilespmem:s3], [sflag:$0x3], $0x1, s0, s8, $0xb8;
	[tilespmem:$0xC000] =	vst v63  }
0x4ab: {  	s0 =	rddreg [dreg:$0x17]  }
0x4ac: {  	s3 =	rddreg [dreg:$0x18]  }
0x4ad: {  	[spmem:s1] =	stream.indirect.scatter.add.f32 [tilespmem:s13], [sflag:$0x3], $0x1, s12, s8, $0xb8;
	[tilespmem:$0xC000] =	vst v63  }
0x4ae: {  	s12 =	rddreg [dreg:$0x19]  }
0x4af: {  	s13 =	rddreg [dreg:$0x1a]  }
0x4b0: {  	[spmem:s1] =	stream.indirect.scatter.add.f32 [tilespmem:s3], [sflag:$0x3], $0x1, s0, s8, $0xb8;
	[tilespmem:$0xC000] =	vst v63  }
0x4b1: {  	s0 =	rddreg [dreg:$0x1b]  }
0x4b2: {  	s3 =	rddreg [dreg:$0x1c]  }
0x4b3: {  	[spmem:s1] =	stream.indirect.scatter.add.f32 [tilespmem:s13], [sflag:$0x3], $0x1, s12, s8, $0xb8;
	[tilespmem:$0xC000] =	vst v63  }
0x4b4: {  	s12 =	rddreg [dreg:$0x1d]  }
0x4b5: {  	s13 =	rddreg [dreg:$0x1e]  }
0x4b6: {  	[spmem:s1] =	stream.indirect.scatter.add.f32 [tilespmem:s3], [sflag:$0x3], $0x1, s0, s8, $0xb8;
	[tilespmem:$0xC000] =	vst v63  }
0x4b7: {  	s0 =	rddreg [dreg:$0x1f]  }
0x4b8: {  	s3 =	sld [smem:$0x7E6]  }
0x4b9: {  	[spmem:s1] =	stream.indirect.scatter.add.f32 [tilespmem:s13], [sflag:$0x3], $0x1, s12, s8, $0xb8;
	[tilespmem:$0xC000] =	vst v63  }
0x4ba: {  	s12 =	sld [smem:$0x7E7]  }
0x4bb: {  	s13 =	sld [smem:$0x7E8]  }
0x4bc: {  	[spmem:s1] =	stream.indirect.scatter.add.f32 [tilespmem:s3], [sflag:$0x3], $0x1, s0, s8, $0xb8;
	[tilespmem:$0xC000] =	vst v63  }
0x4bd: {  	s0 =	sld [smem:$0x7E9]  }
0x4be: {  	s3 =	sld [smem:$0x7EA]  }
0x4bf: {  	[spmem:s1] =	stream.indirect.scatter.add.f32 [tilespmem:s13], [sflag:$0x3], $0x1, s12, s8, $0xb8;
	[tilespmem:$0xC000] =	vst v63  }
0x4c0: {  	s12 =	sld [smem:$0x7EB]  }
0x4c1: {  	s13 =	sld [smem:$0x7EC]  }
0x4c2: {  	[spmem:s1] =	stream.indirect.scatter.add.f32 [tilespmem:s3], [sflag:$0x3], $0x1, s0, s8, $0xb8;
	[tilespmem:$0xC000] =	vst v63  }
0x4c3: {  	s0 =	sld [smem:$0x7ED]  }
0x4c4: {  	s3 =	sld [smem:$0x7EE]  }
0x4c5: {  	[spmem:s1] =	stream.indirect.scatter.add.f32 [tilespmem:s13], [sflag:$0x3], $0x1, s12, s8, $0xb8;
	[tilespmem:$0xC000] =	vst v63  }
0x4c6: {  	s12 =	sld [smem:$0x7EF]  }
0x4c7: {  	s13 =	sld [smem:$0x7F0]  }
0x4c8: {  	[spmem:s1] =	stream.indirect.scatter.add.f32 [tilespmem:s3], [sflag:$0x3], $0x1, s0, s8, $0xb8;
	[tilespmem:$0xC000] =	vst v63  }
0x4c9: {  	s0 =	sld [smem:$0x7F1]  }
0x4ca: {  	s3 =	sld [smem:$0x7F2]  }
0x4cb: {  	[spmem:s1] =	stream.indirect.scatter.add.f32 [tilespmem:s13], [sflag:$0x3], $0x1, s12, s8, $0xb8;
	[tilespmem:$0xC000] =	vst v63  }
0x4cc: {  	s12 =	sld [smem:$0x7F3]  }
0x4cd: {  	s13 =	sld [smem:$0x7F4]  }
0x4ce: {  	[spmem:s1] =	stream.indirect.scatter.add.f32 [tilespmem:s3], [sflag:$0x3], $0x1, s0, s8, $0xb8;
	[tilespmem:$0xC000] =	vst v63  }
0x4cf: {  	s0 =	sld [smem:$0x7F5]  }
0x4d0: {  	s3 =	sld [smem:$0x7F6]  }
0x4d1: {  	[spmem:s1] =	stream.indirect.scatter.add.f32 [tilespmem:s13], [sflag:$0x3], $0x1, s12, s8, $0xb8;
	[tilespmem:$0xC000] =	vst v63  }
0x4d2: {  	s12 =	sld [smem:$0x7F7]  }
0x4d3: {  	s13 =	sld [smem:$0x7F8]  }
0x4d4: {  	[spmem:s1] =	stream.indirect.scatter.add.f32 [tilespmem:s3], [sflag:$0x3], $0x1, s0, s8, $0xb8;
	[tilespmem:$0xC000] =	vst v63  }
0x4d5: {  	s0 =	sld [smem:$0x7F9]  }
0x4d6: {  	s3 =	sld [smem:$0x7FA]  }
0x4d7: {  	[spmem:s1] =	stream.indirect.scatter.add.f32 [tilespmem:s13], [sflag:$0x3], $0x1, s12, s8, $0xb8;
	[tilespmem:$0xC000] =	vst v63  }
0x4d8: {  	s12 =	sld [smem:$0x7FB]  }
0x4d9: {  	s13 =	sld [smem:$0x7FC]  }
0x4da: {  	[spmem:s1] =	stream.indirect.scatter.add.f32 [tilespmem:s3], [sflag:$0x3], $0x1, s0, s8, $0xb8;
	[tilespmem:$0xC000] =	vst v63  }
0x4db: {  	s3 =	sld [smem:$0x7FD]  }
0x4dc: {  	[spmem:s1] =	stream.indirect.scatter.add.f32 [tilespmem:s13], [sflag:$0x3], $0x1, s12, s8, $0xb8;
	[tilespmem:$0xC000] =	vst v63  }
0x4dd: {  	s13 =	simm.s32 $0x3B80  }
0x4de: {  	[spmem:s1] =	stream.indirect.scatter.add.f32 [tilespmem:s13], [sflag:$0x3], $0x1, s3, s8, $0xb8;
	[tilespmem:$0xC000] =	vst v63  }
0x4df: {  	s3 =	simm.s32 $0x2C00  }
0x4e0: {  	[spmem:s1] =	stream.indirect.scatter.add.f32 [tilespmem:s14], [sflag:$0x3], $0x1, s3, s8, $0xb8;
	[tilespmem:$0xC000] =	vst v63  }
0x4e1: {  	_ = 	snop  }
0x4e2: {  	[spmem:s1] =	stream.indirect.scatter.add.f32 [tilespmem:s16], [sflag:$0x3], $0x1, s15, s8, $0xb8;
	[tilespmem:$0xC000] =	vst v63  }
0x4e3: {  	_ = 	snop  }
0x4e4: {  	[spmem:s1] =	stream.indirect.scatter.add.f32 [tilespmem:s18], [sflag:$0x3], $0x1, s17, s8, $0xb8;
	[tilespmem:$0xC000] =	vst v63  }
0x4e5: {  	_ = 	snop  }
0x4e6: {  	[spmem:s1] =	stream.indirect.scatter.add.f32 [tilespmem:s20], [sflag:$0x3], $0x1, s19, s8, $0xb8;
	[tilespmem:$0xC000] =	vst v63  }
0x4e7: {  	_ = 	snop  }
0x4e8: {  	[spmem:s1] =	stream.indirect.scatter.add.f32 [tilespmem:s22], [sflag:$0x3], $0x1, s21, s8, $0xb8;
	[tilespmem:$0xC000] =	vst v63  }
0x4e9: {  	_ = 	snop  }
0x4ea: {  	[spmem:s1] =	stream.indirect.scatter.add.f32 [tilespmem:s24], [sflag:$0x3], $0x1, s23, s8, $0xb8;
	[tilespmem:$0xC000] =	vst v63  }
0x4eb: {  	_ = 	snop  }
0x4ec: {  	[spmem:s1] =	stream.indirect.scatter.add.f32 [tilespmem:s26], [sflag:$0x3], $0x1, s25, s8, $0xb8;
	[tilespmem:$0xC000] =	vst v63  }
0x4ed: {  	_ = 	snop  }
0x4ee: {  	[spmem:s1] =	stream.indirect.scatter.add.f32 [tilespmem:s29], [sflag:$0x3], $0x1, s28, s8, $0xb8;
	[tilespmem:$0xC000] =	vst v63  }
0x4ef: {  	_ =	swait.ge [sflag:s30], $0x80  }
0x4f0: {  	[sflag:s30] =	ssyncset.done $0x0  }
0x4f1: {  	[sflag:s30] =	ssyncadd.s32 $0xFFFFFF80  }
0x4f2: {  	_ =	swait.ge [sflag:s30], $0x80  }
0x4f3: {  	[sflag:s30] =	ssyncset.done $0x0  }
0x4f4: {  	[sflag:s30] =	ssyncadd.s32 $0xFFFFFF80  }
0x4f5: {  	_ =	swait.ge [sflag:s30], $0x80  }
0x4f6: {  	[sflag:s30] =	ssyncset.done $0x0  }
0x4f7: {  	[sflag:s30] =	ssyncadd.s32 $0xFFFFFF80  }
0x4f8: {  	_ =	swait.ge [sflag:s30], $0x80  }
0x4f9: {  	[sflag:s30] =	ssyncset.done $0x0  }
0x4fa: {  	[sflag:s30] =	ssyncadd.s32 $0xFFFFFF80  }
0x4fb: {  	_ =	swait.ge [sflag:s30], $0x80  }
0x4fc: {  	[sflag:s30] =	ssyncset.done $0x0  }
0x4fd: {  	[sflag:s30] =	ssyncadd.s32 $0xFFFFFF80  }
0x4fe: {  	_ =	swait.ge [sflag:s30], $0x80  }
0x4ff: {  	[sflag:s30] =	ssyncset.done $0x0  }
0x500: {  	[sflag:s30] =	ssyncadd.s32 $0xFFFFFF80  }
0x501: {  	_ =	swait.ge [sflag:s30], $0x80  }
0x502: {  	[sflag:s30] =	ssyncset.done $0x0  }
0x503: {  	[sflag:s30] =	ssyncadd.s32 $0xFFFFFF80  }
0x504: {  	_ =	swait.ge [sflag:s30], $0x80  }
0x505: {  	[sflag:s30] =	ssyncset.done $0x0  }
0x506: {  	[sflag:s30] =	ssyncadd.s32 $0xFFFFFF80  }
0x507: {  	_ =	swait.ge [sflag:s30], $0x80  }
0x508: {  	[sflag:s30] =	ssyncset.done $0x0  }
0x509: {  	[sflag:s30] =	ssyncadd.s32 $0xFFFFFF80  }
0x50a: {  	_ =	swait.ge [sflag:s30], $0x80  }
0x50b: {  	[sflag:s30] =	ssyncset.done $0x0  }
0x50c: {  	[sflag:s30] =	ssyncadd.s32 $0xFFFFFF80  }
0x50d: {  	_ =	swait.ge [sflag:s30], $0x80  }
0x50e: {  	[sflag:s30] =	ssyncset.done $0x0  }
0x50f: {  	[sflag:s30] =	ssyncadd.s32 $0xFFFFFF80  }
0x510: {  	_ =	swait.ge [sflag:s30], $0x80  }
0x511: {  	[sflag:s30] =	ssyncset.done $0x0  }
0x512: {  	[sflag:s30] =	ssyncadd.s32 $0xFFFFFF80  }
0x513: {  	_ =	swait.ge [sflag:s30], $0x80  }
0x514: {  	[sflag:s30] =	ssyncset.done $0x0  }
0x515: {  	[sflag:s30] =	ssyncadd.s32 $0xFFFFFF80  }
0x516: {  	_ =	swait.ge [sflag:s30], $0x80  }
0x517: {  	[sflag:s30] =	ssyncset.done $0x0  }
0x518: {  	[sflag:s30] =	ssyncadd.s32 $0xFFFFFF80  }
0x519: {  	_ =	swait.ge [sflag:s30], $0x80  }
0x51a: {  	[sflag:s30] =	ssyncset.done $0x0  }
0x51b: {  	[sflag:s30] =	ssyncadd.s32 $0xFFFFFF80  }
0x51c: {  	_ =	swait.ge [sflag:s30], $0x80  }
0x51d: {  	[sflag:s30] =	ssyncset.done $0x0  }
0x51e: {  	[sflag:s30] =	ssyncadd.s32 $0xFFFFFF80  }
0x51f: {  	_ =	swait.ge [sflag:s30], $0x80  }
0x520: {  	[sflag:s30] =	ssyncset.done $0x0  }
0x521: {  	[sflag:s30] =	ssyncadd.s32 $0xFFFFFF80  }
0x522: {  	_ =	swait.ge [sflag:s30], $0x80  }
0x523: {  	[sflag:s30] =	ssyncset.done $0x0  }
0x524: {  	[sflag:s30] =	ssyncadd.s32 $0xFFFFFF80  }
0x525: {  	_ =	swait.ge [sflag:s30], $0x80  }
0x526: {  	[sflag:s30] =	ssyncset.done $0x0  }
0x527: {  	[sflag:s30] =	ssyncadd.s32 $0xFFFFFF80  }
0x528: {  	_ =	swait.ge [sflag:s30], $0x80  }
0x529: {  	[sflag:s30] =	ssyncset.done $0x0  }
0x52a: {  	[sflag:s30] =	ssyncadd.s32 $0xFFFFFF80  }
0x52b: {  	_ =	swait.ge [sflag:s30], $0x80  }
0x52c: {  	[sflag:s30] =	ssyncset.done $0x0  }
0x52d: {  	[sflag:s30] =	ssyncadd.s32 $0xFFFFFF80  }
0x52e: {  	_ =	swait.ge [sflag:s30], $0x80  }
0x52f: {  	[sflag:s30] =	ssyncset.done $0x0  }
0x530: {  	[sflag:s30] =	ssyncadd.s32 $0xFFFFFF80  }
0x531: {  	_ =	swait.ge [sflag:s30], $0x80  }
0x532: {  	[sflag:s30] =	ssyncset.done $0x0  }
0x533: {  	[sflag:s30] =	ssyncadd.s32 $0xFFFFFF80  }
0x534: {  	_ =	swait.ge [sflag:s30], $0x80  }
0x535: {  	[sflag:s30] =	ssyncset.done $0x0  }
0x536: {  	[sflag:s30] =	ssyncadd.s32 $0xFFFFFF80  }
0x537: {  	_ =	swait.ge [sflag:s30], $0x80  }
0x538: {  	[sflag:s30] =	ssyncset.done $0x0  }
0x539: {  	[sflag:s30] =	ssyncadd.s32 $0xFFFFFF80  }
0x53a: {  	_ =	swait.ge [sflag:s30], $0x80  }
0x53b: {  	[sflag:s30] =	ssyncset.done $0x0  }
0x53c: {  	[sflag:s30] =	ssyncadd.s32 $0xFFFFFF80  }
0x53d: {  	_ =	swait.ge [sflag:s30], $0x80  }
0x53e: {  	[sflag:s30] =	ssyncset.done $0x0  }
0x53f: {  	[sflag:s30] =	ssyncadd.s32 $0xFFFFFF80  }
0x540: {  	_ =	swait.ge [sflag:s30], $0x80  }
0x541: {  	[sflag:s30] =	ssyncset.done $0x0  }
0x542: {  	[sflag:s30] =	ssyncadd.s32 $0xFFFFFF80  }
0x543: {  	_ =	swait.ge [sflag:s30], $0x80  }
0x544: {  	[sflag:s30] =	ssyncset.done $0x0  }
0x545: {  	[sflag:s30] =	ssyncadd.s32 $0xFFFFFF80  }
0x546: {  	_ =	swait.ge [sflag:s30], $0x80  }
0x547: {  	[sflag:s30] =	ssyncset.done $0x0  }
0x548: {  	[sflag:s30] =	ssyncadd.s32 $0xFFFFFF80  }
0x549: {  	_ =	swait.ge [sflag:s30], $0x80  }
0x54a: {  	[sflag:s30] =	ssyncset.done $0x0  }
0x54b: {  	[sflag:s30] =	ssyncadd.s32 $0xFFFFFF80  }
0x54c: {  	_ =	swait.ge [sflag:s30], $0x80  }
0x54d: {  	[sflag:s30] =	ssyncset.done $0x0  }
0x54e: {  	[sflag:s30] =	ssyncadd.s32 $0xFFFFFF80  }
0x54f: {  	p0 =	sne.s32 s6, $0x1;
	[bflag:$0x0] =	sbarrier.arrive $0xFFFF  }
.Ltmp0:
0x550: {  	s13 =	sor.u32 $0x1C04, s4;
	s12 =	rddreg [dreg:$0x7];
	(pc) =	sbr.rel @p0 .LBB2_1-.Ltmp0, $4  }
0x551: {  	[hbm:s12], [sflag:s13] =	dma.local [spmem:s7], $0x1000  }
0x552: {  	_ =	swait.ge [sflag:s31], $0x1000  }
0x553: {  	[sflag:s31] =	ssyncset.done $0x0  }
0x554: {  	s6 =	sadd.s32 $0xFFFFFFFF, s6;
	[sflag:s31] =	ssyncadd.s32 $0xFFFFF000  }
0x555: {  	_ =	sfence.sel $0x180000  }
0x556: {  	[bflag:$0x0] =	sbarrier.arrive $0xFFFF  }
0x557: {  	_ =	strace $0x90000047  }
0x558: {  	s0 =	stileid.u32;
	[bflag:$0x2] =	sbarrier.arrive $0xFFFF  }
0x559: {  	p0 =	sne.s32 s0, $0x0;
	s0 =	rddreg [dreg:$0x3]  }
0x55a: {  	s0 =	sadd.s32 @!p0 $0x100000, s0  }
0x55b: {  	[sflag:s0] =	ssyncadd.tile.s32 @!p0 $0x1;
	_ =	shalt  }
.Lfunc_end2:
_tile_overlayer_lowered:
.L_overlay_start_2:
0x55c: {  	(tag) =	ssettag $0x2  }
0x55d: {  	s0 =	rddreg [dreg:$0x0];
	s2 =	stileid.u32  }
0x55e: {  	s1 =	rddreg [dreg:$0x1];
	p0 =	sne.s32 s2, $0x0  }
0x55f: {  	s3 =	rddreg [dreg:$0x2];
	[bflag:$0x3] =	sbarrier.arrive $0xFFFF;
	s2 =	simm.s32 @!p0 $0x1C04  }
0x560: {  	[timem:s3], [sflag:s2] =	dma.local @!p0 [hbm:s0], s1  }
0x561: {  	s0 =	simm.s32 @!p0 $0x4  }
0x562: {  	_ =	swait.ge @!p0 [sflag:s0], s1  }
0x563: {  	s1 =	ssub.s32 @!p0 $0x0, s1;
	[sflag:s0] =	ssyncset.done @!p0 $0x0  }
0x564: {  	[sflag:s0] =	ssyncadd.s32 @!p0 s1  }
0x565: {  	[bflag:$0x3] =	sbarrier.arrive $0xFFFF  }
0x566: {  	_ =	shalt  }

</sc_bundles>
